<compile_context>
chip_gen: v7x
topology: tpu7x:2x2x1
jax: 0.10.2.dev20260603
libtpu: 0.0.44.dev20260713+nightly
codegen_flags: <defaults>
</compile_context>

<pallas_src>
import functools

import jax
import jax.numpy as jnp
from jax import lax
from jax.experimental import pallas as pl
from jax.experimental.pallas import tpu as pltpu
from jax.experimental.pallas import tpu_sc as plsc

NC = 2
NS = 16
L = 16
BK = 128




def _sc_scalar_pass(N, NP, E, NB, NBT):
    NRT = NP // NS

    @functools.partial(
        pl.kernel,
        out_type=(
            jax.ShapeDtypeStruct((NB, BK), jnp.float32),
            jax.ShapeDtypeStruct((NC * NP,), jnp.float32),
            jax.ShapeDtypeStruct((NC * NP,), jnp.float32),
        ),
        mesh=plsc.VectorSubcoreMesh(core_axis_name="c", subcore_axis_name="s",
                                    num_cores=NC, num_subcores=NS),
        scratch_types=[
            pltpu.VMEM((NBT, BK), jnp.int32),
            pltpu.VMEM((NBT, BK), jnp.int32),
            pltpu.VMEM((NBT, BK), jnp.float32),
            pltpu.VMEM((BK,), jnp.float32),
            pltpu.VMEM((NRT,), jnp.float32),
            pltpu.VMEM_SHARED((NP,), jnp.float32),
            pltpu.VMEM_SHARED((NP,), jnp.float32),
            pltpu.SemaphoreType.DMA,
        ],
    )
    def k(attr_h, eid_h, col_h, w_out, deg_out, cnt_out,
          eidc, colc, wc, ones, zbuf, tdeg, tcnt, sem):
        cid = lax.axis_index("c")
        sid = lax.axis_index("s")
        start = (cid * NS + sid) * NBT

        pltpu.sync_copy(eid_h.at[pl.ds(start, NBT)], eidc)
        pltpu.sync_copy(col_h.at[pl.ds(start, NBT)], colc)
        @pl.loop(0, NRT // L)
        def _z(j):
            zbuf[pl.ds(j * L, L)] = jnp.zeros((L,), jnp.float32)
        pltpu.sync_copy(zbuf, tdeg.at[pl.ds(sid * NRT, NRT)])
        pltpu.sync_copy(zbuf, tcnt.at[pl.ds(sid * NRT, NRT)])
        for j in range(BK // L):
            ones[pl.ds(j * L, L)] = jnp.ones((L,), jnp.float32)
        plsc.subcore_barrier()

        @pl.loop(0, NBT)
        def _blk(i):
            pltpu.async_copy(attr_h.at[eidc.at[i]], wc.at[i], sem).wait()
            pltpu.sync_copy(wc.at[i], tdeg.at[colc.at[i]], add=True)
            pltpu.sync_copy(ones, tcnt.at[colc.at[i]], add=True)

        pltpu.sync_copy(wc, w_out.at[pl.ds(start, NBT)])
        plsc.subcore_barrier()
        pltpu.sync_copy(tdeg.at[pl.ds(sid * NRT, NRT)], zbuf)
        pltpu.sync_copy(zbuf, deg_out.at[pl.ds(cid * NP + sid * NRT, NRT)])
        pltpu.sync_copy(tcnt.at[pl.ds(sid * NRT, NRT)], zbuf)
        pltpu.sync_copy(zbuf, cnt_out.at[pl.ds(cid * NP + sid * NRT, NRT)])

    return k


def _sc_row_scatter(N, NP, D, NB, NBT, scale):
    BK2 = 64
    NRT = NP // NS
    NFULL = N // NRT
    NTAIL = N - NFULL * NRT

    NBUF = 2
    scratch = [
        pltpu.VMEM((NBT, BK2), jnp.int32),
    ] + [pltpu.VMEM((BK2, D), jnp.float32) for _ in range(NBUF)] + [
        pltpu.VMEM_SHARED((NP, D), jnp.float32),
    ] + [pltpu.SemaphoreType.DMA for _ in range(2 * NBUF)] + [
        pltpu.VMEM((BK2,), jnp.int32) for _ in range(NBUF)
    ] + [pltpu.SemaphoreType.DMA for _ in range(NBUF)]
    if scale:
        scratch += [pltpu.VMEM((BK2,), jnp.float32) for _ in range(NBUF)]
        scratch += [pltpu.SemaphoreType.DMA for _ in range(NBUF)]

    @functools.partial(
        pl.kernel,
        out_type=jax.ShapeDtypeStruct((NC, NP, D), jnp.float32),
        mesh=plsc.VectorSubcoreMesh(core_axis_name="c", subcore_axis_name="s",
                                    num_cores=NC, num_subcores=NS),
        scratch_types=scratch,
    )
    def k(table_h, row_h, col_h, *rest):
        if scale:
            (w_h, part_out, rowi, *bufs) = rest
        else:
            (part_out, rowi, *bufs) = rest
        rows = bufs[:NBUF]
        acc = bufs[NBUF]
        gsem = bufs[NBUF + 1:2 * NBUF + 1]
        ssem = bufs[2 * NBUF + 1:3 * NBUF + 1]
        cbuf = bufs[3 * NBUF + 1:4 * NBUF + 1]
        csem = bufs[4 * NBUF + 1:5 * NBUF + 1]
        if scale:
            wbuf = bufs[5 * NBUF + 1:6 * NBUF + 1]
            wsem = bufs[6 * NBUF + 1:]
        cid = lax.axis_index("c")
        sid = lax.axis_index("s")
        start = (cid * NS + sid) * NBT

        pltpu.sync_copy(row_h.at[pl.ds(start, NBT)], rowi)
        @pl.when(sid < NFULL)
        def _():
            pltpu.sync_copy(table_h.at[pl.ds(sid * NRT, NRT)],
                            acc.at[pl.ds(sid * NRT, NRT)])
        if NTAIL:
            @pl.when(sid == NFULL)
            def _():
                pltpu.sync_copy(table_h.at[pl.ds(NFULL * NRT, NTAIL)],
                                acc.at[pl.ds(NFULL * NRT, NTAIL)])
        plsc.subcore_barrier()

        def do_scale(b):
            if not scale:
                return
            buf = rows[b]

            @pl.loop(0, BK2 // L)
            def _eg(eg):
                wvec = wbuf[b][pl.ds(eg * L, L)]
                for eo in range(L):
                    we = wvec[eo]
                    e = eg * L + eo
                    for f in range(D // L):
                        sl = pl.ds(f * L, L)
                        buf[e, sl] = buf[e, sl] * we

        def issue(i, b):
            pltpu.async_copy(table_h.at[rowi.at[i]], rows[b], gsem[b])
            pltpu.async_copy(col_h.at[start + i], cbuf[b], csem[b])
            if scale:
                pltpu.async_copy(w_h.at[start + i], wbuf[b], wsem[b])

        def wait(i, b):
            pltpu.make_async_copy(table_h.at[rowi.at[i]],
                                  rows[b], gsem[b]).wait()
            pltpu.make_async_copy(col_h.at[start + i], cbuf[b], csem[b]).wait()
            if scale:
                pltpu.make_async_copy(w_h.at[start + i],
                                      wbuf[b], wsem[b]).wait()

        def sdrain(b):
            pltpu.make_async_copy(rows[b], acc.at[cbuf[b]], ssem[b]).wait()

        issue(0, 0)

        @pl.loop(0, NBT, step=NBUF)
        def _blk(o):
            for b in range(NBUF):
                i = o + b
                bn = (b + 1) % NBUF
                wait(i, b)
                @pl.when(i >= 1)
                def _():
                    sdrain(bn)

                @pl.when(i + 1 < NBT)
                def _():
                    issue(i + 1, bn)
                do_scale(b)
                pltpu.async_copy(rows[b], acc.at[cbuf[b]], ssem[b], add=True)

        sdrain((NBT - 1) % NBUF)
        plsc.subcore_barrier()
        pltpu.sync_copy(acc.at[pl.ds(sid * NRT, NRT)],
                        part_out.at[cid, pl.ds(sid * NRT, NRT)])

    return k




def _tc_prep(N, D, RB):

    def body(x_ref, w_ref, dp_ref, y_ref):
        xw = jnp.dot(x_ref[...], w_ref[...], preferred_element_type=jnp.float32)
        dp = dp_ref[...]
        deg = dp[:, 0:1] + dp[:, 1:2] + 1.0
        dis = jnp.where(deg > 0, lax.rsqrt(deg), 0.0)
        y_ref[...] = xw * dis

    return pl.pallas_call(
        body,
        grid=(N // RB,),
        in_specs=[
            pl.BlockSpec((RB, D), lambda i: (i, 0)),
            pl.BlockSpec((D, D), lambda i: (0, 0)),
            pl.BlockSpec((RB, NC), lambda i: (i, 0)),
        ],
        out_specs=pl.BlockSpec((RB, D), lambda i: (i, 0)),
        out_shape=jax.ShapeDtypeStruct((N, D), jnp.float32),
    )


def _tc_mid(N, D, RB):

    def body(p_ref, y_ref, dp_ref, b_ref, g_ref):
        dp = dp_ref[...]
        deg = dp[:, 0:1] + dp[:, 1:2] + 1.0
        dis = jnp.where(deg > 0, lax.rsqrt(deg), 0.0)
        p = p_ref[...]
        g_ref[...] = dis * (p[0] + p[1] - y_ref[...]) + b_ref[...]

    return pl.pallas_call(
        body,
        grid=(N // RB,),
        in_specs=[
            pl.BlockSpec((NC, RB, D), lambda i: (0, i, 0)),
            pl.BlockSpec((RB, D), lambda i: (i, 0)),
            pl.BlockSpec((RB, NC), lambda i: (i, 0)),
            pl.BlockSpec((1, D), lambda i: (0, 0)),
        ],
        out_specs=pl.BlockSpec((RB, D), lambda i: (i, 0)),
        out_shape=jax.ShapeDtypeStruct((N, D), jnp.float32),
    )


def _tc_final(N, D, RB):

    def body(sp_ref, g_ref, cp_ref, wl_ref, bl_ref, wr_ref, h_ref):
        cp = cp_ref[...]
        cnt = cp[:, 0:1] + cp[:, 1:2]
        sp = sp_ref[...]
        g = g_ref[...]
        aggr = (sp[0] + sp[1] - 2.0 * g) / jnp.maximum(cnt, 1.0)
        out = (jnp.dot(aggr, wl_ref[...], preferred_element_type=jnp.float32)
               + bl_ref[...]
               + jnp.dot(g, wr_ref[...], preferred_element_type=jnp.float32))
        nrm = jnp.sqrt(jnp.sum(out * out, axis=-1, keepdims=True))
        h_ref[...] = out / jnp.maximum(nrm, 1e-12)

    return pl.pallas_call(
        body,
        grid=(N // RB,),
        in_specs=[
            pl.BlockSpec((NC, RB, D), lambda i: (0, i, 0)),
            pl.BlockSpec((RB, D), lambda i: (i, 0)),
            pl.BlockSpec((RB, NC), lambda i: (i, 0)),
            pl.BlockSpec((D, D), lambda i: (0, 0)),
            pl.BlockSpec((1, D), lambda i: (0, 0)),
            pl.BlockSpec((D, D), lambda i: (0, 0)),
        ],
        out_specs=pl.BlockSpec((RB, D), lambda i: (i, 0)),
        out_shape=jax.ShapeDtypeStruct((N, D), jnp.float32),
    )




def kernel(x, edge_index0, e_id0, edge_index1, e_id1, attr,
           W_gcn, b_gcn, Wl0, bl0, Wr0, Wl1, bl1, Wr1):
    N, D = x.shape
    E = e_id1.shape[0]

    NBT = -(-E // (NC * NS * BK * 8)) * 8
    NB = NC * NS * NBT
    epad = NB * BK - E
    NP = -(-(N + 8) // (NS * L)) * (NS * L)

    row = edge_index1[0]
    col = edge_index1[1]
    pad_i = jnp.zeros((epad,), jnp.int32)
    pad_c = (N + jnp.arange(epad, dtype=jnp.int32) % 8).astype(jnp.int32)
    row2d = jnp.concatenate([row, pad_i]).reshape(NB, BK)
    col2d = jnp.concatenate([col, pad_c]).reshape(NB, BK)
    eid2d = jnp.concatenate([e_id1, pad_i]).reshape(NB, BK)
    attr_f = attr.reshape(-1)

    w2d, deg_p, cnt_p = _sc_scalar_pass(N, NP, E, NB, NBT)(
        attr_f, eid2d, col2d)
    RB = 1000
    deg_t = deg_p.reshape(NC, NP).T
    cnt_t = cnt_p.reshape(NC, NP).T
    NB2, NBT2 = NB * 2, NBT * 2
    row2 = row2d.reshape(NB2, BK // 2)
    col2 = col2d.reshape(NB2, BK // 2)
    w2 = w2d.reshape(NB2, BK // 2)
    y = _tc_prep(N, D, RB)(x, W_gcn, deg_t)
    part = _sc_row_scatter(N, NP, D, NB2, NBT2, True)(y, row2, col2, w2)
    g = _tc_mid(N, D, RB)(part, y, deg_t, b_gcn.reshape(1, D))
    spart = _sc_row_scatter(N, NP, D, NB2, NBT2, False)(g, row2, col2)
    h = _tc_final(N, D, RB)(spart, g, cnt_t, Wl1, bl1.reshape(1, D), Wr1)
    return h

# --- scband reference (transcript-rebuilt; emitter-appended) ---
"""Pipeline reference for scband-gnn-encoder-37288906064247 (READ-ONLY COPY).

The authoritative reference and input builder live on the scoring server;
editing this copy changes nothing except your own understanding.
"""

import jax, jax.numpy as jnp
import numpy as np

N = 10000
E = 320000
D = 128
NUM_LAYERS = 2


def gcn_conv(x, edge_index, edge_weight, W, b, num_nodes):
    # PyG GCNConv with edge_weight: lin -> add self loops (w=1) -> sym-norm -> scatter-add -> bias
    x = x @ W
    row = edge_index[0]
    col = edge_index[1]
    loop = jnp.arange(num_nodes, dtype=row.dtype)
    row = jnp.concatenate([row, loop])
    col = jnp.concatenate([col, loop])
    w = jnp.concatenate([edge_weight, jnp.ones((num_nodes,), dtype=x.dtype)])
    deg = jax.ops.segment_sum(w, col, num_segments=num_nodes)
    dis = jnp.where(deg > 0, deg ** -0.5, 0.0)
    norm = dis[row] * w * dis[col]
    out = jax.ops.segment_sum(x[row] * norm[:, None], col, num_segments=num_nodes)
    return out + b


def sage_conv(x_src, x_dst, edge_index, Wl, bl, Wr, num_dst):
    # PyG SAGEConv(mean aggr, root_weight=True, normalize=True) on bipartite (x_src, x_dst)
    src = edge_index[0]
    dst = edge_index[1]
    s = jax.ops.segment_sum(x_src[src], dst, num_segments=num_dst)
    cnt = jax.ops.segment_sum(jnp.ones((src.shape[0],), dtype=x_src.dtype), dst, num_segments=num_dst)
    aggr = s / jnp.maximum(cnt, 1.0)[:, None]
    out = aggr @ Wl + bl + x_dst @ Wr
    nrm = jnp.sqrt(jnp.sum(out * out, axis=-1, keepdims=True))
    return out / jnp.maximum(nrm, 1e-12)


def setup_inputs(seed: int = 0) -> dict:
    key = jax.random.key(seed)
    ks = jax.random.split(key, 16)
    x = jax.random.normal(ks[0], (N, D), dtype=jnp.float32)
    edge_index0 = jax.random.randint(ks[1], (2, E), 0, N, dtype=jnp.int32)
    e_id0 = jax.random.randint(ks[2], (E,), 0, E, dtype=jnp.int32)
    edge_index1 = jax.random.randint(ks[3], (2, E), 0, N, dtype=jnp.int32)
    e_id1 = jax.random.randint(ks[4], (E,), 0, E, dtype=jnp.int32)
    attr = jax.random.uniform(ks[5], (E, 1), dtype=jnp.float32)
    sc = 1.0 / np.sqrt(D)
    W_gcn = jax.random.normal(ks[6], (D, D), dtype=jnp.float32) * sc
    b_gcn = jnp.zeros((D,), dtype=jnp.float32)
    Wl0 = jax.random.normal(ks[7], (D, D), dtype=jnp.float32) * sc
    bl0 = jnp.zeros((D,), dtype=jnp.float32)
    Wr0 = jax.random.normal(ks[8], (D, D), dtype=jnp.float32) * sc
    Wl1 = jax.random.normal(ks[9], (D, D), dtype=jnp.float32) * sc
    bl1 = jnp.zeros((D,), dtype=jnp.float32)
    Wr1 = jax.random.normal(ks[10], (D, D), dtype=jnp.float32) * sc
    return {"x": x, "edge_index0": edge_index0, "e_id0": e_id0,
            "edge_index1": edge_index1, "e_id1": e_id1, "attr": attr,
            "W_gcn": W_gcn, "b_gcn": b_gcn,
            "Wl0": Wl0, "bl0": bl0, "Wr0": Wr0,
            "Wl1": Wl1, "bl1": bl1, "Wr1": Wr1}


def reference(x, edge_index0, e_id0, edge_index1, e_id1, attr,
              W_gcn, b_gcn, Wl0, bl0, Wr0, Wl1, bl1, Wr1):
    # Faithful translation: each layer resets h to x_all (as in the torch code),
    # dropout is identity (eval mode). size = (N, N) per hop.
    adjs = [(edge_index0, e_id0), (edge_index1, e_id1)]
    prm = [(Wl0, bl0, Wr0), (Wl1, bl1, Wr1)]
    h = x
    for i in range(NUM_LAYERS):
        ei, eid = adjs[i]
        w = attr[eid].reshape(-1).astype(jnp.float32)
        h = x
        h = gcn_conv(h, ei, w, W_gcn, b_gcn, N)
        h_t = h[:N]
        h = sage_conv(h, h_t, ei, prm[i][0], prm[i][1], prm[i][2], N)
        if i != NUM_LAYERS - 1:
            h = jax.nn.relu(h)
    return h

if __name__ == "__main__":
    import jax
    _d = setup_inputs()
    print(jax.jit(kernel)(*tuple(_d.values())))

</pallas_src>

<mosaic_0001>
#map = affine_map<(d0, d1) -> (0)>
#map1 = affine_map<(d0, d1) -> (0, 0)>
module attributes {stable_mosaic.version = 14 : i64} {
  func.func @k(%arg0: i32, %arg1: i32, %arg2: memref<320000xf32, #tpu.memory_space<hbm>>, %arg3: memref<2560x128xi32, #tpu.memory_space<hbm>>, %arg4: memref<2560x128xi32, #tpu.memory_space<hbm>>, %arg5: memref<2560x128xf32, #tpu.memory_space<hbm>>, %arg6: memref<20480xf32, #tpu.memory_space<hbm>>, %arg7: memref<20480xf32, #tpu.memory_space<hbm>>, %arg8: memref<80x128xi32, #tpu.memory_space<vmem>>, %arg9: memref<80x128xi32, #tpu.memory_space<vmem>>, %arg10: memref<80x128xf32, #tpu.memory_space<vmem>>, %arg11: memref<128xf32, #tpu.memory_space<vmem>>, %arg12: memref<640xf32, #tpu.memory_space<vmem>>, %arg13: memref<10240xf32, #tpu.memory_space<vmem_shared>>, %arg14: memref<10240xf32, #tpu.memory_space<vmem_shared>>, %arg15: memref<!tpu.dma_semaphore, #tpu.memory_space<semaphore_mem>>) attributes {dimension_semantics = [#tpu.dimension_semantics<core_parallel>, #tpu.dimension_semantics<subcore_parallel>], iteration_bounds = array<i64: 2, 16>, scalar_prefetch = 0 : i64, scratch_operands = 8 : i64, tpu.core_type = #tpu.core_type<sc_vector_subcore>, window_params = [{transform_indices = #map}, {transform_indices = #map1}, {transform_indices = #map1}, {transform_indices = #map1}, {transform_indices = #map}, {transform_indices = #map}]} {
    %mul3A = arith.constant 16 : i32
    %mul3A_0 = arith.muli %arg0, %mul3A : i32
    %add3A = arith.addi %mul3A_0, %arg1 : i32
    %mul3A_1 = arith.constant 80 : i32
    %mul3A_2 = arith.muli %add3A, %mul3A_1 : i32
    "tpu.region"() ({
      %run_scoped3A = tpu.sem_alloc : memref<!tpu.dma_semaphore, #tpu.memory_space<semaphore_mem>>
      %dma_start3A = arith.constant 0 : i32
      %dma_start3A_77 = tpu.memref_slice %arg3[%mul3A_2, %dma_start3A] : memref<2560x128xi32, #tpu.memory_space<hbm>> -> memref<80x128xi32, #tpu.memory_space<hbm>>
      %dma_start3A_78 = arith.constant 0 : i32
      %dma_start3A_79 = tpu.memref_slice %arg3[%mul3A_2, %dma_start3A_78] : memref<2560x128xi32, #tpu.memory_space<hbm>> -> memref<80x128xi32, #tpu.memory_space<hbm>>
      tpu.enqueue_dma source(%dma_start3A_79 : memref<80x128xi32, #tpu.memory_space<hbm>>) target(%arg8 : memref<80x128xi32, #tpu.memory_space<vmem>>) target_semaphore(%run_scoped3A : memref<!tpu.dma_semaphore, #tpu.memory_space<semaphore_mem>>)
      %dma_wait3A = arith.constant 0 : i32
      %dma_wait3A_80 = tpu.memref_slice %arg3[%mul3A_2, %dma_wait3A] : memref<2560x128xi32, #tpu.memory_space<hbm>> -> memref<80x128xi32, #tpu.memory_space<hbm>>
      %dma_wait3A_81 = arith.constant 0 : i32
      %dma_wait3A_82 = tpu.memref_slice %arg3[%mul3A_2, %dma_wait3A_81] : memref<2560x128xi32, #tpu.memory_space<hbm>> -> memref<80x128xi32, #tpu.memory_space<hbm>>
      tpu.wait_dma2 semaphore(%run_scoped3A : memref<!tpu.dma_semaphore, #tpu.memory_space<semaphore_mem>>) src(%dma_wait3A_82 : memref<80x128xi32, #tpu.memory_space<hbm>>) dst(%arg8 : memref<80x128xi32, #tpu.memory_space<vmem>>)
      tpu.yield
    }) : () -> ()
    "tpu.region"() ({
      %run_scoped3A = tpu.sem_alloc : memref<!tpu.dma_semaphore, #tpu.memory_space<semaphore_mem>>
      %dma_start3A = arith.constant 0 : i32
      %dma_start3A_77 = tpu.memref_slice %arg4[%mul3A_2, %dma_start3A] : memref<2560x128xi32, #tpu.memory_space<hbm>> -> memref<80x128xi32, #tpu.memory_space<hbm>>
      %dma_start3A_78 = arith.constant 0 : i32
      %dma_start3A_79 = tpu.memref_slice %arg4[%mul3A_2, %dma_start3A_78] : memref<2560x128xi32, #tpu.memory_space<hbm>> -> memref<80x128xi32, #tpu.memory_space<hbm>>
      tpu.enqueue_dma source(%dma_start3A_79 : memref<80x128xi32, #tpu.memory_space<hbm>>) target(%arg9 : memref<80x128xi32, #tpu.memory_space<vmem>>) target_semaphore(%run_scoped3A : memref<!tpu.dma_semaphore, #tpu.memory_space<semaphore_mem>>)
      %dma_wait3A = arith.constant 0 : i32
      %dma_wait3A_80 = tpu.memref_slice %arg4[%mul3A_2, %dma_wait3A] : memref<2560x128xi32, #tpu.memory_space<hbm>> -> memref<80x128xi32, #tpu.memory_space<hbm>>
      %dma_wait3A_81 = arith.constant 0 : i32
      %dma_wait3A_82 = tpu.memref_slice %arg4[%mul3A_2, %dma_wait3A_81] : memref<2560x128xi32, #tpu.memory_space<hbm>> -> memref<80x128xi32, #tpu.memory_space<hbm>>
      tpu.wait_dma2 semaphore(%run_scoped3A : memref<!tpu.dma_semaphore, #tpu.memory_space<semaphore_mem>>) src(%dma_wait3A_82 : memref<80x128xi32, #tpu.memory_space<hbm>>) dst(%arg9 : memref<80x128xi32, #tpu.memory_space<vmem>>)
      tpu.yield
    }) : () -> ()
    %scan3A = arith.constant 0 : i32
    %scan3A_3 = arith.constant 40 : i32
    %scan3A_4 = arith.addi %scan3A, %scan3A_3 : i32
    %scan3A_5 = arith.constant 1 : i32
    scf.for %scan3A_77 = %scan3A to %scan3A_4 step %scan3A_5  : i32 {
      %mul3A_78 = arith.constant 1 : i32
      %mul3A_79 = arith.muli %scan3A_77, %mul3A_78 : i32
      %add3A_80 = arith.constant 0 : i32
      %add3A_81 = arith.addi %add3A_80, %mul3A_79 : i32
      %broadcast_in_dim3A_82 = arith.constant 0.000000e+00 : f32
      %broadcast_in_dim3A_83 = vector.broadcast %broadcast_in_dim3A_82 : f32 to vector<16xf32>
      %mul3A_84 = arith.constant 16 : i32
      %mul3A_85 = arith.muli %add3A_81, %mul3A_84 : i32
      %swap3A_86 = arith.index_cast %mul3A_85 : i32 to index
      %swap3A_87 = tpu.vector_load %arg12[%swap3A_86] {strides = array<i32>} : memref<640xf32, #tpu.memory_space<vmem>>, vector<16xf32>,
      %swap3A_88 = vector.shape_cast %swap3A_87 : vector<16xf32> to vector<16xf32>
      %swap3A_89 = vector.shape_cast %broadcast_in_dim3A_83 : vector<16xf32> to vector<16xf32>
      tpu.vector_store %arg12[%swap3A_86], %swap3A_89 {strides = array<i32>} : memref<640xf32, #tpu.memory_space<vmem>>, vector<16xf32>,
    }
    %scan3A_6 = arith.constant 40 : i32
    %mul3A_7 = arith.constant 640 : i32
    %mul3A_8 = arith.muli %arg1, %mul3A_7 : i32
    "tpu.region"() ({
      %run_scoped3A = tpu.sem_alloc : memref<!tpu.dma_semaphore, #tpu.memory_space<semaphore_mem>>
      %dma_start3A = tpu.memref_slice %arg13[%mul3A_8] : memref<10240xf32, #tpu.memory_space<vmem_shared>> -> memref<640xf32, #tpu.memory_space<vmem_shared>>
      %dma_start3A_77 = tpu.memref_slice %arg13[%mul3A_8] : memref<10240xf32, #tpu.memory_space<vmem_shared>> -> memref<640xf32, #tpu.memory_space<vmem_shared>>
      tpu.enqueue_dma source(%arg12 : memref<640xf32, #tpu.memory_space<vmem>>) target(%dma_start3A_77 : memref<640xf32, #tpu.memory_space<vmem_shared>>) target_semaphore(%run_scoped3A : memref<!tpu.dma_semaphore, #tpu.memory_space<semaphore_mem>>)
      %dma_wait3A = tpu.memref_slice %arg13[%mul3A_8] : memref<10240xf32, #tpu.memory_space<vmem_shared>> -> memref<640xf32, #tpu.memory_space<vmem_shared>>
      %dma_wait3A_78 = tpu.memref_slice %arg13[%mul3A_8] : memref<10240xf32, #tpu.memory_space<vmem_shared>> -> memref<640xf32, #tpu.memory_space<vmem_shared>>
      tpu.wait_dma2 semaphore(%run_scoped3A : memref<!tpu.dma_semaphore, #tpu.memory_space<semaphore_mem>>) src(%arg12 : memref<640xf32, #tpu.memory_space<vmem>>) dst(%dma_wait3A_78 : memref<640xf32, #tpu.memory_space<vmem_shared>>)
      tpu.yield
    }) : () -> ()
    %mul3A_9 = arith.constant 640 : i32
    %mul3A_10 = arith.muli %arg1, %mul3A_9 : i32
    "tpu.region"() ({
      %run_scoped3A = tpu.sem_alloc : memref<!tpu.dma_semaphore, #tpu.memory_space<semaphore_mem>>
      %dma_start3A = tpu.memref_slice %arg14[%mul3A_10] : memref<10240xf32, #tpu.memory_space<vmem_shared>> -> memref<640xf32, #tpu.memory_space<vmem_shared>>
      %dma_start3A_77 = tpu.memref_slice %arg14[%mul3A_10] : memref<10240xf32, #tpu.memory_space<vmem_shared>> -> memref<640xf32, #tpu.memory_space<vmem_shared>>
      tpu.enqueue_dma source(%arg12 : memref<640xf32, #tpu.memory_space<vmem>>) target(%dma_start3A_77 : memref<640xf32, #tpu.memory_space<vmem_shared>>) target_semaphore(%run_scoped3A : memref<!tpu.dma_semaphore, #tpu.memory_space<semaphore_mem>>)
      %dma_wait3A = tpu.memref_slice %arg14[%mul3A_10] : memref<10240xf32, #tpu.memory_space<vmem_shared>> -> memref<640xf32, #tpu.memory_space<vmem_shared>>
      %dma_wait3A_78 = tpu.memref_slice %arg14[%mul3A_10] : memref<10240xf32, #tpu.memory_space<vmem_shared>> -> memref<640xf32, #tpu.memory_space<vmem_shared>>
      tpu.wait_dma2 semaphore(%run_scoped3A : memref<!tpu.dma_semaphore, #tpu.memory_space<semaphore_mem>>) src(%arg12 : memref<640xf32, #tpu.memory_space<vmem>>) dst(%dma_wait3A_78 : memref<640xf32, #tpu.memory_space<vmem_shared>>)
      tpu.yield
    }) : () -> ()
    %broadcast_in_dim3A = arith.constant 1.000000e+00 : f32
    %broadcast_in_dim3A_11 = vector.broadcast %broadcast_in_dim3A : f32 to vector<16xf32>
    %swap3A = arith.constant 0 : index
    %swap3A_12 = tpu.vector_load %arg11[%swap3A] {strides = array<i32>} : memref<128xf32, #tpu.memory_space<vmem>>, vector<16xf32>,
    %swap3A_13 = vector.shape_cast %swap3A_12 : vector<16xf32> to vector<16xf32>
    %swap3A_14 = vector.shape_cast %broadcast_in_dim3A_11 : vector<16xf32> to vector<16xf32>
    tpu.vector_store %arg11[%swap3A], %swap3A_14 {strides = array<i32>} : memref<128xf32, #tpu.memory_space<vmem>>, vector<16xf32>,
    %broadcast_in_dim3A_15 = arith.constant 1.000000e+00 : f32
    %broadcast_in_dim3A_16 = vector.broadcast %broadcast_in_dim3A_15 : f32 to vector<16xf32>
    %swap3A_17 = arith.constant 16 : index
    %swap3A_18 = tpu.vector_load %arg11[%swap3A_17] {strides = array<i32>} : memref<128xf32, #tpu.memory_space<vmem>>, vector<16xf32>,
    %swap3A_19 = vector.shape_cast %swap3A_18 : vector<16xf32> to vector<16xf32>
    %swap3A_20 = vector.shape_cast %broadcast_in_dim3A_16 : vector<16xf32> to vector<16xf32>
    tpu.vector_store %arg11[%swap3A_17], %swap3A_20 {strides = array<i32>} : memref<128xf32, #tpu.memory_space<vmem>>, vector<16xf32>,
    %broadcast_in_dim3A_21 = arith.constant 1.000000e+00 : f32
    %broadcast_in_dim3A_22 = vector.broadcast %broadcast_in_dim3A_21 : f32 to vector<16xf32>
    %swap3A_23 = arith.constant 32 : index
    %swap3A_24 = tpu.vector_load %arg11[%swap3A_23] {strides = array<i32>} : memref<128xf32, #tpu.memory_space<vmem>>, vector<16xf32>,
    %swap3A_25 = vector.shape_cast %swap3A_24 : vector<16xf32> to vector<16xf32>
    %swap3A_26 = vector.shape_cast %broadcast_in_dim3A_22 : vector<16xf32> to vector<16xf32>
    tpu.vector_store %arg11[%swap3A_23], %swap3A_26 {strides = array<i32>} : memref<128xf32, #tpu.memory_space<vmem>>, vector<16xf32>,
    %broadcast_in_dim3A_27 = arith.constant 1.000000e+00 : f32
    %broadcast_in_dim3A_28 = vector.broadcast %broadcast_in_dim3A_27 : f32 to vector<16xf32>
    %swap3A_29 = arith.constant 48 : index
    %swap3A_30 = tpu.vector_load %arg11[%swap3A_29] {strides = array<i32>} : memref<128xf32, #tpu.memory_space<vmem>>, vector<16xf32>,
    %swap3A_31 = vector.shape_cast %swap3A_30 : vector<16xf32> to vector<16xf32>
    %swap3A_32 = vector.shape_cast %broadcast_in_dim3A_28 : vector<16xf32> to vector<16xf32>
    tpu.vector_store %arg11[%swap3A_29], %swap3A_32 {strides = array<i32>} : memref<128xf32, #tpu.memory_space<vmem>>, vector<16xf32>,
    %broadcast_in_dim3A_33 = arith.constant 1.000000e+00 : f32
    %broadcast_in_dim3A_34 = vector.broadcast %broadcast_in_dim3A_33 : f32 to vector<16xf32>
    %swap3A_35 = arith.constant 64 : index
    %swap3A_36 = tpu.vector_load %arg11[%swap3A_35] {strides = array<i32>} : memref<128xf32, #tpu.memory_space<vmem>>, vector<16xf32>,
    %swap3A_37 = vector.shape_cast %swap3A_36 : vector<16xf32> to vector<16xf32>
    %swap3A_38 = vector.shape_cast %broadcast_in_dim3A_34 : vector<16xf32> to vector<16xf32>
    tpu.vector_store %arg11[%swap3A_35], %swap3A_38 {strides = array<i32>} : memref<128xf32, #tpu.memory_space<vmem>>, vector<16xf32>,
    %broadcast_in_dim3A_39 = arith.constant 1.000000e+00 : f32
    %broadcast_in_dim3A_40 = vector.broadcast %broadcast_in_dim3A_39 : f32 to vector<16xf32>
    %swap3A_41 = arith.constant 80 : index
    %swap3A_42 = tpu.vector_load %arg11[%swap3A_41] {strides = array<i32>} : memref<128xf32, #tpu.memory_space<vmem>>, vector<16xf32>,
    %swap3A_43 = vector.shape_cast %swap3A_42 : vector<16xf32> to vector<16xf32>
    %swap3A_44 = vector.shape_cast %broadcast_in_dim3A_40 : vector<16xf32> to vector<16xf32>
    tpu.vector_store %arg11[%swap3A_41], %swap3A_44 {strides = array<i32>} : memref<128xf32, #tpu.memory_space<vmem>>, vector<16xf32>,
    %broadcast_in_dim3A_45 = arith.constant 1.000000e+00 : f32
    %broadcast_in_dim3A_46 = vector.broadcast %broadcast_in_dim3A_45 : f32 to vector<16xf32>
    %swap3A_47 = arith.constant 96 : index
    %swap3A_48 = tpu.vector_load %arg11[%swap3A_47] {strides = array<i32>} : memref<128xf32, #tpu.memory_space<vmem>>, vector<16xf32>,
    %swap3A_49 = vector.shape_cast %swap3A_48 : vector<16xf32> to vector<16xf32>
    %swap3A_50 = vector.shape_cast %broadcast_in_dim3A_46 : vector<16xf32> to vector<16xf32>
    tpu.vector_store %arg11[%swap3A_47], %swap3A_50 {strides = array<i32>} : memref<128xf32, #tpu.memory_space<vmem>>, vector<16xf32>,
    %broadcast_in_dim3A_51 = arith.constant 1.000000e+00 : f32
    %broadcast_in_dim3A_52 = vector.broadcast %broadcast_in_dim3A_51 : f32 to vector<16xf32>
    %swap3A_53 = arith.constant 112 : index
    %swap3A_54 = tpu.vector_load %arg11[%swap3A_53] {strides = array<i32>} : memref<128xf32, #tpu.memory_space<vmem>>, vector<16xf32>,
    %swap3A_55 = vector.shape_cast %swap3A_54 : vector<16xf32> to vector<16xf32>
    %swap3A_56 = vector.shape_cast %broadcast_in_dim3A_52 : vector<16xf32> to vector<16xf32>
    tpu.vector_store %arg11[%swap3A_53], %swap3A_56 {strides = array<i32>} : memref<128xf32, #tpu.memory_space<vmem>>, vector<16xf32>,
    %barrier3A = arith.constant 0 : index
    tpu.barrier barrier_id(%barrier3A)
    %scan3A_57 = arith.constant 0 : i32
    %scan3A_58 = arith.constant 80 : i32
    %scan3A_59 = arith.addi %scan3A_57, %scan3A_58 : i32
    %scan3A_60 = arith.constant 1 : i32
    scf.for %scan3A_77 = %scan3A_57 to %scan3A_59 step %scan3A_60  : i32 {
      %mul3A_78 = arith.constant 1 : i32
      %mul3A_79 = arith.muli %scan3A_77, %mul3A_78 : i32
      %add3A_80 = arith.constant 0 : i32
      %add3A_81 = arith.addi %add3A_80, %mul3A_79 : i32
      %dma_start3A = arith.constant 0 : i32
      %dma_start3A_82 = tpu.memref_slice %arg10[%add3A_81, %dma_start3A] : memref<80x128xf32, #tpu.memory_space<vmem>> -> memref<1x128xf32, #tpu.memory_space<vmem>>
      %dma_start3A_83 = tpu.memref_squeeze %dma_start3A_82 : memref<1x128xf32, #tpu.memory_space<vmem>> -> memref<128xf32, #tpu.memory_space<vmem>>
      %dma_start3A_84 = arith.constant 0 : i32
      %dma_start3A_85 = tpu.memref_slice %arg8[%add3A_81, %dma_start3A_84] : memref<80x128xi32, #tpu.memory_space<vmem>> -> memref<1x128xi32, #tpu.memory_space<vmem>>
      %dma_start3A_86 = tpu.memref_squeeze %dma_start3A_85 : memref<1x128xi32, #tpu.memory_space<vmem>> -> memref<128xi32, #tpu.memory_space<vmem>>
      %dma_start3A_87 = arith.constant 0 : i32
      %dma_start3A_88 = tpu.memref_slice %arg2[%dma_start3A_87] : memref<320000xf32, #tpu.memory_space<hbm>> -> memref<320000xf32, #tpu.memory_space<hbm>>
      tpu.enqueue_indirect_dma source(%dma_start3A_88 : memref<320000xf32, #tpu.memory_space<hbm>>) target(%dma_start3A_83 : memref<128xf32, #tpu.memory_space<vmem>>) offsets(%dma_start3A_86 : memref<128xi32, #tpu.memory_space<vmem>>) semaphore(%arg15 : memref<!tpu.dma_semaphore, #tpu.memory_space<semaphore_mem>>)
      %dma_wait3A = arith.constant 0 : i32
      %dma_wait3A_89 = tpu.memref_slice %arg10[%add3A_81, %dma_wait3A] : memref<80x128xf32, #tpu.memory_space<vmem>> -> memref<1x128xf32, #tpu.memory_space<vmem>>
      %dma_wait3A_90 = tpu.memref_squeeze %dma_wait3A_89 : memref<1x128xf32, #tpu.memory_space<vmem>> -> memref<128xf32, #tpu.memory_space<vmem>>
      %dma_wait3A_91 = arith.constant 0 : i32
      %dma_wait3A_92 = tpu.memref_slice %arg8[%add3A_81, %dma_wait3A_91] : memref<80x128xi32, #tpu.memory_space<vmem>> -> memref<1x128xi32, #tpu.memory_space<vmem>>
      %dma_wait3A_93 = tpu.memref_squeeze %dma_wait3A_92 : memref<1x128xi32, #tpu.memory_space<vmem>> -> memref<128xi32, #tpu.memory_space<vmem>>
      %dma_wait3A_94 = arith.constant 0 : i32
      %dma_wait3A_95 = tpu.memref_slice %arg2[%dma_wait3A_94] : memref<320000xf32, #tpu.memory_space<hbm>> -> memref<320000xf32, #tpu.memory_space<hbm>>
      tpu.wait_indirect_dma semaphore(%arg15 : memref<!tpu.dma_semaphore, #tpu.memory_space<semaphore_mem>>) src(%dma_wait3A_95 : memref<320000xf32, #tpu.memory_space<hbm>>) dst(%dma_wait3A_90 : memref<128xf32, #tpu.memory_space<vmem>>)
      "tpu.region"() ({
        %run_scoped3A = tpu.sem_alloc : memref<!tpu.dma_semaphore, #tpu.memory_space<semaphore_mem>>
        %dma_start3A_96 = arith.constant 0 : i32
        %dma_start3A_97 = tpu.memref_slice %arg10[%add3A_81, %dma_start3A_96] : memref<80x128xf32, #tpu.memory_space<vmem>> -> memref<1x128xf32, #tpu.memory_space<vmem>>
        %dma_start3A_98 = tpu.memref_squeeze %dma_start3A_97 : memref<1x128xf32, #tpu.memory_space<vmem>> -> memref<128xf32, #tpu.memory_space<vmem>>
        %dma_start3A_99 = arith.constant 0 : i32
        %dma_start3A_100 = tpu.memref_slice %arg9[%add3A_81, %dma_start3A_99] : memref<80x128xi32, #tpu.memory_space<vmem>> -> memref<1x128xi32, #tpu.memory_space<vmem>>
        %dma_start3A_101 = tpu.memref_squeeze %dma_start3A_100 : memref<1x128xi32, #tpu.memory_space<vmem>> -> memref<128xi32, #tpu.memory_space<vmem>>
        %dma_start3A_102 = arith.constant 0 : i32
        %dma_start3A_103 = tpu.memref_slice %arg13[%dma_start3A_102] : memref<10240xf32, #tpu.memory_space<vmem_shared>> -> memref<10240xf32, #tpu.memory_space<vmem_shared>>
        tpu.enqueue_indirect_dma source(%dma_start3A_98 : memref<128xf32, #tpu.memory_space<vmem>>) target(%dma_start3A_103 : memref<10240xf32, #tpu.memory_space<vmem_shared>>) offsets(%dma_start3A_101 : memref<128xi32, #tpu.memory_space<vmem>>) semaphore(%run_scoped3A : memref<!tpu.dma_semaphore, #tpu.memory_space<semaphore_mem>>) {add = true}
        %dma_wait3A_104 = arith.constant 0 : i32
        %dma_wait3A_105 = tpu.memref_slice %arg10[%add3A_81, %dma_wait3A_104] : memref<80x128xf32, #tpu.memory_space<vmem>> -> memref<1x128xf32, #tpu.memory_space<vmem>>
        %dma_wait3A_106 = tpu.memref_squeeze %dma_wait3A_105 : memref<1x128xf32, #tpu.memory_space<vmem>> -> memref<128xf32, #tpu.memory_space<vmem>>
        %dma_wait3A_107 = arith.constant 0 : i32
        %dma_wait3A_108 = tpu.memref_slice %arg9[%add3A_81, %dma_wait3A_107] : memref<80x128xi32, #tpu.memory_space<vmem>> -> memref<1x128xi32, #tpu.memory_space<vmem>>
        %dma_wait3A_109 = tpu.memref_squeeze %dma_wait3A_108 : memref<1x128xi32, #tpu.memory_space<vmem>> -> memref<128xi32, #tpu.memory_space<vmem>>
        %dma_wait3A_110 = arith.constant 0 : i32
        %dma_wait3A_111 = tpu.memref_slice %arg13[%dma_wait3A_110] : memref<10240xf32, #tpu.memory_space<vmem_shared>> -> memref<10240xf32, #tpu.memory_space<vmem_shared>>
        tpu.wait_indirect_dma semaphore(%run_scoped3A : memref<!tpu.dma_semaphore, #tpu.memory_space<semaphore_mem>>) src(%dma_wait3A_106 : memref<128xf32, #tpu.memory_space<vmem>>) dst(%dma_wait3A_111 : memref<10240xf32, #tpu.memory_space<vmem_shared>>)
        tpu.yield
      }) : () -> ()
      "tpu.region"() ({
        %run_scoped3A = tpu.sem_alloc : memref<!tpu.dma_semaphore, #tpu.memory_space<semaphore_mem>>
        %dma_start3A_96 = arith.constant 0 : i32
        %dma_start3A_97 = tpu.memref_slice %arg9[%add3A_81, %dma_start3A_96] : memref<80x128xi32, #tpu.memory_space<vmem>> -> memref<1x128xi32, #tpu.memory_space<vmem>>
        %dma_start3A_98 = tpu.memref_squeeze %dma_start3A_97 : memref<1x128xi32, #tpu.memory_space<vmem>> -> memref<128xi32, #tpu.memory_space<vmem>>
        %dma_start3A_99 = arith.constant 0 : i32
        %dma_start3A_100 = tpu.memref_slice %arg14[%dma_start3A_99] : memref<10240xf32, #tpu.memory_space<vmem_shared>> -> memref<10240xf32, #tpu.memory_space<vmem_shared>>
        tpu.enqueue_indirect_dma source(%arg11 : memref<128xf32, #tpu.memory_space<vmem>>) target(%dma_start3A_100 : memref<10240xf32, #tpu.memory_space<vmem_shared>>) offsets(%dma_start3A_98 : memref<128xi32, #tpu.memory_space<vmem>>) semaphore(%run_scoped3A : memref<!tpu.dma_semaphore, #tpu.memory_space<semaphore_mem>>) {add = true}
        %dma_wait3A_101 = arith.constant 0 : i32
        %dma_wait3A_102 = tpu.memref_slice %arg9[%add3A_81, %dma_wait3A_101] : memref<80x128xi32, #tpu.memory_space<vmem>> -> memref<1x128xi32, #tpu.memory_space<vmem>>
        %dma_wait3A_103 = tpu.memref_squeeze %dma_wait3A_102 : memref<1x128xi32, #tpu.memory_space<vmem>> -> memref<128xi32, #tpu.memory_space<vmem>>
        %dma_wait3A_104 = arith.constant 0 : i32
        %dma_wait3A_105 = tpu.memref_slice %arg14[%dma_wait3A_104] : memref<10240xf32, #tpu.memory_space<vmem_shared>> -> memref<10240xf32, #tpu.memory_space<vmem_shared>>
        tpu.wait_indirect_dma semaphore(%run_scoped3A : memref<!tpu.dma_semaphore, #tpu.memory_space<semaphore_mem>>) src(%arg11 : memref<128xf32, #tpu.memory_space<vmem>>) dst(%dma_wait3A_105 : memref<10240xf32, #tpu.memory_space<vmem_shared>>)
        tpu.yield
      }) : () -> ()
    }
    %scan3A_61 = arith.constant 80 : i32
    "tpu.region"() ({
      %run_scoped3A = tpu.sem_alloc : memref<!tpu.dma_semaphore, #tpu.memory_space<semaphore_mem>>
      %dma_start3A = arith.constant 0 : i32
      %dma_start3A_77 = tpu.memref_slice %arg5[%mul3A_2, %dma_start3A] : memref<2560x128xf32, #tpu.memory_space<hbm>> -> memref<80x128xf32, #tpu.memory_space<hbm>>
      %dma_start3A_78 = arith.constant 0 : i32
      %dma_start3A_79 = tpu.memref_slice %arg5[%mul3A_2, %dma_start3A_78] : memref<2560x128xf32, #tpu.memory_space<hbm>> -> memref<80x128xf32, #tpu.memory_space<hbm>>
      tpu.enqueue_dma source(%arg10 : memref<80x128xf32, #tpu.memory_space<vmem>>) target(%dma_start3A_79 : memref<80x128xf32, #tpu.memory_space<hbm>>) target_semaphore(%run_scoped3A : memref<!tpu.dma_semaphore, #tpu.memory_space<semaphore_mem>>)
      %dma_wait3A = arith.constant 0 : i32
      %dma_wait3A_80 = tpu.memref_slice %arg5[%mul3A_2, %dma_wait3A] : memref<2560x128xf32, #tpu.memory_space<hbm>> -> memref<80x128xf32, #tpu.memory_space<hbm>>
      %dma_wait3A_81 = arith.constant 0 : i32
      %dma_wait3A_82 = tpu.memref_slice %arg5[%mul3A_2, %dma_wait3A_81] : memref<2560x128xf32, #tpu.memory_space<hbm>> -> memref<80x128xf32, #tpu.memory_space<hbm>>
      tpu.wait_dma2 semaphore(%run_scoped3A : memref<!tpu.dma_semaphore, #tpu.memory_space<semaphore_mem>>) src(%arg10 : memref<80x128xf32, #tpu.memory_space<vmem>>) dst(%dma_wait3A_82 : memref<80x128xf32, #tpu.memory_space<hbm>>)
      tpu.yield
    }) : () -> ()
    %barrier3A_62 = arith.constant 0 : index
    tpu.barrier barrier_id(%barrier3A_62)
    %mul3A_63 = arith.constant 640 : i32
    %mul3A_64 = arith.muli %arg1, %mul3A_63 : i32
    "tpu.region"() ({
      %run_scoped3A = tpu.sem_alloc : memref<!tpu.dma_semaphore, #tpu.memory_space<semaphore_mem>>
      %dma_start3A = tpu.memref_slice %arg13[%mul3A_64] : memref<10240xf32, #tpu.memory_space<vmem_shared>> -> memref<640xf32, #tpu.memory_space<vmem_shared>>
      %dma_start3A_77 = tpu.memref_slice %arg13[%mul3A_64] : memref<10240xf32, #tpu.memory_space<vmem_shared>> -> memref<640xf32, #tpu.memory_space<vmem_shared>>
      tpu.enqueue_dma source(%dma_start3A_77 : memref<640xf32, #tpu.memory_space<vmem_shared>>) target(%arg12 : memref<640xf32, #tpu.memory_space<vmem>>) target_semaphore(%run_scoped3A : memref<!tpu.dma_semaphore, #tpu.memory_space<semaphore_mem>>)
      %dma_wait3A = tpu.memref_slice %arg13[%mul3A_64] : memref<10240xf32, #tpu.memory_space<vmem_shared>> -> memref<640xf32, #tpu.memory_space<vmem_shared>>
      %dma_wait3A_78 = tpu.memref_slice %arg13[%mul3A_64] : memref<10240xf32, #tpu.memory_space<vmem_shared>> -> memref<640xf32, #tpu.memory_space<vmem_shared>>
      tpu.wait_dma2 semaphore(%run_scoped3A : memref<!tpu.dma_semaphore, #tpu.memory_space<semaphore_mem>>) src(%dma_wait3A_78 : memref<640xf32, #tpu.memory_space<vmem_shared>>) dst(%arg12 : memref<640xf32, #tpu.memory_space<vmem>>)
      tpu.yield
    }) : () -> ()
    %mul3A_65 = arith.constant 10240 : i32
    %mul3A_66 = arith.muli %arg0, %mul3A_65 : i32
    %mul3A_67 = arith.constant 640 : i32
    %mul3A_68 = arith.muli %arg1, %mul3A_67 : i32
    %add3A_69 = arith.addi %mul3A_66, %mul3A_68 : i32
    "tpu.region"() ({
      %run_scoped3A = tpu.sem_alloc : memref<!tpu.dma_semaphore, #tpu.memory_space<semaphore_mem>>
      %dma_start3A = tpu.memref_slice %arg6[%add3A_69] : memref<20480xf32, #tpu.memory_space<hbm>> -> memref<640xf32, #tpu.memory_space<hbm>>
      %dma_start3A_77 = tpu.memref_slice %arg6[%add3A_69] : memref<20480xf32, #tpu.memory_space<hbm>> -> memref<640xf32, #tpu.memory_space<hbm>>
      tpu.enqueue_dma source(%arg12 : memref<640xf32, #tpu.memory_space<vmem>>) target(%dma_start3A_77 : memref<640xf32, #tpu.memory_space<hbm>>) target_semaphore(%run_scoped3A : memref<!tpu.dma_semaphore, #tpu.memory_space<semaphore_mem>>)
      %dma_wait3A = tpu.memref_slice %arg6[%add3A_69] : memref<20480xf32, #tpu.memory_space<hbm>> -> memref<640xf32, #tpu.memory_space<hbm>>
      %dma_wait3A_78 = tpu.memref_slice %arg6[%add3A_69] : memref<20480xf32, #tpu.memory_space<hbm>> -> memref<640xf32, #tpu.memory_space<hbm>>
      tpu.wait_dma2 semaphore(%run_scoped3A : memref<!tpu.dma_semaphore, #tpu.memory_space<semaphore_mem>>) src(%arg12 : memref<640xf32, #tpu.memory_space<vmem>>) dst(%dma_wait3A_78 : memref<640xf32, #tpu.memory_space<hbm>>)
      tpu.yield
    }) : () -> ()
    %mul3A_70 = arith.constant 640 : i32
    %mul3A_71 = arith.muli %arg1, %mul3A_70 : i32
    "tpu.region"() ({
      %run_scoped3A = tpu.sem_alloc : memref<!tpu.dma_semaphore, #tpu.memory_space<semaphore_mem>>
      %dma_start3A = tpu.memref_slice %arg14[%mul3A_71] : memref<10240xf32, #tpu.memory_space<vmem_shared>> -> memref<640xf32, #tpu.memory_space<vmem_shared>>
      %dma_start3A_77 = tpu.memref_slice %arg14[%mul3A_71] : memref<10240xf32, #tpu.memory_space<vmem_shared>> -> memref<640xf32, #tpu.memory_space<vmem_shared>>
      tpu.enqueue_dma source(%dma_start3A_77 : memref<640xf32, #tpu.memory_space<vmem_shared>>) target(%arg12 : memref<640xf32, #tpu.memory_space<vmem>>) target_semaphore(%run_scoped3A : memref<!tpu.dma_semaphore, #tpu.memory_space<semaphore_mem>>)
      %dma_wait3A = tpu.memref_slice %arg14[%mul3A_71] : memref<10240xf32, #tpu.memory_space<vmem_shared>> -> memref<640xf32, #tpu.memory_space<vmem_shared>>
      %dma_wait3A_78 = tpu.memref_slice %arg14[%mul3A_71] : memref<10240xf32, #tpu.memory_space<vmem_shared>> -> memref<640xf32, #tpu.memory_space<vmem_shared>>
      tpu.wait_dma2 semaphore(%run_scoped3A : memref<!tpu.dma_semaphore, #tpu.memory_space<semaphore_mem>>) src(%dma_wait3A_78 : memref<640xf32, #tpu.memory_space<vmem_shared>>) dst(%arg12 : memref<640xf32, #tpu.memory_space<vmem>>)
      tpu.yield
    }) : () -> ()
    %mul3A_72 = arith.constant 10240 : i32
    %mul3A_73 = arith.muli %arg0, %mul3A_72 : i32
    %mul3A_74 = arith.constant 640 : i32
    %mul3A_75 = arith.muli %arg1, %mul3A_74 : i32
    %add3A_76 = arith.addi %mul3A_73, %mul3A_75 : i32
    "tpu.region"() ({
      %run_scoped3A = tpu.sem_alloc : memref<!tpu.dma_semaphore, #tpu.memory_space<semaphore_mem>>
      %dma_start3A = tpu.memref_slice %arg7[%add3A_76] : memref<20480xf32, #tpu.memory_space<hbm>> -> memref<640xf32, #tpu.memory_space<hbm>>
      %dma_start3A_77 = tpu.memref_slice %arg7[%add3A_76] : memref<20480xf32, #tpu.memory_space<hbm>> -> memref<640xf32, #tpu.memory_space<hbm>>
      tpu.enqueue_dma source(%arg12 : memref<640xf32, #tpu.memory_space<vmem>>) target(%dma_start3A_77 : memref<640xf32, #tpu.memory_space<hbm>>) target_semaphore(%run_scoped3A : memref<!tpu.dma_semaphore, #tpu.memory_space<semaphore_mem>>)
      %dma_wait3A = tpu.memref_slice %arg7[%add3A_76] : memref<20480xf32, #tpu.memory_space<hbm>> -> memref<640xf32, #tpu.memory_space<hbm>>
      %dma_wait3A_78 = tpu.memref_slice %arg7[%add3A_76] : memref<20480xf32, #tpu.memory_space<hbm>> -> memref<640xf32, #tpu.memory_space<hbm>>
      tpu.wait_dma2 semaphore(%run_scoped3A : memref<!tpu.dma_semaphore, #tpu.memory_space<semaphore_mem>>) src(%arg12 : memref<640xf32, #tpu.memory_space<vmem>>) dst(%dma_wait3A_78 : memref<640xf32, #tpu.memory_space<hbm>>)
      tpu.yield
    }) : () -> ()
    return
  }
}

#map = affine_map<(d0, d1) -> (0, 0)>
#map1 = affine_map<(d0, d1) -> (0, 0, 0)>
module attributes {stable_mosaic.version = 14 : i64} {
  func.func @k(%arg0: i32, %arg1: i32, %arg2: memref<10000x128xf32, #tpu.memory_space<hbm>>, %arg3: memref<5120x64xi32, #tpu.memory_space<hbm>>, %arg4: memref<5120x64xi32, #tpu.memory_space<hbm>>, %arg5: memref<5120x64xf32, #tpu.memory_space<hbm>>, %arg6: memref<2x10240x128xf32, #tpu.memory_space<hbm>>, %arg7: memref<160x64xi32, #tpu.memory_space<vmem>>, %arg8: memref<64x128xf32, #tpu.memory_space<vmem>>, %arg9: memref<64x128xf32, #tpu.memory_space<vmem>>, %arg10: memref<10240x128xf32, #tpu.memory_space<vmem_shared>>, %arg11: memref<!tpu.dma_semaphore, #tpu.memory_space<semaphore_mem>>, %arg12: memref<!tpu.dma_semaphore, #tpu.memory_space<semaphore_mem>>, %arg13: memref<!tpu.dma_semaphore, #tpu.memory_space<semaphore_mem>>, %arg14: memref<!tpu.dma_semaphore, #tpu.memory_space<semaphore_mem>>, %arg15: memref<64xi32, #tpu.memory_space<vmem>>, %arg16: memref<64xi32, #tpu.memory_space<vmem>>, %arg17: memref<!tpu.dma_semaphore, #tpu.memory_space<semaphore_mem>>, %arg18: memref<!tpu.dma_semaphore, #tpu.memory_space<semaphore_mem>>, %arg19: memref<64xf32, #tpu.memory_space<vmem>>, %arg20: memref<64xf32, #tpu.memory_space<vmem>>, %arg21: memref<!tpu.dma_semaphore, #tpu.memory_space<semaphore_mem>>, %arg22: memref<!tpu.dma_semaphore, #tpu.memory_space<semaphore_mem>>) attributes {dimension_semantics = [#tpu.dimension_semantics<core_parallel>, #tpu.dimension_semantics<subcore_parallel>], iteration_bounds = array<i64: 2, 16>, scalar_prefetch = 0 : i64, scratch_operands = 16 : i64, tpu.core_type = #tpu.core_type<sc_vector_subcore>, window_params = [{transform_indices = #map}, {transform_indices = #map}, {transform_indices = #map}, {transform_indices = #map}, {transform_indices = #map1}]} {
    %mul3A = arith.constant 16 : i32
    %mul3A_0 = arith.muli %arg0, %mul3A : i32
    %add3A = arith.addi %mul3A_0, %arg1 : i32
    %mul3A_1 = arith.constant 160 : i32
    %mul3A_2 = arith.muli %add3A, %mul3A_1 : i32
    "tpu.region"() ({
      %run_scoped3A = tpu.sem_alloc : memref<!tpu.dma_semaphore, #tpu.memory_space<semaphore_mem>>
      %dma_start3A_42 = arith.constant 0 : i32
      %dma_start3A_43 = tpu.memref_slice %arg3[%mul3A_2, %dma_start3A_42] : memref<5120x64xi32, #tpu.memory_space<hbm>> -> memref<160x64xi32, #tpu.memory_space<hbm>>
      %dma_start3A_44 = arith.constant 0 : i32
      %dma_start3A_45 = tpu.memref_slice %arg3[%mul3A_2, %dma_start3A_44] : memref<5120x64xi32, #tpu.memory_space<hbm>> -> memref<160x64xi32, #tpu.memory_space<hbm>>
      tpu.enqueue_dma source(%dma_start3A_45 : memref<160x64xi32, #tpu.memory_space<hbm>>) target(%arg7 : memref<160x64xi32, #tpu.memory_space<vmem>>) target_semaphore(%run_scoped3A : memref<!tpu.dma_semaphore, #tpu.memory_space<semaphore_mem>>)
      %dma_wait3A_46 = arith.constant 0 : i32
      %dma_wait3A_47 = tpu.memref_slice %arg3[%mul3A_2, %dma_wait3A_46] : memref<5120x64xi32, #tpu.memory_space<hbm>> -> memref<160x64xi32, #tpu.memory_space<hbm>>
      %dma_wait3A_48 = arith.constant 0 : i32
      %dma_wait3A_49 = tpu.memref_slice %arg3[%mul3A_2, %dma_wait3A_48] : memref<5120x64xi32, #tpu.memory_space<hbm>> -> memref<160x64xi32, #tpu.memory_space<hbm>>
      tpu.wait_dma2 semaphore(%run_scoped3A : memref<!tpu.dma_semaphore, #tpu.memory_space<semaphore_mem>>) src(%dma_wait3A_49 : memref<160x64xi32, #tpu.memory_space<hbm>>) dst(%arg7 : memref<160x64xi32, #tpu.memory_space<vmem>>)
      tpu.yield
    }) : () -> ()
    %lt3A = arith.constant 15 : i32
    %lt3A_3 = arith.cmpi slt, %arg1, %lt3A : i32
    %convert_element_type3A = arith.extui %lt3A_3 : i1 to i32
    %cond3A = arith.constant 0 : i32
    %cond3A_4 = arith.cmpi ne, %convert_element_type3A, %cond3A : i32
    scf.if %cond3A_4 {
      %mul3A_42 = arith.constant 640 : i32
      %mul3A_43 = arith.muli %arg1, %mul3A_42 : i32
      %mul3A_44 = arith.constant 640 : i32
      %mul3A_45 = arith.muli %arg1, %mul3A_44 : i32
      "tpu.region"() ({
        %run_scoped3A = tpu.sem_alloc : memref<!tpu.dma_semaphore, #tpu.memory_space<semaphore_mem>>
        %dma_start3A_46 = arith.constant 0 : i32
        %dma_start3A_47 = tpu.memref_slice %arg10[%mul3A_45, %dma_start3A_46] : memref<10240x128xf32, #tpu.memory_space<vmem_shared>> -> memref<640x128xf32, #tpu.memory_space<vmem_shared>>
        %dma_start3A_48 = arith.constant 0 : i32
        %dma_start3A_49 = tpu.memref_slice %arg2[%mul3A_43, %dma_start3A_48] : memref<10000x128xf32, #tpu.memory_space<hbm>> -> memref<640x128xf32, #tpu.memory_space<hbm>>
        tpu.enqueue_dma source(%dma_start3A_49 : memref<640x128xf32, #tpu.memory_space<hbm>>) target(%dma_start3A_47 : memref<640x128xf32, #tpu.memory_space<vmem_shared>>) target_semaphore(%run_scoped3A : memref<!tpu.dma_semaphore, #tpu.memory_space<semaphore_mem>>)
        %dma_wait3A_50 = arith.constant 0 : i32
        %dma_wait3A_51 = tpu.memref_slice %arg10[%mul3A_45, %dma_wait3A_50] : memref<10240x128xf32, #tpu.memory_space<vmem_shared>> -> memref<640x128xf32, #tpu.memory_space<vmem_shared>>
        %dma_wait3A_52 = arith.constant 0 : i32
        %dma_wait3A_53 = tpu.memref_slice %arg2[%mul3A_43, %dma_wait3A_52] : memref<10000x128xf32, #tpu.memory_space<hbm>> -> memref<640x128xf32, #tpu.memory_space<hbm>>
        tpu.wait_dma2 semaphore(%run_scoped3A : memref<!tpu.dma_semaphore, #tpu.memory_space<semaphore_mem>>) src(%dma_wait3A_53 : memref<640x128xf32, #tpu.memory_space<hbm>>) dst(%dma_wait3A_51 : memref<640x128xf32, #tpu.memory_space<vmem_shared>>)
        tpu.yield
      }) : () -> ()
    } else {
    }
    %eq3A = arith.constant 15 : i32
    %eq3A_5 = arith.cmpi eq, %arg1, %eq3A : i32
    %convert_element_type3A_6 = arith.extui %eq3A_5 : i1 to i32
    %cond3A_7 = arith.constant 0 : i32
    %cond3A_8 = arith.cmpi ne, %convert_element_type3A_6, %cond3A_7 : i32
    scf.if %cond3A_8 {
      "tpu.region"() ({
        %run_scoped3A = tpu.sem_alloc : memref<!tpu.dma_semaphore, #tpu.memory_space<semaphore_mem>>
        %dma_start3A_42 = arith.constant 9600 : i32
        %dma_start3A_43 = arith.constant 0 : i32
        %dma_start3A_44 = tpu.memref_slice %arg10[%dma_start3A_42, %dma_start3A_43] : memref<10240x128xf32, #tpu.memory_space<vmem_shared>> -> memref<400x128xf32, #tpu.memory_space<vmem_shared>>
        %dma_start3A_45 = arith.constant 9600 : i32
        %dma_start3A_46 = arith.constant 0 : i32
        %dma_start3A_47 = tpu.memref_slice %arg2[%dma_start3A_45, %dma_start3A_46] : memref<10000x128xf32, #tpu.memory_space<hbm>> -> memref<400x128xf32, #tpu.memory_space<hbm>>
        tpu.enqueue_dma source(%dma_start3A_47 : memref<400x128xf32, #tpu.memory_space<hbm>>) target(%dma_start3A_44 : memref<400x128xf32, #tpu.memory_space<vmem_shared>>) target_semaphore(%run_scoped3A : memref<!tpu.dma_semaphore, #tpu.memory_space<semaphore_mem>>)
        %dma_wait3A_48 = arith.constant 9600 : i32
        %dma_wait3A_49 = arith.constant 0 : i32
        %dma_wait3A_50 = tpu.memref_slice %arg10[%dma_wait3A_48, %dma_wait3A_49] : memref<10240x128xf32, #tpu.memory_space<vmem_shared>> -> memref<400x128xf32, #tpu.memory_space<vmem_shared>>
        %dma_wait3A_51 = arith.constant 9600 : i32
        %dma_wait3A_52 = arith.constant 0 : i32
        %dma_wait3A_53 = tpu.memref_slice %arg2[%dma_wait3A_51, %dma_wait3A_52] : memref<10000x128xf32, #tpu.memory_space<hbm>> -> memref<400x128xf32, #tpu.memory_space<hbm>>
        tpu.wait_dma2 semaphore(%run_scoped3A : memref<!tpu.dma_semaphore, #tpu.memory_space<semaphore_mem>>) src(%dma_wait3A_53 : memref<400x128xf32, #tpu.memory_space<hbm>>) dst(%dma_wait3A_50 : memref<400x128xf32, #tpu.memory_space<vmem_shared>>)
        tpu.yield
      }) : () -> ()
    } else {
    }
    %barrier3A = arith.constant 0 : index
    tpu.barrier barrier_id(%barrier3A)
    %dma_start3A = arith.constant 0 : i32
    %dma_start3A_9 = arith.constant 0 : i32
    %dma_start3A_10 = tpu.memref_slice %arg7[%dma_start3A, %dma_start3A_9] : memref<160x64xi32, #tpu.memory_space<vmem>> -> memref<1x64xi32, #tpu.memory_space<vmem>>
    %dma_start3A_11 = tpu.memref_squeeze %dma_start3A_10 : memref<1x64xi32, #tpu.memory_space<vmem>> -> memref<64xi32, #tpu.memory_space<vmem>>
    %dma_start3A_12 = arith.constant 0 : i32
    %dma_start3A_13 = arith.constant 0 : i32
    %dma_start3A_14 = tpu.memref_slice %arg2[%dma_start3A_12, %dma_start3A_13] : memref<10000x128xf32, #tpu.memory_space<hbm>> -> memref<10000x128xf32, #tpu.memory_space<hbm>>
    tpu.enqueue_indirect_dma source(%dma_start3A_14 : memref<10000x128xf32, #tpu.memory_space<hbm>>) target(%arg8 : memref<64x128xf32, #tpu.memory_space<vmem>>) offsets(%dma_start3A_11 : memref<64xi32, #tpu.memory_space<vmem>>) semaphore(%arg11 : memref<!tpu.dma_semaphore, #tpu.memory_space<semaphore_mem>>)
    %add3A_15 = arith.constant 0 : i32
    %add3A_16 = arith.addi %mul3A_2, %add3A_15 : i32
    %dma_start3A_17 = arith.constant 0 : i32
    %dma_start3A_18 = tpu.memref_slice %arg4[%add3A_16, %dma_start3A_17] : memref<5120x64xi32, #tpu.memory_space<hbm>> -> memref<1x64xi32, #tpu.memory_space<hbm>>
    %dma_start3A_19 = tpu.memref_squeeze %dma_start3A_18 : memref<1x64xi32, #tpu.memory_space<hbm>> -> memref<64xi32, #tpu.memory_space<hbm>>
    %dma_start3A_20 = arith.constant 0 : i32
    %dma_start3A_21 = tpu.memref_slice %arg4[%add3A_16, %dma_start3A_20] : memref<5120x64xi32, #tpu.memory_space<hbm>> -> memref<1x64xi32, #tpu.memory_space<hbm>>
    %dma_start3A_22 = tpu.memref_squeeze %dma_start3A_21 : memref<1x64xi32, #tpu.memory_space<hbm>> -> memref<64xi32, #tpu.memory_space<hbm>>
    tpu.enqueue_dma source(%dma_start3A_22 : memref<64xi32, #tpu.memory_space<hbm>>) target(%arg15 : memref<64xi32, #tpu.memory_space<vmem>>) target_semaphore(%arg17 : memref<!tpu.dma_semaphore, #tpu.memory_space<semaphore_mem>>)
    %add3A_23 = arith.constant 0 : i32
    %add3A_24 = arith.addi %mul3A_2, %add3A_23 : i32
    %dma_start3A_25 = arith.constant 0 : i32
    %dma_start3A_26 = tpu.memref_slice %arg5[%add3A_24, %dma_start3A_25] : memref<5120x64xf32, #tpu.memory_space<hbm>> -> memref<1x64xf32, #tpu.memory_space<hbm>>
    %dma_start3A_27 = tpu.memref_squeeze %dma_start3A_26 : memref<1x64xf32, #tpu.memory_space<hbm>> -> memref<64xf32, #tpu.memory_space<hbm>>
    %dma_start3A_28 = arith.constant 0 : i32
    %dma_start3A_29 = tpu.memref_slice %arg5[%add3A_24, %dma_start3A_28] : memref<5120x64xf32, #tpu.memory_space<hbm>> -> memref<1x64xf32, #tpu.memory_space<hbm>>
    %dma_start3A_30 = tpu.memref_squeeze %dma_start3A_29 : memref<1x64xf32, #tpu.memory_space<hbm>> -> memref<64xf32, #tpu.memory_space<hbm>>
    tpu.enqueue_dma source(%dma_start3A_30 : memref<64xf32, #tpu.memory_space<hbm>>) target(%arg19 : memref<64xf32, #tpu.memory_space<vmem>>) target_semaphore(%arg21 : memref<!tpu.dma_semaphore, #tpu.memory_space<semaphore_mem>>)
    %scan3A = arith.constant 0 : i32
    %scan3A_31 = arith.constant 80 : i32
    %scan3A_32 = arith.addi %scan3A, %scan3A_31 : i32
    %scan3A_33 = arith.constant 1 : i32
    scf.for %scan3A_42 = %scan3A to %scan3A_32 step %scan3A_33  : i32 {
      %mul3A_43 = arith.constant 2 : i32
      %mul3A_44 = arith.muli %scan3A_42, %mul3A_43 : i32
      %add3A_45 = arith.constant 0 : i32
      %add3A_46 = arith.addi %add3A_45, %mul3A_44 : i32
      %add3A_47 = arith.constant 0 : i32
      %add3A_48 = arith.addi %add3A_46, %add3A_47 : i32
      %dma_wait3A_49 = arith.constant 0 : i32
      %dma_wait3A_50 = tpu.memref_slice %arg7[%add3A_48, %dma_wait3A_49] : memref<160x64xi32, #tpu.memory_space<vmem>> -> memref<1x64xi32, #tpu.memory_space<vmem>>
      %dma_wait3A_51 = tpu.memref_squeeze %dma_wait3A_50 : memref<1x64xi32, #tpu.memory_space<vmem>> -> memref<64xi32, #tpu.memory_space<vmem>>
      %dma_wait3A_52 = arith.constant 0 : i32
      %dma_wait3A_53 = arith.constant 0 : i32
      %dma_wait3A_54 = tpu.memref_slice %arg2[%dma_wait3A_52, %dma_wait3A_53] : memref<10000x128xf32, #tpu.memory_space<hbm>> -> memref<10000x128xf32, #tpu.memory_space<hbm>>
      tpu.wait_indirect_dma semaphore(%arg11 : memref<!tpu.dma_semaphore, #tpu.memory_space<semaphore_mem>>) src(%dma_wait3A_54 : memref<10000x128xf32, #tpu.memory_space<hbm>>) dst(%arg8 : memref<64x128xf32, #tpu.memory_space<vmem>>)
      %add3A_55 = arith.addi %mul3A_2, %add3A_48 : i32
      %dma_wait3A_56 = arith.constant 0 : i32
      %dma_wait3A_57 = tpu.memref_slice %arg4[%add3A_55, %dma_wait3A_56] : memref<5120x64xi32, #tpu.memory_space<hbm>> -> memref<1x64xi32, #tpu.memory_space<hbm>>
      %dma_wait3A_58 = tpu.memref_squeeze %dma_wait3A_57 : memref<1x64xi32, #tpu.memory_space<hbm>> -> memref<64xi32, #tpu.memory_space<hbm>>
      %dma_wait3A_59 = arith.constant 0 : i32
      %dma_wait3A_60 = tpu.memref_slice %arg4[%add3A_55, %dma_wait3A_59] : memref<5120x64xi32, #tpu.memory_space<hbm>> -> memref<1x64xi32, #tpu.memory_space<hbm>>
      %dma_wait3A_61 = tpu.memref_squeeze %dma_wait3A_60 : memref<1x64xi32, #tpu.memory_space<hbm>> -> memref<64xi32, #tpu.memory_space<hbm>>
      tpu.wait_dma2 semaphore(%arg17 : memref<!tpu.dma_semaphore, #tpu.memory_space<semaphore_mem>>) src(%dma_wait3A_61 : memref<64xi32, #tpu.memory_space<hbm>>) dst(%arg15 : memref<64xi32, #tpu.memory_space<vmem>>)
      %add3A_62 = arith.addi %mul3A_2, %add3A_48 : i32
      %dma_wait3A_63 = arith.constant 0 : i32
      %dma_wait3A_64 = tpu.memref_slice %arg5[%add3A_62, %dma_wait3A_63] : memref<5120x64xf32, #tpu.memory_space<hbm>> -> memref<1x64xf32, #tpu.memory_space<hbm>>
      %dma_wait3A_65 = tpu.memref_squeeze %dma_wait3A_64 : memref<1x64xf32, #tpu.memory_space<hbm>> -> memref<64xf32, #tpu.memory_space<hbm>>
      %dma_wait3A_66 = arith.constant 0 : i32
      %dma_wait3A_67 = tpu.memref_slice %arg5[%add3A_62, %dma_wait3A_66] : memref<5120x64xf32, #tpu.memory_space<hbm>> -> memref<1x64xf32, #tpu.memory_space<hbm>>
      %dma_wait3A_68 = tpu.memref_squeeze %dma_wait3A_67 : memref<1x64xf32, #tpu.memory_space<hbm>> -> memref<64xf32, #tpu.memory_space<hbm>>
      tpu.wait_dma2 semaphore(%arg21 : memref<!tpu.dma_semaphore, #tpu.memory_space<semaphore_mem>>) src(%dma_wait3A_68 : memref<64xf32, #tpu.memory_space<hbm>>) dst(%arg19 : memref<64xf32, #tpu.memory_space<vmem>>)
      %ge3A = arith.constant 1 : i32
      %ge3A_69 = arith.cmpi sge, %add3A_48, %ge3A : i32
      %convert_element_type3A_70 = arith.extui %ge3A_69 : i1 to i32
      %cond3A_71 = arith.constant 0 : i32
      %cond3A_72 = arith.cmpi ne, %convert_element_type3A_70, %cond3A_71 : i32
      scf.if %cond3A_72 {
        %dma_wait3A_130 = arith.constant 0 : i32
        %dma_wait3A_131 = arith.constant 0 : i32
        %dma_wait3A_132 = tpu.memref_slice %arg10[%dma_wait3A_130, %dma_wait3A_131] : memref<10240x128xf32, #tpu.memory_space<vmem_shared>> -> memref<10240x128xf32, #tpu.memory_space<vmem_shared>>
        tpu.wait_indirect_dma semaphore(%arg14 : memref<!tpu.dma_semaphore, #tpu.memory_space<semaphore_mem>>) src(%arg9 : memref<64x128xf32, #tpu.memory_space<vmem>>) dst(%dma_wait3A_132 : memref<10240x128xf32, #tpu.memory_space<vmem_shared>>)
      } else {
      }
      %add3A_73 = arith.constant 1 : i32
      %add3A_74 = arith.addi %add3A_48, %add3A_73 : i32
      %lt3A_75 = arith.constant 160 : i32
      %lt3A_76 = arith.cmpi slt, %add3A_74, %lt3A_75 : i32
      %convert_element_type3A_77 = arith.extui %lt3A_76 : i1 to i32
      %cond3A_78 = arith.constant 0 : i32
      %cond3A_79 = arith.cmpi ne, %convert_element_type3A_77, %cond3A_78 : i32
      scf.if %cond3A_79 {
        %add3A_130 = arith.constant 1 : i32
        %add3A_131 = arith.addi %add3A_48, %add3A_130 : i32
        %dma_start3A_132 = arith.constant 0 : i32
        %dma_start3A_133 = tpu.memref_slice %arg7[%add3A_131, %dma_start3A_132] : memref<160x64xi32, #tpu.memory_space<vmem>> -> memref<1x64xi32, #tpu.memory_space<vmem>>
        %dma_start3A_134 = tpu.memref_squeeze %dma_start3A_133 : memref<1x64xi32, #tpu.memory_space<vmem>> -> memref<64xi32, #tpu.memory_space<vmem>>
        %dma_start3A_135 = arith.constant 0 : i32
        %dma_start3A_136 = arith.constant 0 : i32
        %dma_start3A_137 = tpu.memref_slice %arg2[%dma_start3A_135, %dma_start3A_136] : memref<10000x128xf32, #tpu.memory_space<hbm>> -> memref<10000x128xf32, #tpu.memory_space<hbm>>
        tpu.enqueue_indirect_dma source(%dma_start3A_137 : memref<10000x128xf32, #tpu.memory_space<hbm>>) target(%arg9 : memref<64x128xf32, #tpu.memory_space<vmem>>) offsets(%dma_start3A_134 : memref<64xi32, #tpu.memory_space<vmem>>) semaphore(%arg12 : memref<!tpu.dma_semaphore, #tpu.memory_space<semaphore_mem>>)
        %add3A_138 = arith.addi %mul3A_2, %add3A_131 : i32
        %dma_start3A_139 = arith.constant 0 : i32
        %dma_start3A_140 = tpu.memref_slice %arg4[%add3A_138, %dma_start3A_139] : memref<5120x64xi32, #tpu.memory_space<hbm>> -> memref<1x64xi32, #tpu.memory_space<hbm>>
        %dma_start3A_141 = tpu.memref_squeeze %dma_start3A_140 : memref<1x64xi32, #tpu.memory_space<hbm>> -> memref<64xi32, #tpu.memory_space<hbm>>
        %dma_start3A_142 = arith.constant 0 : i32
        %dma_start3A_143 = tpu.memref_slice %arg4[%add3A_138, %dma_start3A_142] : memref<5120x64xi32, #tpu.memory_space<hbm>> -> memref<1x64xi32, #tpu.memory_space<hbm>>
        %dma_start3A_144 = tpu.memref_squeeze %dma_start3A_143 : memref<1x64xi32, #tpu.memory_space<hbm>> -> memref<64xi32, #tpu.memory_space<hbm>>
        tpu.enqueue_dma source(%dma_start3A_144 : memref<64xi32, #tpu.memory_space<hbm>>) target(%arg16 : memref<64xi32, #tpu.memory_space<vmem>>) target_semaphore(%arg18 : memref<!tpu.dma_semaphore, #tpu.memory_space<semaphore_mem>>)
        %add3A_145 = arith.addi %mul3A_2, %add3A_131 : i32
        %dma_start3A_146 = arith.constant 0 : i32
        %dma_start3A_147 = tpu.memref_slice %arg5[%add3A_145, %dma_start3A_146] : memref<5120x64xf32, #tpu.memory_space<hbm>> -> memref<1x64xf32, #tpu.memory_space<hbm>>
        %dma_start3A_148 = tpu.memref_squeeze %dma_start3A_147 : memref<1x64xf32, #tpu.memory_space<hbm>> -> memref<64xf32, #tpu.memory_space<hbm>>
        %dma_start3A_149 = arith.constant 0 : i32
        %dma_start3A_150 = tpu.memref_slice %arg5[%add3A_145, %dma_start3A_149] : memref<5120x64xf32, #tpu.memory_space<hbm>> -> memref<1x64xf32, #tpu.memory_space<hbm>>
        %dma_start3A_151 = tpu.memref_squeeze %dma_start3A_150 : memref<1x64xf32, #tpu.memory_space<hbm>> -> memref<64xf32, #tpu.memory_space<hbm>>
        tpu.enqueue_dma source(%dma_start3A_151 : memref<64xf32, #tpu.memory_space<hbm>>) target(%arg20 : memref<64xf32, #tpu.memory_space<vmem>>) target_semaphore(%arg22 : memref<!tpu.dma_semaphore, #tpu.memory_space<semaphore_mem>>)
      } else {
      }
      %scan3A_80 = arith.constant 0 : i32
      %scan3A_81 = arith.constant 4 : i32
      %scan3A_82 = arith.addi %scan3A_80, %scan3A_81 : i32
      %scan3A_83 = arith.constant 1 : i32
      scf.for %scan3A_130 = %scan3A_80 to %scan3A_82 step %scan3A_83  : i32 {
        %mul3A_131 = arith.constant 1 : i32
        %mul3A_132 = arith.muli %scan3A_130, %mul3A_131 : i32
        %add3A_133 = arith.constant 0 : i32
        %add3A_134 = arith.addi %add3A_133, %mul3A_132 : i32
        %mul3A_135 = arith.constant 16 : i32
        %mul3A_136 = arith.muli %add3A_134, %mul3A_135 : i32
        %get3A = arith.index_cast %mul3A_136 : i32 to index
        %get3A_137 = tpu.vector_load %arg19[%get3A] {strides = array<i32>} : memref<64xf32, #tpu.memory_space<vmem>>, vector<16xf32>,
        %get3A_138 = vector.shape_cast %get3A_137 : vector<16xf32> to vector<16xf32>
        %slice3A = vector.extract_strided_slice %get3A_138 {offsets = [0], sizes = [1], strides = [1]} : vector<16xf32> to vector<1xf32>
        %squeeze3A = vector.extract %slice3A[0] : f32 from vector<1xf32>
        %mul3A_139 = arith.constant 16 : i32
        %mul3A_140 = arith.muli %add3A_134, %mul3A_139 : i32
        %add3A_141 = arith.constant 0 : i32
        %add3A_142 = arith.addi %mul3A_140, %add3A_141 : i32
        %get3A_143 = arith.index_cast %add3A_142 : i32 to index
        %get3A_144 = arith.constant 0 : index
        %get3A_145 = tpu.vector_load %arg8[%get3A_143, %get3A_144] {strides = array<i32>} : memref<64x128xf32, #tpu.memory_space<vmem>>, vector<1x16xf32>,
        %get3A_146 = vector.shape_cast %get3A_145 : vector<1x16xf32> to vector<16xf32>
        %mul3A_147 = vector.broadcast %squeeze3A : f32 to vector<16xf32>
        %mul3A_148 = arith.mulf %get3A_146, %mul3A_147 : vector<16xf32>
        %swap3A = arith.index_cast %add3A_142 : i32 to index
        %swap3A_149 = arith.constant 0 : index
        %swap3A_150 = tpu.vector_load %arg8[%swap3A, %swap3A_149] {strides = array<i32>} : memref<64x128xf32, #tpu.memory_space<vmem>>, vector<1x16xf32>,
        %swap3A_151 = vector.shape_cast %swap3A_150 : vector<1x16xf32> to vector<16xf32>
        %swap3A_152 = vector.shape_cast %mul3A_148 : vector<16xf32> to vector<1x16xf32>
        tpu.vector_store %arg8[%swap3A, %swap3A_149], %swap3A_152 {strides = array<i32>} : memref<64x128xf32, #tpu.memory_space<vmem>>, vector<1x16xf32>,
        %get3A_153 = arith.index_cast %add3A_142 : i32 to index
        %get3A_154 = arith.constant 16 : index
        %get3A_155 = tpu.vector_load %arg8[%get3A_153, %get3A_154] {strides = array<i32>} : memref<64x128xf32, #tpu.memory_space<vmem>>, vector<1x16xf32>,
        %get3A_156 = vector.shape_cast %get3A_155 : vector<1x16xf32> to vector<16xf32>
        %mul3A_157 = vector.broadcast %squeeze3A : f32 to vector<16xf32>
        %mul3A_158 = arith.mulf %get3A_156, %mul3A_157 : vector<16xf32>
        %swap3A_159 = arith.index_cast %add3A_142 : i32 to index
        %swap3A_160 = arith.constant 16 : index
        %swap3A_161 = tpu.vector_load %arg8[%swap3A_159, %swap3A_160] {strides = array<i32>} : memref<64x128xf32, #tpu.memory_space<vmem>>, vector<1x16xf32>,
        %swap3A_162 = vector.shape_cast %swap3A_161 : vector<1x16xf32> to vector<16xf32>
        %swap3A_163 = vector.shape_cast %mul3A_158 : vector<16xf32> to vector<1x16xf32>
        tpu.vector_store %arg8[%swap3A_159, %swap3A_160], %swap3A_163 {strides = array<i32>} : memref<64x128xf32, #tpu.memory_space<vmem>>, vector<1x16xf32>,
        %get3A_164 = arith.index_cast %add3A_142 : i32 to index
        %get3A_165 = arith.constant 32 : index
        %get3A_166 = tpu.vector_load %arg8[%get3A_164, %get3A_165] {strides = array<i32>} : memref<64x128xf32, #tpu.memory_space<vmem>>, vector<1x16xf32>,
        %get3A_167 = vector.shape_cast %get3A_166 : vector<1x16xf32> to vector<16xf32>
        %mul3A_168 = vector.broadcast %squeeze3A : f32 to vector<16xf32>
        %mul3A_169 = arith.mulf %get3A_167, %mul3A_168 : vector<16xf32>
        %swap3A_170 = arith.index_cast %add3A_142 : i32 to index
        %swap3A_171 = arith.constant 32 : index
        %swap3A_172 = tpu.vector_load %arg8[%swap3A_170, %swap3A_171] {strides = array<i32>} : memref<64x128xf32, #tpu.memory_space<vmem>>, vector<1x16xf32>,
        %swap3A_173 = vector.shape_cast %swap3A_172 : vector<1x16xf32> to vector<16xf32>
        %swap3A_174 = vector.shape_cast %mul3A_169 : vector<16xf32> to vector<1x16xf32>
        tpu.vector_store %arg8[%swap3A_170, %swap3A_171], %swap3A_174 {strides = array<i32>} : memref<64x128xf32, #tpu.memory_space<vmem>>, vector<1x16xf32>,
        %get3A_175 = arith.index_cast %add3A_142 : i32 to index
        %get3A_176 = arith.constant 48 : index
        %get3A_177 = tpu.vector_load %arg8[%get3A_175, %get3A_176] {strides = array<i32>} : memref<64x128xf32, #tpu.memory_space<vmem>>, vector<1x16xf32>,
        %get3A_178 = vector.shape_cast %get3A_177 : vector<1x16xf32> to vector<16xf32>
        %mul3A_179 = vector.broadcast %squeeze3A : f32 to vector<16xf32>
        %mul3A_180 = arith.mulf %get3A_178, %mul3A_179 : vector<16xf32>
        %swap3A_181 = arith.index_cast %add3A_142 : i32 to index
        %swap3A_182 = arith.constant 48 : index
        %swap3A_183 = tpu.vector_load %arg8[%swap3A_181, %swap3A_182] {strides = array<i32>} : memref<64x128xf32, #tpu.memory_space<vmem>>, vector<1x16xf32>,
        %swap3A_184 = vector.shape_cast %swap3A_183 : vector<1x16xf32> to vector<16xf32>
        %swap3A_185 = vector.shape_cast %mul3A_180 : vector<16xf32> to vector<1x16xf32>
        tpu.vector_store %arg8[%swap3A_181, %swap3A_182], %swap3A_185 {strides = array<i32>} : memref<64x128xf32, #tpu.memory_space<vmem>>, vector<1x16xf32>,
        %get3A_186 = arith.index_cast %add3A_142 : i32 to index
        %get3A_187 = arith.constant 64 : index
        %get3A_188 = tpu.vector_load %arg8[%get3A_186, %get3A_187] {strides = array<i32>} : memref<64x128xf32, #tpu.memory_space<vmem>>, vector<1x16xf32>,
        %get3A_189 = vector.shape_cast %get3A_188 : vector<1x16xf32> to vector<16xf32>
        %mul3A_190 = vector.broadcast %squeeze3A : f32 to vector<16xf32>
        %mul3A_191 = arith.mulf %get3A_189, %mul3A_190 : vector<16xf32>
        %swap3A_192 = arith.index_cast %add3A_142 : i32 to index
        %swap3A_193 = arith.constant 64 : index
        %swap3A_194 = tpu.vector_load %arg8[%swap3A_192, %swap3A_193] {strides = array<i32>} : memref<64x128xf32, #tpu.memory_space<vmem>>, vector<1x16xf32>,
        %swap3A_195 = vector.shape_cast %swap3A_194 : vector<1x16xf32> to vector<16xf32>
        %swap3A_196 = vector.shape_cast %mul3A_191 : vector<16xf32> to vector<1x16xf32>
        tpu.vector_store %arg8[%swap3A_192, %swap3A_193], %swap3A_196 {strides = array<i32>} : memref<64x128xf32, #tpu.memory_space<vmem>>, vector<1x16xf32>,
        %get3A_197 = arith.index_cast %add3A_142 : i32 to index
        %get3A_198 = arith.constant 80 : index
        %get3A_199 = tpu.vector_load %arg8[%get3A_197, %get3A_198] {strides = array<i32>} : memref<64x128xf32, #tpu.memory_space<vmem>>, vector<1x16xf32>,
        %get3A_200 = vector.shape_cast %get3A_199 : vector<1x16xf32> to vector<16xf32>
        %mul3A_201 = vector.broadcast %squeeze3A : f32 to vector<16xf32>
        %mul3A_202 = arith.mulf %get3A_200, %mul3A_201 : vector<16xf32>
        %swap3A_203 = arith.index_cast %add3A_142 : i32 to index
        %swap3A_204 = arith.constant 80 : index
        %swap3A_205 = tpu.vector_load %arg8[%swap3A_203, %swap3A_204] {strides = array<i32>} : memref<64x128xf32, #tpu.memory_space<vmem>>, vector<1x16xf32>,
        %swap3A_206 = vector.shape_cast %swap3A_205 : vector<1x16xf32> to vector<16xf32>
        %swap3A_207 = vector.shape_cast %mul3A_202 : vector<16xf32> to vector<1x16xf32>
        tpu.vector_store %arg8[%swap3A_203, %swap3A_204], %swap3A_207 {strides = array<i32>} : memref<64x128xf32, #tpu.memory_space<vmem>>, vector<1x16xf32>,
        %get3A_208 = arith.index_cast %add3A_142 : i32 to index
        %get3A_209 = arith.constant 96 : index
        %get3A_210 = tpu.vector_load %arg8[%get3A_208, %get3A_209] {strides = array<i32>} : memref<64x128xf32, #tpu.memory_space<vmem>>, vector<1x16xf32>,
        %get3A_211 = vector.shape_cast %get3A_210 : vector<1x16xf32> to vector<16xf32>
        %mul3A_212 = vector.broadcast %squeeze3A : f32 to vector<16xf32>
        %mul3A_213 = arith.mulf %get3A_211, %mul3A_212 : vector<16xf32>
        %swap3A_214 = arith.index_cast %add3A_142 : i32 to index
        %swap3A_215 = arith.constant 96 : index
        %swap3A_216 = tpu.vector_load %arg8[%swap3A_214, %swap3A_215] {strides = array<i32>} : memref<64x128xf32, #tpu.memory_space<vmem>>, vector<1x16xf32>,
        %swap3A_217 = vector.shape_cast %swap3A_216 : vector<1x16xf32> to vector<16xf32>
        %swap3A_218 = vector.shape_cast %mul3A_213 : vector<16xf32> to vector<1x16xf32>
        tpu.vector_store %arg8[%swap3A_214, %swap3A_215], %swap3A_218 {strides = array<i32>} : memref<64x128xf32, #tpu.memory_space<vmem>>, vector<1x16xf32>,
        %get3A_219 = arith.index_cast %add3A_142 : i32 to index
        %get3A_220 = arith.constant 112 : index
        %get3A_221 = tpu.vector_load %arg8[%get3A_219, %get3A_220] {strides = array<i32>} : memref<64x128xf32, #tpu.memory_space<vmem>>, vector<1x16xf32>,
        %get3A_222 = vector.shape_cast %get3A_221 : vector<1x16xf32> to vector<16xf32>
        %mul3A_223 = vector.broadcast %squeeze3A : f32 to vector<16xf32>
        %mul3A_224 = arith.mulf %get3A_222, %mul3A_223 : vector<16xf32>
        %swap3A_225 = arith.index_cast %add3A_142 : i32 to index
        %swap3A_226 = arith.constant 112 : index
        %swap3A_227 = tpu.vector_load %arg8[%swap3A_225, %swap3A_226] {strides = array<i32>} : memref<64x128xf32, #tpu.memory_space<vmem>>, vector<1x16xf32>,
        %swap3A_228 = vector.shape_cast %swap3A_227 : vector<1x16xf32> to vector<16xf32>
        %swap3A_229 = vector.shape_cast %mul3A_224 : vector<16xf32> to vector<1x16xf32>
        tpu.vector_store %arg8[%swap3A_225, %swap3A_226], %swap3A_229 {strides = array<i32>} : memref<64x128xf32, #tpu.memory_space<vmem>>, vector<1x16xf32>,
        %slice3A_230 = vector.extract_strided_slice %get3A_138 {offsets = [1], sizes = [1], strides = [1]} : vector<16xf32> to vector<1xf32>
        %squeeze3A_231 = vector.extract %slice3A_230[0] : f32 from vector<1xf32>
        %mul3A_232 = arith.constant 16 : i32
        %mul3A_233 = arith.muli %add3A_134, %mul3A_232 : i32
        %add3A_234 = arith.constant 1 : i32
        %add3A_235 = arith.addi %mul3A_233, %add3A_234 : i32
        %get3A_236 = arith.index_cast %add3A_235 : i32 to index
        %get3A_237 = arith.constant 0 : index
        %get3A_238 = tpu.vector_load %arg8[%get3A_236, %get3A_237] {strides = array<i32>} : memref<64x128xf32, #tpu.memory_space<vmem>>, vector<1x16xf32>,
        %get3A_239 = vector.shape_cast %get3A_238 : vector<1x16xf32> to vector<16xf32>
        %mul3A_240 = vector.broadcast %squeeze3A_231 : f32 to vector<16xf32>
        %mul3A_241 = arith.mulf %get3A_239, %mul3A_240 : vector<16xf32>
        %swap3A_242 = arith.index_cast %add3A_235 : i32 to index
        %swap3A_243 = arith.constant 0 : index
        %swap3A_244 = tpu.vector_load %arg8[%swap3A_242, %swap3A_243] {strides = array<i32>} : memref<64x128xf32, #tpu.memory_space<vmem>>, vector<1x16xf32>,
        %swap3A_245 = vector.shape_cast %swap3A_244 : vector<1x16xf32> to vector<16xf32>
        %swap3A_246 = vector.shape_cast %mul3A_241 : vector<16xf32> to vector<1x16xf32>
        tpu.vector_store %arg8[%swap3A_242, %swap3A_243], %swap3A_246 {strides = array<i32>} : memref<64x128xf32, #tpu.memory_space<vmem>>, vector<1x16xf32>,
        %get3A_247 = arith.index_cast %add3A_235 : i32 to index
        %get3A_248 = arith.constant 16 : index
        %get3A_249 = tpu.vector_load %arg8[%get3A_247, %get3A_248] {strides = array<i32>} : memref<64x128xf32, #tpu.memory_space<vmem>>, vector<1x16xf32>,
        %get3A_250 = vector.shape_cast %get3A_249 : vector<1x16xf32> to vector<16xf32>
        %mul3A_251 = vector.broadcast %squeeze3A_231 : f32 to vector<16xf32>
        %mul3A_252 = arith.mulf %get3A_250, %mul3A_251 : vector<16xf32>
        %swap3A_253 = arith.index_cast %add3A_235 : i32 to index
        %swap3A_254 = arith.constant 16 : index
        %swap3A_255 = tpu.vector_load %arg8[%swap3A_253, %swap3A_254] {strides = array<i32>} : memref<64x128xf32, #tpu.memory_space<vmem>>, vector<1x16xf32>,
        %swap3A_256 = vector.shape_cast %swap3A_255 : vector<1x16xf32> to vector<16xf32>
        %swap3A_257 = vector.shape_cast %mul3A_252 : vector<16xf32> to vector<1x16xf32>
        tpu.vector_store %arg8[%swap3A_253, %swap3A_254], %swap3A_257 {strides = array<i32>} : memref<64x128xf32, #tpu.memory_space<vmem>>, vector<1x16xf32>,
        %get3A_258 = arith.index_cast %add3A_235 : i32 to index
        %get3A_259 = arith.constant 32 : index
        %get3A_260 = tpu.vector_load %arg8[%get3A_258, %get3A_259] {strides = array<i32>} : memref<64x128xf32, #tpu.memory_space<vmem>>, vector<1x16xf32>,
        %get3A_261 = vector.shape_cast %get3A_260 : vector<1x16xf32> to vector<16xf32>
        %mul3A_262 = vector.broadcast %squeeze3A_231 : f32 to vector<16xf32>
        %mul3A_263 = arith.mulf %get3A_261, %mul3A_262 : vector<16xf32>
        %swap3A_264 = arith.index_cast %add3A_235 : i32 to index
        %swap3A_265 = arith.constant 32 : index
        %swap3A_266 = tpu.vector_load %arg8[%swap3A_264, %swap3A_265] {strides = array<i32>} : memref<64x128xf32, #tpu.memory_space<vmem>>, vector<1x16xf32>,
        %swap3A_267 = vector.shape_cast %swap3A_266 : vector<1x16xf32> to vector<16xf32>
        %swap3A_268 = vector.shape_cast %mul3A_263 : vector<16xf32> to vector<1x16xf32>
        tpu.vector_store %arg8[%swap3A_264, %swap3A_265], %swap3A_268 {strides = array<i32>} : memref<64x128xf32, #tpu.memory_space<vmem>>, vector<1x16xf32>,
        %get3A_269 = arith.index_cast %add3A_235 : i32 to index
        %get3A_270 = arith.constant 48 : index
        %get3A_271 = tpu.vector_load %arg8[%get3A_269, %get3A_270] {strides = array<i32>} : memref<64x128xf32, #tpu.memory_space<vmem>>, vector<1x16xf32>,
        %get3A_272 = vector.shape_cast %get3A_271 : vector<1x16xf32> to vector<16xf32>
        %mul3A_273 = vector.broadcast %squeeze3A_231 : f32 to vector<16xf32>
        %mul3A_274 = arith.mulf %get3A_272, %mul3A_273 : vector<16xf32>
        %swap3A_275 = arith.index_cast %add3A_235 : i32 to index
        %swap3A_276 = arith.constant 48 : index
        %swap3A_277 = tpu.vector_load %arg8[%swap3A_275, %swap3A_276] {strides = array<i32>} : memref<64x128xf32, #tpu.memory_space<vmem>>, vector<1x16xf32>,
        %swap3A_278 = vector.shape_cast %swap3A_277 : vector<1x16xf32> to vector<16xf32>
        %swap3A_279 = vector.shape_cast %mul3A_274 : vector<16xf32> to vector<1x16xf32>
        tpu.vector_store %arg8[%swap3A_275, %swap3A_276], %swap3A_279 {strides = array<i32>} : memref<64x128xf32, #tpu.memory_space<vmem>>, vector<1x16xf32>,
        %get3A_280 = arith.index_cast %add3A_235 : i32 to index
        %get3A_281 = arith.constant 64 : index
        %get3A_282 = tpu.vector_load %arg8[%get3A_280, %get3A_281] {strides = array<i32>} : memref<64x128xf32, #tpu.memory_space<vmem>>, vector<1x16xf32>,
        %get3A_283 = vector.shape_cast %get3A_282 : vector<1x16xf32> to vector<16xf32>
        %mul3A_284 = vector.broadcast %squeeze3A_231 : f32 to vector<16xf32>
        %mul3A_285 = arith.mulf %get3A_283, %mul3A_284 : vector<16xf32>
        %swap3A_286 = arith.index_cast %add3A_235 : i32 to index
        %swap3A_287 = arith.constant 64 : index
        %swap3A_288 = tpu.vector_load %arg8[%swap3A_286, %swap3A_287] {strides = array<i32>} : memref<64x128xf32, #tpu.memory_space<vmem>>, vector<1x16xf32>,
        %swap3A_289 = vector.shape_cast %swap3A_288 : vector<1x16xf32> to vector<16xf32>
        %swap3A_290 = vector.shape_cast %mul3A_285 : vector<16xf32> to vector<1x16xf32>
        tpu.vector_store %arg8[%swap3A_286, %swap3A_287], %swap3A_290 {strides = array<i32>} : memref<64x128xf32, #tpu.memory_space<vmem>>, vector<1x16xf32>,
        %get3A_291 = arith.index_cast %add3A_235 : i32 to index
        %get3A_292 = arith.constant 80 : index
        %get3A_293 = tpu.vector_load %arg8[%get3A_291, %get3A_292] {strides = array<i32>} : memref<64x128xf32, #tpu.memory_space<vmem>>, vector<1x16xf32>,
        %get3A_294 = vector.shape_cast %get3A_293 : vector<1x16xf32> to vector<16xf32>
        %mul3A_295 = vector.broadcast %squeeze3A_231 : f32 to vector<16xf32>
        %mul3A_296 = arith.mulf %get3A_294, %mul3A_295 : vector<16xf32>
        %swap3A_297 = arith.index_cast %add3A_235 : i32 to index
        %swap3A_298 = arith.constant 80 : index
        %swap3A_299 = tpu.vector_load %arg8[%swap3A_297, %swap3A_298] {strides = array<i32>} : memref<64x128xf32, #tpu.memory_space<vmem>>, vector<1x16xf32>,
        %swap3A_300 = vector.shape_cast %swap3A_299 : vector<1x16xf32> to vector<16xf32>
        %swap3A_301 = vector.shape_cast %mul3A_296 : vector<16xf32> to vector<1x16xf32>
        tpu.vector_store %arg8[%swap3A_297, %swap3A_298], %swap3A_301 {strides = array<i32>} : memref<64x128xf32, #tpu.memory_space<vmem>>, vector<1x16xf32>,
        %get3A_302 = arith.index_cast %add3A_235 : i32 to index
        %get3A_303 = arith.constant 96 : index
        %get3A_304 = tpu.vector_load %arg8[%get3A_302, %get3A_303] {strides = array<i32>} : memref<64x128xf32, #tpu.memory_space<vmem>>, vector<1x16xf32>,
        %get3A_305 = vector.shape_cast %get3A_304 : vector<1x16xf32> to vector<16xf32>
        %mul3A_306 = vector.broadcast %squeeze3A_231 : f32 to vector<16xf32>
        %mul3A_307 = arith.mulf %get3A_305, %mul3A_306 : vector<16xf32>
        %swap3A_308 = arith.index_cast %add3A_235 : i32 to index
        %swap3A_309 = arith.constant 96 : index
        %swap3A_310 = tpu.vector_load %arg8[%swap3A_308, %swap3A_309] {strides = array<i32>} : memref<64x128xf32, #tpu.memory_space<vmem>>, vector<1x16xf32>,
        %swap3A_311 = vector.shape_cast %swap3A_310 : vector<1x16xf32> to vector<16xf32>
        %swap3A_312 = vector.shape_cast %mul3A_307 : vector<16xf32> to vector<1x16xf32>
        tpu.vector_store %arg8[%swap3A_308, %swap3A_309], %swap3A_312 {strides = array<i32>} : memref<64x128xf32, #tpu.memory_space<vmem>>, vector<1x16xf32>,
        %get3A_313 = arith.index_cast %add3A_235 : i32 to index
        %get3A_314 = arith.constant 112 : index
        %get3A_315 = tpu.vector_load %arg8[%get3A_313, %get3A_314] {strides = array<i32>} : memref<64x128xf32, #tpu.memory_space<vmem>>, vector<1x16xf32>,
        %get3A_316 = vector.shape_cast %get3A_315 : vector<1x16xf32> to vector<16xf32>
        %mul3A_317 = vector.broadcast %squeeze3A_231 : f32 to vector<16xf32>
        %mul3A_318 = arith.mulf %get3A_316, %mul3A_317 : vector<16xf32>
        %swap3A_319 = arith.index_cast %add3A_235 : i32 to index
        %swap3A_320 = arith.constant 112 : index
        %swap3A_321 = tpu.vector_load %arg8[%swap3A_319, %swap3A_320] {strides = array<i32>} : memref<64x128xf32, #tpu.memory_space<vmem>>, vector<1x16xf32>,
        %swap3A_322 = vector.shape_cast %swap3A_321 : vector<1x16xf32> to vector<16xf32>
        %swap3A_323 = vector.shape_cast %mul3A_318 : vector<16xf32> to vector<1x16xf32>
        tpu.vector_store %arg8[%swap3A_319, %swap3A_320], %swap3A_323 {strides = array<i32>} : memref<64x128xf32, #tpu.memory_space<vmem>>, vector<1x16xf32>,
        %slice3A_324 = vector.extract_strided_slice %get3A_138 {offsets = [2], sizes = [1], strides = [1]} : vector<16xf32> to vector<1xf32>
        %squeeze3A_325 = vector.extract %slice3A_324[0] : f32 from vector<1xf32>
        %mul3A_326 = arith.constant 16 : i32
        %mul3A_327 = arith.muli %add3A_134, %mul3A_326 : i32
        %add3A_328 = arith.constant 2 : i32
        %add3A_329 = arith.addi %mul3A_327, %add3A_328 : i32
        %get3A_330 = arith.index_cast %add3A_329 : i32 to index
        %get3A_331 = arith.constant 0 : index
        %get3A_332 = tpu.vector_load %arg8[%get3A_330, %get3A_331] {strides = array<i32>} : memref<64x128xf32, #tpu.memory_space<vmem>>, vector<1x16xf32>,
        %get3A_333 = vector.shape_cast %get3A_332 : vector<1x16xf32> to vector<16xf32>
        %mul3A_334 = vector.broadcast %squeeze3A_325 : f32 to vector<16xf32>
        %mul3A_335 = arith.mulf %get3A_333, %mul3A_334 : vector<16xf32>
        %swap3A_336 = arith.index_cast %add3A_329 : i32 to index
        %swap3A_337 = arith.constant 0 : index
        %swap3A_338 = tpu.vector_load %arg8[%swap3A_336, %swap3A_337] {strides = array<i32>} : memref<64x128xf32, #tpu.memory_space<vmem>>, vector<1x16xf32>,
        %swap3A_339 = vector.shape_cast %swap3A_338 : vector<1x16xf32> to vector<16xf32>
        %swap3A_340 = vector.shape_cast %mul3A_335 : vector<16xf32> to vector<1x16xf32>
        tpu.vector_store %arg8[%swap3A_336, %swap3A_337], %swap3A_340 {strides = array<i32>} : memref<64x128xf32, #tpu.memory_space<vmem>>, vector<1x16xf32>,
        %get3A_341 = arith.index_cast %add3A_329 : i32 to index
        %get3A_342 = arith.constant 16 : index
        %get3A_343 = tpu.vector_load %arg8[%get3A_341, %get3A_342] {strides = array<i32>} : memref<64x128xf32, #tpu.memory_space<vmem>>, vector<1x16xf32>,
        %get3A_344 = vector.shape_cast %get3A_343 : vector<1x16xf32> to vector<16xf32>
        %mul3A_345 = vector.broadcast %squeeze3A_325 : f32 to vector<16xf32>
        %mul3A_346 = arith.mulf %get3A_344, %mul3A_345 : vector<16xf32>
        %swap3A_347 = arith.index_cast %add3A_329 : i32 to index
        %swap3A_348 = arith.constant 16 : index
        %swap3A_349 = tpu.vector_load %arg8[%swap3A_347, %swap3A_348] {strides = array<i32>} : memref<64x128xf32, #tpu.memory_space<vmem>>, vector<1x16xf32>,
        %swap3A_350 = vector.shape_cast %swap3A_349 : vector<1x16xf32> to vector<16xf32>
        %swap3A_351 = vector.shape_cast %mul3A_346 : vector<16xf32> to vector<1x16xf32>
        tpu.vector_store %arg8[%swap3A_347, %swap3A_348], %swap3A_351 {strides = array<i32>} : memref<64x128xf32, #tpu.memory_space<vmem>>, vector<1x16xf32>,
        %get3A_352 = arith.index_cast %add3A_329 : i32 to index
        %get3A_353 = arith.constant 32 : index
        %get3A_354 = tpu.vector_load %arg8[%get3A_352, %get3A_353] {strides = array<i32>} : memref<64x128xf32, #tpu.memory_space<vmem>>, vector<1x16xf32>,
        %get3A_355 = vector.shape_cast %get3A_354 : vector<1x16xf32> to vector<16xf32>
        %mul3A_356 = vector.broadcast %squeeze3A_325 : f32 to vector<16xf32>
        %mul3A_357 = arith.mulf %get3A_355, %mul3A_356 : vector<16xf32>
        %swap3A_358 = arith.index_cast %add3A_329 : i32 to index
        %swap3A_359 = arith.constant 32 : index
        %swap3A_360 = tpu.vector_load %arg8[%swap3A_358, %swap3A_359] {strides = array<i32>} : memref<64x128xf32, #tpu.memory_space<vmem>>, vector<1x16xf32>,
        %swap3A_361 = vector.shape_cast %swap3A_360 : vector<1x16xf32> to vector<16xf32>
        %swap3A_362 = vector.shape_cast %mul3A_357 : vector<16xf32> to vector<1x16xf32>
        tpu.vector_store %arg8[%swap3A_358, %swap3A_359], %swap3A_362 {strides = array<i32>} : memref<64x128xf32, #tpu.memory_space<vmem>>, vector<1x16xf32>,
        %get3A_363 = arith.index_cast %add3A_329 : i32 to index
        %get3A_364 = arith.constant 48 : index
        %get3A_365 = tpu.vector_load %arg8[%get3A_363, %get3A_364] {strides = array<i32>} : memref<64x128xf32, #tpu.memory_space<vmem>>, vector<1x16xf32>,
        %get3A_366 = vector.shape_cast %get3A_365 : vector<1x16xf32> to vector<16xf32>
        %mul3A_367 = vector.broadcast %squeeze3A_325 : f32 to vector<16xf32>
        %mul3A_368 = arith.mulf %get3A_366, %mul3A_367 : vector<16xf32>
        %swap3A_369 = arith.index_cast %add3A_329 : i32 to index
        %swap3A_370 = arith.constant 48 : index
        %swap3A_371 = tpu.vector_load %arg8[%swap3A_369, %swap3A_370] {strides = array<i32>} : memref<64x128xf32, #tpu.memory_space<vmem>>, vector<1x16xf32>,
        %swap3A_372 = vector.shape_cast %swap3A_371 : vector<1x16xf32> to vector<16xf32>
        %swap3A_373 = vector.shape_cast %mul3A_368 : vector<16xf32> to vector<1x16xf32>
        tpu.vector_store %arg8[%swap3A_369, %swap3A_370], %swap3A_373 {strides = array<i32>} : memref<64x128xf32, #tpu.memory_space<vmem>>, vector<1x16xf32>,
        %get3A_374 = arith.index_cast %add3A_329 : i32 to index
        %get3A_375 = arith.constant 64 : index
        %get3A_376 = tpu.vector_load %arg8[%get3A_374, %get3A_375] {strides = array<i32>} : memref<64x128xf32, #tpu.memory_space<vmem>>, vector<1x16xf32>,
        %get3A_377 = vector.shape_cast %get3A_376 : vector<1x16xf32> to vector<16xf32>
        %mul3A_378 = vector.broadcast %squeeze3A_325 : f32 to vector<16xf32>
        %mul3A_379 = arith.mulf %get3A_377, %mul3A_378 : vector<16xf32>
        %swap3A_380 = arith.index_cast %add3A_329 : i32 to index
        %swap3A_381 = arith.constant 64 : index
        %swap3A_382 = tpu.vector_load %arg8[%swap3A_380, %swap3A_381] {strides = array<i32>} : memref<64x128xf32, #tpu.memory_space<vmem>>, vector<1x16xf32>,
        %swap3A_383 = vector.shape_cast %swap3A_382 : vector<1x16xf32> to vector<16xf32>
        %swap3A_384 = vector.shape_cast %mul3A_379 : vector<16xf32> to vector<1x16xf32>
        tpu.vector_store %arg8[%swap3A_380, %swap3A_381], %swap3A_384 {strides = array<i32>} : memref<64x128xf32, #tpu.memory_space<vmem>>, vector<1x16xf32>,
        %get3A_385 = arith.index_cast %add3A_329 : i32 to index
        %get3A_386 = arith.constant 80 : index
        %get3A_387 = tpu.vector_load %arg8[%get3A_385, %get3A_386] {strides = array<i32>} : memref<64x128xf32, #tpu.memory_space<vmem>>, vector<1x16xf32>,
        %get3A_388 = vector.shape_cast %get3A_387 : vector<1x16xf32> to vector<16xf32>
        %mul3A_389 = vector.broadcast %squeeze3A_325 : f32 to vector<16xf32>
        %mul3A_390 = arith.mulf %get3A_388, %mul3A_389 : vector<16xf32>
        %swap3A_391 = arith.index_cast %add3A_329 : i32 to index
        %swap3A_392 = arith.constant 80 : index
        %swap3A_393 = tpu.vector_load %arg8[%swap3A_391, %swap3A_392] {strides = array<i32>} : memref<64x128xf32, #tpu.memory_space<vmem>>, vector<1x16xf32>,
        %swap3A_394 = vector.shape_cast %swap3A_393 : vector<1x16xf32> to vector<16xf32>
        %swap3A_395 = vector.shape_cast %mul3A_390 : vector<16xf32> to vector<1x16xf32>
        tpu.vector_store %arg8[%swap3A_391, %swap3A_392], %swap3A_395 {strides = array<i32>} : memref<64x128xf32, #tpu.memory_space<vmem>>, vector<1x16xf32>,
        %get3A_396 = arith.index_cast %add3A_329 : i32 to index
        %get3A_397 = arith.constant 96 : index
        %get3A_398 = tpu.vector_load %arg8[%get3A_396, %get3A_397] {strides = array<i32>} : memref<64x128xf32, #tpu.memory_space<vmem>>, vector<1x16xf32>,
        %get3A_399 = vector.shape_cast %get3A_398 : vector<1x16xf32> to vector<16xf32>
        %mul3A_400 = vector.broadcast %squeeze3A_325 : f32 to vector<16xf32>
        %mul3A_401 = arith.mulf %get3A_399, %mul3A_400 : vector<16xf32>
        %swap3A_402 = arith.index_cast %add3A_329 : i32 to index
        %swap3A_403 = arith.constant 96 : index
        %swap3A_404 = tpu.vector_load %arg8[%swap3A_402, %swap3A_403] {strides = array<i32>} : memref<64x128xf32, #tpu.memory_space<vmem>>, vector<1x16xf32>,
        %swap3A_405 = vector.shape_cast %swap3A_404 : vector<1x16xf32> to vector<16xf32>
        %swap3A_406 = vector.shape_cast %mul3A_401 : vector<16xf32> to vector<1x16xf32>
        tpu.vector_store %arg8[%swap3A_402, %swap3A_403], %swap3A_406 {strides = array<i32>} : memref<64x128xf32, #tpu.memory_space<vmem>>, vector<1x16xf32>,
        %get3A_407 = arith.index_cast %add3A_329 : i32 to index
        %get3A_408 = arith.constant 112 : index
        %get3A_409 = tpu.vector_load %arg8[%get3A_407, %get3A_408] {strides = array<i32>} : memref<64x128xf32, #tpu.memory_space<vmem>>, vector<1x16xf32>,
        %get3A_410 = vector.shape_cast %get3A_409 : vector<1x16xf32> to vector<16xf32>
        %mul3A_411 = vector.broadcast %squeeze3A_325 : f32 to vector<16xf32>
        %mul3A_412 = arith.mulf %get3A_410, %mul3A_411 : vector<16xf32>
        %swap3A_413 = arith.index_cast %add3A_329 : i32 to index
        %swap3A_414 = arith.constant 112 : index
        %swap3A_415 = tpu.vector_load %arg8[%swap3A_413, %swap3A_414] {strides = array<i32>} : memref<64x128xf32, #tpu.memory_space<vmem>>, vector<1x16xf32>,
        %swap3A_416 = vector.shape_cast %swap3A_415 : vector<1x16xf32> to vector<16xf32>
        %swap3A_417 = vector.shape_cast %mul3A_412 : vector<16xf32> to vector<1x16xf32>
        tpu.vector_store %arg8[%swap3A_413, %swap3A_414], %swap3A_417 {strides = array<i32>} : memref<64x128xf32, #tpu.memory_space<vmem>>, vector<1x16xf32>,
        %slice3A_418 = vector.extract_strided_slice %get3A_138 {offsets = [3], sizes = [1], strides = [1]} : vector<16xf32> to vector<1xf32>
        %squeeze3A_419 = vector.extract %slice3A_418[0] : f32 from vector<1xf32>
        %mul3A_420 = arith.constant 16 : i32
        %mul3A_421 = arith.muli %add3A_134, %mul3A_420 : i32
        %add3A_422 = arith.constant 3 : i32
        %add3A_423 = arith.addi %mul3A_421, %add3A_422 : i32
        %get3A_424 = arith.index_cast %add3A_423 : i32 to index
        %get3A_425 = arith.constant 0 : index
        %get3A_426 = tpu.vector_load %arg8[%get3A_424, %get3A_425] {strides = array<i32>} : memref<64x128xf32, #tpu.memory_space<vmem>>, vector<1x16xf32>,
        %get3A_427 = vector.shape_cast %get3A_426 : vector<1x16xf32> to vector<16xf32>
        %mul3A_428 = vector.broadcast %squeeze3A_419 : f32 to vector<16xf32>
        %mul3A_429 = arith.mulf %get3A_427, %mul3A_428 : vector<16xf32>
        %swap3A_430 = arith.index_cast %add3A_423 : i32 to index
        %swap3A_431 = arith.constant 0 : index
        %swap3A_432 = tpu.vector_load %arg8[%swap3A_430, %swap3A_431] {strides = array<i32>} : memref<64x128xf32, #tpu.memory_space<vmem>>, vector<1x16xf32>,
        %swap3A_433 = vector.shape_cast %swap3A_432 : vector<1x16xf32> to vector<16xf32>
        %swap3A_434 = vector.shape_cast %mul3A_429 : vector<16xf32> to vector<1x16xf32>
        tpu.vector_store %arg8[%swap3A_430, %swap3A_431], %swap3A_434 {strides = array<i32>} : memref<64x128xf32, #tpu.memory_space<vmem>>, vector<1x16xf32>,
        %get3A_435 = arith.index_cast %add3A_423 : i32 to index
        %get3A_436 = arith.constant 16 : index
        %get3A_437 = tpu.vector_load %arg8[%get3A_435, %get3A_436] {strides = array<i32>} : memref<64x128xf32, #tpu.memory_space<vmem>>, vector<1x16xf32>,
        %get3A_438 = vector.shape_cast %get3A_437 : vector<1x16xf32> to vector<16xf32>
        %mul3A_439 = vector.broadcast %squeeze3A_419 : f32 to vector<16xf32>
        %mul3A_440 = arith.mulf %get3A_438, %mul3A_439 : vector<16xf32>
        %swap3A_441 = arith.index_cast %add3A_423 : i32 to index
        %swap3A_442 = arith.constant 16 : index
        %swap3A_443 = tpu.vector_load %arg8[%swap3A_441, %swap3A_442] {strides = array<i32>} : memref<64x128xf32, #tpu.memory_space<vmem>>, vector<1x16xf32>,
        %swap3A_444 = vector.shape_cast %swap3A_443 : vector<1x16xf32> to vector<16xf32>
        %swap3A_445 = vector.shape_cast %mul3A_440 : vector<16xf32> to vector<1x16xf32>
        tpu.vector_store %arg8[%swap3A_441, %swap3A_442], %swap3A_445 {strides = array<i32>} : memref<64x128xf32, #tpu.memory_space<vmem>>, vector<1x16xf32>,
        %get3A_446 = arith.index_cast %add3A_423 : i32 to index
        %get3A_447 = arith.constant 32 : index
        %get3A_448 = tpu.vector_load %arg8[%get3A_446, %get3A_447] {strides = array<i32>} : memref<64x128xf32, #tpu.memory_space<vmem>>, vector<1x16xf32>,
        %get3A_449 = vector.shape_cast %get3A_448 : vector<1x16xf32> to vector<16xf32>
        %mul3A_450 = vector.broadcast %squeeze3A_419 : f32 to vector<16xf32>
        %mul3A_451 = arith.mulf %get3A_449, %mul3A_450 : vector<16xf32>
        %swap3A_452 = arith.index_cast %add3A_423 : i32 to index
        %swap3A_453 = arith.constant 32 : index
        %swap3A_454 = tpu.vector_load %arg8[%swap3A_452, %swap3A_453] {strides = array<i32>} : memref<64x128xf32, #tpu.memory_space<vmem>>, vector<1x16xf32>,
        %swap3A_455 = vector.shape_cast %swap3A_454 : vector<1x16xf32> to vector<16xf32>
        %swap3A_456 = vector.shape_cast %mul3A_451 : vector<16xf32> to vector<1x16xf32>
        tpu.vector_store %arg8[%swap3A_452, %swap3A_453], %swap3A_456 {strides = array<i32>} : memref<64x128xf32, #tpu.memory_space<vmem>>, vector<1x16xf32>,
        %get3A_457 = arith.index_cast %add3A_423 : i32 to index
        %get3A_458 = arith.constant 48 : index
        %get3A_459 = tpu.vector_load %arg8[%get3A_457, %get3A_458] {strides = array<i32>} : memref<64x128xf32, #tpu.memory_space<vmem>>, vector<1x16xf32>,
        %get3A_460 = vector.shape_cast %get3A_459 : vector<1x16xf32> to vector<16xf32>
        %mul3A_461 = vector.broadcast %squeeze3A_419 : f32 to vector<16xf32>
        %mul3A_462 = arith.mulf %get3A_460, %mul3A_461 : vector<16xf32>
        %swap3A_463 = arith.index_cast %add3A_423 : i32 to index
        %swap3A_464 = arith.constant 48 : index
        %swap3A_465 = tpu.vector_load %arg8[%swap3A_463, %swap3A_464] {strides = array<i32>} : memref<64x128xf32, #tpu.memory_space<vmem>>, vector<1x16xf32>,
        %swap3A_466 = vector.shape_cast %swap3A_465 : vector<1x16xf32> to vector<16xf32>
        %swap3A_467 = vector.shape_cast %mul3A_462 : vector<16xf32> to vector<1x16xf32>
        tpu.vector_store %arg8[%swap3A_463, %swap3A_464], %swap3A_467 {strides = array<i32>} : memref<64x128xf32, #tpu.memory_space<vmem>>, vector<1x16xf32>,
        %get3A_468 = arith.index_cast %add3A_423 : i32 to index
        %get3A_469 = arith.constant 64 : index
        %get3A_470 = tpu.vector_load %arg8[%get3A_468, %get3A_469] {strides = array<i32>} : memref<64x128xf32, #tpu.memory_space<vmem>>, vector<1x16xf32>,
        %get3A_471 = vector.shape_cast %get3A_470 : vector<1x16xf32> to vector<16xf32>
        %mul3A_472 = vector.broadcast %squeeze3A_419 : f32 to vector<16xf32>
        %mul3A_473 = arith.mulf %get3A_471, %mul3A_472 : vector<16xf32>
        %swap3A_474 = arith.index_cast %add3A_423 : i32 to index
        %swap3A_475 = arith.constant 64 : index
        %swap3A_476 = tpu.vector_load %arg8[%swap3A_474, %swap3A_475] {strides = array<i32>} : memref<64x128xf32, #tpu.memory_space<vmem>>, vector<1x16xf32>,
        %swap3A_477 = vector.shape_cast %swap3A_476 : vector<1x16xf32> to vector<16xf32>
        %swap3A_478 = vector.shape_cast %mul3A_473 : vector<16xf32> to vector<1x16xf32>
        tpu.vector_store %arg8[%swap3A_474, %swap3A_475], %swap3A_478 {strides = array<i32>} : memref<64x128xf32, #tpu.memory_space<vmem>>, vector<1x16xf32>,
        %get3A_479 = arith.index_cast %add3A_423 : i32 to index
        %get3A_480 = arith.constant 80 : index
        %get3A_481 = tpu.vector_load %arg8[%get3A_479, %get3A_480] {strides = array<i32>} : memref<64x128xf32, #tpu.memory_space<vmem>>, vector<1x16xf32>,
        %get3A_482 = vector.shape_cast %get3A_481 : vector<1x16xf32> to vector<16xf32>
        %mul3A_483 = vector.broadcast %squeeze3A_419 : f32 to vector<16xf32>
        %mul3A_484 = arith.mulf %get3A_482, %mul3A_483 : vector<16xf32>
        %swap3A_485 = arith.index_cast %add3A_423 : i32 to index
        %swap3A_486 = arith.constant 80 : index
        %swap3A_487 = tpu.vector_load %arg8[%swap3A_485, %swap3A_486] {strides = array<i32>} : memref<64x128xf32, #tpu.memory_space<vmem>>, vector<1x16xf32>,
        %swap3A_488 = vector.shape_cast %swap3A_487 : vector<1x16xf32> to vector<16xf32>
        %swap3A_489 = vector.shape_cast %mul3A_484 : vector<16xf32> to vector<1x16xf32>
        tpu.vector_store %arg8[%swap3A_485, %swap3A_486], %swap3A_489 {strides = array<i32>} : memref<64x128xf32, #tpu.memory_space<vmem>>, vector<1x16xf32>,
        %get3A_490 = arith.index_cast %add3A_423 : i32 to index
        %get3A_491 = arith.constant 96 : index
        %get3A_492 = tpu.vector_load %arg8[%get3A_490, %get3A_491] {strides = array<i32>} : memref<64x128xf32, #tpu.memory_space<vmem>>, vector<1x16xf32>,
        %get3A_493 = vector.shape_cast %get3A_492 : vector<1x16xf32> to vector<16xf32>
        %mul3A_494 = vector.broadcast %squeeze3A_419 : f32 to vector<16xf32>
        %mul3A_495 = arith.mulf %get3A_493, %mul3A_494 : vector<16xf32>
        %swap3A_496 = arith.index_cast %add3A_423 : i32 to index
        %swap3A_497 = arith.constant 96 : index
        %swap3A_498 = tpu.vector_load %arg8[%swap3A_496, %swap3A_497] {strides = array<i32>} : memref<64x128xf32, #tpu.memory_space<vmem>>, vector<1x16xf32>,
        %swap3A_499 = vector.shape_cast %swap3A_498 : vector<1x16xf32> to vector<16xf32>
        %swap3A_500 = vector.shape_cast %mul3A_495 : vector<16xf32> to vector<1x16xf32>
        tpu.vector_store %arg8[%swap3A_496, %swap3A_497], %swap3A_500 {strides = array<i32>} : memref<64x128xf32, #tpu.memory_space<vmem>>, vector<1x16xf32>,
        %get3A_501 = arith.index_cast %add3A_423 : i32 to index
        %get3A_502 = arith.constant 112 : index
        %get3A_503 = tpu.vector_load %arg8[%get3A_501, %get3A_502] {strides = array<i32>} : memref<64x128xf32, #tpu.memory_space<vmem>>, vector<1x16xf32>,
        %get3A_504 = vector.shape_cast %get3A_503 : vector<1x16xf32> to vector<16xf32>
        %mul3A_505 = vector.broadcast %squeeze3A_419 : f32 to vector<16xf32>
        %mul3A_506 = arith.mulf %get3A_504, %mul3A_505 : vector<16xf32>
        %swap3A_507 = arith.index_cast %add3A_423 : i32 to index
        %swap3A_508 = arith.constant 112 : index
        %swap3A_509 = tpu.vector_load %arg8[%swap3A_507, %swap3A_508] {strides = array<i32>} : memref<64x128xf32, #tpu.memory_space<vmem>>, vector<1x16xf32>,
        %swap3A_510 = vector.shape_cast %swap3A_509 : vector<1x16xf32> to vector<16xf32>
        %swap3A_511 = vector.shape_cast %mul3A_506 : vector<16xf32> to vector<1x16xf32>
        tpu.vector_store %arg8[%swap3A_507, %swap3A_508], %swap3A_511 {strides = array<i32>} : memref<64x128xf32, #tpu.memory_space<vmem>>, vector<1x16xf32>,
        %slice3A_512 = vector.extract_strided_slice %get3A_138 {offsets = [4], sizes = [1], strides = [1]} : vector<16xf32> to vector<1xf32>
        %squeeze3A_513 = vector.extract %slice3A_512[0] : f32 from vector<1xf32>
        %mul3A_514 = arith.constant 16 : i32
        %mul3A_515 = arith.muli %add3A_134, %mul3A_514 : i32
        %add3A_516 = arith.constant 4 : i32
        %add3A_517 = arith.addi %mul3A_515, %add3A_516 : i32
        %get3A_518 = arith.index_cast %add3A_517 : i32 to index
        %get3A_519 = arith.constant 0 : index
        %get3A_520 = tpu.vector_load %arg8[%get3A_518, %get3A_519] {strides = array<i32>} : memref<64x128xf32, #tpu.memory_space<vmem>>, vector<1x16xf32>,
        %get3A_521 = vector.shape_cast %get3A_520 : vector<1x16xf32> to vector<16xf32>
        %mul3A_522 = vector.broadcast %squeeze3A_513 : f32 to vector<16xf32>
        %mul3A_523 = arith.mulf %get3A_521, %mul3A_522 : vector<16xf32>
        %swap3A_524 = arith.index_cast %add3A_517 : i32 to index
        %swap3A_525 = arith.constant 0 : index
        %swap3A_526 = tpu.vector_load %arg8[%swap3A_524, %swap3A_525] {strides = array<i32>} : memref<64x128xf32, #tpu.memory_space<vmem>>, vector<1x16xf32>,
        %swap3A_527 = vector.shape_cast %swap3A_526 : vector<1x16xf32> to vector<16xf32>
        %swap3A_528 = vector.shape_cast %mul3A_523 : vector<16xf32> to vector<1x16xf32>
        tpu.vector_store %arg8[%swap3A_524, %swap3A_525], %swap3A_528 {strides = array<i32>} : memref<64x128xf32, #tpu.memory_space<vmem>>, vector<1x16xf32>,
        %get3A_529 = arith.index_cast %add3A_517 : i32 to index
        %get3A_530 = arith.constant 16 : index
        %get3A_531 = tpu.vector_load %arg8[%get3A_529, %get3A_530] {strides = array<i32>} : memref<64x128xf32, #tpu.memory_space<vmem>>, vector<1x16xf32>,
        %get3A_532 = vector.shape_cast %get3A_531 : vector<1x16xf32> to vector<16xf32>
        %mul3A_533 = vector.broadcast %squeeze3A_513 : f32 to vector<16xf32>
        %mul3A_534 = arith.mulf %get3A_532, %mul3A_533 : vector<16xf32>
        %swap3A_535 = arith.index_cast %add3A_517 : i32 to index
        %swap3A_536 = arith.constant 16 : index
        %swap3A_537 = tpu.vector_load %arg8[%swap3A_535, %swap3A_536] {strides = array<i32>} : memref<64x128xf32, #tpu.memory_space<vmem>>, vector<1x16xf32>,
        %swap3A_538 = vector.shape_cast %swap3A_537 : vector<1x16xf32> to vector<16xf32>
        %swap3A_539 = vector.shape_cast %mul3A_534 : vector<16xf32> to vector<1x16xf32>
        tpu.vector_store %arg8[%swap3A_535, %swap3A_536], %swap3A_539 {strides = array<i32>} : memref<64x128xf32, #tpu.memory_space<vmem>>, vector<1x16xf32>,
        %get3A_540 = arith.index_cast %add3A_517 : i32 to index
        %get3A_541 = arith.constant 32 : index
        %get3A_542 = tpu.vector_load %arg8[%get3A_540, %get3A_541] {strides = array<i32>} : memref<64x128xf32, #tpu.memory_space<vmem>>, vector<1x16xf32>,
        %get3A_543 = vector.shape_cast %get3A_542 : vector<1x16xf32> to vector<16xf32>
        %mul3A_544 = vector.broadcast %squeeze3A_513 : f32 to vector<16xf32>
        %mul3A_545 = arith.mulf %get3A_543, %mul3A_544 : vector<16xf32>
        %swap3A_546 = arith.index_cast %add3A_517 : i32 to index
        %swap3A_547 = arith.constant 32 : index
        %swap3A_548 = tpu.vector_load %arg8[%swap3A_546, %swap3A_547] {strides = array<i32>} : memref<64x128xf32, #tpu.memory_space<vmem>>, vector<1x16xf32>,
        %swap3A_549 = vector.shape_cast %swap3A_548 : vector<1x16xf32> to vector<16xf32>
        %swap3A_550 = vector.shape_cast %mul3A_545 : vector<16xf32> to vector<1x16xf32>
        tpu.vector_store %arg8[%swap3A_546, %swap3A_547], %swap3A_550 {strides = array<i32>} : memref<64x128xf32, #tpu.memory_space<vmem>>, vector<1x16xf32>,
        %get3A_551 = arith.index_cast %add3A_517 : i32 to index
        %get3A_552 = arith.constant 48 : index
        %get3A_553 = tpu.vector_load %arg8[%get3A_551, %get3A_552] {strides = array<i32>} : memref<64x128xf32, #tpu.memory_space<vmem>>, vector<1x16xf32>,
        %get3A_554 = vector.shape_cast %get3A_553 : vector<1x16xf32> to vector<16xf32>
        %mul3A_555 = vector.broadcast %squeeze3A_513 : f32 to vector<16xf32>
        %mul3A_556 = arith.mulf %get3A_554, %mul3A_555 : vector<16xf32>
        %swap3A_557 = arith.index_cast %add3A_517 : i32 to index
        %swap3A_558 = arith.constant 48 : index
        %swap3A_559 = tpu.vector_load %arg8[%swap3A_557, %swap3A_558] {strides = array<i32>} : memref<64x128xf32, #tpu.memory_space<vmem>>, vector<1x16xf32>,
        %swap3A_560 = vector.shape_cast %swap3A_559 : vector<1x16xf32> to vector<16xf32>
        %swap3A_561 = vector.shape_cast %mul3A_556 : vector<16xf32> to vector<1x16xf32>
        tpu.vector_store %arg8[%swap3A_557, %swap3A_558], %swap3A_561 {strides = array<i32>} : memref<64x128xf32, #tpu.memory_space<vmem>>, vector<1x16xf32>,
        %get3A_562 = arith.index_cast %add3A_517 : i32 to index
        %get3A_563 = arith.constant 64 : index
        %get3A_564 = tpu.vector_load %arg8[%get3A_562, %get3A_563] {strides = array<i32>} : memref<64x128xf32, #tpu.memory_space<vmem>>, vector<1x16xf32>,
        %get3A_565 = vector.shape_cast %get3A_564 : vector<1x16xf32> to vector<16xf32>
        %mul3A_566 = vector.broadcast %squeeze3A_513 : f32 to vector<16xf32>
        %mul3A_567 = arith.mulf %get3A_565, %mul3A_566 : vector<16xf32>
        %swap3A_568 = arith.index_cast %add3A_517 : i32 to index
        %swap3A_569 = arith.constant 64 : index
        %swap3A_570 = tpu.vector_load %arg8[%swap3A_568, %swap3A_569] {strides = array<i32>} : memref<64x128xf32, #tpu.memory_space<vmem>>, vector<1x16xf32>,
        %swap3A_571 = vector.shape_cast %swap3A_570 : vector<1x16xf32> to vector<16xf32>
        %swap3A_572 = vector.shape_cast %mul3A_567 : vector<16xf32> to vector<1x16xf32>
        tpu.vector_store %arg8[%swap3A_568, %swap3A_569], %swap3A_572 {strides = array<i32>} : memref<64x128xf32, #tpu.memory_space<vmem>>, vector<1x16xf32>,
        %get3A_573 = arith.index_cast %add3A_517 : i32 to index
        %get3A_574 = arith.constant 80 : index
        %get3A_575 = tpu.vector_load %arg8[%get3A_573, %get3A_574] {strides = array<i32>} : memref<64x128xf32, #tpu.memory_space<vmem>>, vector<1x16xf32>,
        %get3A_576 = vector.shape_cast %get3A_575 : vector<1x16xf32> to vector<16xf32>
        %mul3A_577 = vector.broadcast %squeeze3A_513 : f32 to vector<16xf32>
        %mul3A_578 = arith.mulf %get3A_576, %mul3A_577 : vector<16xf32>
        %swap3A_579 = arith.index_cast %add3A_517 : i32 to index
        %swap3A_580 = arith.constant 80 : index
        %swap3A_581 = tpu.vector_load %arg8[%swap3A_579, %swap3A_580] {strides = array<i32>} : memref<64x128xf32, #tpu.memory_space<vmem>>, vector<1x16xf32>,
        %swap3A_582 = vector.shape_cast %swap3A_581 : vector<1x16xf32> to vector<16xf32>
        %swap3A_583 = vector.shape_cast %mul3A_578 : vector<16xf32> to vector<1x16xf32>
        tpu.vector_store %arg8[%swap3A_579, %swap3A_580], %swap3A_583 {strides = array<i32>} : memref<64x128xf32, #tpu.memory_space<vmem>>, vector<1x16xf32>,
        %get3A_584 = arith.index_cast %add3A_517 : i32 to index
        %get3A_585 = arith.constant 96 : index
        %get3A_586 = tpu.vector_load %arg8[%get3A_584, %get3A_585] {strides = array<i32>} : memref<64x128xf32, #tpu.memory_space<vmem>>, vector<1x16xf32>,
        %get3A_587 = vector.shape_cast %get3A_586 : vector<1x16xf32> to vector<16xf32>
        %mul3A_588 = vector.broadcast %squeeze3A_513 : f32 to vector<16xf32>
        %mul3A_589 = arith.mulf %get3A_587, %mul3A_588 : vector<16xf32>
        %swap3A_590 = arith.index_cast %add3A_517 : i32 to index
        %swap3A_591 = arith.constant 96 : index
        %swap3A_592 = tpu.vector_load %arg8[%swap3A_590, %swap3A_591] {strides = array<i32>} : memref<64x128xf32, #tpu.memory_space<vmem>>, vector<1x16xf32>,
        %swap3A_593 = vector.shape_cast %swap3A_592 : vector<1x16xf32> to vector<16xf32>
        %swap3A_594 = vector.shape_cast %mul3A_589 : vector<16xf32> to vector<1x16xf32>
        tpu.vector_store %arg8[%swap3A_590, %swap3A_591], %swap3A_594 {strides = array<i32>} : memref<64x128xf32, #tpu.memory_space<vmem>>, vector<1x16xf32>,
        %get3A_595 = arith.index_cast %add3A_517 : i32 to index
        %get3A_596 = arith.constant 112 : index
        %get3A_597 = tpu.vector_load %arg8[%get3A_595, %get3A_596] {strides = array<i32>} : memref<64x128xf32, #tpu.memory_space<vmem>>, vector<1x16xf32>,
        %get3A_598 = vector.shape_cast %get3A_597 : vector<1x16xf32> to vector<16xf32>
        %mul3A_599 = vector.broadcast %squeeze3A_513 : f32 to vector<16xf32>
        %mul3A_600 = arith.mulf %get3A_598, %mul3A_599 : vector<16xf32>
        %swap3A_601 = arith.index_cast %add3A_517 : i32 to index
        %swap3A_602 = arith.constant 112 : index
        %swap3A_603 = tpu.vector_load %arg8[%swap3A_601, %swap3A_602] {strides = array<i32>} : memref<64x128xf32, #tpu.memory_space<vmem>>, vector<1x16xf32>,
        %swap3A_604 = vector.shape_cast %swap3A_603 : vector<1x16xf32> to vector<16xf32>
        %swap3A_605 = vector.shape_cast %mul3A_600 : vector<16xf32> to vector<1x16xf32>
        tpu.vector_store %arg8[%swap3A_601, %swap3A_602], %swap3A_605 {strides = array<i32>} : memref<64x128xf32, #tpu.memory_space<vmem>>, vector<1x16xf32>,
        %slice3A_606 = vector.extract_strided_slice %get3A_138 {offsets = [5], sizes = [1], strides = [1]} : vector<16xf32> to vector<1xf32>
        %squeeze3A_607 = vector.extract %slice3A_606[0] : f32 from vector<1xf32>
        %mul3A_608 = arith.constant 16 : i32
        %mul3A_609 = arith.muli %add3A_134, %mul3A_608 : i32
        %add3A_610 = arith.constant 5 : i32
        %add3A_611 = arith.addi %mul3A_609, %add3A_610 : i32
        %get3A_612 = arith.index_cast %add3A_611 : i32 to index
        %get3A_613 = arith.constant 0 : index
        %get3A_614 = tpu.vector_load %arg8[%get3A_612, %get3A_613] {strides = array<i32>} : memref<64x128xf32, #tpu.memory_space<vmem>>, vector<1x16xf32>,
        %get3A_615 = vector.shape_cast %get3A_614 : vector<1x16xf32> to vector<16xf32>
        %mul3A_616 = vector.broadcast %squeeze3A_607 : f32 to vector<16xf32>
        %mul3A_617 = arith.mulf %get3A_615, %mul3A_616 : vector<16xf32>
        %swap3A_618 = arith.index_cast %add3A_611 : i32 to index
        %swap3A_619 = arith.constant 0 : index
        %swap3A_620 = tpu.vector_load %arg8[%swap3A_618, %swap3A_619] {strides = array<i32>} : memref<64x128xf32, #tpu.memory_space<vmem>>, vector<1x16xf32>,
        %swap3A_621 = vector.shape_cast %swap3A_620 : vector<1x16xf32> to vector<16xf32>
        %swap3A_622 = vector.shape_cast %mul3A_617 : vector<16xf32> to vector<1x16xf32>
        tpu.vector_store %arg8[%swap3A_618, %swap3A_619], %swap3A_622 {strides = array<i32>} : memref<64x128xf32, #tpu.memory_space<vmem>>, vector<1x16xf32>,
        %get3A_623 = arith.index_cast %add3A_611 : i32 to index
        %get3A_624 = arith.constant 16 : index
        %get3A_625 = tpu.vector_load %arg8[%get3A_623, %get3A_624] {strides = array<i32>} : memref<64x128xf32, #tpu.memory_space<vmem>>, vector<1x16xf32>,
        %get3A_626 = vector.shape_cast %get3A_625 : vector<1x16xf32> to vector<16xf32>
        %mul3A_627 = vector.broadcast %squeeze3A_607 : f32 to vector<16xf32>
        %mul3A_628 = arith.mulf %get3A_626, %mul3A_627 : vector<16xf32>
        %swap3A_629 = arith.index_cast %add3A_611 : i32 to index
        %swap3A_630 = arith.constant 16 : index
        %swap3A_631 = tpu.vector_load %arg8[%swap3A_629, %swap3A_630] {strides = array<i32>} : memref<64x128xf32, #tpu.memory_space<vmem>>, vector<1x16xf32>,
        %swap3A_632 = vector.shape_cast %swap3A_631 : vector<1x16xf32> to vector<16xf32>
        %swap3A_633 = vector.shape_cast %mul3A_628 : vector<16xf32> to vector<1x16xf32>
        tpu.vector_store %arg8[%swap3A_629, %swap3A_630], %swap3A_633 {strides = array<i32>} : memref<64x128xf32, #tpu.memory_space<vmem>>, vector<1x16xf32>,
        %get3A_634 = arith.index_cast %add3A_611 : i32 to index
        %get3A_635 = arith.constant 32 : index
        %get3A_636 = tpu.vector_load %arg8[%get3A_634, %get3A_635] {strides = array<i32>} : memref<64x128xf32, #tpu.memory_space<vmem>>, vector<1x16xf32>,
        %get3A_637 = vector.shape_cast %get3A_636 : vector<1x16xf32> to vector<16xf32>
        %mul3A_638 = vector.broadcast %squeeze3A_607 : f32 to vector<16xf32>
        %mul3A_639 = arith.mulf %get3A_637, %mul3A_638 : vector<16xf32>
        %swap3A_640 = arith.index_cast %add3A_611 : i32 to index
        %swap3A_641 = arith.constant 32 : index
        %swap3A_642 = tpu.vector_load %arg8[%swap3A_640, %swap3A_641] {strides = array<i32>} : memref<64x128xf32, #tpu.memory_space<vmem>>, vector<1x16xf32>,
        %swap3A_643 = vector.shape_cast %swap3A_642 : vector<1x16xf32> to vector<16xf32>
        %swap3A_644 = vector.shape_cast %mul3A_639 : vector<16xf32> to vector<1x16xf32>
        tpu.vector_store %arg8[%swap3A_640, %swap3A_641], %swap3A_644 {strides = array<i32>} : memref<64x128xf32, #tpu.memory_space<vmem>>, vector<1x16xf32>,
        %get3A_645 = arith.index_cast %add3A_611 : i32 to index
        %get3A_646 = arith.constant 48 : index
        %get3A_647 = tpu.vector_load %arg8[%get3A_645, %get3A_646] {strides = array<i32>} : memref<64x128xf32, #tpu.memory_space<vmem>>, vector<1x16xf32>,
        %get3A_648 = vector.shape_cast %get3A_647 : vector<1x16xf32> to vector<16xf32>
        %mul3A_649 = vector.broadcast %squeeze3A_607 : f32 to vector<16xf32>
        %mul3A_650 = arith.mulf %get3A_648, %mul3A_649 : vector<16xf32>
        %swap3A_651 = arith.index_cast %add3A_611 : i32 to index
        %swap3A_652 = arith.constant 48 : index
        %swap3A_653 = tpu.vector_load %arg8[%swap3A_651, %swap3A_652] {strides = array<i32>} : memref<64x128xf32, #tpu.memory_space<vmem>>, vector<1x16xf32>,
        %swap3A_654 = vector.shape_cast %swap3A_653 : vector<1x16xf32> to vector<16xf32>
        %swap3A_655 = vector.shape_cast %mul3A_650 : vector<16xf32> to vector<1x16xf32>
        tpu.vector_store %arg8[%swap3A_651, %swap3A_652], %swap3A_655 {strides = array<i32>} : memref<64x128xf32, #tpu.memory_space<vmem>>, vector<1x16xf32>,
        %get3A_656 = arith.index_cast %add3A_611 : i32 to index
        %get3A_657 = arith.constant 64 : index
        %get3A_658 = tpu.vector_load %arg8[%get3A_656, %get3A_657] {strides = array<i32>} : memref<64x128xf32, #tpu.memory_space<vmem>>, vector<1x16xf32>,
        %get3A_659 = vector.shape_cast %get3A_658 : vector<1x16xf32> to vector<16xf32>
        %mul3A_660 = vector.broadcast %squeeze3A_607 : f32 to vector<16xf32>
        %mul3A_661 = arith.mulf %get3A_659, %mul3A_660 : vector<16xf32>
        %swap3A_662 = arith.index_cast %add3A_611 : i32 to index
        %swap3A_663 = arith.constant 64 : index
        %swap3A_664 = tpu.vector_load %arg8[%swap3A_662, %swap3A_663] {strides = array<i32>} : memref<64x128xf32, #tpu.memory_space<vmem>>, vector<1x16xf32>,
        %swap3A_665 = vector.shape_cast %swap3A_664 : vector<1x16xf32> to vector<16xf32>
        %swap3A_666 = vector.shape_cast %mul3A_661 : vector<16xf32> to vector<1x16xf32>
        tpu.vector_store %arg8[%swap3A_662, %swap3A_663], %swap3A_666 {strides = array<i32>} : memref<64x128xf32, #tpu.memory_space<vmem>>, vector<1x16xf32>,
        %get3A_667 = arith.index_cast %add3A_611 : i32 to index
        %get3A_668 = arith.constant 80 : index
        %get3A_669 = tpu.vector_load %arg8[%get3A_667, %get3A_668] {strides = array<i32>} : memref<64x128xf32, #tpu.memory_space<vmem>>, vector<1x16xf32>,
        %get3A_670 = vector.shape_cast %get3A_669 : vector<1x16xf32> to vector<16xf32>
        %mul3A_671 = vector.broadcast %squeeze3A_607 : f32 to vector<16xf32>
        %mul3A_672 = arith.mulf %get3A_670, %mul3A_671 : vector<16xf32>
        %swap3A_673 = arith.index_cast %add3A_611 : i32 to index
        %swap3A_674 = arith.constant 80 : index
        %swap3A_675 = tpu.vector_load %arg8[%swap3A_673, %swap3A_674] {strides = array<i32>} : memref<64x128xf32, #tpu.memory_space<vmem>>, vector<1x16xf32>,
        %swap3A_676 = vector.shape_cast %swap3A_675 : vector<1x16xf32> to vector<16xf32>
        %swap3A_677 = vector.shape_cast %mul3A_672 : vector<16xf32> to vector<1x16xf32>
        tpu.vector_store %arg8[%swap3A_673, %swap3A_674], %swap3A_677 {strides = array<i32>} : memref<64x128xf32, #tpu.memory_space<vmem>>, vector<1x16xf32>,
        %get3A_678 = arith.index_cast %add3A_611 : i32 to index
        %get3A_679 = arith.constant 96 : index
        %get3A_680 = tpu.vector_load %arg8[%get3A_678, %get3A_679] {strides = array<i32>} : memref<64x128xf32, #tpu.memory_space<vmem>>, vector<1x16xf32>,
        %get3A_681 = vector.shape_cast %get3A_680 : vector<1x16xf32> to vector<16xf32>
        %mul3A_682 = vector.broadcast %squeeze3A_607 : f32 to vector<16xf32>
        %mul3A_683 = arith.mulf %get3A_681, %mul3A_682 : vector<16xf32>
        %swap3A_684 = arith.index_cast %add3A_611 : i32 to index
        %swap3A_685 = arith.constant 96 : index
        %swap3A_686 = tpu.vector_load %arg8[%swap3A_684, %swap3A_685] {strides = array<i32>} : memref<64x128xf32, #tpu.memory_space<vmem>>, vector<1x16xf32>,
        %swap3A_687 = vector.shape_cast %swap3A_686 : vector<1x16xf32> to vector<16xf32>
        %swap3A_688 = vector.shape_cast %mul3A_683 : vector<16xf32> to vector<1x16xf32>
        tpu.vector_store %arg8[%swap3A_684, %swap3A_685], %swap3A_688 {strides = array<i32>} : memref<64x128xf32, #tpu.memory_space<vmem>>, vector<1x16xf32>,
        %get3A_689 = arith.index_cast %add3A_611 : i32 to index
        %get3A_690 = arith.constant 112 : index
        %get3A_691 = tpu.vector_load %arg8[%get3A_689, %get3A_690] {strides = array<i32>} : memref<64x128xf32, #tpu.memory_space<vmem>>, vector<1x16xf32>,
        %get3A_692 = vector.shape_cast %get3A_691 : vector<1x16xf32> to vector<16xf32>
        %mul3A_693 = vector.broadcast %squeeze3A_607 : f32 to vector<16xf32>
        %mul3A_694 = arith.mulf %get3A_692, %mul3A_693 : vector<16xf32>
        %swap3A_695 = arith.index_cast %add3A_611 : i32 to index
        %swap3A_696 = arith.constant 112 : index
        %swap3A_697 = tpu.vector_load %arg8[%swap3A_695, %swap3A_696] {strides = array<i32>} : memref<64x128xf32, #tpu.memory_space<vmem>>, vector<1x16xf32>,
        %swap3A_698 = vector.shape_cast %swap3A_697 : vector<1x16xf32> to vector<16xf32>
        %swap3A_699 = vector.shape_cast %mul3A_694 : vector<16xf32> to vector<1x16xf32>
        tpu.vector_store %arg8[%swap3A_695, %swap3A_696], %swap3A_699 {strides = array<i32>} : memref<64x128xf32, #tpu.memory_space<vmem>>, vector<1x16xf32>,
        %slice3A_700 = vector.extract_strided_slice %get3A_138 {offsets = [6], sizes = [1], strides = [1]} : vector<16xf32> to vector<1xf32>
        %squeeze3A_701 = vector.extract %slice3A_700[0] : f32 from vector<1xf32>
        %mul3A_702 = arith.constant 16 : i32
        %mul3A_703 = arith.muli %add3A_134, %mul3A_702 : i32
        %add3A_704 = arith.constant 6 : i32
        %add3A_705 = arith.addi %mul3A_703, %add3A_704 : i32
        %get3A_706 = arith.index_cast %add3A_705 : i32 to index
        %get3A_707 = arith.constant 0 : index
        %get3A_708 = tpu.vector_load %arg8[%get3A_706, %get3A_707] {strides = array<i32>} : memref<64x128xf32, #tpu.memory_space<vmem>>, vector<1x16xf32>,
        %get3A_709 = vector.shape_cast %get3A_708 : vector<1x16xf32> to vector<16xf32>
        %mul3A_710 = vector.broadcast %squeeze3A_701 : f32 to vector<16xf32>
        %mul3A_711 = arith.mulf %get3A_709, %mul3A_710 : vector<16xf32>
        %swap3A_712 = arith.index_cast %add3A_705 : i32 to index
        %swap3A_713 = arith.constant 0 : index
        %swap3A_714 = tpu.vector_load %arg8[%swap3A_712, %swap3A_713] {strides = array<i32>} : memref<64x128xf32, #tpu.memory_space<vmem>>, vector<1x16xf32>,
        %swap3A_715 = vector.shape_cast %swap3A_714 : vector<1x16xf32> to vector<16xf32>
        %swap3A_716 = vector.shape_cast %mul3A_711 : vector<16xf32> to vector<1x16xf32>
        tpu.vector_store %arg8[%swap3A_712, %swap3A_713], %swap3A_716 {strides = array<i32>} : memref<64x128xf32, #tpu.memory_space<vmem>>, vector<1x16xf32>,
        %get3A_717 = arith.index_cast %add3A_705 : i32 to index
        %get3A_718 = arith.constant 16 : index
        %get3A_719 = tpu.vector_load %arg8[%get3A_717, %get3A_718] {strides = array<i32>} : memref<64x128xf32, #tpu.memory_space<vmem>>, vector<1x16xf32>,
        %get3A_720 = vector.shape_cast %get3A_719 : vector<1x16xf32> to vector<16xf32>
        %mul3A_721 = vector.broadcast %squeeze3A_701 : f32 to vector<16xf32>
        %mul3A_722 = arith.mulf %get3A_720, %mul3A_721 : vector<16xf32>
        %swap3A_723 = arith.index_cast %add3A_705 : i32 to index
        %swap3A_724 = arith.constant 16 : index
        %swap3A_725 = tpu.vector_load %arg8[%swap3A_723, %swap3A_724] {strides = array<i32>} : memref<64x128xf32, #tpu.memory_space<vmem>>, vector<1x16xf32>,
        %swap3A_726 = vector.shape_cast %swap3A_725 : vector<1x16xf32> to vector<16xf32>
        %swap3A_727 = vector.shape_cast %mul3A_722 : vector<16xf32> to vector<1x16xf32>
        tpu.vector_store %arg8[%swap3A_723, %swap3A_724], %swap3A_727 {strides = array<i32>} : memref<64x128xf32, #tpu.memory_space<vmem>>, vector<1x16xf32>,
        %get3A_728 = arith.index_cast %add3A_705 : i32 to index
        %get3A_729 = arith.constant 32 : index
        %get3A_730 = tpu.vector_load %arg8[%get3A_728, %get3A_729] {strides = array<i32>} : memref<64x128xf32, #tpu.memory_space<vmem>>, vector<1x16xf32>,
        %get3A_731 = vector.shape_cast %get3A_730 : vector<1x16xf32> to vector<16xf32>
        %mul3A_732 = vector.broadcast %squeeze3A_701 : f32 to vector<16xf32>
        %mul3A_733 = arith.mulf %get3A_731, %mul3A_732 : vector<16xf32>
        %swap3A_734 = arith.index_cast %add3A_705 : i32 to index
        %swap3A_735 = arith.constant 32 : index
        %swap3A_736 = tpu.vector_load %arg8[%swap3A_734, %swap3A_735] {strides = array<i32>} : memref<64x128xf32, #tpu.memory_space<vmem>>, vector<1x16xf32>,
        %swap3A_737 = vector.shape_cast %swap3A_736 : vector<1x16xf32> to vector<16xf32>
        %swap3A_738 = vector.shape_cast %mul3A_733 : vector<16xf32> to vector<1x16xf32>
        tpu.vector_store %arg8[%swap3A_734, %swap3A_735], %swap3A_738 {strides = array<i32>} : memref<64x128xf32, #tpu.memory_space<vmem>>, vector<1x16xf32>,
        %get3A_739 = arith.index_cast %add3A_705 : i32 to index
        %get3A_740 = arith.constant 48 : index
        %get3A_741 = tpu.vector_load %arg8[%get3A_739, %get3A_740] {strides = array<i32>} : memref<64x128xf32, #tpu.memory_space<vmem>>, vector<1x16xf32>,
        %get3A_742 = vector.shape_cast %get3A_741 : vector<1x16xf32> to vector<16xf32>
        %mul3A_743 = vector.broadcast %squeeze3A_701 : f32 to vector<16xf32>
        %mul3A_744 = arith.mulf %get3A_742, %mul3A_743 : vector<16xf32>
        %swap3A_745 = arith.index_cast %add3A_705 : i32 to index
        %swap3A_746 = arith.constant 48 : index
        %swap3A_747 = tpu.vector_load %arg8[%swap3A_745, %swap3A_746] {strides = array<i32>} : memref<64x128xf32, #tpu.memory_space<vmem>>, vector<1x16xf32>,
        %swap3A_748 = vector.shape_cast %swap3A_747 : vector<1x16xf32> to vector<16xf32>
        %swap3A_749 = vector.shape_cast %mul3A_744 : vector<16xf32> to vector<1x16xf32>
        tpu.vector_store %arg8[%swap3A_745, %swap3A_746], %swap3A_749 {strides = array<i32>} : memref<64x128xf32, #tpu.memory_space<vmem>>, vector<1x16xf32>,
        %get3A_750 = arith.index_cast %add3A_705 : i32 to index
        %get3A_751 = arith.constant 64 : index
        %get3A_752 = tpu.vector_load %arg8[%get3A_750, %get3A_751] {strides = array<i32>} : memref<64x128xf32, #tpu.memory_space<vmem>>, vector<1x16xf32>,
        %get3A_753 = vector.shape_cast %get3A_752 : vector<1x16xf32> to vector<16xf32>
        %mul3A_754 = vector.broadcast %squeeze3A_701 : f32 to vector<16xf32>
        %mul3A_755 = arith.mulf %get3A_753, %mul3A_754 : vector<16xf32>
        %swap3A_756 = arith.index_cast %add3A_705 : i32 to index
        %swap3A_757 = arith.constant 64 : index
        %swap3A_758 = tpu.vector_load %arg8[%swap3A_756, %swap3A_757] {strides = array<i32>} : memref<64x128xf32, #tpu.memory_space<vmem>>, vector<1x16xf32>,
        %swap3A_759 = vector.shape_cast %swap3A_758 : vector<1x16xf32> to vector<16xf32>
        %swap3A_760 = vector.shape_cast %mul3A_755 : vector<16xf32> to vector<1x16xf32>
        tpu.vector_store %arg8[%swap3A_756, %swap3A_757], %swap3A_760 {strides = array<i32>} : memref<64x128xf32, #tpu.memory_space<vmem>>, vector<1x16xf32>,
        %get3A_761 = arith.index_cast %add3A_705 : i32 to index
        %get3A_762 = arith.constant 80 : index
        %get3A_763 = tpu.vector_load %arg8[%get3A_761, %get3A_762] {strides = array<i32>} : memref<64x128xf32, #tpu.memory_space<vmem>>, vector<1x16xf32>,
        %get3A_764 = vector.shape_cast %get3A_763 : vector<1x16xf32> to vector<16xf32>
        %mul3A_765 = vector.broadcast %squeeze3A_701 : f32 to vector<16xf32>
        %mul3A_766 = arith.mulf %get3A_764, %mul3A_765 : vector<16xf32>
        %swap3A_767 = arith.index_cast %add3A_705 : i32 to index
        %swap3A_768 = arith.constant 80 : index
        %swap3A_769 = tpu.vector_load %arg8[%swap3A_767, %swap3A_768] {strides = array<i32>} : memref<64x128xf32, #tpu.memory_space<vmem>>, vector<1x16xf32>,
        %swap3A_770 = vector.shape_cast %swap3A_769 : vector<1x16xf32> to vector<16xf32>
        %swap3A_771 = vector.shape_cast %mul3A_766 : vector<16xf32> to vector<1x16xf32>
        tpu.vector_store %arg8[%swap3A_767, %swap3A_768], %swap3A_771 {strides = array<i32>} : memref<64x128xf32, #tpu.memory_space<vmem>>, vector<1x16xf32>,
        %get3A_772 = arith.index_cast %add3A_705 : i32 to index
        %get3A_773 = arith.constant 96 : index
        %get3A_774 = tpu.vector_load %arg8[%get3A_772, %get3A_773] {strides = array<i32>} : memref<64x128xf32, #tpu.memory_space<vmem>>, vector<1x16xf32>,
        %get3A_775 = vector.shape_cast %get3A_774 : vector<1x16xf32> to vector<16xf32>
        %mul3A_776 = vector.broadcast %squeeze3A_701 : f32 to vector<16xf32>
        %mul3A_777 = arith.mulf %get3A_775, %mul3A_776 : vector<16xf32>
        %swap3A_778 = arith.index_cast %add3A_705 : i32 to index
        %swap3A_779 = arith.constant 96 : index
        %swap3A_780 = tpu.vector_load %arg8[%swap3A_778, %swap3A_779] {strides = array<i32>} : memref<64x128xf32, #tpu.memory_space<vmem>>, vector<1x16xf32>,
        %swap3A_781 = vector.shape_cast %swap3A_780 : vector<1x16xf32> to vector<16xf32>
        %swap3A_782 = vector.shape_cast %mul3A_777 : vector<16xf32> to vector<1x16xf32>
        tpu.vector_store %arg8[%swap3A_778, %swap3A_779], %swap3A_782 {strides = array<i32>} : memref<64x128xf32, #tpu.memory_space<vmem>>, vector<1x16xf32>,
        %get3A_783 = arith.index_cast %add3A_705 : i32 to index
        %get3A_784 = arith.constant 112 : index
        %get3A_785 = tpu.vector_load %arg8[%get3A_783, %get3A_784] {strides = array<i32>} : memref<64x128xf32, #tpu.memory_space<vmem>>, vector<1x16xf32>,
        %get3A_786 = vector.shape_cast %get3A_785 : vector<1x16xf32> to vector<16xf32>
        %mul3A_787 = vector.broadcast %squeeze3A_701 : f32 to vector<16xf32>
        %mul3A_788 = arith.mulf %get3A_786, %mul3A_787 : vector<16xf32>
        %swap3A_789 = arith.index_cast %add3A_705 : i32 to index
        %swap3A_790 = arith.constant 112 : index
        %swap3A_791 = tpu.vector_load %arg8[%swap3A_789, %swap3A_790] {strides = array<i32>} : memref<64x128xf32, #tpu.memory_space<vmem>>, vector<1x16xf32>,
        %swap3A_792 = vector.shape_cast %swap3A_791 : vector<1x16xf32> to vector<16xf32>
        %swap3A_793 = vector.shape_cast %mul3A_788 : vector<16xf32> to vector<1x16xf32>
        tpu.vector_store %arg8[%swap3A_789, %swap3A_790], %swap3A_793 {strides = array<i32>} : memref<64x128xf32, #tpu.memory_space<vmem>>, vector<1x16xf32>,
        %slice3A_794 = vector.extract_strided_slice %get3A_138 {offsets = [7], sizes = [1], strides = [1]} : vector<16xf32> to vector<1xf32>
        %squeeze3A_795 = vector.extract %slice3A_794[0] : f32 from vector<1xf32>
        %mul3A_796 = arith.constant 16 : i32
        %mul3A_797 = arith.muli %add3A_134, %mul3A_796 : i32
        %add3A_798 = arith.constant 7 : i32
        %add3A_799 = arith.addi %mul3A_797, %add3A_798 : i32
        %get3A_800 = arith.index_cast %add3A_799 : i32 to index
        %get3A_801 = arith.constant 0 : index
        %get3A_802 = tpu.vector_load %arg8[%get3A_800, %get3A_801] {strides = array<i32>} : memref<64x128xf32, #tpu.memory_space<vmem>>, vector<1x16xf32>,
        %get3A_803 = vector.shape_cast %get3A_802 : vector<1x16xf32> to vector<16xf32>
        %mul3A_804 = vector.broadcast %squeeze3A_795 : f32 to vector<16xf32>
        %mul3A_805 = arith.mulf %get3A_803, %mul3A_804 : vector<16xf32>
        %swap3A_806 = arith.index_cast %add3A_799 : i32 to index
        %swap3A_807 = arith.constant 0 : index
        %swap3A_808 = tpu.vector_load %arg8[%swap3A_806, %swap3A_807] {strides = array<i32>} : memref<64x128xf32, #tpu.memory_space<vmem>>, vector<1x16xf32>,
        %swap3A_809 = vector.shape_cast %swap3A_808 : vector<1x16xf32> to vector<16xf32>
        %swap3A_810 = vector.shape_cast %mul3A_805 : vector<16xf32> to vector<1x16xf32>
        tpu.vector_store %arg8[%swap3A_806, %swap3A_807], %swap3A_810 {strides = array<i32>} : memref<64x128xf32, #tpu.memory_space<vmem>>, vector<1x16xf32>,
        %get3A_811 = arith.index_cast %add3A_799 : i32 to index
        %get3A_812 = arith.constant 16 : index
        %get3A_813 = tpu.vector_load %arg8[%get3A_811, %get3A_812] {strides = array<i32>} : memref<64x128xf32, #tpu.memory_space<vmem>>, vector<1x16xf32>,
        %get3A_814 = vector.shape_cast %get3A_813 : vector<1x16xf32> to vector<16xf32>
        %mul3A_815 = vector.broadcast %squeeze3A_795 : f32 to vector<16xf32>
        %mul3A_816 = arith.mulf %get3A_814, %mul3A_815 : vector<16xf32>
        %swap3A_817 = arith.index_cast %add3A_799 : i32 to index
        %swap3A_818 = arith.constant 16 : index
        %swap3A_819 = tpu.vector_load %arg8[%swap3A_817, %swap3A_818] {strides = array<i32>} : memref<64x128xf32, #tpu.memory_space<vmem>>, vector<1x16xf32>,
        %swap3A_820 = vector.shape_cast %swap3A_819 : vector<1x16xf32> to vector<16xf32>
        %swap3A_821 = vector.shape_cast %mul3A_816 : vector<16xf32> to vector<1x16xf32>
        tpu.vector_store %arg8[%swap3A_817, %swap3A_818], %swap3A_821 {strides = array<i32>} : memref<64x128xf32, #tpu.memory_space<vmem>>, vector<1x16xf32>,
        %get3A_822 = arith.index_cast %add3A_799 : i32 to index
        %get3A_823 = arith.constant 32 : index
        %get3A_824 = tpu.vector_load %arg8[%get3A_822, %get3A_823] {strides = array<i32>} : memref<64x128xf32, #tpu.memory_space<vmem>>, vector<1x16xf32>,
        %get3A_825 = vector.shape_cast %get3A_824 : vector<1x16xf32> to vector<16xf32>
        %mul3A_826 = vector.broadcast %squeeze3A_795 : f32 to vector<16xf32>
        %mul3A_827 = arith.mulf %get3A_825, %mul3A_826 : vector<16xf32>
        %swap3A_828 = arith.index_cast %add3A_799 : i32 to index
        %swap3A_829 = arith.constant 32 : index
        %swap3A_830 = tpu.vector_load %arg8[%swap3A_828, %swap3A_829] {strides = array<i32>} : memref<64x128xf32, #tpu.memory_space<vmem>>, vector<1x16xf32>,
        %swap3A_831 = vector.shape_cast %swap3A_830 : vector<1x16xf32> to vector<16xf32>
        %swap3A_832 = vector.shape_cast %mul3A_827 : vector<16xf32> to vector<1x16xf32>
        tpu.vector_store %arg8[%swap3A_828, %swap3A_829], %swap3A_832 {strides = array<i32>} : memref<64x128xf32, #tpu.memory_space<vmem>>, vector<1x16xf32>,
        %get3A_833 = arith.index_cast %add3A_799 : i32 to index
        %get3A_834 = arith.constant 48 : index
        %get3A_835 = tpu.vector_load %arg8[%get3A_833, %get3A_834] {strides = array<i32>} : memref<64x128xf32, #tpu.memory_space<vmem>>, vector<1x16xf32>,
        %get3A_836 = vector.shape_cast %get3A_835 : vector<1x16xf32> to vector<16xf32>
        %mul3A_837 = vector.broadcast %squeeze3A_795 : f32 to vector<16xf32>
        %mul3A_838 = arith.mulf %get3A_836, %mul3A_837 : vector<16xf32>
        %swap3A_839 = arith.index_cast %add3A_799 : i32 to index
        %swap3A_840 = arith.constant 48 : index
        %swap3A_841 = tpu.vector_load %arg8[%swap3A_839, %swap3A_840] {strides = array<i32>} : memref<64x128xf32, #tpu.memory_space<vmem>>, vector<1x16xf32>,
        %swap3A_842 = vector.shape_cast %swap3A_841 : vector<1x16xf32> to vector<16xf32>
        %swap3A_843 = vector.shape_cast %mul3A_838 : vector<16xf32> to vector<1x16xf32>
        tpu.vector_store %arg8[%swap3A_839, %swap3A_840], %swap3A_843 {strides = array<i32>} : memref<64x128xf32, #tpu.memory_space<vmem>>, vector<1x16xf32>,
        %get3A_844 = arith.index_cast %add3A_799 : i32 to index
        %get3A_845 = arith.constant 64 : index
        %get3A_846 = tpu.vector_load %arg8[%get3A_844, %get3A_845] {strides = array<i32>} : memref<64x128xf32, #tpu.memory_space<vmem>>, vector<1x16xf32>,
        %get3A_847 = vector.shape_cast %get3A_846 : vector<1x16xf32> to vector<16xf32>
        %mul3A_848 = vector.broadcast %squeeze3A_795 : f32 to vector<16xf32>
        %mul3A_849 = arith.mulf %get3A_847, %mul3A_848 : vector<16xf32>
        %swap3A_850 = arith.index_cast %add3A_799 : i32 to index
        %swap3A_851 = arith.constant 64 : index
        %swap3A_852 = tpu.vector_load %arg8[%swap3A_850, %swap3A_851] {strides = array<i32>} : memref<64x128xf32, #tpu.memory_space<vmem>>, vector<1x16xf32>,
        %swap3A_853 = vector.shape_cast %swap3A_852 : vector<1x16xf32> to vector<16xf32>
        %swap3A_854 = vector.shape_cast %mul3A_849 : vector<16xf32> to vector<1x16xf32>
        tpu.vector_store %arg8[%swap3A_850, %swap3A_851], %swap3A_854 {strides = array<i32>} : memref<64x128xf32, #tpu.memory_space<vmem>>, vector<1x16xf32>,
        %get3A_855 = arith.index_cast %add3A_799 : i32 to index
        %get3A_856 = arith.constant 80 : index
        %get3A_857 = tpu.vector_load %arg8[%get3A_855, %get3A_856] {strides = array<i32>} : memref<64x128xf32, #tpu.memory_space<vmem>>, vector<1x16xf32>,
        %get3A_858 = vector.shape_cast %get3A_857 : vector<1x16xf32> to vector<16xf32>
        %mul3A_859 = vector.broadcast %squeeze3A_795 : f32 to vector<16xf32>
        %mul3A_860 = arith.mulf %get3A_858, %mul3A_859 : vector<16xf32>
        %swap3A_861 = arith.index_cast %add3A_799 : i32 to index
        %swap3A_862 = arith.constant 80 : index
        %swap3A_863 = tpu.vector_load %arg8[%swap3A_861, %swap3A_862] {strides = array<i32>} : memref<64x128xf32, #tpu.memory_space<vmem>>, vector<1x16xf32>,
        %swap3A_864 = vector.shape_cast %swap3A_863 : vector<1x16xf32> to vector<16xf32>
        %swap3A_865 = vector.shape_cast %mul3A_860 : vector<16xf32> to vector<1x16xf32>
        tpu.vector_store %arg8[%swap3A_861, %swap3A_862], %swap3A_865 {strides = array<i32>} : memref<64x128xf32, #tpu.memory_space<vmem>>, vector<1x16xf32>,
        %get3A_866 = arith.index_cast %add3A_799 : i32 to index
        %get3A_867 = arith.constant 96 : index
        %get3A_868 = tpu.vector_load %arg8[%get3A_866, %get3A_867] {strides = array<i32>} : memref<64x128xf32, #tpu.memory_space<vmem>>, vector<1x16xf32>,
        %get3A_869 = vector.shape_cast %get3A_868 : vector<1x16xf32> to vector<16xf32>
        %mul3A_870 = vector.broadcast %squeeze3A_795 : f32 to vector<16xf32>
        %mul3A_871 = arith.mulf %get3A_869, %mul3A_870 : vector<16xf32>
        %swap3A_872 = arith.index_cast %add3A_799 : i32 to index
        %swap3A_873 = arith.constant 96 : index
        %swap3A_874 = tpu.vector_load %arg8[%swap3A_872, %swap3A_873] {strides = array<i32>} : memref<64x128xf32, #tpu.memory_space<vmem>>, vector<1x16xf32>,
        %swap3A_875 = vector.shape_cast %swap3A_874 : vector<1x16xf32> to vector<16xf32>
        %swap3A_876 = vector.shape_cast %mul3A_871 : vector<16xf32> to vector<1x16xf32>
        tpu.vector_store %arg8[%swap3A_872, %swap3A_873], %swap3A_876 {strides = array<i32>} : memref<64x128xf32, #tpu.memory_space<vmem>>, vector<1x16xf32>,
        %get3A_877 = arith.index_cast %add3A_799 : i32 to index
        %get3A_878 = arith.constant 112 : index
        %get3A_879 = tpu.vector_load %arg8[%get3A_877, %get3A_878] {strides = array<i32>} : memref<64x128xf32, #tpu.memory_space<vmem>>, vector<1x16xf32>,
        %get3A_880 = vector.shape_cast %get3A_879 : vector<1x16xf32> to vector<16xf32>
        %mul3A_881 = vector.broadcast %squeeze3A_795 : f32 to vector<16xf32>
        %mul3A_882 = arith.mulf %get3A_880, %mul3A_881 : vector<16xf32>
        %swap3A_883 = arith.index_cast %add3A_799 : i32 to index
        %swap3A_884 = arith.constant 112 : index
        %swap3A_885 = tpu.vector_load %arg8[%swap3A_883, %swap3A_884] {strides = array<i32>} : memref<64x128xf32, #tpu.memory_space<vmem>>, vector<1x16xf32>,
        %swap3A_886 = vector.shape_cast %swap3A_885 : vector<1x16xf32> to vector<16xf32>
        %swap3A_887 = vector.shape_cast %mul3A_882 : vector<16xf32> to vector<1x16xf32>
        tpu.vector_store %arg8[%swap3A_883, %swap3A_884], %swap3A_887 {strides = array<i32>} : memref<64x128xf32, #tpu.memory_space<vmem>>, vector<1x16xf32>,
        %slice3A_888 = vector.extract_strided_slice %get3A_138 {offsets = [8], sizes = [1], strides = [1]} : vector<16xf32> to vector<1xf32>
        %squeeze3A_889 = vector.extract %slice3A_888[0] : f32 from vector<1xf32>
        %mul3A_890 = arith.constant 16 : i32
        %mul3A_891 = arith.muli %add3A_134, %mul3A_890 : i32
        %add3A_892 = arith.constant 8 : i32
        %add3A_893 = arith.addi %mul3A_891, %add3A_892 : i32
        %get3A_894 = arith.index_cast %add3A_893 : i32 to index
        %get3A_895 = arith.constant 0 : index
        %get3A_896 = tpu.vector_load %arg8[%get3A_894, %get3A_895] {strides = array<i32>} : memref<64x128xf32, #tpu.memory_space<vmem>>, vector<1x16xf32>,
        %get3A_897 = vector.shape_cast %get3A_896 : vector<1x16xf32> to vector<16xf32>
        %mul3A_898 = vector.broadcast %squeeze3A_889 : f32 to vector<16xf32>
        %mul3A_899 = arith.mulf %get3A_897, %mul3A_898 : vector<16xf32>
        %swap3A_900 = arith.index_cast %add3A_893 : i32 to index
        %swap3A_901 = arith.constant 0 : index
        %swap3A_902 = tpu.vector_load %arg8[%swap3A_900, %swap3A_901] {strides = array<i32>} : memref<64x128xf32, #tpu.memory_space<vmem>>, vector<1x16xf32>,
        %swap3A_903 = vector.shape_cast %swap3A_902 : vector<1x16xf32> to vector<16xf32>
        %swap3A_904 = vector.shape_cast %mul3A_899 : vector<16xf32> to vector<1x16xf32>
        tpu.vector_store %arg8[%swap3A_900, %swap3A_901], %swap3A_904 {strides = array<i32>} : memref<64x128xf32, #tpu.memory_space<vmem>>, vector<1x16xf32>,
        %get3A_905 = arith.index_cast %add3A_893 : i32 to index
        %get3A_906 = arith.constant 16 : index
        %get3A_907 = tpu.vector_load %arg8[%get3A_905, %get3A_906] {strides = array<i32>} : memref<64x128xf32, #tpu.memory_space<vmem>>, vector<1x16xf32>,
        %get3A_908 = vector.shape_cast %get3A_907 : vector<1x16xf32> to vector<16xf32>
        %mul3A_909 = vector.broadcast %squeeze3A_889 : f32 to vector<16xf32>
        %mul3A_910 = arith.mulf %get3A_908, %mul3A_909 : vector<16xf32>
        %swap3A_911 = arith.index_cast %add3A_893 : i32 to index
        %swap3A_912 = arith.constant 16 : index
        %swap3A_913 = tpu.vector_load %arg8[%swap3A_911, %swap3A_912] {strides = array<i32>} : memref<64x128xf32, #tpu.memory_space<vmem>>, vector<1x16xf32>,
        %swap3A_914 = vector.shape_cast %swap3A_913 : vector<1x16xf32> to vector<16xf32>
        %swap3A_915 = vector.shape_cast %mul3A_910 : vector<16xf32> to vector<1x16xf32>
        tpu.vector_store %arg8[%swap3A_911, %swap3A_912], %swap3A_915 {strides = array<i32>} : memref<64x128xf32, #tpu.memory_space<vmem>>, vector<1x16xf32>,
        %get3A_916 = arith.index_cast %add3A_893 : i32 to index
        %get3A_917 = arith.constant 32 : index
        %get3A_918 = tpu.vector_load %arg8[%get3A_916, %get3A_917] {strides = array<i32>} : memref<64x128xf32, #tpu.memory_space<vmem>>, vector<1x16xf32>,
        %get3A_919 = vector.shape_cast %get3A_918 : vector<1x16xf32> to vector<16xf32>
        %mul3A_920 = vector.broadcast %squeeze3A_889 : f32 to vector<16xf32>
        %mul3A_921 = arith.mulf %get3A_919, %mul3A_920 : vector<16xf32>
        %swap3A_922 = arith.index_cast %add3A_893 : i32 to index
        %swap3A_923 = arith.constant 32 : index
        %swap3A_924 = tpu.vector_load %arg8[%swap3A_922, %swap3A_923] {strides = array<i32>} : memref<64x128xf32, #tpu.memory_space<vmem>>, vector<1x16xf32>,
        %swap3A_925 = vector.shape_cast %swap3A_924 : vector<1x16xf32> to vector<16xf32>
        %swap3A_926 = vector.shape_cast %mul3A_921 : vector<16xf32> to vector<1x16xf32>
        tpu.vector_store %arg8[%swap3A_922, %swap3A_923], %swap3A_926 {strides = array<i32>} : memref<64x128xf32, #tpu.memory_space<vmem>>, vector<1x16xf32>,
        %get3A_927 = arith.index_cast %add3A_893 : i32 to index
        %get3A_928 = arith.constant 48 : index
        %get3A_929 = tpu.vector_load %arg8[%get3A_927, %get3A_928] {strides = array<i32>} : memref<64x128xf32, #tpu.memory_space<vmem>>, vector<1x16xf32>,
        %get3A_930 = vector.shape_cast %get3A_929 : vector<1x16xf32> to vector<16xf32>
        %mul3A_931 = vector.broadcast %squeeze3A_889 : f32 to vector<16xf32>
        %mul3A_932 = arith.mulf %get3A_930, %mul3A_931 : vector<16xf32>
        %swap3A_933 = arith.index_cast %add3A_893 : i32 to index
        %swap3A_934 = arith.constant 48 : index
        %swap3A_935 = tpu.vector_load %arg8[%swap3A_933, %swap3A_934] {strides = array<i32>} : memref<64x128xf32, #tpu.memory_space<vmem>>, vector<1x16xf32>,
        %swap3A_936 = vector.shape_cast %swap3A_935 : vector<1x16xf32> to vector<16xf32>
        %swap3A_937 = vector.shape_cast %mul3A_932 : vector<16xf32> to vector<1x16xf32>
        tpu.vector_store %arg8[%swap3A_933, %swap3A_934], %swap3A_937 {strides = array<i32>} : memref<64x128xf32, #tpu.memory_space<vmem>>, vector<1x16xf32>,
        %get3A_938 = arith.index_cast %add3A_893 : i32 to index
        %get3A_939 = arith.constant 64 : index
        %get3A_940 = tpu.vector_load %arg8[%get3A_938, %get3A_939] {strides = array<i32>} : memref<64x128xf32, #tpu.memory_space<vmem>>, vector<1x16xf32>,
        %get3A_941 = vector.shape_cast %get3A_940 : vector<1x16xf32> to vector<16xf32>
        %mul3A_942 = vector.broadcast %squeeze3A_889 : f32 to vector<16xf32>
        %mul3A_943 = arith.mulf %get3A_941, %mul3A_942 : vector<16xf32>
        %swap3A_944 = arith.index_cast %add3A_893 : i32 to index
        %swap3A_945 = arith.constant 64 : index
        %swap3A_946 = tpu.vector_load %arg8[%swap3A_944, %swap3A_945] {strides = array<i32>} : memref<64x128xf32, #tpu.memory_space<vmem>>, vector<1x16xf32>,
        %swap3A_947 = vector.shape_cast %swap3A_946 : vector<1x16xf32> to vector<16xf32>
        %swap3A_948 = vector.shape_cast %mul3A_943 : vector<16xf32> to vector<1x16xf32>
        tpu.vector_store %arg8[%swap3A_944, %swap3A_945], %swap3A_948 {strides = array<i32>} : memref<64x128xf32, #tpu.memory_space<vmem>>, vector<1x16xf32>,
        %get3A_949 = arith.index_cast %add3A_893 : i32 to index
        %get3A_950 = arith.constant 80 : index
        %get3A_951 = tpu.vector_load %arg8[%get3A_949, %get3A_950] {strides = array<i32>} : memref<64x128xf32, #tpu.memory_space<vmem>>, vector<1x16xf32>,
        %get3A_952 = vector.shape_cast %get3A_951 : vector<1x16xf32> to vector<16xf32>
        %mul3A_953 = vector.broadcast %squeeze3A_889 : f32 to vector<16xf32>
        %mul3A_954 = arith.mulf %get3A_952, %mul3A_953 : vector<16xf32>
        %swap3A_955 = arith.index_cast %add3A_893 : i32 to index
        %swap3A_956 = arith.constant 80 : index
        %swap3A_957 = tpu.vector_load %arg8[%swap3A_955, %swap3A_956] {strides = array<i32>} : memref<64x128xf32, #tpu.memory_space<vmem>>, vector<1x16xf32>,
        %swap3A_958 = vector.shape_cast %swap3A_957 : vector<1x16xf32> to vector<16xf32>
        %swap3A_959 = vector.shape_cast %mul3A_954 : vector<16xf32> to vector<1x16xf32>
        tpu.vector_store %arg8[%swap3A_955, %swap3A_956], %swap3A_959 {strides = array<i32>} : memref<64x128xf32, #tpu.memory_space<vmem>>, vector<1x16xf32>,
        %get3A_960 = arith.index_cast %add3A_893 : i32 to index
        %get3A_961 = arith.constant 96 : index
        %get3A_962 = tpu.vector_load %arg8[%get3A_960, %get3A_961] {strides = array<i32>} : memref<64x128xf32, #tpu.memory_space<vmem>>, vector<1x16xf32>,
        %get3A_963 = vector.shape_cast %get3A_962 : vector<1x16xf32> to vector<16xf32>
        %mul3A_964 = vector.broadcast %squeeze3A_889 : f32 to vector<16xf32>
        %mul3A_965 = arith.mulf %get3A_963, %mul3A_964 : vector<16xf32>
        %swap3A_966 = arith.index_cast %add3A_893 : i32 to index
        %swap3A_967 = arith.constant 96 : index
        %swap3A_968 = tpu.vector_load %arg8[%swap3A_966, %swap3A_967] {strides = array<i32>} : memref<64x128xf32, #tpu.memory_space<vmem>>, vector<1x16xf32>,
        %swap3A_969 = vector.shape_cast %swap3A_968 : vector<1x16xf32> to vector<16xf32>
        %swap3A_970 = vector.shape_cast %mul3A_965 : vector<16xf32> to vector<1x16xf32>
        tpu.vector_store %arg8[%swap3A_966, %swap3A_967], %swap3A_970 {strides = array<i32>} : memref<64x128xf32, #tpu.memory_space<vmem>>, vector<1x16xf32>,
        %get3A_971 = arith.index_cast %add3A_893 : i32 to index
        %get3A_972 = arith.constant 112 : index
        %get3A_973 = tpu.vector_load %arg8[%get3A_971, %get3A_972] {strides = array<i32>} : memref<64x128xf32, #tpu.memory_space<vmem>>, vector<1x16xf32>,
        %get3A_974 = vector.shape_cast %get3A_973 : vector<1x16xf32> to vector<16xf32>
        %mul3A_975 = vector.broadcast %squeeze3A_889 : f32 to vector<16xf32>
        %mul3A_976 = arith.mulf %get3A_974, %mul3A_975 : vector<16xf32>
        %swap3A_977 = arith.index_cast %add3A_893 : i32 to index
        %swap3A_978 = arith.constant 112 : index
        %swap3A_979 = tpu.vector_load %arg8[%swap3A_977, %swap3A_978] {strides = array<i32>} : memref<64x128xf32, #tpu.memory_space<vmem>>, vector<1x16xf32>,
        %swap3A_980 = vector.shape_cast %swap3A_979 : vector<1x16xf32> to vector<16xf32>
        %swap3A_981 = vector.shape_cast %mul3A_976 : vector<16xf32> to vector<1x16xf32>
        tpu.vector_store %arg8[%swap3A_977, %swap3A_978], %swap3A_981 {strides = array<i32>} : memref<64x128xf32, #tpu.memory_space<vmem>>, vector<1x16xf32>,
        %slice3A_982 = vector.extract_strided_slice %get3A_138 {offsets = [9], sizes = [1], strides = [1]} : vector<16xf32> to vector<1xf32>
        %squeeze3A_983 = vector.extract %slice3A_982[0] : f32 from vector<1xf32>
        %mul3A_984 = arith.constant 16 : i32
        %mul3A_985 = arith.muli %add3A_134, %mul3A_984 : i32
        %add3A_986 = arith.constant 9 : i32
        %add3A_987 = arith.addi %mul3A_985, %add3A_986 : i32
        %get3A_988 = arith.index_cast %add3A_987 : i32 to index
        %get3A_989 = arith.constant 0 : index
        %get3A_990 = tpu.vector_load %arg8[%get3A_988, %get3A_989] {strides = array<i32>} : memref<64x128xf32, #tpu.memory_space<vmem>>, vector<1x16xf32>,
        %get3A_991 = vector.shape_cast %get3A_990 : vector<1x16xf32> to vector<16xf32>
        %mul3A_992 = vector.broadcast %squeeze3A_983 : f32 to vector<16xf32>
        %mul3A_993 = arith.mulf %get3A_991, %mul3A_992 : vector<16xf32>
        %swap3A_994 = arith.index_cast %add3A_987 : i32 to index
        %swap3A_995 = arith.constant 0 : index
        %swap3A_996 = tpu.vector_load %arg8[%swap3A_994, %swap3A_995] {strides = array<i32>} : memref<64x128xf32, #tpu.memory_space<vmem>>, vector<1x16xf32>,
        %swap3A_997 = vector.shape_cast %swap3A_996 : vector<1x16xf32> to vector<16xf32>
        %swap3A_998 = vector.shape_cast %mul3A_993 : vector<16xf32> to vector<1x16xf32>
        tpu.vector_store %arg8[%swap3A_994, %swap3A_995], %swap3A_998 {strides = array<i32>} : memref<64x128xf32, #tpu.memory_space<vmem>>, vector<1x16xf32>,
        %get3A_999 = arith.index_cast %add3A_987 : i32 to index
        %get3A_1000 = arith.constant 16 : index
        %get3A_1001 = tpu.vector_load %arg8[%get3A_999, %get3A_1000] {strides = array<i32>} : memref<64x128xf32, #tpu.memory_space<vmem>>, vector<1x16xf32>,
        %get3A_1002 = vector.shape_cast %get3A_1001 : vector<1x16xf32> to vector<16xf32>
        %mul3A_1003 = vector.broadcast %squeeze3A_983 : f32 to vector<16xf32>
        %mul3A_1004 = arith.mulf %get3A_1002, %mul3A_1003 : vector<16xf32>
        %swap3A_1005 = arith.index_cast %add3A_987 : i32 to index
        %swap3A_1006 = arith.constant 16 : index
        %swap3A_1007 = tpu.vector_load %arg8[%swap3A_1005, %swap3A_1006] {strides = array<i32>} : memref<64x128xf32, #tpu.memory_space<vmem>>, vector<1x16xf32>,
        %swap3A_1008 = vector.shape_cast %swap3A_1007 : vector<1x16xf32> to vector<16xf32>
        %swap3A_1009 = vector.shape_cast %mul3A_1004 : vector<16xf32> to vector<1x16xf32>
        tpu.vector_store %arg8[%swap3A_1005, %swap3A_1006], %swap3A_1009 {strides = array<i32>} : memref<64x128xf32, #tpu.memory_space<vmem>>, vector<1x16xf32>,
        %get3A_1010 = arith.index_cast %add3A_987 : i32 to index
        %get3A_1011 = arith.constant 32 : index
        %get3A_1012 = tpu.vector_load %arg8[%get3A_1010, %get3A_1011] {strides = array<i32>} : memref<64x128xf32, #tpu.memory_space<vmem>>, vector<1x16xf32>,
        %get3A_1013 = vector.shape_cast %get3A_1012 : vector<1x16xf32> to vector<16xf32>
        %mul3A_1014 = vector.broadcast %squeeze3A_983 : f32 to vector<16xf32>
        %mul3A_1015 = arith.mulf %get3A_1013, %mul3A_1014 : vector<16xf32>
        %swap3A_1016 = arith.index_cast %add3A_987 : i32 to index
        %swap3A_1017 = arith.constant 32 : index
        %swap3A_1018 = tpu.vector_load %arg8[%swap3A_1016, %swap3A_1017] {strides = array<i32>} : memref<64x128xf32, #tpu.memory_space<vmem>>, vector<1x16xf32>,
        %swap3A_1019 = vector.shape_cast %swap3A_1018 : vector<1x16xf32> to vector<16xf32>
        %swap3A_1020 = vector.shape_cast %mul3A_1015 : vector<16xf32> to vector<1x16xf32>
        tpu.vector_store %arg8[%swap3A_1016, %swap3A_1017], %swap3A_1020 {strides = array<i32>} : memref<64x128xf32, #tpu.memory_space<vmem>>, vector<1x16xf32>,
        %get3A_1021 = arith.index_cast %add3A_987 : i32 to index
        %get3A_1022 = arith.constant 48 : index
        %get3A_1023 = tpu.vector_load %arg8[%get3A_1021, %get3A_1022] {strides = array<i32>} : memref<64x128xf32, #tpu.memory_space<vmem>>, vector<1x16xf32>,
        %get3A_1024 = vector.shape_cast %get3A_1023 : vector<1x16xf32> to vector<16xf32>
        %mul3A_1025 = vector.broadcast %squeeze3A_983 : f32 to vector<16xf32>
        %mul3A_1026 = arith.mulf %get3A_1024, %mul3A_1025 : vector<16xf32>
        %swap3A_1027 = arith.index_cast %add3A_987 : i32 to index
        %swap3A_1028 = arith.constant 48 : index
        %swap3A_1029 = tpu.vector_load %arg8[%swap3A_1027, %swap3A_1028] {strides = array<i32>} : memref<64x128xf32, #tpu.memory_space<vmem>>, vector<1x16xf32>,
        %swap3A_1030 = vector.shape_cast %swap3A_1029 : vector<1x16xf32> to vector<16xf32>
        %swap3A_1031 = vector.shape_cast %mul3A_1026 : vector<16xf32> to vector<1x16xf32>
        tpu.vector_store %arg8[%swap3A_1027, %swap3A_1028], %swap3A_1031 {strides = array<i32>} : memref<64x128xf32, #tpu.memory_space<vmem>>, vector<1x16xf32>,
        %get3A_1032 = arith.index_cast %add3A_987 : i32 to index
        %get3A_1033 = arith.constant 64 : index
        %get3A_1034 = tpu.vector_load %arg8[%get3A_1032, %get3A_1033] {strides = array<i32>} : memref<64x128xf32, #tpu.memory_space<vmem>>, vector<1x16xf32>,
        %get3A_1035 = vector.shape_cast %get3A_1034 : vector<1x16xf32> to vector<16xf32>
        %mul3A_1036 = vector.broadcast %squeeze3A_983 : f32 to vector<16xf32>
        %mul3A_1037 = arith.mulf %get3A_1035, %mul3A_1036 : vector<16xf32>
        %swap3A_1038 = arith.index_cast %add3A_987 : i32 to index
        %swap3A_1039 = arith.constant 64 : index
        %swap3A_1040 = tpu.vector_load %arg8[%swap3A_1038, %swap3A_1039] {strides = array<i32>} : memref<64x128xf32, #tpu.memory_space<vmem>>, vector<1x16xf32>,
        %swap3A_1041 = vector.shape_cast %swap3A_1040 : vector<1x16xf32> to vector<16xf32>
        %swap3A_1042 = vector.shape_cast %mul3A_1037 : vector<16xf32> to vector<1x16xf32>
        tpu.vector_store %arg8[%swap3A_1038, %swap3A_1039], %swap3A_1042 {strides = array<i32>} : memref<64x128xf32, #tpu.memory_space<vmem>>, vector<1x16xf32>,
        %get3A_1043 = arith.index_cast %add3A_987 : i32 to index
        %get3A_1044 = arith.constant 80 : index
        %get3A_1045 = tpu.vector_load %arg8[%get3A_1043, %get3A_1044] {strides = array<i32>} : memref<64x128xf32, #tpu.memory_space<vmem>>, vector<1x16xf32>,
        %get3A_1046 = vector.shape_cast %get3A_1045 : vector<1x16xf32> to vector<16xf32>
        %mul3A_1047 = vector.broadcast %squeeze3A_983 : f32 to vector<16xf32>
        %mul3A_1048 = arith.mulf %get3A_1046, %mul3A_1047 : vector<16xf32>
        %swap3A_1049 = arith.index_cast %add3A_987 : i32 to index
        %swap3A_1050 = arith.constant 80 : index
        %swap3A_1051 = tpu.vector_load %arg8[%swap3A_1049, %swap3A_1050] {strides = array<i32>} : memref<64x128xf32, #tpu.memory_space<vmem>>, vector<1x16xf32>,
        %swap3A_1052 = vector.shape_cast %swap3A_1051 : vector<1x16xf32> to vector<16xf32>
        %swap3A_1053 = vector.shape_cast %mul3A_1048 : vector<16xf32> to vector<1x16xf32>
        tpu.vector_store %arg8[%swap3A_1049, %swap3A_1050], %swap3A_1053 {strides = array<i32>} : memref<64x128xf32, #tpu.memory_space<vmem>>, vector<1x16xf32>,
        %get3A_1054 = arith.index_cast %add3A_987 : i32 to index
        %get3A_1055 = arith.constant 96 : index
        %get3A_1056 = tpu.vector_load %arg8[%get3A_1054, %get3A_1055] {strides = array<i32>} : memref<64x128xf32, #tpu.memory_space<vmem>>, vector<1x16xf32>,
        %get3A_1057 = vector.shape_cast %get3A_1056 : vector<1x16xf32> to vector<16xf32>
        %mul3A_1058 = vector.broadcast %squeeze3A_983 : f32 to vector<16xf32>
        %mul3A_1059 = arith.mulf %get3A_1057, %mul3A_1058 : vector<16xf32>
        %swap3A_1060 = arith.index_cast %add3A_987 : i32 to index
        %swap3A_1061 = arith.constant 96 : index
        %swap3A_1062 = tpu.vector_load %arg8[%swap3A_1060, %swap3A_1061] {strides = array<i32>} : memref<64x128xf32, #tpu.memory_space<vmem>>, vector<1x16xf32>,
        %swap3A_1063 = vector.shape_cast %swap3A_1062 : vector<1x16xf32> to vector<16xf32>
        %swap3A_1064 = vector.shape_cast %mul3A_1059 : vector<16xf32> to vector<1x16xf32>
        tpu.vector_store %arg8[%swap3A_1060, %swap3A_1061], %swap3A_1064 {strides = array<i32>} : memref<64x128xf32, #tpu.memory_space<vmem>>, vector<1x16xf32>,
        %get3A_1065 = arith.index_cast %add3A_987 : i32 to index
        %get3A_1066 = arith.constant 112 : index
        %get3A_1067 = tpu.vector_load %arg8[%get3A_1065, %get3A_1066] {strides = array<i32>} : memref<64x128xf32, #tpu.memory_space<vmem>>, vector<1x16xf32>,
        %get3A_1068 = vector.shape_cast %get3A_1067 : vector<1x16xf32> to vector<16xf32>
        %mul3A_1069 = vector.broadcast %squeeze3A_983 : f32 to vector<16xf32>
        %mul3A_1070 = arith.mulf %get3A_1068, %mul3A_1069 : vector<16xf32>
        %swap3A_1071 = arith.index_cast %add3A_987 : i32 to index
        %swap3A_1072 = arith.constant 112 : index
        %swap3A_1073 = tpu.vector_load %arg8[%swap3A_1071, %swap3A_1072] {strides = array<i32>} : memref<64x128xf32, #tpu.memory_space<vmem>>, vector<1x16xf32>,
        %swap3A_1074 = vector.shape_cast %swap3A_1073 : vector<1x16xf32> to vector<16xf32>
        %swap3A_1075 = vector.shape_cast %mul3A_1070 : vector<16xf32> to vector<1x16xf32>
        tpu.vector_store %arg8[%swap3A_1071, %swap3A_1072], %swap3A_1075 {strides = array<i32>} : memref<64x128xf32, #tpu.memory_space<vmem>>, vector<1x16xf32>,
        %slice3A_1076 = vector.extract_strided_slice %get3A_138 {offsets = [10], sizes = [1], strides = [1]} : vector<16xf32> to vector<1xf32>
        %squeeze3A_1077 = vector.extract %slice3A_1076[0] : f32 from vector<1xf32>
        %mul3A_1078 = arith.constant 16 : i32
        %mul3A_1079 = arith.muli %add3A_134, %mul3A_1078 : i32
        %add3A_1080 = arith.constant 10 : i32
        %add3A_1081 = arith.addi %mul3A_1079, %add3A_1080 : i32
        %get3A_1082 = arith.index_cast %add3A_1081 : i32 to index
        %get3A_1083 = arith.constant 0 : index
        %get3A_1084 = tpu.vector_load %arg8[%get3A_1082, %get3A_1083] {strides = array<i32>} : memref<64x128xf32, #tpu.memory_space<vmem>>, vector<1x16xf32>,
        %get3A_1085 = vector.shape_cast %get3A_1084 : vector<1x16xf32> to vector<16xf32>
        %mul3A_1086 = vector.broadcast %squeeze3A_1077 : f32 to vector<16xf32>
        %mul3A_1087 = arith.mulf %get3A_1085, %mul3A_1086 : vector<16xf32>
        %swap3A_1088 = arith.index_cast %add3A_1081 : i32 to index
        %swap3A_1089 = arith.constant 0 : index
        %swap3A_1090 = tpu.vector_load %arg8[%swap3A_1088, %swap3A_1089] {strides = array<i32>} : memref<64x128xf32, #tpu.memory_space<vmem>>, vector<1x16xf32>,
        %swap3A_1091 = vector.shape_cast %swap3A_1090 : vector<1x16xf32> to vector<16xf32>
        %swap3A_1092 = vector.shape_cast %mul3A_1087 : vector<16xf32> to vector<1x16xf32>
        tpu.vector_store %arg8[%swap3A_1088, %swap3A_1089], %swap3A_1092 {strides = array<i32>} : memref<64x128xf32, #tpu.memory_space<vmem>>, vector<1x16xf32>,
        %get3A_1093 = arith.index_cast %add3A_1081 : i32 to index
        %get3A_1094 = arith.constant 16 : index
        %get3A_1095 = tpu.vector_load %arg8[%get3A_1093, %get3A_1094] {strides = array<i32>} : memref<64x128xf32, #tpu.memory_space<vmem>>, vector<1x16xf32>,
        %get3A_1096 = vector.shape_cast %get3A_1095 : vector<1x16xf32> to vector<16xf32>
        %mul3A_1097 = vector.broadcast %squeeze3A_1077 : f32 to vector<16xf32>
        %mul3A_1098 = arith.mulf %get3A_1096, %mul3A_1097 : vector<16xf32>
        %swap3A_1099 = arith.index_cast %add3A_1081 : i32 to index
        %swap3A_1100 = arith.constant 16 : index
        %swap3A_1101 = tpu.vector_load %arg8[%swap3A_1099, %swap3A_1100] {strides = array<i32>} : memref<64x128xf32, #tpu.memory_space<vmem>>, vector<1x16xf32>,
        %swap3A_1102 = vector.shape_cast %swap3A_1101 : vector<1x16xf32> to vector<16xf32>
        %swap3A_1103 = vector.shape_cast %mul3A_1098 : vector<16xf32> to vector<1x16xf32>
        tpu.vector_store %arg8[%swap3A_1099, %swap3A_1100], %swap3A_1103 {strides = array<i32>} : memref<64x128xf32, #tpu.memory_space<vmem>>, vector<1x16xf32>,
        %get3A_1104 = arith.index_cast %add3A_1081 : i32 to index
        %get3A_1105 = arith.constant 32 : index
        %get3A_1106 = tpu.vector_load %arg8[%get3A_1104, %get3A_1105] {strides = array<i32>} : memref<64x128xf32, #tpu.memory_space<vmem>>, vector<1x16xf32>,
        %get3A_1107 = vector.shape_cast %get3A_1106 : vector<1x16xf32> to vector<16xf32>
        %mul3A_1108 = vector.broadcast %squeeze3A_1077 : f32 to vector<16xf32>
        %mul3A_1109 = arith.mulf %get3A_1107, %mul3A_1108 : vector<16xf32>
        %swap3A_1110 = arith.index_cast %add3A_1081 : i32 to index
        %swap3A_1111 = arith.constant 32 : index
        %swap3A_1112 = tpu.vector_load %arg8[%swap3A_1110, %swap3A_1111] {strides = array<i32>} : memref<64x128xf32, #tpu.memory_space<vmem>>, vector<1x16xf32>,
        %swap3A_1113 = vector.shape_cast %swap3A_1112 : vector<1x16xf32> to vector<16xf32>
        %swap3A_1114 = vector.shape_cast %mul3A_1109 : vector<16xf32> to vector<1x16xf32>
        tpu.vector_store %arg8[%swap3A_1110, %swap3A_1111], %swap3A_1114 {strides = array<i32>} : memref<64x128xf32, #tpu.memory_space<vmem>>, vector<1x16xf32>,
        %get3A_1115 = arith.index_cast %add3A_1081 : i32 to index
        %get3A_1116 = arith.constant 48 : index
        %get3A_1117 = tpu.vector_load %arg8[%get3A_1115, %get3A_1116] {strides = array<i32>} : memref<64x128xf32, #tpu.memory_space<vmem>>, vector<1x16xf32>,
        %get3A_1118 = vector.shape_cast %get3A_1117 : vector<1x16xf32> to vector<16xf32>
        %mul3A_1119 = vector.broadcast %squeeze3A_1077 : f32 to vector<16xf32>
        %mul3A_1120 = arith.mulf %get3A_1118, %mul3A_1119 : vector<16xf32>
        %swap3A_1121 = arith.index_cast %add3A_1081 : i32 to index
        %swap3A_1122 = arith.constant 48 : index
        %swap3A_1123 = tpu.vector_load %arg8[%swap3A_1121, %swap3A_1122] {strides = array<i32>} : memref<64x128xf32, #tpu.memory_space<vmem>>, vector<1x16xf32>,
        %swap3A_1124 = vector.shape_cast %swap3A_1123 : vector<1x16xf32> to vector<16xf32>
        %swap3A_1125 = vector.shape_cast %mul3A_1120 : vector<16xf32> to vector<1x16xf32>
        tpu.vector_store %arg8[%swap3A_1121, %swap3A_1122], %swap3A_1125 {strides = array<i32>} : memref<64x128xf32, #tpu.memory_space<vmem>>, vector<1x16xf32>,
        %get3A_1126 = arith.index_cast %add3A_1081 : i32 to index
        %get3A_1127 = arith.constant 64 : index
        %get3A_1128 = tpu.vector_load %arg8[%get3A_1126, %get3A_1127] {strides = array<i32>} : memref<64x128xf32, #tpu.memory_space<vmem>>, vector<1x16xf32>,
        %get3A_1129 = vector.shape_cast %get3A_1128 : vector<1x16xf32> to vector<16xf32>
        %mul3A_1130 = vector.broadcast %squeeze3A_1077 : f32 to vector<16xf32>
        %mul3A_1131 = arith.mulf %get3A_1129, %mul3A_1130 : vector<16xf32>
        %swap3A_1132 = arith.index_cast %add3A_1081 : i32 to index
        %swap3A_1133 = arith.constant 64 : index
        %swap3A_1134 = tpu.vector_load %arg8[%swap3A_1132, %swap3A_1133] {strides = array<i32>} : memref<64x128xf32, #tpu.memory_space<vmem>>, vector<1x16xf32>,
        %swap3A_1135 = vector.shape_cast %swap3A_1134 : vector<1x16xf32> to vector<16xf32>
        %swap3A_1136 = vector.shape_cast %mul3A_1131 : vector<16xf32> to vector<1x16xf32>
        tpu.vector_store %arg8[%swap3A_1132, %swap3A_1133], %swap3A_1136 {strides = array<i32>} : memref<64x128xf32, #tpu.memory_space<vmem>>, vector<1x16xf32>,
        %get3A_1137 = arith.index_cast %add3A_1081 : i32 to index
        %get3A_1138 = arith.constant 80 : index
        %get3A_1139 = tpu.vector_load %arg8[%get3A_1137, %get3A_1138] {strides = array<i32>} : memref<64x128xf32, #tpu.memory_space<vmem>>, vector<1x16xf32>,
        %get3A_1140 = vector.shape_cast %get3A_1139 : vector<1x16xf32> to vector<16xf32>
        %mul3A_1141 = vector.broadcast %squeeze3A_1077 : f32 to vector<16xf32>
        %mul3A_1142 = arith.mulf %get3A_1140, %mul3A_1141 : vector<16xf32>
        %swap3A_1143 = arith.index_cast %add3A_1081 : i32 to index
        %swap3A_1144 = arith.constant 80 : index
        %swap3A_1145 = tpu.vector_load %arg8[%swap3A_1143, %swap3A_1144] {strides = array<i32>} : memref<64x128xf32, #tpu.memory_space<vmem>>, vector<1x16xf32>,
        %swap3A_1146 = vector.shape_cast %swap3A_1145 : vector<1x16xf32> to vector<16xf32>
        %swap3A_1147 = vector.shape_cast %mul3A_1142 : vector<16xf32> to vector<1x16xf32>
        tpu.vector_store %arg8[%swap3A_1143, %swap3A_1144], %swap3A_1147 {strides = array<i32>} : memref<64x128xf32, #tpu.memory_space<vmem>>, vector<1x16xf32>,
        %get3A_1148 = arith.index_cast %add3A_1081 : i32 to index
        %get3A_1149 = arith.constant 96 : index
        %get3A_1150 = tpu.vector_load %arg8[%get3A_1148, %get3A_1149] {strides = array<i32>} : memref<64x128xf32, #tpu.memory_space<vmem>>, vector<1x16xf32>,
        %get3A_1151 = vector.shape_cast %get3A_1150 : vector<1x16xf32> to vector<16xf32>
        %mul3A_1152 = vector.broadcast %squeeze3A_1077 : f32 to vector<16xf32>
        %mul3A_1153 = arith.mulf %get3A_1151, %mul3A_1152 : vector<16xf32>
        %swap3A_1154 = arith.index_cast %add3A_1081 : i32 to index
        %swap3A_1155 = arith.constant 96 : index
        %swap3A_1156 = tpu.vector_load %arg8[%swap3A_1154, %swap3A_1155] {strides = array<i32>} : memref<64x128xf32, #tpu.memory_space<vmem>>, vector<1x16xf32>,
        %swap3A_1157 = vector.shape_cast %swap3A_1156 : vector<1x16xf32> to vector<16xf32>
        %swap3A_1158 = vector.shape_cast %mul3A_1153 : vector<16xf32> to vector<1x16xf32>
        tpu.vector_store %arg8[%swap3A_1154, %swap3A_1155], %swap3A_1158 {strides = array<i32>} : memref<64x128xf32, #tpu.memory_space<vmem>>, vector<1x16xf32>,
        %get3A_1159 = arith.index_cast %add3A_1081 : i32 to index
        %get3A_1160 = arith.constant 112 : index
        %get3A_1161 = tpu.vector_load %arg8[%get3A_1159, %get3A_1160] {strides = array<i32>} : memref<64x128xf32, #tpu.memory_space<vmem>>, vector<1x16xf32>,
        %get3A_1162 = vector.shape_cast %get3A_1161 : vector<1x16xf32> to vector<16xf32>
        %mul3A_1163 = vector.broadcast %squeeze3A_1077 : f32 to vector<16xf32>
        %mul3A_1164 = arith.mulf %get3A_1162, %mul3A_1163 : vector<16xf32>
        %swap3A_1165 = arith.index_cast %add3A_1081 : i32 to index
        %swap3A_1166 = arith.constant 112 : index
        %swap3A_1167 = tpu.vector_load %arg8[%swap3A_1165, %swap3A_1166] {strides = array<i32>} : memref<64x128xf32, #tpu.memory_space<vmem>>, vector<1x16xf32>,
        %swap3A_1168 = vector.shape_cast %swap3A_1167 : vector<1x16xf32> to vector<16xf32>
        %swap3A_1169 = vector.shape_cast %mul3A_1164 : vector<16xf32> to vector<1x16xf32>
        tpu.vector_store %arg8[%swap3A_1165, %swap3A_1166], %swap3A_1169 {strides = array<i32>} : memref<64x128xf32, #tpu.memory_space<vmem>>, vector<1x16xf32>,
        %slice3A_1170 = vector.extract_strided_slice %get3A_138 {offsets = [11], sizes = [1], strides = [1]} : vector<16xf32> to vector<1xf32>
        %squeeze3A_1171 = vector.extract %slice3A_1170[0] : f32 from vector<1xf32>
        %mul3A_1172 = arith.constant 16 : i32
        %mul3A_1173 = arith.muli %add3A_134, %mul3A_1172 : i32
        %add3A_1174 = arith.constant 11 : i32
        %add3A_1175 = arith.addi %mul3A_1173, %add3A_1174 : i32
        %get3A_1176 = arith.index_cast %add3A_1175 : i32 to index
        %get3A_1177 = arith.constant 0 : index
        %get3A_1178 = tpu.vector_load %arg8[%get3A_1176, %get3A_1177] {strides = array<i32>} : memref<64x128xf32, #tpu.memory_space<vmem>>, vector<1x16xf32>,
        %get3A_1179 = vector.shape_cast %get3A_1178 : vector<1x16xf32> to vector<16xf32>
        %mul3A_1180 = vector.broadcast %squeeze3A_1171 : f32 to vector<16xf32>
        %mul3A_1181 = arith.mulf %get3A_1179, %mul3A_1180 : vector<16xf32>
        %swap3A_1182 = arith.index_cast %add3A_1175 : i32 to index
        %swap3A_1183 = arith.constant 0 : index
        %swap3A_1184 = tpu.vector_load %arg8[%swap3A_1182, %swap3A_1183] {strides = array<i32>} : memref<64x128xf32, #tpu.memory_space<vmem>>, vector<1x16xf32>,
        %swap3A_1185 = vector.shape_cast %swap3A_1184 : vector<1x16xf32> to vector<16xf32>
        %swap3A_1186 = vector.shape_cast %mul3A_1181 : vector<16xf32> to vector<1x16xf32>
        tpu.vector_store %arg8[%swap3A_1182, %swap3A_1183], %swap3A_1186 {strides = array<i32>} : memref<64x128xf32, #tpu.memory_space<vmem>>, vector<1x16xf32>,
        %get3A_1187 = arith.index_cast %add3A_1175 : i32 to index
        %get3A_1188 = arith.constant 16 : index
        %get3A_1189 = tpu.vector_load %arg8[%get3A_1187, %get3A_1188] {strides = array<i32>} : memref<64x128xf32, #tpu.memory_space<vmem>>, vector<1x16xf32>,
        %get3A_1190 = vector.shape_cast %get3A_1189 : vector<1x16xf32> to vector<16xf32>
        %mul3A_1191 = vector.broadcast %squeeze3A_1171 : f32 to vector<16xf32>
        %mul3A_1192 = arith.mulf %get3A_1190, %mul3A_1191 : vector<16xf32>
        %swap3A_1193 = arith.index_cast %add3A_1175 : i32 to index
        %swap3A_1194 = arith.constant 16 : index
        %swap3A_1195 = tpu.vector_load %arg8[%swap3A_1193, %swap3A_1194] {strides = array<i32>} : memref<64x128xf32, #tpu.memory_space<vmem>>, vector<1x16xf32>,
        %swap3A_1196 = vector.shape_cast %swap3A_1195 : vector<1x16xf32> to vector<16xf32>
        %swap3A_1197 = vector.shape_cast %mul3A_1192 : vector<16xf32> to vector<1x16xf32>
        tpu.vector_store %arg8[%swap3A_1193, %swap3A_1194], %swap3A_1197 {strides = array<i32>} : memref<64x128xf32, #tpu.memory_space<vmem>>, vector<1x16xf32>,
        %get3A_1198 = arith.index_cast %add3A_1175 : i32 to index
        %get3A_1199 = arith.constant 32 : index
        %get3A_1200 = tpu.vector_load %arg8[%get3A_1198, %get3A_1199] {strides = array<i32>} : memref<64x128xf32, #tpu.memory_space<vmem>>, vector<1x16xf32>,
        %get3A_1201 = vector.shape_cast %get3A_1200 : vector<1x16xf32> to vector<16xf32>
        %mul3A_1202 = vector.broadcast %squeeze3A_1171 : f32 to vector<16xf32>
        %mul3A_1203 = arith.mulf %get3A_1201, %mul3A_1202 : vector<16xf32>
        %swap3A_1204 = arith.index_cast %add3A_1175 : i32 to index
        %swap3A_1205 = arith.constant 32 : index
        %swap3A_1206 = tpu.vector_load %arg8[%swap3A_1204, %swap3A_1205] {strides = array<i32>} : memref<64x128xf32, #tpu.memory_space<vmem>>, vector<1x16xf32>,
        %swap3A_1207 = vector.shape_cast %swap3A_1206 : vector<1x16xf32> to vector<16xf32>
        %swap3A_1208 = vector.shape_cast %mul3A_1203 : vector<16xf32> to vector<1x16xf32>
        tpu.vector_store %arg8[%swap3A_1204, %swap3A_1205], %swap3A_1208 {strides = array<i32>} : memref<64x128xf32, #tpu.memory_space<vmem>>, vector<1x16xf32>,
        %get3A_1209 = arith.index_cast %add3A_1175 : i32 to index
        %get3A_1210 = arith.constant 48 : index
        %get3A_1211 = tpu.vector_load %arg8[%get3A_1209, %get3A_1210] {strides = array<i32>} : memref<64x128xf32, #tpu.memory_space<vmem>>, vector<1x16xf32>,
        %get3A_1212 = vector.shape_cast %get3A_1211 : vector<1x16xf32> to vector<16xf32>
        %mul3A_1213 = vector.broadcast %squeeze3A_1171 : f32 to vector<16xf32>
        %mul3A_1214 = arith.mulf %get3A_1212, %mul3A_1213 : vector<16xf32>
        %swap3A_1215 = arith.index_cast %add3A_1175 : i32 to index
        %swap3A_1216 = arith.constant 48 : index
        %swap3A_1217 = tpu.vector_load %arg8[%swap3A_1215, %swap3A_1216] {strides = array<i32>} : memref<64x128xf32, #tpu.memory_space<vmem>>, vector<1x16xf32>,
        %swap3A_1218 = vector.shape_cast %swap3A_1217 : vector<1x16xf32> to vector<16xf32>
        %swap3A_1219 = vector.shape_cast %mul3A_1214 : vector<16xf32> to vector<1x16xf32>
        tpu.vector_store %arg8[%swap3A_1215, %swap3A_1216], %swap3A_1219 {strides = array<i32>} : memref<64x128xf32, #tpu.memory_space<vmem>>, vector<1x16xf32>,
        %get3A_1220 = arith.index_cast %add3A_1175 : i32 to index
        %get3A_1221 = arith.constant 64 : index
        %get3A_1222 = tpu.vector_load %arg8[%get3A_1220, %get3A_1221] {strides = array<i32>} : memref<64x128xf32, #tpu.memory_space<vmem>>, vector<1x16xf32>,
        %get3A_1223 = vector.shape_cast %get3A_1222 : vector<1x16xf32> to vector<16xf32>
        %mul3A_1224 = vector.broadcast %squeeze3A_1171 : f32 to vector<16xf32>
        %mul3A_1225 = arith.mulf %get3A_1223, %mul3A_1224 : vector<16xf32>
        %swap3A_1226 = arith.index_cast %add3A_1175 : i32 to index
        %swap3A_1227 = arith.constant 64 : index
        %swap3A_1228 = tpu.vector_load %arg8[%swap3A_1226, %swap3A_1227] {strides = array<i32>} : memref<64x128xf32, #tpu.memory_space<vmem>>, vector<1x16xf32>,
        %swap3A_1229 = vector.shape_cast %swap3A_1228 : vector<1x16xf32> to vector<16xf32>
        %swap3A_1230 = vector.shape_cast %mul3A_1225 : vector<16xf32> to vector<1x16xf32>
        tpu.vector_store %arg8[%swap3A_1226, %swap3A_1227], %swap3A_1230 {strides = array<i32>} : memref<64x128xf32, #tpu.memory_space<vmem>>, vector<1x16xf32>,
        %get3A_1231 = arith.index_cast %add3A_1175 : i32 to index
        %get3A_1232 = arith.constant 80 : index
        %get3A_1233 = tpu.vector_load %arg8[%get3A_1231, %get3A_1232] {strides = array<i32>} : memref<64x128xf32, #tpu.memory_space<vmem>>, vector<1x16xf32>,
        %get3A_1234 = vector.shape_cast %get3A_1233 : vector<1x16xf32> to vector<16xf32>
        %mul3A_1235 = vector.broadcast %squeeze3A_1171 : f32 to vector<16xf32>
        %mul3A_1236 = arith.mulf %get3A_1234, %mul3A_1235 : vector<16xf32>
        %swap3A_1237 = arith.index_cast %add3A_1175 : i32 to index
        %swap3A_1238 = arith.constant 80 : index
        %swap3A_1239 = tpu.vector_load %arg8[%swap3A_1237, %swap3A_1238] {strides = array<i32>} : memref<64x128xf32, #tpu.memory_space<vmem>>, vector<1x16xf32>,
        %swap3A_1240 = vector.shape_cast %swap3A_1239 : vector<1x16xf32> to vector<16xf32>
        %swap3A_1241 = vector.shape_cast %mul3A_1236 : vector<16xf32> to vector<1x16xf32>
        tpu.vector_store %arg8[%swap3A_1237, %swap3A_1238], %swap3A_1241 {strides = array<i32>} : memref<64x128xf32, #tpu.memory_space<vmem>>, vector<1x16xf32>,
        %get3A_1242 = arith.index_cast %add3A_1175 : i32 to index
        %get3A_1243 = arith.constant 96 : index
        %get3A_1244 = tpu.vector_load %arg8[%get3A_1242, %get3A_1243] {strides = array<i32>} : memref<64x128xf32, #tpu.memory_space<vmem>>, vector<1x16xf32>,
        %get3A_1245 = vector.shape_cast %get3A_1244 : vector<1x16xf32> to vector<16xf32>
        %mul3A_1246 = vector.broadcast %squeeze3A_1171 : f32 to vector<16xf32>
        %mul3A_1247 = arith.mulf %get3A_1245, %mul3A_1246 : vector<16xf32>
        %swap3A_1248 = arith.index_cast %add3A_1175 : i32 to index
        %swap3A_1249 = arith.constant 96 : index
        %swap3A_1250 = tpu.vector_load %arg8[%swap3A_1248, %swap3A_1249] {strides = array<i32>} : memref<64x128xf32, #tpu.memory_space<vmem>>, vector<1x16xf32>,
        %swap3A_1251 = vector.shape_cast %swap3A_1250 : vector<1x16xf32> to vector<16xf32>
        %swap3A_1252 = vector.shape_cast %mul3A_1247 : vector<16xf32> to vector<1x16xf32>
        tpu.vector_store %arg8[%swap3A_1248, %swap3A_1249], %swap3A_1252 {strides = array<i32>} : memref<64x128xf32, #tpu.memory_space<vmem>>, vector<1x16xf32>,
        %get3A_1253 = arith.index_cast %add3A_1175 : i32 to index
        %get3A_1254 = arith.constant 112 : index
        %get3A_1255 = tpu.vector_load %arg8[%get3A_1253, %get3A_1254] {strides = array<i32>} : memref<64x128xf32, #tpu.memory_space<vmem>>, vector<1x16xf32>,
        %get3A_1256 = vector.shape_cast %get3A_1255 : vector<1x16xf32> to vector<16xf32>
        %mul3A_1257 = vector.broadcast %squeeze3A_1171 : f32 to vector<16xf32>
        %mul3A_1258 = arith.mulf %get3A_1256, %mul3A_1257 : vector<16xf32>
        %swap3A_1259 = arith.index_cast %add3A_1175 : i32 to index
        %swap3A_1260 = arith.constant 112 : index
        %swap3A_1261 = tpu.vector_load %arg8[%swap3A_1259, %swap3A_1260] {strides = array<i32>} : memref<64x128xf32, #tpu.memory_space<vmem>>, vector<1x16xf32>,
        %swap3A_1262 = vector.shape_cast %swap3A_1261 : vector<1x16xf32> to vector<16xf32>
        %swap3A_1263 = vector.shape_cast %mul3A_1258 : vector<16xf32> to vector<1x16xf32>
        tpu.vector_store %arg8[%swap3A_1259, %swap3A_1260], %swap3A_1263 {strides = array<i32>} : memref<64x128xf32, #tpu.memory_space<vmem>>, vector<1x16xf32>,
        %slice3A_1264 = vector.extract_strided_slice %get3A_138 {offsets = [12], sizes = [1], strides = [1]} : vector<16xf32> to vector<1xf32>
        %squeeze3A_1265 = vector.extract %slice3A_1264[0] : f32 from vector<1xf32>
        %mul3A_1266 = arith.constant 16 : i32
        %mul3A_1267 = arith.muli %add3A_134, %mul3A_1266 : i32
        %add3A_1268 = arith.constant 12 : i32
        %add3A_1269 = arith.addi %mul3A_1267, %add3A_1268 : i32
        %get3A_1270 = arith.index_cast %add3A_1269 : i32 to index
        %get3A_1271 = arith.constant 0 : index
        %get3A_1272 = tpu.vector_load %arg8[%get3A_1270, %get3A_1271] {strides = array<i32>} : memref<64x128xf32, #tpu.memory_space<vmem>>, vector<1x16xf32>,
        %get3A_1273 = vector.shape_cast %get3A_1272 : vector<1x16xf32> to vector<16xf32>
        %mul3A_1274 = vector.broadcast %squeeze3A_1265 : f32 to vector<16xf32>
        %mul3A_1275 = arith.mulf %get3A_1273, %mul3A_1274 : vector<16xf32>
        %swap3A_1276 = arith.index_cast %add3A_1269 : i32 to index
        %swap3A_1277 = arith.constant 0 : index
        %swap3A_1278 = tpu.vector_load %arg8[%swap3A_1276, %swap3A_1277] {strides = array<i32>} : memref<64x128xf32, #tpu.memory_space<vmem>>, vector<1x16xf32>,
        %swap3A_1279 = vector.shape_cast %swap3A_1278 : vector<1x16xf32> to vector<16xf32>
        %swap3A_1280 = vector.shape_cast %mul3A_1275 : vector<16xf32> to vector<1x16xf32>
        tpu.vector_store %arg8[%swap3A_1276, %swap3A_1277], %swap3A_1280 {strides = array<i32>} : memref<64x128xf32, #tpu.memory_space<vmem>>, vector<1x16xf32>,
        %get3A_1281 = arith.index_cast %add3A_1269 : i32 to index
        %get3A_1282 = arith.constant 16 : index
        %get3A_1283 = tpu.vector_load %arg8[%get3A_1281, %get3A_1282] {strides = array<i32>} : memref<64x128xf32, #tpu.memory_space<vmem>>, vector<1x16xf32>,
        %get3A_1284 = vector.shape_cast %get3A_1283 : vector<1x16xf32> to vector<16xf32>
        %mul3A_1285 = vector.broadcast %squeeze3A_1265 : f32 to vector<16xf32>
        %mul3A_1286 = arith.mulf %get3A_1284, %mul3A_1285 : vector<16xf32>
        %swap3A_1287 = arith.index_cast %add3A_1269 : i32 to index
        %swap3A_1288 = arith.constant 16 : index
        %swap3A_1289 = tpu.vector_load %arg8[%swap3A_1287, %swap3A_1288] {strides = array<i32>} : memref<64x128xf32, #tpu.memory_space<vmem>>, vector<1x16xf32>,
        %swap3A_1290 = vector.shape_cast %swap3A_1289 : vector<1x16xf32> to vector<16xf32>
        %swap3A_1291 = vector.shape_cast %mul3A_1286 : vector<16xf32> to vector<1x16xf32>
        tpu.vector_store %arg8[%swap3A_1287, %swap3A_1288], %swap3A_1291 {strides = array<i32>} : memref<64x128xf32, #tpu.memory_space<vmem>>, vector<1x16xf32>,
        %get3A_1292 = arith.index_cast %add3A_1269 : i32 to index
        %get3A_1293 = arith.constant 32 : index
        %get3A_1294 = tpu.vector_load %arg8[%get3A_1292, %get3A_1293] {strides = array<i32>} : memref<64x128xf32, #tpu.memory_space<vmem>>, vector<1x16xf32>,
        %get3A_1295 = vector.shape_cast %get3A_1294 : vector<1x16xf32> to vector<16xf32>
        %mul3A_1296 = vector.broadcast %squeeze3A_1265 : f32 to vector<16xf32>
        %mul3A_1297 = arith.mulf %get3A_1295, %mul3A_1296 : vector<16xf32>
        %swap3A_1298 = arith.index_cast %add3A_1269 : i32 to index
        %swap3A_1299 = arith.constant 32 : index
        %swap3A_1300 = tpu.vector_load %arg8[%swap3A_1298, %swap3A_1299] {strides = array<i32>} : memref<64x128xf32, #tpu.memory_space<vmem>>, vector<1x16xf32>,
        %swap3A_1301 = vector.shape_cast %swap3A_1300 : vector<1x16xf32> to vector<16xf32>
        %swap3A_1302 = vector.shape_cast %mul3A_1297 : vector<16xf32> to vector<1x16xf32>
        tpu.vector_store %arg8[%swap3A_1298, %swap3A_1299], %swap3A_1302 {strides = array<i32>} : memref<64x128xf32, #tpu.memory_space<vmem>>, vector<1x16xf32>,
        %get3A_1303 = arith.index_cast %add3A_1269 : i32 to index
        %get3A_1304 = arith.constant 48 : index
        %get3A_1305 = tpu.vector_load %arg8[%get3A_1303, %get3A_1304] {strides = array<i32>} : memref<64x128xf32, #tpu.memory_space<vmem>>, vector<1x16xf32>,
        %get3A_1306 = vector.shape_cast %get3A_1305 : vector<1x16xf32> to vector<16xf32>
        %mul3A_1307 = vector.broadcast %squeeze3A_1265 : f32 to vector<16xf32>
        %mul3A_1308 = arith.mulf %get3A_1306, %mul3A_1307 : vector<16xf32>
        %swap3A_1309 = arith.index_cast %add3A_1269 : i32 to index
        %swap3A_1310 = arith.constant 48 : index
        %swap3A_1311 = tpu.vector_load %arg8[%swap3A_1309, %swap3A_1310] {strides = array<i32>} : memref<64x128xf32, #tpu.memory_space<vmem>>, vector<1x16xf32>,
        %swap3A_1312 = vector.shape_cast %swap3A_1311 : vector<1x16xf32> to vector<16xf32>
        %swap3A_1313 = vector.shape_cast %mul3A_1308 : vector<16xf32> to vector<1x16xf32>
        tpu.vector_store %arg8[%swap3A_1309, %swap3A_1310], %swap3A_1313 {strides = array<i32>} : memref<64x128xf32, #tpu.memory_space<vmem>>, vector<1x16xf32>,
        %get3A_1314 = arith.index_cast %add3A_1269 : i32 to index
        %get3A_1315 = arith.constant 64 : index
        %get3A_1316 = tpu.vector_load %arg8[%get3A_1314, %get3A_1315] {strides = array<i32>} : memref<64x128xf32, #tpu.memory_space<vmem>>, vector<1x16xf32>,
        %get3A_1317 = vector.shape_cast %get3A_1316 : vector<1x16xf32> to vector<16xf32>
        %mul3A_1318 = vector.broadcast %squeeze3A_1265 : f32 to vector<16xf32>
        %mul3A_1319 = arith.mulf %get3A_1317, %mul3A_1318 : vector<16xf32>
        %swap3A_1320 = arith.index_cast %add3A_1269 : i32 to index
        %swap3A_1321 = arith.constant 64 : index
        %swap3A_1322 = tpu.vector_load %arg8[%swap3A_1320, %swap3A_1321] {strides = array<i32>} : memref<64x128xf32, #tpu.memory_space<vmem>>, vector<1x16xf32>,
        %swap3A_1323 = vector.shape_cast %swap3A_1322 : vector<1x16xf32> to vector<16xf32>
        %swap3A_1324 = vector.shape_cast %mul3A_1319 : vector<16xf32> to vector<1x16xf32>
        tpu.vector_store %arg8[%swap3A_1320, %swap3A_1321], %swap3A_1324 {strides = array<i32>} : memref<64x128xf32, #tpu.memory_space<vmem>>, vector<1x16xf32>,
        %get3A_1325 = arith.index_cast %add3A_1269 : i32 to index
        %get3A_1326 = arith.constant 80 : index
        %get3A_1327 = tpu.vector_load %arg8[%get3A_1325, %get3A_1326] {strides = array<i32>} : memref<64x128xf32, #tpu.memory_space<vmem>>, vector<1x16xf32>,
        %get3A_1328 = vector.shape_cast %get3A_1327 : vector<1x16xf32> to vector<16xf32>
        %mul3A_1329 = vector.broadcast %squeeze3A_1265 : f32 to vector<16xf32>
        %mul3A_1330 = arith.mulf %get3A_1328, %mul3A_1329 : vector<16xf32>
        %swap3A_1331 = arith.index_cast %add3A_1269 : i32 to index
        %swap3A_1332 = arith.constant 80 : index
        %swap3A_1333 = tpu.vector_load %arg8[%swap3A_1331, %swap3A_1332] {strides = array<i32>} : memref<64x128xf32, #tpu.memory_space<vmem>>, vector<1x16xf32>,
        %swap3A_1334 = vector.shape_cast %swap3A_1333 : vector<1x16xf32> to vector<16xf32>
        %swap3A_1335 = vector.shape_cast %mul3A_1330 : vector<16xf32> to vector<1x16xf32>
        tpu.vector_store %arg8[%swap3A_1331, %swap3A_1332], %swap3A_1335 {strides = array<i32>} : memref<64x128xf32, #tpu.memory_space<vmem>>, vector<1x16xf32>,
        %get3A_1336 = arith.index_cast %add3A_1269 : i32 to index
        %get3A_1337 = arith.constant 96 : index
        %get3A_1338 = tpu.vector_load %arg8[%get3A_1336, %get3A_1337] {strides = array<i32>} : memref<64x128xf32, #tpu.memory_space<vmem>>, vector<1x16xf32>,
        %get3A_1339 = vector.shape_cast %get3A_1338 : vector<1x16xf32> to vector<16xf32>
        %mul3A_1340 = vector.broadcast %squeeze3A_1265 : f32 to vector<16xf32>
        %mul3A_1341 = arith.mulf %get3A_1339, %mul3A_1340 : vector<16xf32>
        %swap3A_1342 = arith.index_cast %add3A_1269 : i32 to index
        %swap3A_1343 = arith.constant 96 : index
        %swap3A_1344 = tpu.vector_load %arg8[%swap3A_1342, %swap3A_1343] {strides = array<i32>} : memref<64x128xf32, #tpu.memory_space<vmem>>, vector<1x16xf32>,
        %swap3A_1345 = vector.shape_cast %swap3A_1344 : vector<1x16xf32> to vector<16xf32>
        %swap3A_1346 = vector.shape_cast %mul3A_1341 : vector<16xf32> to vector<1x16xf32>
        tpu.vector_store %arg8[%swap3A_1342, %swap3A_1343], %swap3A_1346 {strides = array<i32>} : memref<64x128xf32, #tpu.memory_space<vmem>>, vector<1x16xf32>,
        %get3A_1347 = arith.index_cast %add3A_1269 : i32 to index
        %get3A_1348 = arith.constant 112 : index
        %get3A_1349 = tpu.vector_load %arg8[%get3A_1347, %get3A_1348] {strides = array<i32>} : memref<64x128xf32, #tpu.memory_space<vmem>>, vector<1x16xf32>,
        %get3A_1350 = vector.shape_cast %get3A_1349 : vector<1x16xf32> to vector<16xf32>
        %mul3A_1351 = vector.broadcast %squeeze3A_1265 : f32 to vector<16xf32>
        %mul3A_1352 = arith.mulf %get3A_1350, %mul3A_1351 : vector<16xf32>
        %swap3A_1353 = arith.index_cast %add3A_1269 : i32 to index
        %swap3A_1354 = arith.constant 112 : index
        %swap3A_1355 = tpu.vector_load %arg8[%swap3A_1353, %swap3A_1354] {strides = array<i32>} : memref<64x128xf32, #tpu.memory_space<vmem>>, vector<1x16xf32>,
        %swap3A_1356 = vector.shape_cast %swap3A_1355 : vector<1x16xf32> to vector<16xf32>
        %swap3A_1357 = vector.shape_cast %mul3A_1352 : vector<16xf32> to vector<1x16xf32>
        tpu.vector_store %arg8[%swap3A_1353, %swap3A_1354], %swap3A_1357 {strides = array<i32>} : memref<64x128xf32, #tpu.memory_space<vmem>>, vector<1x16xf32>,
        %slice3A_1358 = vector.extract_strided_slice %get3A_138 {offsets = [13], sizes = [1], strides = [1]} : vector<16xf32> to vector<1xf32>
        %squeeze3A_1359 = vector.extract %slice3A_1358[0] : f32 from vector<1xf32>
        %mul3A_1360 = arith.constant 16 : i32
        %mul3A_1361 = arith.muli %add3A_134, %mul3A_1360 : i32
        %add3A_1362 = arith.constant 13 : i32
        %add3A_1363 = arith.addi %mul3A_1361, %add3A_1362 : i32
        %get3A_1364 = arith.index_cast %add3A_1363 : i32 to index
        %get3A_1365 = arith.constant 0 : index
        %get3A_1366 = tpu.vector_load %arg8[%get3A_1364, %get3A_1365] {strides = array<i32>} : memref<64x128xf32, #tpu.memory_space<vmem>>, vector<1x16xf32>,
        %get3A_1367 = vector.shape_cast %get3A_1366 : vector<1x16xf32> to vector<16xf32>
        %mul3A_1368 = vector.broadcast %squeeze3A_1359 : f32 to vector<16xf32>
        %mul3A_1369 = arith.mulf %get3A_1367, %mul3A_1368 : vector<16xf32>
        %swap3A_1370 = arith.index_cast %add3A_1363 : i32 to index
        %swap3A_1371 = arith.constant 0 : index
        %swap3A_1372 = tpu.vector_load %arg8[%swap3A_1370, %swap3A_1371] {strides = array<i32>} : memref<64x128xf32, #tpu.memory_space<vmem>>, vector<1x16xf32>,
        %swap3A_1373 = vector.shape_cast %swap3A_1372 : vector<1x16xf32> to vector<16xf32>
        %swap3A_1374 = vector.shape_cast %mul3A_1369 : vector<16xf32> to vector<1x16xf32>
        tpu.vector_store %arg8[%swap3A_1370, %swap3A_1371], %swap3A_1374 {strides = array<i32>} : memref<64x128xf32, #tpu.memory_space<vmem>>, vector<1x16xf32>,
        %get3A_1375 = arith.index_cast %add3A_1363 : i32 to index
        %get3A_1376 = arith.constant 16 : index
        %get3A_1377 = tpu.vector_load %arg8[%get3A_1375, %get3A_1376] {strides = array<i32>} : memref<64x128xf32, #tpu.memory_space<vmem>>, vector<1x16xf32>,
        %get3A_1378 = vector.shape_cast %get3A_1377 : vector<1x16xf32> to vector<16xf32>
        %mul3A_1379 = vector.broadcast %squeeze3A_1359 : f32 to vector<16xf32>
        %mul3A_1380 = arith.mulf %get3A_1378, %mul3A_1379 : vector<16xf32>
        %swap3A_1381 = arith.index_cast %add3A_1363 : i32 to index
        %swap3A_1382 = arith.constant 16 : index
        %swap3A_1383 = tpu.vector_load %arg8[%swap3A_1381, %swap3A_1382] {strides = array<i32>} : memref<64x128xf32, #tpu.memory_space<vmem>>, vector<1x16xf32>,
        %swap3A_1384 = vector.shape_cast %swap3A_1383 : vector<1x16xf32> to vector<16xf32>
        %swap3A_1385 = vector.shape_cast %mul3A_1380 : vector<16xf32> to vector<1x16xf32>
        tpu.vector_store %arg8[%swap3A_1381, %swap3A_1382], %swap3A_1385 {strides = array<i32>} : memref<64x128xf32, #tpu.memory_space<vmem>>, vector<1x16xf32>,
        %get3A_1386 = arith.index_cast %add3A_1363 : i32 to index
        %get3A_1387 = arith.constant 32 : index
        %get3A_1388 = tpu.vector_load %arg8[%get3A_1386, %get3A_1387] {strides = array<i32>} : memref<64x128xf32, #tpu.memory_space<vmem>>, vector<1x16xf32>,
        %get3A_1389 = vector.shape_cast %get3A_1388 : vector<1x16xf32> to vector<16xf32>
        %mul3A_1390 = vector.broadcast %squeeze3A_1359 : f32 to vector<16xf32>
        %mul3A_1391 = arith.mulf %get3A_1389, %mul3A_1390 : vector<16xf32>
        %swap3A_1392 = arith.index_cast %add3A_1363 : i32 to index
        %swap3A_1393 = arith.constant 32 : index
        %swap3A_1394 = tpu.vector_load %arg8[%swap3A_1392, %swap3A_1393] {strides = array<i32>} : memref<64x128xf32, #tpu.memory_space<vmem>>, vector<1x16xf32>,
        %swap3A_1395 = vector.shape_cast %swap3A_1394 : vector<1x16xf32> to vector<16xf32>
        %swap3A_1396 = vector.shape_cast %mul3A_1391 : vector<16xf32> to vector<1x16xf32>
        tpu.vector_store %arg8[%swap3A_1392, %swap3A_1393], %swap3A_1396 {strides = array<i32>} : memref<64x128xf32, #tpu.memory_space<vmem>>, vector<1x16xf32>,
        %get3A_1397 = arith.index_cast %add3A_1363 : i32 to index
        %get3A_1398 = arith.constant 48 : index
        %get3A_1399 = tpu.vector_load %arg8[%get3A_1397, %get3A_1398] {strides = array<i32>} : memref<64x128xf32, #tpu.memory_space<vmem>>, vector<1x16xf32>,
        %get3A_1400 = vector.shape_cast %get3A_1399 : vector<1x16xf32> to vector<16xf32>
        %mul3A_1401 = vector.broadcast %squeeze3A_1359 : f32 to vector<16xf32>
        %mul3A_1402 = arith.mulf %get3A_1400, %mul3A_1401 : vector<16xf32>
        %swap3A_1403 = arith.index_cast %add3A_1363 : i32 to index
        %swap3A_1404 = arith.constant 48 : index
        %swap3A_1405 = tpu.vector_load %arg8[%swap3A_1403, %swap3A_1404] {strides = array<i32>} : memref<64x128xf32, #tpu.memory_space<vmem>>, vector<1x16xf32>,
        %swap3A_1406 = vector.shape_cast %swap3A_1405 : vector<1x16xf32> to vector<16xf32>
        %swap3A_1407 = vector.shape_cast %mul3A_1402 : vector<16xf32> to vector<1x16xf32>
        tpu.vector_store %arg8[%swap3A_1403, %swap3A_1404], %swap3A_1407 {strides = array<i32>} : memref<64x128xf32, #tpu.memory_space<vmem>>, vector<1x16xf32>,
        %get3A_1408 = arith.index_cast %add3A_1363 : i32 to index
        %get3A_1409 = arith.constant 64 : index
        %get3A_1410 = tpu.vector_load %arg8[%get3A_1408, %get3A_1409] {strides = array<i32>} : memref<64x128xf32, #tpu.memory_space<vmem>>, vector<1x16xf32>,
        %get3A_1411 = vector.shape_cast %get3A_1410 : vector<1x16xf32> to vector<16xf32>
        %mul3A_1412 = vector.broadcast %squeeze3A_1359 : f32 to vector<16xf32>
        %mul3A_1413 = arith.mulf %get3A_1411, %mul3A_1412 : vector<16xf32>
        %swap3A_1414 = arith.index_cast %add3A_1363 : i32 to index
        %swap3A_1415 = arith.constant 64 : index
        %swap3A_1416 = tpu.vector_load %arg8[%swap3A_1414, %swap3A_1415] {strides = array<i32>} : memref<64x128xf32, #tpu.memory_space<vmem>>, vector<1x16xf32>,
        %swap3A_1417 = vector.shape_cast %swap3A_1416 : vector<1x16xf32> to vector<16xf32>
        %swap3A_1418 = vector.shape_cast %mul3A_1413 : vector<16xf32> to vector<1x16xf32>
        tpu.vector_store %arg8[%swap3A_1414, %swap3A_1415], %swap3A_1418 {strides = array<i32>} : memref<64x128xf32, #tpu.memory_space<vmem>>, vector<1x16xf32>,
        %get3A_1419 = arith.index_cast %add3A_1363 : i32 to index
        %get3A_1420 = arith.constant 80 : index
        %get3A_1421 = tpu.vector_load %arg8[%get3A_1419, %get3A_1420] {strides = array<i32>} : memref<64x128xf32, #tpu.memory_space<vmem>>, vector<1x16xf32>,
        %get3A_1422 = vector.shape_cast %get3A_1421 : vector<1x16xf32> to vector<16xf32>
        %mul3A_1423 = vector.broadcast %squeeze3A_1359 : f32 to vector<16xf32>
        %mul3A_1424 = arith.mulf %get3A_1422, %mul3A_1423 : vector<16xf32>
        %swap3A_1425 = arith.index_cast %add3A_1363 : i32 to index
        %swap3A_1426 = arith.constant 80 : index
        %swap3A_1427 = tpu.vector_load %arg8[%swap3A_1425, %swap3A_1426] {strides = array<i32>} : memref<64x128xf32, #tpu.memory_space<vmem>>, vector<1x16xf32>,
        %swap3A_1428 = vector.shape_cast %swap3A_1427 : vector<1x16xf32> to vector<16xf32>
        %swap3A_1429 = vector.shape_cast %mul3A_1424 : vector<16xf32> to vector<1x16xf32>
        tpu.vector_store %arg8[%swap3A_1425, %swap3A_1426], %swap3A_1429 {strides = array<i32>} : memref<64x128xf32, #tpu.memory_space<vmem>>, vector<1x16xf32>,
        %get3A_1430 = arith.index_cast %add3A_1363 : i32 to index
        %get3A_1431 = arith.constant 96 : index
        %get3A_1432 = tpu.vector_load %arg8[%get3A_1430, %get3A_1431] {strides = array<i32>} : memref<64x128xf32, #tpu.memory_space<vmem>>, vector<1x16xf32>,
        %get3A_1433 = vector.shape_cast %get3A_1432 : vector<1x16xf32> to vector<16xf32>
        %mul3A_1434 = vector.broadcast %squeeze3A_1359 : f32 to vector<16xf32>
        %mul3A_1435 = arith.mulf %get3A_1433, %mul3A_1434 : vector<16xf32>
        %swap3A_1436 = arith.index_cast %add3A_1363 : i32 to index
        %swap3A_1437 = arith.constant 96 : index
        %swap3A_1438 = tpu.vector_load %arg8[%swap3A_1436, %swap3A_1437] {strides = array<i32>} : memref<64x128xf32, #tpu.memory_space<vmem>>, vector<1x16xf32>,
        %swap3A_1439 = vector.shape_cast %swap3A_1438 : vector<1x16xf32> to vector<16xf32>
        %swap3A_1440 = vector.shape_cast %mul3A_1435 : vector<16xf32> to vector<1x16xf32>
        tpu.vector_store %arg8[%swap3A_1436, %swap3A_1437], %swap3A_1440 {strides = array<i32>} : memref<64x128xf32, #tpu.memory_space<vmem>>, vector<1x16xf32>,
        %get3A_1441 = arith.index_cast %add3A_1363 : i32 to index
        %get3A_1442 = arith.constant 112 : index
        %get3A_1443 = tpu.vector_load %arg8[%get3A_1441, %get3A_1442] {strides = array<i32>} : memref<64x128xf32, #tpu.memory_space<vmem>>, vector<1x16xf32>,
        %get3A_1444 = vector.shape_cast %get3A_1443 : vector<1x16xf32> to vector<16xf32>
        %mul3A_1445 = vector.broadcast %squeeze3A_1359 : f32 to vector<16xf32>
        %mul3A_1446 = arith.mulf %get3A_1444, %mul3A_1445 : vector<16xf32>
        %swap3A_1447 = arith.index_cast %add3A_1363 : i32 to index
        %swap3A_1448 = arith.constant 112 : index
        %swap3A_1449 = tpu.vector_load %arg8[%swap3A_1447, %swap3A_1448] {strides = array<i32>} : memref<64x128xf32, #tpu.memory_space<vmem>>, vector<1x16xf32>,
        %swap3A_1450 = vector.shape_cast %swap3A_1449 : vector<1x16xf32> to vector<16xf32>
        %swap3A_1451 = vector.shape_cast %mul3A_1446 : vector<16xf32> to vector<1x16xf32>
        tpu.vector_store %arg8[%swap3A_1447, %swap3A_1448], %swap3A_1451 {strides = array<i32>} : memref<64x128xf32, #tpu.memory_space<vmem>>, vector<1x16xf32>,
        %slice3A_1452 = vector.extract_strided_slice %get3A_138 {offsets = [14], sizes = [1], strides = [1]} : vector<16xf32> to vector<1xf32>
        %squeeze3A_1453 = vector.extract %slice3A_1452[0] : f32 from vector<1xf32>
        %mul3A_1454 = arith.constant 16 : i32
        %mul3A_1455 = arith.muli %add3A_134, %mul3A_1454 : i32
        %add3A_1456 = arith.constant 14 : i32
        %add3A_1457 = arith.addi %mul3A_1455, %add3A_1456 : i32
        %get3A_1458 = arith.index_cast %add3A_1457 : i32 to index
        %get3A_1459 = arith.constant 0 : index
        %get3A_1460 = tpu.vector_load %arg8[%get3A_1458, %get3A_1459] {strides = array<i32>} : memref<64x128xf32, #tpu.memory_space<vmem>>, vector<1x16xf32>,
        %get3A_1461 = vector.shape_cast %get3A_1460 : vector<1x16xf32> to vector<16xf32>
        %mul3A_1462 = vector.broadcast %squeeze3A_1453 : f32 to vector<16xf32>
        %mul3A_1463 = arith.mulf %get3A_1461, %mul3A_1462 : vector<16xf32>
        %swap3A_1464 = arith.index_cast %add3A_1457 : i32 to index
        %swap3A_1465 = arith.constant 0 : index
        %swap3A_1466 = tpu.vector_load %arg8[%swap3A_1464, %swap3A_1465] {strides = array<i32>} : memref<64x128xf32, #tpu.memory_space<vmem>>, vector<1x16xf32>,
        %swap3A_1467 = vector.shape_cast %swap3A_1466 : vector<1x16xf32> to vector<16xf32>
        %swap3A_1468 = vector.shape_cast %mul3A_1463 : vector<16xf32> to vector<1x16xf32>
        tpu.vector_store %arg8[%swap3A_1464, %swap3A_1465], %swap3A_1468 {strides = array<i32>} : memref<64x128xf32, #tpu.memory_space<vmem>>, vector<1x16xf32>,
        %get3A_1469 = arith.index_cast %add3A_1457 : i32 to index
        %get3A_1470 = arith.constant 16 : index
        %get3A_1471 = tpu.vector_load %arg8[%get3A_1469, %get3A_1470] {strides = array<i32>} : memref<64x128xf32, #tpu.memory_space<vmem>>, vector<1x16xf32>,
        %get3A_1472 = vector.shape_cast %get3A_1471 : vector<1x16xf32> to vector<16xf32>
        %mul3A_1473 = vector.broadcast %squeeze3A_1453 : f32 to vector<16xf32>
        %mul3A_1474 = arith.mulf %get3A_1472, %mul3A_1473 : vector<16xf32>
        %swap3A_1475 = arith.index_cast %add3A_1457 : i32 to index
        %swap3A_1476 = arith.constant 16 : index
        %swap3A_1477 = tpu.vector_load %arg8[%swap3A_1475, %swap3A_1476] {strides = array<i32>} : memref<64x128xf32, #tpu.memory_space<vmem>>, vector<1x16xf32>,
        %swap3A_1478 = vector.shape_cast %swap3A_1477 : vector<1x16xf32> to vector<16xf32>
        %swap3A_1479 = vector.shape_cast %mul3A_1474 : vector<16xf32> to vector<1x16xf32>
        tpu.vector_store %arg8[%swap3A_1475, %swap3A_1476], %swap3A_1479 {strides = array<i32>} : memref<64x128xf32, #tpu.memory_space<vmem>>, vector<1x16xf32>,
        %get3A_1480 = arith.index_cast %add3A_1457 : i32 to index
        %get3A_1481 = arith.constant 32 : index
        %get3A_1482 = tpu.vector_load %arg8[%get3A_1480, %get3A_1481] {strides = array<i32>} : memref<64x128xf32, #tpu.memory_space<vmem>>, vector<1x16xf32>,
        %get3A_1483 = vector.shape_cast %get3A_1482 : vector<1x16xf32> to vector<16xf32>
        %mul3A_1484 = vector.broadcast %squeeze3A_1453 : f32 to vector<16xf32>
        %mul3A_1485 = arith.mulf %get3A_1483, %mul3A_1484 : vector<16xf32>
        %swap3A_1486 = arith.index_cast %add3A_1457 : i32 to index
        %swap3A_1487 = arith.constant 32 : index
        %swap3A_1488 = tpu.vector_load %arg8[%swap3A_1486, %swap3A_1487] {strides = array<i32>} : memref<64x128xf32, #tpu.memory_space<vmem>>, vector<1x16xf32>,
        %swap3A_1489 = vector.shape_cast %swap3A_1488 : vector<1x16xf32> to vector<16xf32>
        %swap3A_1490 = vector.shape_cast %mul3A_1485 : vector<16xf32> to vector<1x16xf32>
        tpu.vector_store %arg8[%swap3A_1486, %swap3A_1487], %swap3A_1490 {strides = array<i32>} : memref<64x128xf32, #tpu.memory_space<vmem>>, vector<1x16xf32>,
        %get3A_1491 = arith.index_cast %add3A_1457 : i32 to index
        %get3A_1492 = arith.constant 48 : index
        %get3A_1493 = tpu.vector_load %arg8[%get3A_1491, %get3A_1492] {strides = array<i32>} : memref<64x128xf32, #tpu.memory_space<vmem>>, vector<1x16xf32>,
        %get3A_1494 = vector.shape_cast %get3A_1493 : vector<1x16xf32> to vector<16xf32>
        %mul3A_1495 = vector.broadcast %squeeze3A_1453 : f32 to vector<16xf32>
        %mul3A_1496 = arith.mulf %get3A_1494, %mul3A_1495 : vector<16xf32>
        %swap3A_1497 = arith.index_cast %add3A_1457 : i32 to index
        %swap3A_1498 = arith.constant 48 : index
        %swap3A_1499 = tpu.vector_load %arg8[%swap3A_1497, %swap3A_1498] {strides = array<i32>} : memref<64x128xf32, #tpu.memory_space<vmem>>, vector<1x16xf32>,
        %swap3A_1500 = vector.shape_cast %swap3A_1499 : vector<1x16xf32> to vector<16xf32>
        %swap3A_1501 = vector.shape_cast %mul3A_1496 : vector<16xf32> to vector<1x16xf32>
        tpu.vector_store %arg8[%swap3A_1497, %swap3A_1498], %swap3A_1501 {strides = array<i32>} : memref<64x128xf32, #tpu.memory_space<vmem>>, vector<1x16xf32>,
        %get3A_1502 = arith.index_cast %add3A_1457 : i32 to index
        %get3A_1503 = arith.constant 64 : index
        %get3A_1504 = tpu.vector_load %arg8[%get3A_1502, %get3A_1503] {strides = array<i32>} : memref<64x128xf32, #tpu.memory_space<vmem>>, vector<1x16xf32>,
        %get3A_1505 = vector.shape_cast %get3A_1504 : vector<1x16xf32> to vector<16xf32>
        %mul3A_1506 = vector.broadcast %squeeze3A_1453 : f32 to vector<16xf32>
        %mul3A_1507 = arith.mulf %get3A_1505, %mul3A_1506 : vector<16xf32>
        %swap3A_1508 = arith.index_cast %add3A_1457 : i32 to index
        %swap3A_1509 = arith.constant 64 : index
        %swap3A_1510 = tpu.vector_load %arg8[%swap3A_1508, %swap3A_1509] {strides = array<i32>} : memref<64x128xf32, #tpu.memory_space<vmem>>, vector<1x16xf32>,
        %swap3A_1511 = vector.shape_cast %swap3A_1510 : vector<1x16xf32> to vector<16xf32>
        %swap3A_1512 = vector.shape_cast %mul3A_1507 : vector<16xf32> to vector<1x16xf32>
        tpu.vector_store %arg8[%swap3A_1508, %swap3A_1509], %swap3A_1512 {strides = array<i32>} : memref<64x128xf32, #tpu.memory_space<vmem>>, vector<1x16xf32>,
        %get3A_1513 = arith.index_cast %add3A_1457 : i32 to index
        %get3A_1514 = arith.constant 80 : index
        %get3A_1515 = tpu.vector_load %arg8[%get3A_1513, %get3A_1514] {strides = array<i32>} : memref<64x128xf32, #tpu.memory_space<vmem>>, vector<1x16xf32>,
        %get3A_1516 = vector.shape_cast %get3A_1515 : vector<1x16xf32> to vector<16xf32>
        %mul3A_1517 = vector.broadcast %squeeze3A_1453 : f32 to vector<16xf32>
        %mul3A_1518 = arith.mulf %get3A_1516, %mul3A_1517 : vector<16xf32>
        %swap3A_1519 = arith.index_cast %add3A_1457 : i32 to index
        %swap3A_1520 = arith.constant 80 : index
        %swap3A_1521 = tpu.vector_load %arg8[%swap3A_1519, %swap3A_1520] {strides = array<i32>} : memref<64x128xf32, #tpu.memory_space<vmem>>, vector<1x16xf32>,
        %swap3A_1522 = vector.shape_cast %swap3A_1521 : vector<1x16xf32> to vector<16xf32>
        %swap3A_1523 = vector.shape_cast %mul3A_1518 : vector<16xf32> to vector<1x16xf32>
        tpu.vector_store %arg8[%swap3A_1519, %swap3A_1520], %swap3A_1523 {strides = array<i32>} : memref<64x128xf32, #tpu.memory_space<vmem>>, vector<1x16xf32>,
        %get3A_1524 = arith.index_cast %add3A_1457 : i32 to index
        %get3A_1525 = arith.constant 96 : index
        %get3A_1526 = tpu.vector_load %arg8[%get3A_1524, %get3A_1525] {strides = array<i32>} : memref<64x128xf32, #tpu.memory_space<vmem>>, vector<1x16xf32>,
        %get3A_1527 = vector.shape_cast %get3A_1526 : vector<1x16xf32> to vector<16xf32>
        %mul3A_1528 = vector.broadcast %squeeze3A_1453 : f32 to vector<16xf32>
        %mul3A_1529 = arith.mulf %get3A_1527, %mul3A_1528 : vector<16xf32>
        %swap3A_1530 = arith.index_cast %add3A_1457 : i32 to index
        %swap3A_1531 = arith.constant 96 : index
        %swap3A_1532 = tpu.vector_load %arg8[%swap3A_1530, %swap3A_1531] {strides = array<i32>} : memref<64x128xf32, #tpu.memory_space<vmem>>, vector<1x16xf32>,
        %swap3A_1533 = vector.shape_cast %swap3A_1532 : vector<1x16xf32> to vector<16xf32>
        %swap3A_1534 = vector.shape_cast %mul3A_1529 : vector<16xf32> to vector<1x16xf32>
        tpu.vector_store %arg8[%swap3A_1530, %swap3A_1531], %swap3A_1534 {strides = array<i32>} : memref<64x128xf32, #tpu.memory_space<vmem>>, vector<1x16xf32>,
        %get3A_1535 = arith.index_cast %add3A_1457 : i32 to index
        %get3A_1536 = arith.constant 112 : index
        %get3A_1537 = tpu.vector_load %arg8[%get3A_1535, %get3A_1536] {strides = array<i32>} : memref<64x128xf32, #tpu.memory_space<vmem>>, vector<1x16xf32>,
        %get3A_1538 = vector.shape_cast %get3A_1537 : vector<1x16xf32> to vector<16xf32>
        %mul3A_1539 = vector.broadcast %squeeze3A_1453 : f32 to vector<16xf32>
        %mul3A_1540 = arith.mulf %get3A_1538, %mul3A_1539 : vector<16xf32>
        %swap3A_1541 = arith.index_cast %add3A_1457 : i32 to index
        %swap3A_1542 = arith.constant 112 : index
        %swap3A_1543 = tpu.vector_load %arg8[%swap3A_1541, %swap3A_1542] {strides = array<i32>} : memref<64x128xf32, #tpu.memory_space<vmem>>, vector<1x16xf32>,
        %swap3A_1544 = vector.shape_cast %swap3A_1543 : vector<1x16xf32> to vector<16xf32>
        %swap3A_1545 = vector.shape_cast %mul3A_1540 : vector<16xf32> to vector<1x16xf32>
        tpu.vector_store %arg8[%swap3A_1541, %swap3A_1542], %swap3A_1545 {strides = array<i32>} : memref<64x128xf32, #tpu.memory_space<vmem>>, vector<1x16xf32>,
        %slice3A_1546 = vector.extract_strided_slice %get3A_138 {offsets = [15], sizes = [1], strides = [1]} : vector<16xf32> to vector<1xf32>
        %squeeze3A_1547 = vector.extract %slice3A_1546[0] : f32 from vector<1xf32>
        %mul3A_1548 = arith.constant 16 : i32
        %mul3A_1549 = arith.muli %add3A_134, %mul3A_1548 : i32
        %add3A_1550 = arith.constant 15 : i32
        %add3A_1551 = arith.addi %mul3A_1549, %add3A_1550 : i32
        %get3A_1552 = arith.index_cast %add3A_1551 : i32 to index
        %get3A_1553 = arith.constant 0 : index
        %get3A_1554 = tpu.vector_load %arg8[%get3A_1552, %get3A_1553] {strides = array<i32>} : memref<64x128xf32, #tpu.memory_space<vmem>>, vector<1x16xf32>,
        %get3A_1555 = vector.shape_cast %get3A_1554 : vector<1x16xf32> to vector<16xf32>
        %mul3A_1556 = vector.broadcast %squeeze3A_1547 : f32 to vector<16xf32>
        %mul3A_1557 = arith.mulf %get3A_1555, %mul3A_1556 : vector<16xf32>
        %swap3A_1558 = arith.index_cast %add3A_1551 : i32 to index
        %swap3A_1559 = arith.constant 0 : index
        %swap3A_1560 = tpu.vector_load %arg8[%swap3A_1558, %swap3A_1559] {strides = array<i32>} : memref<64x128xf32, #tpu.memory_space<vmem>>, vector<1x16xf32>,
        %swap3A_1561 = vector.shape_cast %swap3A_1560 : vector<1x16xf32> to vector<16xf32>
        %swap3A_1562 = vector.shape_cast %mul3A_1557 : vector<16xf32> to vector<1x16xf32>
        tpu.vector_store %arg8[%swap3A_1558, %swap3A_1559], %swap3A_1562 {strides = array<i32>} : memref<64x128xf32, #tpu.memory_space<vmem>>, vector<1x16xf32>,
        %get3A_1563 = arith.index_cast %add3A_1551 : i32 to index
        %get3A_1564 = arith.constant 16 : index
        %get3A_1565 = tpu.vector_load %arg8[%get3A_1563, %get3A_1564] {strides = array<i32>} : memref<64x128xf32, #tpu.memory_space<vmem>>, vector<1x16xf32>,
        %get3A_1566 = vector.shape_cast %get3A_1565 : vector<1x16xf32> to vector<16xf32>
        %mul3A_1567 = vector.broadcast %squeeze3A_1547 : f32 to vector<16xf32>
        %mul3A_1568 = arith.mulf %get3A_1566, %mul3A_1567 : vector<16xf32>
        %swap3A_1569 = arith.index_cast %add3A_1551 : i32 to index
        %swap3A_1570 = arith.constant 16 : index
        %swap3A_1571 = tpu.vector_load %arg8[%swap3A_1569, %swap3A_1570] {strides = array<i32>} : memref<64x128xf32, #tpu.memory_space<vmem>>, vector<1x16xf32>,
        %swap3A_1572 = vector.shape_cast %swap3A_1571 : vector<1x16xf32> to vector<16xf32>
        %swap3A_1573 = vector.shape_cast %mul3A_1568 : vector<16xf32> to vector<1x16xf32>
        tpu.vector_store %arg8[%swap3A_1569, %swap3A_1570], %swap3A_1573 {strides = array<i32>} : memref<64x128xf32, #tpu.memory_space<vmem>>, vector<1x16xf32>,
        %get3A_1574 = arith.index_cast %add3A_1551 : i32 to index
        %get3A_1575 = arith.constant 32 : index
        %get3A_1576 = tpu.vector_load %arg8[%get3A_1574, %get3A_1575] {strides = array<i32>} : memref<64x128xf32, #tpu.memory_space<vmem>>, vector<1x16xf32>,
        %get3A_1577 = vector.shape_cast %get3A_1576 : vector<1x16xf32> to vector<16xf32>
        %mul3A_1578 = vector.broadcast %squeeze3A_1547 : f32 to vector<16xf32>
        %mul3A_1579 = arith.mulf %get3A_1577, %mul3A_1578 : vector<16xf32>
        %swap3A_1580 = arith.index_cast %add3A_1551 : i32 to index
        %swap3A_1581 = arith.constant 32 : index
        %swap3A_1582 = tpu.vector_load %arg8[%swap3A_1580, %swap3A_1581] {strides = array<i32>} : memref<64x128xf32, #tpu.memory_space<vmem>>, vector<1x16xf32>,
        %swap3A_1583 = vector.shape_cast %swap3A_1582 : vector<1x16xf32> to vector<16xf32>
        %swap3A_1584 = vector.shape_cast %mul3A_1579 : vector<16xf32> to vector<1x16xf32>
        tpu.vector_store %arg8[%swap3A_1580, %swap3A_1581], %swap3A_1584 {strides = array<i32>} : memref<64x128xf32, #tpu.memory_space<vmem>>, vector<1x16xf32>,
        %get3A_1585 = arith.index_cast %add3A_1551 : i32 to index
        %get3A_1586 = arith.constant 48 : index
        %get3A_1587 = tpu.vector_load %arg8[%get3A_1585, %get3A_1586] {strides = array<i32>} : memref<64x128xf32, #tpu.memory_space<vmem>>, vector<1x16xf32>,
        %get3A_1588 = vector.shape_cast %get3A_1587 : vector<1x16xf32> to vector<16xf32>
        %mul3A_1589 = vector.broadcast %squeeze3A_1547 : f32 to vector<16xf32>
        %mul3A_1590 = arith.mulf %get3A_1588, %mul3A_1589 : vector<16xf32>
        %swap3A_1591 = arith.index_cast %add3A_1551 : i32 to index
        %swap3A_1592 = arith.constant 48 : index
        %swap3A_1593 = tpu.vector_load %arg8[%swap3A_1591, %swap3A_1592] {strides = array<i32>} : memref<64x128xf32, #tpu.memory_space<vmem>>, vector<1x16xf32>,
        %swap3A_1594 = vector.shape_cast %swap3A_1593 : vector<1x16xf32> to vector<16xf32>
        %swap3A_1595 = vector.shape_cast %mul3A_1590 : vector<16xf32> to vector<1x16xf32>
        tpu.vector_store %arg8[%swap3A_1591, %swap3A_1592], %swap3A_1595 {strides = array<i32>} : memref<64x128xf32, #tpu.memory_space<vmem>>, vector<1x16xf32>,
        %get3A_1596 = arith.index_cast %add3A_1551 : i32 to index
        %get3A_1597 = arith.constant 64 : index
        %get3A_1598 = tpu.vector_load %arg8[%get3A_1596, %get3A_1597] {strides = array<i32>} : memref<64x128xf32, #tpu.memory_space<vmem>>, vector<1x16xf32>,
        %get3A_1599 = vector.shape_cast %get3A_1598 : vector<1x16xf32> to vector<16xf32>
        %mul3A_1600 = vector.broadcast %squeeze3A_1547 : f32 to vector<16xf32>
        %mul3A_1601 = arith.mulf %get3A_1599, %mul3A_1600 : vector<16xf32>
        %swap3A_1602 = arith.index_cast %add3A_1551 : i32 to index
        %swap3A_1603 = arith.constant 64 : index
        %swap3A_1604 = tpu.vector_load %arg8[%swap3A_1602, %swap3A_1603] {strides = array<i32>} : memref<64x128xf32, #tpu.memory_space<vmem>>, vector<1x16xf32>,
        %swap3A_1605 = vector.shape_cast %swap3A_1604 : vector<1x16xf32> to vector<16xf32>
        %swap3A_1606 = vector.shape_cast %mul3A_1601 : vector<16xf32> to vector<1x16xf32>
        tpu.vector_store %arg8[%swap3A_1602, %swap3A_1603], %swap3A_1606 {strides = array<i32>} : memref<64x128xf32, #tpu.memory_space<vmem>>, vector<1x16xf32>,
        %get3A_1607 = arith.index_cast %add3A_1551 : i32 to index
        %get3A_1608 = arith.constant 80 : index
        %get3A_1609 = tpu.vector_load %arg8[%get3A_1607, %get3A_1608] {strides = array<i32>} : memref<64x128xf32, #tpu.memory_space<vmem>>, vector<1x16xf32>,
        %get3A_1610 = vector.shape_cast %get3A_1609 : vector<1x16xf32> to vector<16xf32>
        %mul3A_1611 = vector.broadcast %squeeze3A_1547 : f32 to vector<16xf32>
        %mul3A_1612 = arith.mulf %get3A_1610, %mul3A_1611 : vector<16xf32>
        %swap3A_1613 = arith.index_cast %add3A_1551 : i32 to index
        %swap3A_1614 = arith.constant 80 : index
        %swap3A_1615 = tpu.vector_load %arg8[%swap3A_1613, %swap3A_1614] {strides = array<i32>} : memref<64x128xf32, #tpu.memory_space<vmem>>, vector<1x16xf32>,
        %swap3A_1616 = vector.shape_cast %swap3A_1615 : vector<1x16xf32> to vector<16xf32>
        %swap3A_1617 = vector.shape_cast %mul3A_1612 : vector<16xf32> to vector<1x16xf32>
        tpu.vector_store %arg8[%swap3A_1613, %swap3A_1614], %swap3A_1617 {strides = array<i32>} : memref<64x128xf32, #tpu.memory_space<vmem>>, vector<1x16xf32>,
        %get3A_1618 = arith.index_cast %add3A_1551 : i32 to index
        %get3A_1619 = arith.constant 96 : index
        %get3A_1620 = tpu.vector_load %arg8[%get3A_1618, %get3A_1619] {strides = array<i32>} : memref<64x128xf32, #tpu.memory_space<vmem>>, vector<1x16xf32>,
        %get3A_1621 = vector.shape_cast %get3A_1620 : vector<1x16xf32> to vector<16xf32>
        %mul3A_1622 = vector.broadcast %squeeze3A_1547 : f32 to vector<16xf32>
        %mul3A_1623 = arith.mulf %get3A_1621, %mul3A_1622 : vector<16xf32>
        %swap3A_1624 = arith.index_cast %add3A_1551 : i32 to index
        %swap3A_1625 = arith.constant 96 : index
        %swap3A_1626 = tpu.vector_load %arg8[%swap3A_1624, %swap3A_1625] {strides = array<i32>} : memref<64x128xf32, #tpu.memory_space<vmem>>, vector<1x16xf32>,
        %swap3A_1627 = vector.shape_cast %swap3A_1626 : vector<1x16xf32> to vector<16xf32>
        %swap3A_1628 = vector.shape_cast %mul3A_1623 : vector<16xf32> to vector<1x16xf32>
        tpu.vector_store %arg8[%swap3A_1624, %swap3A_1625], %swap3A_1628 {strides = array<i32>} : memref<64x128xf32, #tpu.memory_space<vmem>>, vector<1x16xf32>,
        %get3A_1629 = arith.index_cast %add3A_1551 : i32 to index
        %get3A_1630 = arith.constant 112 : index
        %get3A_1631 = tpu.vector_load %arg8[%get3A_1629, %get3A_1630] {strides = array<i32>} : memref<64x128xf32, #tpu.memory_space<vmem>>, vector<1x16xf32>,
        %get3A_1632 = vector.shape_cast %get3A_1631 : vector<1x16xf32> to vector<16xf32>
        %mul3A_1633 = vector.broadcast %squeeze3A_1547 : f32 to vector<16xf32>
        %mul3A_1634 = arith.mulf %get3A_1632, %mul3A_1633 : vector<16xf32>
        %swap3A_1635 = arith.index_cast %add3A_1551 : i32 to index
        %swap3A_1636 = arith.constant 112 : index
        %swap3A_1637 = tpu.vector_load %arg8[%swap3A_1635, %swap3A_1636] {strides = array<i32>} : memref<64x128xf32, #tpu.memory_space<vmem>>, vector<1x16xf32>,
        %swap3A_1638 = vector.shape_cast %swap3A_1637 : vector<1x16xf32> to vector<16xf32>
        %swap3A_1639 = vector.shape_cast %mul3A_1634 : vector<16xf32> to vector<1x16xf32>
        tpu.vector_store %arg8[%swap3A_1635, %swap3A_1636], %swap3A_1639 {strides = array<i32>} : memref<64x128xf32, #tpu.memory_space<vmem>>, vector<1x16xf32>,
      }
      %scan3A_84 = arith.constant 4 : i32
      %dma_start3A_85 = arith.constant 0 : i32
      %dma_start3A_86 = arith.constant 0 : i32
      %dma_start3A_87 = tpu.memref_slice %arg10[%dma_start3A_85, %dma_start3A_86] : memref<10240x128xf32, #tpu.memory_space<vmem_shared>> -> memref<10240x128xf32, #tpu.memory_space<vmem_shared>>
      tpu.enqueue_indirect_dma source(%arg8 : memref<64x128xf32, #tpu.memory_space<vmem>>) target(%dma_start3A_87 : memref<10240x128xf32, #tpu.memory_space<vmem_shared>>) offsets(%arg15 : memref<64xi32, #tpu.memory_space<vmem>>) semaphore(%arg13 : memref<!tpu.dma_semaphore, #tpu.memory_space<semaphore_mem>>) {add = true}
      %add3A_88 = arith.constant 1 : i32
      %add3A_89 = arith.addi %add3A_46, %add3A_88 : i32
      %dma_wait3A_90 = arith.constant 0 : i32
      %dma_wait3A_91 = tpu.memref_slice %arg7[%add3A_89, %dma_wait3A_90] : memref<160x64xi32, #tpu.memory_space<vmem>> -> memref<1x64xi32, #tpu.memory_space<vmem>>
      %dma_wait3A_92 = tpu.memref_squeeze %dma_wait3A_91 : memref<1x64xi32, #tpu.memory_space<vmem>> -> memref<64xi32, #tpu.memory_space<vmem>>
      %dma_wait3A_93 = arith.constant 0 : i32
      %dma_wait3A_94 = arith.constant 0 : i32
      %dma_wait3A_95 = tpu.memref_slice %arg2[%dma_wait3A_93, %dma_wait3A_94] : memref<10000x128xf32, #tpu.memory_space<hbm>> -> memref<10000x128xf32, #tpu.memory_space<hbm>>
      tpu.wait_indirect_dma semaphore(%arg12 : memref<!tpu.dma_semaphore, #tpu.memory_space<semaphore_mem>>) src(%dma_wait3A_95 : memref<10000x128xf32, #tpu.memory_space<hbm>>) dst(%arg9 : memref<64x128xf32, #tpu.memory_space<vmem>>)
      %add3A_96 = arith.addi %mul3A_2, %add3A_89 : i32
      %dma_wait3A_97 = arith.constant 0 : i32
      %dma_wait3A_98 = tpu.memref_slice %arg4[%add3A_96, %dma_wait3A_97] : memref<5120x64xi32, #tpu.memory_space<hbm>> -> memref<1x64xi32, #tpu.memory_space<hbm>>
      %dma_wait3A_99 = tpu.memref_squeeze %dma_wait3A_98 : memref<1x64xi32, #tpu.memory_space<hbm>> -> memref<64xi32, #tpu.memory_space<hbm>>
      %dma_wait3A_100 = arith.constant 0 : i32
      %dma_wait3A_101 = tpu.memref_slice %arg4[%add3A_96, %dma_wait3A_100] : memref<5120x64xi32, #tpu.memory_space<hbm>> -> memref<1x64xi32, #tpu.memory_space<hbm>>
      %dma_wait3A_102 = tpu.memref_squeeze %dma_wait3A_101 : memref<1x64xi32, #tpu.memory_space<hbm>> -> memref<64xi32, #tpu.memory_space<hbm>>
      tpu.wait_dma2 semaphore(%arg18 : memref<!tpu.dma_semaphore, #tpu.memory_space<semaphore_mem>>) src(%dma_wait3A_102 : memref<64xi32, #tpu.memory_space<hbm>>) dst(%arg16 : memref<64xi32, #tpu.memory_space<vmem>>)
      %add3A_103 = arith.addi %mul3A_2, %add3A_89 : i32
      %dma_wait3A_104 = arith.constant 0 : i32
      %dma_wait3A_105 = tpu.memref_slice %arg5[%add3A_103, %dma_wait3A_104] : memref<5120x64xf32, #tpu.memory_space<hbm>> -> memref<1x64xf32, #tpu.memory_space<hbm>>
      %dma_wait3A_106 = tpu.memref_squeeze %dma_wait3A_105 : memref<1x64xf32, #tpu.memory_space<hbm>> -> memref<64xf32, #tpu.memory_space<hbm>>
      %dma_wait3A_107 = arith.constant 0 : i32
      %dma_wait3A_108 = tpu.memref_slice %arg5[%add3A_103, %dma_wait3A_107] : memref<5120x64xf32, #tpu.memory_space<hbm>> -> memref<1x64xf32, #tpu.memory_space<hbm>>
      %dma_wait3A_109 = tpu.memref_squeeze %dma_wait3A_108 : memref<1x64xf32, #tpu.memory_space<hbm>> -> memref<64xf32, #tpu.memory_space<hbm>>
      tpu.wait_dma2 semaphore(%arg22 : memref<!tpu.dma_semaphore, #tpu.memory_space<semaphore_mem>>) src(%dma_wait3A_109 : memref<64xf32, #tpu.memory_space<hbm>>) dst(%arg20 : memref<64xf32, #tpu.memory_space<vmem>>)
      %ge3A_110 = arith.constant 1 : i32
      %ge3A_111 = arith.cmpi sge, %add3A_89, %ge3A_110 : i32
      %convert_element_type3A_112 = arith.extui %ge3A_111 : i1 to i32
      %cond3A_113 = arith.constant 0 : i32
      %cond3A_114 = arith.cmpi ne, %convert_element_type3A_112, %cond3A_113 : i32
      scf.if %cond3A_114 {
        %dma_wait3A_130 = arith.constant 0 : i32
        %dma_wait3A_131 = arith.constant 0 : i32
        %dma_wait3A_132 = tpu.memref_slice %arg10[%dma_wait3A_130, %dma_wait3A_131] : memref<10240x128xf32, #tpu.memory_space<vmem_shared>> -> memref<10240x128xf32, #tpu.memory_space<vmem_shared>>
        tpu.wait_indirect_dma semaphore(%arg13 : memref<!tpu.dma_semaphore, #tpu.memory_space<semaphore_mem>>) src(%arg8 : memref<64x128xf32, #tpu.memory_space<vmem>>) dst(%dma_wait3A_132 : memref<10240x128xf32, #tpu.memory_space<vmem_shared>>)
      } else {
      }
      %add3A_115 = arith.constant 1 : i32
      %add3A_116 = arith.addi %add3A_89, %add3A_115 : i32
      %lt3A_117 = arith.constant 160 : i32
      %lt3A_118 = arith.cmpi slt, %add3A_116, %lt3A_117 : i32
      %convert_element_type3A_119 = arith.extui %lt3A_118 : i1 to i32
      %cond3A_120 = arith.constant 0 : i32
      %cond3A_121 = arith.cmpi ne, %convert_element_type3A_119, %cond3A_120 : i32
      scf.if %cond3A_121 {
        %add3A_130 = arith.constant 1 : i32
        %add3A_131 = arith.addi %add3A_89, %add3A_130 : i32
        %dma_start3A_132 = arith.constant 0 : i32
        %dma_start3A_133 = tpu.memref_slice %arg7[%add3A_131, %dma_start3A_132] : memref<160x64xi32, #tpu.memory_space<vmem>> -> memref<1x64xi32, #tpu.memory_space<vmem>>
        %dma_start3A_134 = tpu.memref_squeeze %dma_start3A_133 : memref<1x64xi32, #tpu.memory_space<vmem>> -> memref<64xi32, #tpu.memory_space<vmem>>
        %dma_start3A_135 = arith.constant 0 : i32
        %dma_start3A_136 = arith.constant 0 : i32
        %dma_start3A_137 = tpu.memref_slice %arg2[%dma_start3A_135, %dma_start3A_136] : memref<10000x128xf32, #tpu.memory_space<hbm>> -> memref<10000x128xf32, #tpu.memory_space<hbm>>
        tpu.enqueue_indirect_dma source(%dma_start3A_137 : memref<10000x128xf32, #tpu.memory_space<hbm>>) target(%arg8 : memref<64x128xf32, #tpu.memory_space<vmem>>) offsets(%dma_start3A_134 : memref<64xi32, #tpu.memory_space<vmem>>) semaphore(%arg11 : memref<!tpu.dma_semaphore, #tpu.memory_space<semaphore_mem>>)
        %add3A_138 = arith.addi %mul3A_2, %add3A_131 : i32
        %dma_start3A_139 = arith.constant 0 : i32
        %dma_start3A_140 = tpu.memref_slice %arg4[%add3A_138, %dma_start3A_139] : memref<5120x64xi32, #tpu.memory_space<hbm>> -> memref<1x64xi32, #tpu.memory_space<hbm>>
        %dma_start3A_141 = tpu.memref_squeeze %dma_start3A_140 : memref<1x64xi32, #tpu.memory_space<hbm>> -> memref<64xi32, #tpu.memory_space<hbm>>
        %dma_start3A_142 = arith.constant 0 : i32
        %dma_start3A_143 = tpu.memref_slice %arg4[%add3A_138, %dma_start3A_142] : memref<5120x64xi32, #tpu.memory_space<hbm>> -> memref<1x64xi32, #tpu.memory_space<hbm>>
        %dma_start3A_144 = tpu.memref_squeeze %dma_start3A_143 : memref<1x64xi32, #tpu.memory_space<hbm>> -> memref<64xi32, #tpu.memory_space<hbm>>
        tpu.enqueue_dma source(%dma_start3A_144 : memref<64xi32, #tpu.memory_space<hbm>>) target(%arg15 : memref<64xi32, #tpu.memory_space<vmem>>) target_semaphore(%arg17 : memref<!tpu.dma_semaphore, #tpu.memory_space<semaphore_mem>>)
        %add3A_145 = arith.addi %mul3A_2, %add3A_131 : i32
        %dma_start3A_146 = arith.constant 0 : i32
        %dma_start3A_147 = tpu.memref_slice %arg5[%add3A_145, %dma_start3A_146] : memref<5120x64xf32, #tpu.memory_space<hbm>> -> memref<1x64xf32, #tpu.memory_space<hbm>>
        %dma_start3A_148 = tpu.memref_squeeze %dma_start3A_147 : memref<1x64xf32, #tpu.memory_space<hbm>> -> memref<64xf32, #tpu.memory_space<hbm>>
        %dma_start3A_149 = arith.constant 0 : i32
        %dma_start3A_150 = tpu.memref_slice %arg5[%add3A_145, %dma_start3A_149] : memref<5120x64xf32, #tpu.memory_space<hbm>> -> memref<1x64xf32, #tpu.memory_space<hbm>>
        %dma_start3A_151 = tpu.memref_squeeze %dma_start3A_150 : memref<1x64xf32, #tpu.memory_space<hbm>> -> memref<64xf32, #tpu.memory_space<hbm>>
        tpu.enqueue_dma source(%dma_start3A_151 : memref<64xf32, #tpu.memory_space<hbm>>) target(%arg19 : memref<64xf32, #tpu.memory_space<vmem>>) target_semaphore(%arg21 : memref<!tpu.dma_semaphore, #tpu.memory_space<semaphore_mem>>)
      } else {
      }
      %scan3A_122 = arith.constant 0 : i32
      %scan3A_123 = arith.constant 4 : i32
      %scan3A_124 = arith.addi %scan3A_122, %scan3A_123 : i32
      %scan3A_125 = arith.constant 1 : i32
      scf.for %scan3A_130 = %scan3A_122 to %scan3A_124 step %scan3A_125  : i32 {
        %mul3A_131 = arith.constant 1 : i32
        %mul3A_132 = arith.muli %scan3A_130, %mul3A_131 : i32
        %add3A_133 = arith.constant 0 : i32
        %add3A_134 = arith.addi %add3A_133, %mul3A_132 : i32
        %mul3A_135 = arith.constant 16 : i32
        %mul3A_136 = arith.muli %add3A_134, %mul3A_135 : i32
        %get3A = arith.index_cast %mul3A_136 : i32 to index
        %get3A_137 = tpu.vector_load %arg20[%get3A] {strides = array<i32>} : memref<64xf32, #tpu.memory_space<vmem>>, vector<16xf32>,
        %get3A_138 = vector.shape_cast %get3A_137 : vector<16xf32> to vector<16xf32>
        %slice3A = vector.extract_strided_slice %get3A_138 {offsets = [0], sizes = [1], strides = [1]} : vector<16xf32> to vector<1xf32>
        %squeeze3A = vector.extract %slice3A[0] : f32 from vector<1xf32>
        %mul3A_139 = arith.constant 16 : i32
        %mul3A_140 = arith.muli %add3A_134, %mul3A_139 : i32
        %add3A_141 = arith.constant 0 : i32
        %add3A_142 = arith.addi %mul3A_140, %add3A_141 : i32
        %get3A_143 = arith.index_cast %add3A_142 : i32 to index
        %get3A_144 = arith.constant 0 : index
        %get3A_145 = tpu.vector_load %arg9[%get3A_143, %get3A_144] {strides = array<i32>} : memref<64x128xf32, #tpu.memory_space<vmem>>, vector<1x16xf32>,
        %get3A_146 = vector.shape_cast %get3A_145 : vector<1x16xf32> to vector<16xf32>
        %mul3A_147 = vector.broadcast %squeeze3A : f32 to vector<16xf32>
        %mul3A_148 = arith.mulf %get3A_146, %mul3A_147 : vector<16xf32>
        %swap3A = arith.index_cast %add3A_142 : i32 to index
        %swap3A_149 = arith.constant 0 : index
        %swap3A_150 = tpu.vector_load %arg9[%swap3A, %swap3A_149] {strides = array<i32>} : memref<64x128xf32, #tpu.memory_space<vmem>>, vector<1x16xf32>,
        %swap3A_151 = vector.shape_cast %swap3A_150 : vector<1x16xf32> to vector<16xf32>
        %swap3A_152 = vector.shape_cast %mul3A_148 : vector<16xf32> to vector<1x16xf32>
        tpu.vector_store %arg9[%swap3A, %swap3A_149], %swap3A_152 {strides = array<i32>} : memref<64x128xf32, #tpu.memory_space<vmem>>, vector<1x16xf32>,
        %get3A_153 = arith.index_cast %add3A_142 : i32 to index
        %get3A_154 = arith.constant 16 : index
        %get3A_155 = tpu.vector_load %arg9[%get3A_153, %get3A_154] {strides = array<i32>} : memref<64x128xf32, #tpu.memory_space<vmem>>, vector<1x16xf32>,
        %get3A_156 = vector.shape_cast %get3A_155 : vector<1x16xf32> to vector<16xf32>
        %mul3A_157 = vector.broadcast %squeeze3A : f32 to vector<16xf32>
        %mul3A_158 = arith.mulf %get3A_156, %mul3A_157 : vector<16xf32>
        %swap3A_159 = arith.index_cast %add3A_142 : i32 to index
        %swap3A_160 = arith.constant 16 : index
        %swap3A_161 = tpu.vector_load %arg9[%swap3A_159, %swap3A_160] {strides = array<i32>} : memref<64x128xf32, #tpu.memory_space<vmem>>, vector<1x16xf32>,
        %swap3A_162 = vector.shape_cast %swap3A_161 : vector<1x16xf32> to vector<16xf32>
        %swap3A_163 = vector.shape_cast %mul3A_158 : vector<16xf32> to vector<1x16xf32>
        tpu.vector_store %arg9[%swap3A_159, %swap3A_160], %swap3A_163 {strides = array<i32>} : memref<64x128xf32, #tpu.memory_space<vmem>>, vector<1x16xf32>,
        %get3A_164 = arith.index_cast %add3A_142 : i32 to index
        %get3A_165 = arith.constant 32 : index
        %get3A_166 = tpu.vector_load %arg9[%get3A_164, %get3A_165] {strides = array<i32>} : memref<64x128xf32, #tpu.memory_space<vmem>>, vector<1x16xf32>,
        %get3A_167 = vector.shape_cast %get3A_166 : vector<1x16xf32> to vector<16xf32>
        %mul3A_168 = vector.broadcast %squeeze3A : f32 to vector<16xf32>
        %mul3A_169 = arith.mulf %get3A_167, %mul3A_168 : vector<16xf32>
        %swap3A_170 = arith.index_cast %add3A_142 : i32 to index
        %swap3A_171 = arith.constant 32 : index
        %swap3A_172 = tpu.vector_load %arg9[%swap3A_170, %swap3A_171] {strides = array<i32>} : memref<64x128xf32, #tpu.memory_space<vmem>>, vector<1x16xf32>,
        %swap3A_173 = vector.shape_cast %swap3A_172 : vector<1x16xf32> to vector<16xf32>
        %swap3A_174 = vector.shape_cast %mul3A_169 : vector<16xf32> to vector<1x16xf32>
        tpu.vector_store %arg9[%swap3A_170, %swap3A_171], %swap3A_174 {strides = array<i32>} : memref<64x128xf32, #tpu.memory_space<vmem>>, vector<1x16xf32>,
        %get3A_175 = arith.index_cast %add3A_142 : i32 to index
        %get3A_176 = arith.constant 48 : index
        %get3A_177 = tpu.vector_load %arg9[%get3A_175, %get3A_176] {strides = array<i32>} : memref<64x128xf32, #tpu.memory_space<vmem>>, vector<1x16xf32>,
        %get3A_178 = vector.shape_cast %get3A_177 : vector<1x16xf32> to vector<16xf32>
        %mul3A_179 = vector.broadcast %squeeze3A : f32 to vector<16xf32>
        %mul3A_180 = arith.mulf %get3A_178, %mul3A_179 : vector<16xf32>
        %swap3A_181 = arith.index_cast %add3A_142 : i32 to index
        %swap3A_182 = arith.constant 48 : index
        %swap3A_183 = tpu.vector_load %arg9[%swap3A_181, %swap3A_182] {strides = array<i32>} : memref<64x128xf32, #tpu.memory_space<vmem>>, vector<1x16xf32>,
        %swap3A_184 = vector.shape_cast %swap3A_183 : vector<1x16xf32> to vector<16xf32>
        %swap3A_185 = vector.shape_cast %mul3A_180 : vector<16xf32> to vector<1x16xf32>
        tpu.vector_store %arg9[%swap3A_181, %swap3A_182], %swap3A_185 {strides = array<i32>} : memref<64x128xf32, #tpu.memory_space<vmem>>, vector<1x16xf32>,
        %get3A_186 = arith.index_cast %add3A_142 : i32 to index
        %get3A_187 = arith.constant 64 : index
        %get3A_188 = tpu.vector_load %arg9[%get3A_186, %get3A_187] {strides = array<i32>} : memref<64x128xf32, #tpu.memory_space<vmem>>, vector<1x16xf32>,
        %get3A_189 = vector.shape_cast %get3A_188 : vector<1x16xf32> to vector<16xf32>
        %mul3A_190 = vector.broadcast %squeeze3A : f32 to vector<16xf32>
        %mul3A_191 = arith.mulf %get3A_189, %mul3A_190 : vector<16xf32>
        %swap3A_192 = arith.index_cast %add3A_142 : i32 to index
        %swap3A_193 = arith.constant 64 : index
        %swap3A_194 = tpu.vector_load %arg9[%swap3A_192, %swap3A_193] {strides = array<i32>} : memref<64x128xf32, #tpu.memory_space<vmem>>, vector<1x16xf32>,
        %swap3A_195 = vector.shape_cast %swap3A_194 : vector<1x16xf32> to vector<16xf32>
        %swap3A_196 = vector.shape_cast %mul3A_191 : vector<16xf32> to vector<1x16xf32>
        tpu.vector_store %arg9[%swap3A_192, %swap3A_193], %swap3A_196 {strides = array<i32>} : memref<64x128xf32, #tpu.memory_space<vmem>>, vector<1x16xf32>,
        %get3A_197 = arith.index_cast %add3A_142 : i32 to index
        %get3A_198 = arith.constant 80 : index
        %get3A_199 = tpu.vector_load %arg9[%get3A_197, %get3A_198] {strides = array<i32>} : memref<64x128xf32, #tpu.memory_space<vmem>>, vector<1x16xf32>,
        %get3A_200 = vector.shape_cast %get3A_199 : vector<1x16xf32> to vector<16xf32>
        %mul3A_201 = vector.broadcast %squeeze3A : f32 to vector<16xf32>
        %mul3A_202 = arith.mulf %get3A_200, %mul3A_201 : vector<16xf32>
        %swap3A_203 = arith.index_cast %add3A_142 : i32 to index
        %swap3A_204 = arith.constant 80 : index
        %swap3A_205 = tpu.vector_load %arg9[%swap3A_203, %swap3A_204] {strides = array<i32>} : memref<64x128xf32, #tpu.memory_space<vmem>>, vector<1x16xf32>,
        %swap3A_206 = vector.shape_cast %swap3A_205 : vector<1x16xf32> to vector<16xf32>
        %swap3A_207 = vector.shape_cast %mul3A_202 : vector<16xf32> to vector<1x16xf32>
        tpu.vector_store %arg9[%swap3A_203, %swap3A_204], %swap3A_207 {strides = array<i32>} : memref<64x128xf32, #tpu.memory_space<vmem>>, vector<1x16xf32>,
        %get3A_208 = arith.index_cast %add3A_142 : i32 to index
        %get3A_209 = arith.constant 96 : index
        %get3A_210 = tpu.vector_load %arg9[%get3A_208, %get3A_209] {strides = array<i32>} : memref<64x128xf32, #tpu.memory_space<vmem>>, vector<1x16xf32>,
        %get3A_211 = vector.shape_cast %get3A_210 : vector<1x16xf32> to vector<16xf32>
        %mul3A_212 = vector.broadcast %squeeze3A : f32 to vector<16xf32>
        %mul3A_213 = arith.mulf %get3A_211, %mul3A_212 : vector<16xf32>
        %swap3A_214 = arith.index_cast %add3A_142 : i32 to index
        %swap3A_215 = arith.constant 96 : index
        %swap3A_216 = tpu.vector_load %arg9[%swap3A_214, %swap3A_215] {strides = array<i32>} : memref<64x128xf32, #tpu.memory_space<vmem>>, vector<1x16xf32>,
        %swap3A_217 = vector.shape_cast %swap3A_216 : vector<1x16xf32> to vector<16xf32>
        %swap3A_218 = vector.shape_cast %mul3A_213 : vector<16xf32> to vector<1x16xf32>
        tpu.vector_store %arg9[%swap3A_214, %swap3A_215], %swap3A_218 {strides = array<i32>} : memref<64x128xf32, #tpu.memory_space<vmem>>, vector<1x16xf32>,
        %get3A_219 = arith.index_cast %add3A_142 : i32 to index
        %get3A_220 = arith.constant 112 : index
        %get3A_221 = tpu.vector_load %arg9[%get3A_219, %get3A_220] {strides = array<i32>} : memref<64x128xf32, #tpu.memory_space<vmem>>, vector<1x16xf32>,
        %get3A_222 = vector.shape_cast %get3A_221 : vector<1x16xf32> to vector<16xf32>
        %mul3A_223 = vector.broadcast %squeeze3A : f32 to vector<16xf32>
        %mul3A_224 = arith.mulf %get3A_222, %mul3A_223 : vector<16xf32>
        %swap3A_225 = arith.index_cast %add3A_142 : i32 to index
        %swap3A_226 = arith.constant 112 : index
        %swap3A_227 = tpu.vector_load %arg9[%swap3A_225, %swap3A_226] {strides = array<i32>} : memref<64x128xf32, #tpu.memory_space<vmem>>, vector<1x16xf32>,
        %swap3A_228 = vector.shape_cast %swap3A_227 : vector<1x16xf32> to vector<16xf32>
        %swap3A_229 = vector.shape_cast %mul3A_224 : vector<16xf32> to vector<1x16xf32>
        tpu.vector_store %arg9[%swap3A_225, %swap3A_226], %swap3A_229 {strides = array<i32>} : memref<64x128xf32, #tpu.memory_space<vmem>>, vector<1x16xf32>,
        %slice3A_230 = vector.extract_strided_slice %get3A_138 {offsets = [1], sizes = [1], strides = [1]} : vector<16xf32> to vector<1xf32>
        %squeeze3A_231 = vector.extract %slice3A_230[0] : f32 from vector<1xf32>
        %mul3A_232 = arith.constant 16 : i32
        %mul3A_233 = arith.muli %add3A_134, %mul3A_232 : i32
        %add3A_234 = arith.constant 1 : i32
        %add3A_235 = arith.addi %mul3A_233, %add3A_234 : i32
        %get3A_236 = arith.index_cast %add3A_235 : i32 to index
        %get3A_237 = arith.constant 0 : index
        %get3A_238 = tpu.vector_load %arg9[%get3A_236, %get3A_237] {strides = array<i32>} : memref<64x128xf32, #tpu.memory_space<vmem>>, vector<1x16xf32>,
        %get3A_239 = vector.shape_cast %get3A_238 : vector<1x16xf32> to vector<16xf32>
        %mul3A_240 = vector.broadcast %squeeze3A_231 : f32 to vector<16xf32>
        %mul3A_241 = arith.mulf %get3A_239, %mul3A_240 : vector<16xf32>
        %swap3A_242 = arith.index_cast %add3A_235 : i32 to index
        %swap3A_243 = arith.constant 0 : index
        %swap3A_244 = tpu.vector_load %arg9[%swap3A_242, %swap3A_243] {strides = array<i32>} : memref<64x128xf32, #tpu.memory_space<vmem>>, vector<1x16xf32>,
        %swap3A_245 = vector.shape_cast %swap3A_244 : vector<1x16xf32> to vector<16xf32>
        %swap3A_246 = vector.shape_cast %mul3A_241 : vector<16xf32> to vector<1x16xf32>
        tpu.vector_store %arg9[%swap3A_242, %swap3A_243], %swap3A_246 {strides = array<i32>} : memref<64x128xf32, #tpu.memory_space<vmem>>, vector<1x16xf32>,
        %get3A_247 = arith.index_cast %add3A_235 : i32 to index
        %get3A_248 = arith.constant 16 : index
        %get3A_249 = tpu.vector_load %arg9[%get3A_247, %get3A_248] {strides = array<i32>} : memref<64x128xf32, #tpu.memory_space<vmem>>, vector<1x16xf32>,
        %get3A_250 = vector.shape_cast %get3A_249 : vector<1x16xf32> to vector<16xf32>
        %mul3A_251 = vector.broadcast %squeeze3A_231 : f32 to vector<16xf32>
        %mul3A_252 = arith.mulf %get3A_250, %mul3A_251 : vector<16xf32>
        %swap3A_253 = arith.index_cast %add3A_235 : i32 to index
        %swap3A_254 = arith.constant 16 : index
        %swap3A_255 = tpu.vector_load %arg9[%swap3A_253, %swap3A_254] {strides = array<i32>} : memref<64x128xf32, #tpu.memory_space<vmem>>, vector<1x16xf32>,
        %swap3A_256 = vector.shape_cast %swap3A_255 : vector<1x16xf32> to vector<16xf32>
        %swap3A_257 = vector.shape_cast %mul3A_252 : vector<16xf32> to vector<1x16xf32>
        tpu.vector_store %arg9[%swap3A_253, %swap3A_254], %swap3A_257 {strides = array<i32>} : memref<64x128xf32, #tpu.memory_space<vmem>>, vector<1x16xf32>,
        %get3A_258 = arith.index_cast %add3A_235 : i32 to index
        %get3A_259 = arith.constant 32 : index
        %get3A_260 = tpu.vector_load %arg9[%get3A_258, %get3A_259] {strides = array<i32>} : memref<64x128xf32, #tpu.memory_space<vmem>>, vector<1x16xf32>,
        %get3A_261 = vector.shape_cast %get3A_260 : vector<1x16xf32> to vector<16xf32>
        %mul3A_262 = vector.broadcast %squeeze3A_231 : f32 to vector<16xf32>
        %mul3A_263 = arith.mulf %get3A_261, %mul3A_262 : vector<16xf32>
        %swap3A_264 = arith.index_cast %add3A_235 : i32 to index
        %swap3A_265 = arith.constant 32 : index
        %swap3A_266 = tpu.vector_load %arg9[%swap3A_264, %swap3A_265] {strides = array<i32>} : memref<64x128xf32, #tpu.memory_space<vmem>>, vector<1x16xf32>,
        %swap3A_267 = vector.shape_cast %swap3A_266 : vector<1x16xf32> to vector<16xf32>
        %swap3A_268 = vector.shape_cast %mul3A_263 : vector<16xf32> to vector<1x16xf32>
        tpu.vector_store %arg9[%swap3A_264, %swap3A_265], %swap3A_268 {strides = array<i32>} : memref<64x128xf32, #tpu.memory_space<vmem>>, vector<1x16xf32>,
        %get3A_269 = arith.index_cast %add3A_235 : i32 to index
        %get3A_270 = arith.constant 48 : index
        %get3A_271 = tpu.vector_load %arg9[%get3A_269, %get3A_270] {strides = array<i32>} : memref<64x128xf32, #tpu.memory_space<vmem>>, vector<1x16xf32>,
        %get3A_272 = vector.shape_cast %get3A_271 : vector<1x16xf32> to vector<16xf32>
        %mul3A_273 = vector.broadcast %squeeze3A_231 : f32 to vector<16xf32>
        %mul3A_274 = arith.mulf %get3A_272, %mul3A_273 : vector<16xf32>
        %swap3A_275 = arith.index_cast %add3A_235 : i32 to index
        %swap3A_276 = arith.constant 48 : index
        %swap3A_277 = tpu.vector_load %arg9[%swap3A_275, %swap3A_276] {strides = array<i32>} : memref<64x128xf32, #tpu.memory_space<vmem>>, vector<1x16xf32>,
        %swap3A_278 = vector.shape_cast %swap3A_277 : vector<1x16xf32> to vector<16xf32>
        %swap3A_279 = vector.shape_cast %mul3A_274 : vector<16xf32> to vector<1x16xf32>
        tpu.vector_store %arg9[%swap3A_275, %swap3A_276], %swap3A_279 {strides = array<i32>} : memref<64x128xf32, #tpu.memory_space<vmem>>, vector<1x16xf32>,
        %get3A_280 = arith.index_cast %add3A_235 : i32 to index
        %get3A_281 = arith.constant 64 : index
        %get3A_282 = tpu.vector_load %arg9[%get3A_280, %get3A_281] {strides = array<i32>} : memref<64x128xf32, #tpu.memory_space<vmem>>, vector<1x16xf32>,
        %get3A_283 = vector.shape_cast %get3A_282 : vector<1x16xf32> to vector<16xf32>
        %mul3A_284 = vector.broadcast %squeeze3A_231 : f32 to vector<16xf32>
        %mul3A_285 = arith.mulf %get3A_283, %mul3A_284 : vector<16xf32>
        %swap3A_286 = arith.index_cast %add3A_235 : i32 to index
        %swap3A_287 = arith.constant 64 : index
        %swap3A_288 = tpu.vector_load %arg9[%swap3A_286, %swap3A_287] {strides = array<i32>} : memref<64x128xf32, #tpu.memory_space<vmem>>, vector<1x16xf32>,
        %swap3A_289 = vector.shape_cast %swap3A_288 : vector<1x16xf32> to vector<16xf32>
        %swap3A_290 = vector.shape_cast %mul3A_285 : vector<16xf32> to vector<1x16xf32>
        tpu.vector_store %arg9[%swap3A_286, %swap3A_287], %swap3A_290 {strides = array<i32>} : memref<64x128xf32, #tpu.memory_space<vmem>>, vector<1x16xf32>,
        %get3A_291 = arith.index_cast %add3A_235 : i32 to index
        %get3A_292 = arith.constant 80 : index
        %get3A_293 = tpu.vector_load %arg9[%get3A_291, %get3A_292] {strides = array<i32>} : memref<64x128xf32, #tpu.memory_space<vmem>>, vector<1x16xf32>,
        %get3A_294 = vector.shape_cast %get3A_293 : vector<1x16xf32> to vector<16xf32>
        %mul3A_295 = vector.broadcast %squeeze3A_231 : f32 to vector<16xf32>
        %mul3A_296 = arith.mulf %get3A_294, %mul3A_295 : vector<16xf32>
        %swap3A_297 = arith.index_cast %add3A_235 : i32 to index
        %swap3A_298 = arith.constant 80 : index
        %swap3A_299 = tpu.vector_load %arg9[%swap3A_297, %swap3A_298] {strides = array<i32>} : memref<64x128xf32, #tpu.memory_space<vmem>>, vector<1x16xf32>,
        %swap3A_300 = vector.shape_cast %swap3A_299 : vector<1x16xf32> to vector<16xf32>
        %swap3A_301 = vector.shape_cast %mul3A_296 : vector<16xf32> to vector<1x16xf32>
        tpu.vector_store %arg9[%swap3A_297, %swap3A_298], %swap3A_301 {strides = array<i32>} : memref<64x128xf32, #tpu.memory_space<vmem>>, vector<1x16xf32>,
        %get3A_302 = arith.index_cast %add3A_235 : i32 to index
        %get3A_303 = arith.constant 96 : index
        %get3A_304 = tpu.vector_load %arg9[%get3A_302, %get3A_303] {strides = array<i32>} : memref<64x128xf32, #tpu.memory_space<vmem>>, vector<1x16xf32>,
        %get3A_305 = vector.shape_cast %get3A_304 : vector<1x16xf32> to vector<16xf32>
        %mul3A_306 = vector.broadcast %squeeze3A_231 : f32 to vector<16xf32>
        %mul3A_307 = arith.mulf %get3A_305, %mul3A_306 : vector<16xf32>
        %swap3A_308 = arith.index_cast %add3A_235 : i32 to index
        %swap3A_309 = arith.constant 96 : index
        %swap3A_310 = tpu.vector_load %arg9[%swap3A_308, %swap3A_309] {strides = array<i32>} : memref<64x128xf32, #tpu.memory_space<vmem>>, vector<1x16xf32>,
        %swap3A_311 = vector.shape_cast %swap3A_310 : vector<1x16xf32> to vector<16xf32>
        %swap3A_312 = vector.shape_cast %mul3A_307 : vector<16xf32> to vector<1x16xf32>
        tpu.vector_store %arg9[%swap3A_308, %swap3A_309], %swap3A_312 {strides = array<i32>} : memref<64x128xf32, #tpu.memory_space<vmem>>, vector<1x16xf32>,
        %get3A_313 = arith.index_cast %add3A_235 : i32 to index
        %get3A_314 = arith.constant 112 : index
        %get3A_315 = tpu.vector_load %arg9[%get3A_313, %get3A_314] {strides = array<i32>} : memref<64x128xf32, #tpu.memory_space<vmem>>, vector<1x16xf32>,
        %get3A_316 = vector.shape_cast %get3A_315 : vector<1x16xf32> to vector<16xf32>
        %mul3A_317 = vector.broadcast %squeeze3A_231 : f32 to vector<16xf32>
        %mul3A_318 = arith.mulf %get3A_316, %mul3A_317 : vector<16xf32>
        %swap3A_319 = arith.index_cast %add3A_235 : i32 to index
        %swap3A_320 = arith.constant 112 : index
        %swap3A_321 = tpu.vector_load %arg9[%swap3A_319, %swap3A_320] {strides = array<i32>} : memref<64x128xf32, #tpu.memory_space<vmem>>, vector<1x16xf32>,
        %swap3A_322 = vector.shape_cast %swap3A_321 : vector<1x16xf32> to vector<16xf32>
        %swap3A_323 = vector.shape_cast %mul3A_318 : vector<16xf32> to vector<1x16xf32>
        tpu.vector_store %arg9[%swap3A_319, %swap3A_320], %swap3A_323 {strides = array<i32>} : memref<64x128xf32, #tpu.memory_space<vmem>>, vector<1x16xf32>,
        %slice3A_324 = vector.extract_strided_slice %get3A_138 {offsets = [2], sizes = [1], strides = [1]} : vector<16xf32> to vector<1xf32>
        %squeeze3A_325 = vector.extract %slice3A_324[0] : f32 from vector<1xf32>
        %mul3A_326 = arith.constant 16 : i32
        %mul3A_327 = arith.muli %add3A_134, %mul3A_326 : i32
        %add3A_328 = arith.constant 2 : i32
        %add3A_329 = arith.addi %mul3A_327, %add3A_328 : i32
        %get3A_330 = arith.index_cast %add3A_329 : i32 to index
        %get3A_331 = arith.constant 0 : index
        %get3A_332 = tpu.vector_load %arg9[%get3A_330, %get3A_331] {strides = array<i32>} : memref<64x128xf32, #tpu.memory_space<vmem>>, vector<1x16xf32>,
        %get3A_333 = vector.shape_cast %get3A_332 : vector<1x16xf32> to vector<16xf32>
        %mul3A_334 = vector.broadcast %squeeze3A_325 : f32 to vector<16xf32>
        %mul3A_335 = arith.mulf %get3A_333, %mul3A_334 : vector<16xf32>
        %swap3A_336 = arith.index_cast %add3A_329 : i32 to index
        %swap3A_337 = arith.constant 0 : index
        %swap3A_338 = tpu.vector_load %arg9[%swap3A_336, %swap3A_337] {strides = array<i32>} : memref<64x128xf32, #tpu.memory_space<vmem>>, vector<1x16xf32>,
        %swap3A_339 = vector.shape_cast %swap3A_338 : vector<1x16xf32> to vector<16xf32>
        %swap3A_340 = vector.shape_cast %mul3A_335 : vector<16xf32> to vector<1x16xf32>
        tpu.vector_store %arg9[%swap3A_336, %swap3A_337], %swap3A_340 {strides = array<i32>} : memref<64x128xf32, #tpu.memory_space<vmem>>, vector<1x16xf32>,
        %get3A_341 = arith.index_cast %add3A_329 : i32 to index
        %get3A_342 = arith.constant 16 : index
        %get3A_343 = tpu.vector_load %arg9[%get3A_341, %get3A_342] {strides = array<i32>} : memref<64x128xf32, #tpu.memory_space<vmem>>, vector<1x16xf32>,
        %get3A_344 = vector.shape_cast %get3A_343 : vector<1x16xf32> to vector<16xf32>
        %mul3A_345 = vector.broadcast %squeeze3A_325 : f32 to vector<16xf32>
        %mul3A_346 = arith.mulf %get3A_344, %mul3A_345 : vector<16xf32>
        %swap3A_347 = arith.index_cast %add3A_329 : i32 to index
        %swap3A_348 = arith.constant 16 : index
        %swap3A_349 = tpu.vector_load %arg9[%swap3A_347, %swap3A_348] {strides = array<i32>} : memref<64x128xf32, #tpu.memory_space<vmem>>, vector<1x16xf32>,
        %swap3A_350 = vector.shape_cast %swap3A_349 : vector<1x16xf32> to vector<16xf32>
        %swap3A_351 = vector.shape_cast %mul3A_346 : vector<16xf32> to vector<1x16xf32>
        tpu.vector_store %arg9[%swap3A_347, %swap3A_348], %swap3A_351 {strides = array<i32>} : memref<64x128xf32, #tpu.memory_space<vmem>>, vector<1x16xf32>,
        %get3A_352 = arith.index_cast %add3A_329 : i32 to index
        %get3A_353 = arith.constant 32 : index
        %get3A_354 = tpu.vector_load %arg9[%get3A_352, %get3A_353] {strides = array<i32>} : memref<64x128xf32, #tpu.memory_space<vmem>>, vector<1x16xf32>,
        %get3A_355 = vector.shape_cast %get3A_354 : vector<1x16xf32> to vector<16xf32>
        %mul3A_356 = vector.broadcast %squeeze3A_325 : f32 to vector<16xf32>
        %mul3A_357 = arith.mulf %get3A_355, %mul3A_356 : vector<16xf32>
        %swap3A_358 = arith.index_cast %add3A_329 : i32 to index
        %swap3A_359 = arith.constant 32 : index
        %swap3A_360 = tpu.vector_load %arg9[%swap3A_358, %swap3A_359] {strides = array<i32>} : memref<64x128xf32, #tpu.memory_space<vmem>>, vector<1x16xf32>,
        %swap3A_361 = vector.shape_cast %swap3A_360 : vector<1x16xf32> to vector<16xf32>
        %swap3A_362 = vector.shape_cast %mul3A_357 : vector<16xf32> to vector<1x16xf32>
        tpu.vector_store %arg9[%swap3A_358, %swap3A_359], %swap3A_362 {strides = array<i32>} : memref<64x128xf32, #tpu.memory_space<vmem>>, vector<1x16xf32>,
        %get3A_363 = arith.index_cast %add3A_329 : i32 to index
        %get3A_364 = arith.constant 48 : index
        %get3A_365 = tpu.vector_load %arg9[%get3A_363, %get3A_364] {strides = array<i32>} : memref<64x128xf32, #tpu.memory_space<vmem>>, vector<1x16xf32>,
        %get3A_366 = vector.shape_cast %get3A_365 : vector<1x16xf32> to vector<16xf32>
        %mul3A_367 = vector.broadcast %squeeze3A_325 : f32 to vector<16xf32>
        %mul3A_368 = arith.mulf %get3A_366, %mul3A_367 : vector<16xf32>
        %swap3A_369 = arith.index_cast %add3A_329 : i32 to index
        %swap3A_370 = arith.constant 48 : index
        %swap3A_371 = tpu.vector_load %arg9[%swap3A_369, %swap3A_370] {strides = array<i32>} : memref<64x128xf32, #tpu.memory_space<vmem>>, vector<1x16xf32>,
        %swap3A_372 = vector.shape_cast %swap3A_371 : vector<1x16xf32> to vector<16xf32>
        %swap3A_373 = vector.shape_cast %mul3A_368 : vector<16xf32> to vector<1x16xf32>
        tpu.vector_store %arg9[%swap3A_369, %swap3A_370], %swap3A_373 {strides = array<i32>} : memref<64x128xf32, #tpu.memory_space<vmem>>, vector<1x16xf32>,
        %get3A_374 = arith.index_cast %add3A_329 : i32 to index
        %get3A_375 = arith.constant 64 : index
        %get3A_376 = tpu.vector_load %arg9[%get3A_374, %get3A_375] {strides = array<i32>} : memref<64x128xf32, #tpu.memory_space<vmem>>, vector<1x16xf32>,
        %get3A_377 = vector.shape_cast %get3A_376 : vector<1x16xf32> to vector<16xf32>
        %mul3A_378 = vector.broadcast %squeeze3A_325 : f32 to vector<16xf32>
        %mul3A_379 = arith.mulf %get3A_377, %mul3A_378 : vector<16xf32>
        %swap3A_380 = arith.index_cast %add3A_329 : i32 to index
        %swap3A_381 = arith.constant 64 : index
        %swap3A_382 = tpu.vector_load %arg9[%swap3A_380, %swap3A_381] {strides = array<i32>} : memref<64x128xf32, #tpu.memory_space<vmem>>, vector<1x16xf32>,
        %swap3A_383 = vector.shape_cast %swap3A_382 : vector<1x16xf32> to vector<16xf32>
        %swap3A_384 = vector.shape_cast %mul3A_379 : vector<16xf32> to vector<1x16xf32>
        tpu.vector_store %arg9[%swap3A_380, %swap3A_381], %swap3A_384 {strides = array<i32>} : memref<64x128xf32, #tpu.memory_space<vmem>>, vector<1x16xf32>,
        %get3A_385 = arith.index_cast %add3A_329 : i32 to index
        %get3A_386 = arith.constant 80 : index
        %get3A_387 = tpu.vector_load %arg9[%get3A_385, %get3A_386] {strides = array<i32>} : memref<64x128xf32, #tpu.memory_space<vmem>>, vector<1x16xf32>,
        %get3A_388 = vector.shape_cast %get3A_387 : vector<1x16xf32> to vector<16xf32>
        %mul3A_389 = vector.broadcast %squeeze3A_325 : f32 to vector<16xf32>
        %mul3A_390 = arith.mulf %get3A_388, %mul3A_389 : vector<16xf32>
        %swap3A_391 = arith.index_cast %add3A_329 : i32 to index
        %swap3A_392 = arith.constant 80 : index
        %swap3A_393 = tpu.vector_load %arg9[%swap3A_391, %swap3A_392] {strides = array<i32>} : memref<64x128xf32, #tpu.memory_space<vmem>>, vector<1x16xf32>,
        %swap3A_394 = vector.shape_cast %swap3A_393 : vector<1x16xf32> to vector<16xf32>
        %swap3A_395 = vector.shape_cast %mul3A_390 : vector<16xf32> to vector<1x16xf32>
        tpu.vector_store %arg9[%swap3A_391, %swap3A_392], %swap3A_395 {strides = array<i32>} : memref<64x128xf32, #tpu.memory_space<vmem>>, vector<1x16xf32>,
        %get3A_396 = arith.index_cast %add3A_329 : i32 to index
        %get3A_397 = arith.constant 96 : index
        %get3A_398 = tpu.vector_load %arg9[%get3A_396, %get3A_397] {strides = array<i32>} : memref<64x128xf32, #tpu.memory_space<vmem>>, vector<1x16xf32>,
        %get3A_399 = vector.shape_cast %get3A_398 : vector<1x16xf32> to vector<16xf32>
        %mul3A_400 = vector.broadcast %squeeze3A_325 : f32 to vector<16xf32>
        %mul3A_401 = arith.mulf %get3A_399, %mul3A_400 : vector<16xf32>
        %swap3A_402 = arith.index_cast %add3A_329 : i32 to index
        %swap3A_403 = arith.constant 96 : index
        %swap3A_404 = tpu.vector_load %arg9[%swap3A_402, %swap3A_403] {strides = array<i32>} : memref<64x128xf32, #tpu.memory_space<vmem>>, vector<1x16xf32>,
        %swap3A_405 = vector.shape_cast %swap3A_404 : vector<1x16xf32> to vector<16xf32>
        %swap3A_406 = vector.shape_cast %mul3A_401 : vector<16xf32> to vector<1x16xf32>
        tpu.vector_store %arg9[%swap3A_402, %swap3A_403], %swap3A_406 {strides = array<i32>} : memref<64x128xf32, #tpu.memory_space<vmem>>, vector<1x16xf32>,
        %get3A_407 = arith.index_cast %add3A_329 : i32 to index
        %get3A_408 = arith.constant 112 : index
        %get3A_409 = tpu.vector_load %arg9[%get3A_407, %get3A_408] {strides = array<i32>} : memref<64x128xf32, #tpu.memory_space<vmem>>, vector<1x16xf32>,
        %get3A_410 = vector.shape_cast %get3A_409 : vector<1x16xf32> to vector<16xf32>
        %mul3A_411 = vector.broadcast %squeeze3A_325 : f32 to vector<16xf32>
        %mul3A_412 = arith.mulf %get3A_410, %mul3A_411 : vector<16xf32>
        %swap3A_413 = arith.index_cast %add3A_329 : i32 to index
        %swap3A_414 = arith.constant 112 : index
        %swap3A_415 = tpu.vector_load %arg9[%swap3A_413, %swap3A_414] {strides = array<i32>} : memref<64x128xf32, #tpu.memory_space<vmem>>, vector<1x16xf32>,
        %swap3A_416 = vector.shape_cast %swap3A_415 : vector<1x16xf32> to vector<16xf32>
        %swap3A_417 = vector.shape_cast %mul3A_412 : vector<16xf32> to vector<1x16xf32>
        tpu.vector_store %arg9[%swap3A_413, %swap3A_414], %swap3A_417 {strides = array<i32>} : memref<64x128xf32, #tpu.memory_space<vmem>>, vector<1x16xf32>,
        %slice3A_418 = vector.extract_strided_slice %get3A_138 {offsets = [3], sizes = [1], strides = [1]} : vector<16xf32> to vector<1xf32>
        %squeeze3A_419 = vector.extract %slice3A_418[0] : f32 from vector<1xf32>
        %mul3A_420 = arith.constant 16 : i32
        %mul3A_421 = arith.muli %add3A_134, %mul3A_420 : i32
        %add3A_422 = arith.constant 3 : i32
        %add3A_423 = arith.addi %mul3A_421, %add3A_422 : i32
        %get3A_424 = arith.index_cast %add3A_423 : i32 to index
        %get3A_425 = arith.constant 0 : index
        %get3A_426 = tpu.vector_load %arg9[%get3A_424, %get3A_425] {strides = array<i32>} : memref<64x128xf32, #tpu.memory_space<vmem>>, vector<1x16xf32>,
        %get3A_427 = vector.shape_cast %get3A_426 : vector<1x16xf32> to vector<16xf32>
        %mul3A_428 = vector.broadcast %squeeze3A_419 : f32 to vector<16xf32>
        %mul3A_429 = arith.mulf %get3A_427, %mul3A_428 : vector<16xf32>
        %swap3A_430 = arith.index_cast %add3A_423 : i32 to index
        %swap3A_431 = arith.constant 0 : index
        %swap3A_432 = tpu.vector_load %arg9[%swap3A_430, %swap3A_431] {strides = array<i32>} : memref<64x128xf32, #tpu.memory_space<vmem>>, vector<1x16xf32>,
        %swap3A_433 = vector.shape_cast %swap3A_432 : vector<1x16xf32> to vector<16xf32>
        %swap3A_434 = vector.shape_cast %mul3A_429 : vector<16xf32> to vector<1x16xf32>
        tpu.vector_store %arg9[%swap3A_430, %swap3A_431], %swap3A_434 {strides = array<i32>} : memref<64x128xf32, #tpu.memory_space<vmem>>, vector<1x16xf32>,
        %get3A_435 = arith.index_cast %add3A_423 : i32 to index
        %get3A_436 = arith.constant 16 : index
        %get3A_437 = tpu.vector_load %arg9[%get3A_435, %get3A_436] {strides = array<i32>} : memref<64x128xf32, #tpu.memory_space<vmem>>, vector<1x16xf32>,
        %get3A_438 = vector.shape_cast %get3A_437 : vector<1x16xf32> to vector<16xf32>
        %mul3A_439 = vector.broadcast %squeeze3A_419 : f32 to vector<16xf32>
        %mul3A_440 = arith.mulf %get3A_438, %mul3A_439 : vector<16xf32>
        %swap3A_441 = arith.index_cast %add3A_423 : i32 to index
        %swap3A_442 = arith.constant 16 : index
        %swap3A_443 = tpu.vector_load %arg9[%swap3A_441, %swap3A_442] {strides = array<i32>} : memref<64x128xf32, #tpu.memory_space<vmem>>, vector<1x16xf32>,
        %swap3A_444 = vector.shape_cast %swap3A_443 : vector<1x16xf32> to vector<16xf32>
        %swap3A_445 = vector.shape_cast %mul3A_440 : vector<16xf32> to vector<1x16xf32>
        tpu.vector_store %arg9[%swap3A_441, %swap3A_442], %swap3A_445 {strides = array<i32>} : memref<64x128xf32, #tpu.memory_space<vmem>>, vector<1x16xf32>,
        %get3A_446 = arith.index_cast %add3A_423 : i32 to index
        %get3A_447 = arith.constant 32 : index
        %get3A_448 = tpu.vector_load %arg9[%get3A_446, %get3A_447] {strides = array<i32>} : memref<64x128xf32, #tpu.memory_space<vmem>>, vector<1x16xf32>,
        %get3A_449 = vector.shape_cast %get3A_448 : vector<1x16xf32> to vector<16xf32>
        %mul3A_450 = vector.broadcast %squeeze3A_419 : f32 to vector<16xf32>
        %mul3A_451 = arith.mulf %get3A_449, %mul3A_450 : vector<16xf32>
        %swap3A_452 = arith.index_cast %add3A_423 : i32 to index
        %swap3A_453 = arith.constant 32 : index
        %swap3A_454 = tpu.vector_load %arg9[%swap3A_452, %swap3A_453] {strides = array<i32>} : memref<64x128xf32, #tpu.memory_space<vmem>>, vector<1x16xf32>,
        %swap3A_455 = vector.shape_cast %swap3A_454 : vector<1x16xf32> to vector<16xf32>
        %swap3A_456 = vector.shape_cast %mul3A_451 : vector<16xf32> to vector<1x16xf32>
        tpu.vector_store %arg9[%swap3A_452, %swap3A_453], %swap3A_456 {strides = array<i32>} : memref<64x128xf32, #tpu.memory_space<vmem>>, vector<1x16xf32>,
        %get3A_457 = arith.index_cast %add3A_423 : i32 to index
        %get3A_458 = arith.constant 48 : index
        %get3A_459 = tpu.vector_load %arg9[%get3A_457, %get3A_458] {strides = array<i32>} : memref<64x128xf32, #tpu.memory_space<vmem>>, vector<1x16xf32>,
        %get3A_460 = vector.shape_cast %get3A_459 : vector<1x16xf32> to vector<16xf32>
        %mul3A_461 = vector.broadcast %squeeze3A_419 : f32 to vector<16xf32>
        %mul3A_462 = arith.mulf %get3A_460, %mul3A_461 : vector<16xf32>
        %swap3A_463 = arith.index_cast %add3A_423 : i32 to index
        %swap3A_464 = arith.constant 48 : index
        %swap3A_465 = tpu.vector_load %arg9[%swap3A_463, %swap3A_464] {strides = array<i32>} : memref<64x128xf32, #tpu.memory_space<vmem>>, vector<1x16xf32>,
        %swap3A_466 = vector.shape_cast %swap3A_465 : vector<1x16xf32> to vector<16xf32>
        %swap3A_467 = vector.shape_cast %mul3A_462 : vector<16xf32> to vector<1x16xf32>
        tpu.vector_store %arg9[%swap3A_463, %swap3A_464], %swap3A_467 {strides = array<i32>} : memref<64x128xf32, #tpu.memory_space<vmem>>, vector<1x16xf32>,
        %get3A_468 = arith.index_cast %add3A_423 : i32 to index
        %get3A_469 = arith.constant 64 : index
        %get3A_470 = tpu.vector_load %arg9[%get3A_468, %get3A_469] {strides = array<i32>} : memref<64x128xf32, #tpu.memory_space<vmem>>, vector<1x16xf32>,
        %get3A_471 = vector.shape_cast %get3A_470 : vector<1x16xf32> to vector<16xf32>
        %mul3A_472 = vector.broadcast %squeeze3A_419 : f32 to vector<16xf32>
        %mul3A_473 = arith.mulf %get3A_471, %mul3A_472 : vector<16xf32>
        %swap3A_474 = arith.index_cast %add3A_423 : i32 to index
        %swap3A_475 = arith.constant 64 : index
        %swap3A_476 = tpu.vector_load %arg9[%swap3A_474, %swap3A_475] {strides = array<i32>} : memref<64x128xf32, #tpu.memory_space<vmem>>, vector<1x16xf32>,
        %swap3A_477 = vector.shape_cast %swap3A_476 : vector<1x16xf32> to vector<16xf32>
        %swap3A_478 = vector.shape_cast %mul3A_473 : vector<16xf32> to vector<1x16xf32>
        tpu.vector_store %arg9[%swap3A_474, %swap3A_475], %swap3A_478 {strides = array<i32>} : memref<64x128xf32, #tpu.memory_space<vmem>>, vector<1x16xf32>,
        %get3A_479 = arith.index_cast %add3A_423 : i32 to index
        %get3A_480 = arith.constant 80 : index
        %get3A_481 = tpu.vector_load %arg9[%get3A_479, %get3A_480] {strides = array<i32>} : memref<64x128xf32, #tpu.memory_space<vmem>>, vector<1x16xf32>,
        %get3A_482 = vector.shape_cast %get3A_481 : vector<1x16xf32> to vector<16xf32>
        %mul3A_483 = vector.broadcast %squeeze3A_419 : f32 to vector<16xf32>
        %mul3A_484 = arith.mulf %get3A_482, %mul3A_483 : vector<16xf32>
        %swap3A_485 = arith.index_cast %add3A_423 : i32 to index
        %swap3A_486 = arith.constant 80 : index
        %swap3A_487 = tpu.vector_load %arg9[%swap3A_485, %swap3A_486] {strides = array<i32>} : memref<64x128xf32, #tpu.memory_space<vmem>>, vector<1x16xf32>,
        %swap3A_488 = vector.shape_cast %swap3A_487 : vector<1x16xf32> to vector<16xf32>
        %swap3A_489 = vector.shape_cast %mul3A_484 : vector<16xf32> to vector<1x16xf32>
        tpu.vector_store %arg9[%swap3A_485, %swap3A_486], %swap3A_489 {strides = array<i32>} : memref<64x128xf32, #tpu.memory_space<vmem>>, vector<1x16xf32>,
        %get3A_490 = arith.index_cast %add3A_423 : i32 to index
        %get3A_491 = arith.constant 96 : index
        %get3A_492 = tpu.vector_load %arg9[%get3A_490, %get3A_491] {strides = array<i32>} : memref<64x128xf32, #tpu.memory_space<vmem>>, vector<1x16xf32>,
        %get3A_493 = vector.shape_cast %get3A_492 : vector<1x16xf32> to vector<16xf32>
        %mul3A_494 = vector.broadcast %squeeze3A_419 : f32 to vector<16xf32>
        %mul3A_495 = arith.mulf %get3A_493, %mul3A_494 : vector<16xf32>
        %swap3A_496 = arith.index_cast %add3A_423 : i32 to index
        %swap3A_497 = arith.constant 96 : index
        %swap3A_498 = tpu.vector_load %arg9[%swap3A_496, %swap3A_497] {strides = array<i32>} : memref<64x128xf32, #tpu.memory_space<vmem>>, vector<1x16xf32>,
        %swap3A_499 = vector.shape_cast %swap3A_498 : vector<1x16xf32> to vector<16xf32>
        %swap3A_500 = vector.shape_cast %mul3A_495 : vector<16xf32> to vector<1x16xf32>
        tpu.vector_store %arg9[%swap3A_496, %swap3A_497], %swap3A_500 {strides = array<i32>} : memref<64x128xf32, #tpu.memory_space<vmem>>, vector<1x16xf32>,
        %get3A_501 = arith.index_cast %add3A_423 : i32 to index
        %get3A_502 = arith.constant 112 : index
        %get3A_503 = tpu.vector_load %arg9[%get3A_501, %get3A_502] {strides = array<i32>} : memref<64x128xf32, #tpu.memory_space<vmem>>, vector<1x16xf32>,
        %get3A_504 = vector.shape_cast %get3A_503 : vector<1x16xf32> to vector<16xf32>
        %mul3A_505 = vector.broadcast %squeeze3A_419 : f32 to vector<16xf32>
        %mul3A_506 = arith.mulf %get3A_504, %mul3A_505 : vector<16xf32>
        %swap3A_507 = arith.index_cast %add3A_423 : i32 to index
        %swap3A_508 = arith.constant 112 : index
        %swap3A_509 = tpu.vector_load %arg9[%swap3A_507, %swap3A_508] {strides = array<i32>} : memref<64x128xf32, #tpu.memory_space<vmem>>, vector<1x16xf32>,
        %swap3A_510 = vector.shape_cast %swap3A_509 : vector<1x16xf32> to vector<16xf32>
        %swap3A_511 = vector.shape_cast %mul3A_506 : vector<16xf32> to vector<1x16xf32>
        tpu.vector_store %arg9[%swap3A_507, %swap3A_508], %swap3A_511 {strides = array<i32>} : memref<64x128xf32, #tpu.memory_space<vmem>>, vector<1x16xf32>,
        %slice3A_512 = vector.extract_strided_slice %get3A_138 {offsets = [4], sizes = [1], strides = [1]} : vector<16xf32> to vector<1xf32>
        %squeeze3A_513 = vector.extract %slice3A_512[0] : f32 from vector<1xf32>
        %mul3A_514 = arith.constant 16 : i32
        %mul3A_515 = arith.muli %add3A_134, %mul3A_514 : i32
        %add3A_516 = arith.constant 4 : i32
        %add3A_517 = arith.addi %mul3A_515, %add3A_516 : i32
        %get3A_518 = arith.index_cast %add3A_517 : i32 to index
        %get3A_519 = arith.constant 0 : index
        %get3A_520 = tpu.vector_load %arg9[%get3A_518, %get3A_519] {strides = array<i32>} : memref<64x128xf32, #tpu.memory_space<vmem>>, vector<1x16xf32>,
        %get3A_521 = vector.shape_cast %get3A_520 : vector<1x16xf32> to vector<16xf32>
        %mul3A_522 = vector.broadcast %squeeze3A_513 : f32 to vector<16xf32>
        %mul3A_523 = arith.mulf %get3A_521, %mul3A_522 : vector<16xf32>
        %swap3A_524 = arith.index_cast %add3A_517 : i32 to index
        %swap3A_525 = arith.constant 0 : index
        %swap3A_526 = tpu.vector_load %arg9[%swap3A_524, %swap3A_525] {strides = array<i32>} : memref<64x128xf32, #tpu.memory_space<vmem>>, vector<1x16xf32>,
        %swap3A_527 = vector.shape_cast %swap3A_526 : vector<1x16xf32> to vector<16xf32>
        %swap3A_528 = vector.shape_cast %mul3A_523 : vector<16xf32> to vector<1x16xf32>
        tpu.vector_store %arg9[%swap3A_524, %swap3A_525], %swap3A_528 {strides = array<i32>} : memref<64x128xf32, #tpu.memory_space<vmem>>, vector<1x16xf32>,
        %get3A_529 = arith.index_cast %add3A_517 : i32 to index
        %get3A_530 = arith.constant 16 : index
        %get3A_531 = tpu.vector_load %arg9[%get3A_529, %get3A_530] {strides = array<i32>} : memref<64x128xf32, #tpu.memory_space<vmem>>, vector<1x16xf32>,
        %get3A_532 = vector.shape_cast %get3A_531 : vector<1x16xf32> to vector<16xf32>
        %mul3A_533 = vector.broadcast %squeeze3A_513 : f32 to vector<16xf32>
        %mul3A_534 = arith.mulf %get3A_532, %mul3A_533 : vector<16xf32>
        %swap3A_535 = arith.index_cast %add3A_517 : i32 to index
        %swap3A_536 = arith.constant 16 : index
        %swap3A_537 = tpu.vector_load %arg9[%swap3A_535, %swap3A_536] {strides = array<i32>} : memref<64x128xf32, #tpu.memory_space<vmem>>, vector<1x16xf32>,
        %swap3A_538 = vector.shape_cast %swap3A_537 : vector<1x16xf32> to vector<16xf32>
        %swap3A_539 = vector.shape_cast %mul3A_534 : vector<16xf32> to vector<1x16xf32>
        tpu.vector_store %arg9[%swap3A_535, %swap3A_536], %swap3A_539 {strides = array<i32>} : memref<64x128xf32, #tpu.memory_space<vmem>>, vector<1x16xf32>,
        %get3A_540 = arith.index_cast %add3A_517 : i32 to index
        %get3A_541 = arith.constant 32 : index
        %get3A_542 = tpu.vector_load %arg9[%get3A_540, %get3A_541] {strides = array<i32>} : memref<64x128xf32, #tpu.memory_space<vmem>>, vector<1x16xf32>,
        %get3A_543 = vector.shape_cast %get3A_542 : vector<1x16xf32> to vector<16xf32>
        %mul3A_544 = vector.broadcast %squeeze3A_513 : f32 to vector<16xf32>
        %mul3A_545 = arith.mulf %get3A_543, %mul3A_544 : vector<16xf32>
        %swap3A_546 = arith.index_cast %add3A_517 : i32 to index
        %swap3A_547 = arith.constant 32 : index
        %swap3A_548 = tpu.vector_load %arg9[%swap3A_546, %swap3A_547] {strides = array<i32>} : memref<64x128xf32, #tpu.memory_space<vmem>>, vector<1x16xf32>,
        %swap3A_549 = vector.shape_cast %swap3A_548 : vector<1x16xf32> to vector<16xf32>
        %swap3A_550 = vector.shape_cast %mul3A_545 : vector<16xf32> to vector<1x16xf32>
        tpu.vector_store %arg9[%swap3A_546, %swap3A_547], %swap3A_550 {strides = array<i32>} : memref<64x128xf32, #tpu.memory_space<vmem>>, vector<1x16xf32>,
        %get3A_551 = arith.index_cast %add3A_517 : i32 to index
        %get3A_552 = arith.constant 48 : index
        %get3A_553 = tpu.vector_load %arg9[%get3A_551, %get3A_552] {strides = array<i32>} : memref<64x128xf32, #tpu.memory_space<vmem>>, vector<1x16xf32>,
        %get3A_554 = vector.shape_cast %get3A_553 : vector<1x16xf32> to vector<16xf32>
        %mul3A_555 = vector.broadcast %squeeze3A_513 : f32 to vector<16xf32>
        %mul3A_556 = arith.mulf %get3A_554, %mul3A_555 : vector<16xf32>
        %swap3A_557 = arith.index_cast %add3A_517 : i32 to index
        %swap3A_558 = arith.constant 48 : index
        %swap3A_559 = tpu.vector_load %arg9[%swap3A_557, %swap3A_558] {strides = array<i32>} : memref<64x128xf32, #tpu.memory_space<vmem>>, vector<1x16xf32>,
        %swap3A_560 = vector.shape_cast %swap3A_559 : vector<1x16xf32> to vector<16xf32>
        %swap3A_561 = vector.shape_cast %mul3A_556 : vector<16xf32> to vector<1x16xf32>
        tpu.vector_store %arg9[%swap3A_557, %swap3A_558], %swap3A_561 {strides = array<i32>} : memref<64x128xf32, #tpu.memory_space<vmem>>, vector<1x16xf32>,
        %get3A_562 = arith.index_cast %add3A_517 : i32 to index
        %get3A_563 = arith.constant 64 : index
        %get3A_564 = tpu.vector_load %arg9[%get3A_562, %get3A_563] {strides = array<i32>} : memref<64x128xf32, #tpu.memory_space<vmem>>, vector<1x16xf32>,
        %get3A_565 = vector.shape_cast %get3A_564 : vector<1x16xf32> to vector<16xf32>
        %mul3A_566 = vector.broadcast %squeeze3A_513 : f32 to vector<16xf32>
        %mul3A_567 = arith.mulf %get3A_565, %mul3A_566 : vector<16xf32>
        %swap3A_568 = arith.index_cast %add3A_517 : i32 to index
        %swap3A_569 = arith.constant 64 : index
        %swap3A_570 = tpu.vector_load %arg9[%swap3A_568, %swap3A_569] {strides = array<i32>} : memref<64x128xf32, #tpu.memory_space<vmem>>, vector<1x16xf32>,
        %swap3A_571 = vector.shape_cast %swap3A_570 : vector<1x16xf32> to vector<16xf32>
        %swap3A_572 = vector.shape_cast %mul3A_567 : vector<16xf32> to vector<1x16xf32>
        tpu.vector_store %arg9[%swap3A_568, %swap3A_569], %swap3A_572 {strides = array<i32>} : memref<64x128xf32, #tpu.memory_space<vmem>>, vector<1x16xf32>,
        %get3A_573 = arith.index_cast %add3A_517 : i32 to index
        %get3A_574 = arith.constant 80 : index
        %get3A_575 = tpu.vector_load %arg9[%get3A_573, %get3A_574] {strides = array<i32>} : memref<64x128xf32, #tpu.memory_space<vmem>>, vector<1x16xf32>,
        %get3A_576 = vector.shape_cast %get3A_575 : vector<1x16xf32> to vector<16xf32>
        %mul3A_577 = vector.broadcast %squeeze3A_513 : f32 to vector<16xf32>
        %mul3A_578 = arith.mulf %get3A_576, %mul3A_577 : vector<16xf32>
        %swap3A_579 = arith.index_cast %add3A_517 : i32 to index
        %swap3A_580 = arith.constant 80 : index
        %swap3A_581 = tpu.vector_load %arg9[%swap3A_579, %swap3A_580] {strides = array<i32>} : memref<64x128xf32, #tpu.memory_space<vmem>>, vector<1x16xf32>,
        %swap3A_582 = vector.shape_cast %swap3A_581 : vector<1x16xf32> to vector<16xf32>
        %swap3A_583 = vector.shape_cast %mul3A_578 : vector<16xf32> to vector<1x16xf32>
        tpu.vector_store %arg9[%swap3A_579, %swap3A_580], %swap3A_583 {strides = array<i32>} : memref<64x128xf32, #tpu.memory_space<vmem>>, vector<1x16xf32>,
        %get3A_584 = arith.index_cast %add3A_517 : i32 to index
        %get3A_585 = arith.constant 96 : index
        %get3A_586 = tpu.vector_load %arg9[%get3A_584, %get3A_585] {strides = array<i32>} : memref<64x128xf32, #tpu.memory_space<vmem>>, vector<1x16xf32>,
        %get3A_587 = vector.shape_cast %get3A_586 : vector<1x16xf32> to vector<16xf32>
        %mul3A_588 = vector.broadcast %squeeze3A_513 : f32 to vector<16xf32>
        %mul3A_589 = arith.mulf %get3A_587, %mul3A_588 : vector<16xf32>
        %swap3A_590 = arith.index_cast %add3A_517 : i32 to index
        %swap3A_591 = arith.constant 96 : index
        %swap3A_592 = tpu.vector_load %arg9[%swap3A_590, %swap3A_591] {strides = array<i32>} : memref<64x128xf32, #tpu.memory_space<vmem>>, vector<1x16xf32>,
        %swap3A_593 = vector.shape_cast %swap3A_592 : vector<1x16xf32> to vector<16xf32>
        %swap3A_594 = vector.shape_cast %mul3A_589 : vector<16xf32> to vector<1x16xf32>
        tpu.vector_store %arg9[%swap3A_590, %swap3A_591], %swap3A_594 {strides = array<i32>} : memref<64x128xf32, #tpu.memory_space<vmem>>, vector<1x16xf32>,
        %get3A_595 = arith.index_cast %add3A_517 : i32 to index
        %get3A_596 = arith.constant 112 : index
        %get3A_597 = tpu.vector_load %arg9[%get3A_595, %get3A_596] {strides = array<i32>} : memref<64x128xf32, #tpu.memory_space<vmem>>, vector<1x16xf32>,
        %get3A_598 = vector.shape_cast %get3A_597 : vector<1x16xf32> to vector<16xf32>
        %mul3A_599 = vector.broadcast %squeeze3A_513 : f32 to vector<16xf32>
        %mul3A_600 = arith.mulf %get3A_598, %mul3A_599 : vector<16xf32>
        %swap3A_601 = arith.index_cast %add3A_517 : i32 to index
        %swap3A_602 = arith.constant 112 : index
        %swap3A_603 = tpu.vector_load %arg9[%swap3A_601, %swap3A_602] {strides = array<i32>} : memref<64x128xf32, #tpu.memory_space<vmem>>, vector<1x16xf32>,
        %swap3A_604 = vector.shape_cast %swap3A_603 : vector<1x16xf32> to vector<16xf32>
        %swap3A_605 = vector.shape_cast %mul3A_600 : vector<16xf32> to vector<1x16xf32>
        tpu.vector_store %arg9[%swap3A_601, %swap3A_602], %swap3A_605 {strides = array<i32>} : memref<64x128xf32, #tpu.memory_space<vmem>>, vector<1x16xf32>,
        %slice3A_606 = vector.extract_strided_slice %get3A_138 {offsets = [5], sizes = [1], strides = [1]} : vector<16xf32> to vector<1xf32>
        %squeeze3A_607 = vector.extract %slice3A_606[0] : f32 from vector<1xf32>
        %mul3A_608 = arith.constant 16 : i32
        %mul3A_609 = arith.muli %add3A_134, %mul3A_608 : i32
        %add3A_610 = arith.constant 5 : i32
        %add3A_611 = arith.addi %mul3A_609, %add3A_610 : i32
        %get3A_612 = arith.index_cast %add3A_611 : i32 to index
        %get3A_613 = arith.constant 0 : index
        %get3A_614 = tpu.vector_load %arg9[%get3A_612, %get3A_613] {strides = array<i32>} : memref<64x128xf32, #tpu.memory_space<vmem>>, vector<1x16xf32>,
        %get3A_615 = vector.shape_cast %get3A_614 : vector<1x16xf32> to vector<16xf32>
        %mul3A_616 = vector.broadcast %squeeze3A_607 : f32 to vector<16xf32>
        %mul3A_617 = arith.mulf %get3A_615, %mul3A_616 : vector<16xf32>
        %swap3A_618 = arith.index_cast %add3A_611 : i32 to index
        %swap3A_619 = arith.constant 0 : index
        %swap3A_620 = tpu.vector_load %arg9[%swap3A_618, %swap3A_619] {strides = array<i32>} : memref<64x128xf32, #tpu.memory_space<vmem>>, vector<1x16xf32>,
        %swap3A_621 = vector.shape_cast %swap3A_620 : vector<1x16xf32> to vector<16xf32>
        %swap3A_622 = vector.shape_cast %mul3A_617 : vector<16xf32> to vector<1x16xf32>
        tpu.vector_store %arg9[%swap3A_618, %swap3A_619], %swap3A_622 {strides = array<i32>} : memref<64x128xf32, #tpu.memory_space<vmem>>, vector<1x16xf32>,
        %get3A_623 = arith.index_cast %add3A_611 : i32 to index
        %get3A_624 = arith.constant 16 : index
        %get3A_625 = tpu.vector_load %arg9[%get3A_623, %get3A_624] {strides = array<i32>} : memref<64x128xf32, #tpu.memory_space<vmem>>, vector<1x16xf32>,
        %get3A_626 = vector.shape_cast %get3A_625 : vector<1x16xf32> to vector<16xf32>
        %mul3A_627 = vector.broadcast %squeeze3A_607 : f32 to vector<16xf32>
        %mul3A_628 = arith.mulf %get3A_626, %mul3A_627 : vector<16xf32>
        %swap3A_629 = arith.index_cast %add3A_611 : i32 to index
        %swap3A_630 = arith.constant 16 : index
        %swap3A_631 = tpu.vector_load %arg9[%swap3A_629, %swap3A_630] {strides = array<i32>} : memref<64x128xf32, #tpu.memory_space<vmem>>, vector<1x16xf32>,
        %swap3A_632 = vector.shape_cast %swap3A_631 : vector<1x16xf32> to vector<16xf32>
        %swap3A_633 = vector.shape_cast %mul3A_628 : vector<16xf32> to vector<1x16xf32>
        tpu.vector_store %arg9[%swap3A_629, %swap3A_630], %swap3A_633 {strides = array<i32>} : memref<64x128xf32, #tpu.memory_space<vmem>>, vector<1x16xf32>,
        %get3A_634 = arith.index_cast %add3A_611 : i32 to index
        %get3A_635 = arith.constant 32 : index
        %get3A_636 = tpu.vector_load %arg9[%get3A_634, %get3A_635] {strides = array<i32>} : memref<64x128xf32, #tpu.memory_space<vmem>>, vector<1x16xf32>,
        %get3A_637 = vector.shape_cast %get3A_636 : vector<1x16xf32> to vector<16xf32>
        %mul3A_638 = vector.broadcast %squeeze3A_607 : f32 to vector<16xf32>
        %mul3A_639 = arith.mulf %get3A_637, %mul3A_638 : vector<16xf32>
        %swap3A_640 = arith.index_cast %add3A_611 : i32 to index
        %swap3A_641 = arith.constant 32 : index
        %swap3A_642 = tpu.vector_load %arg9[%swap3A_640, %swap3A_641] {strides = array<i32>} : memref<64x128xf32, #tpu.memory_space<vmem>>, vector<1x16xf32>,
        %swap3A_643 = vector.shape_cast %swap3A_642 : vector<1x16xf32> to vector<16xf32>
        %swap3A_644 = vector.shape_cast %mul3A_639 : vector<16xf32> to vector<1x16xf32>
        tpu.vector_store %arg9[%swap3A_640, %swap3A_641], %swap3A_644 {strides = array<i32>} : memref<64x128xf32, #tpu.memory_space<vmem>>, vector<1x16xf32>,
        %get3A_645 = arith.index_cast %add3A_611 : i32 to index
        %get3A_646 = arith.constant 48 : index
        %get3A_647 = tpu.vector_load %arg9[%get3A_645, %get3A_646] {strides = array<i32>} : memref<64x128xf32, #tpu.memory_space<vmem>>, vector<1x16xf32>,
        %get3A_648 = vector.shape_cast %get3A_647 : vector<1x16xf32> to vector<16xf32>
        %mul3A_649 = vector.broadcast %squeeze3A_607 : f32 to vector<16xf32>
        %mul3A_650 = arith.mulf %get3A_648, %mul3A_649 : vector<16xf32>
        %swap3A_651 = arith.index_cast %add3A_611 : i32 to index
        %swap3A_652 = arith.constant 48 : index
        %swap3A_653 = tpu.vector_load %arg9[%swap3A_651, %swap3A_652] {strides = array<i32>} : memref<64x128xf32, #tpu.memory_space<vmem>>, vector<1x16xf32>,
        %swap3A_654 = vector.shape_cast %swap3A_653 : vector<1x16xf32> to vector<16xf32>
        %swap3A_655 = vector.shape_cast %mul3A_650 : vector<16xf32> to vector<1x16xf32>
        tpu.vector_store %arg9[%swap3A_651, %swap3A_652], %swap3A_655 {strides = array<i32>} : memref<64x128xf32, #tpu.memory_space<vmem>>, vector<1x16xf32>,
        %get3A_656 = arith.index_cast %add3A_611 : i32 to index
        %get3A_657 = arith.constant 64 : index
        %get3A_658 = tpu.vector_load %arg9[%get3A_656, %get3A_657] {strides = array<i32>} : memref<64x128xf32, #tpu.memory_space<vmem>>, vector<1x16xf32>,
        %get3A_659 = vector.shape_cast %get3A_658 : vector<1x16xf32> to vector<16xf32>
        %mul3A_660 = vector.broadcast %squeeze3A_607 : f32 to vector<16xf32>
        %mul3A_661 = arith.mulf %get3A_659, %mul3A_660 : vector<16xf32>
        %swap3A_662 = arith.index_cast %add3A_611 : i32 to index
        %swap3A_663 = arith.constant 64 : index
        %swap3A_664 = tpu.vector_load %arg9[%swap3A_662, %swap3A_663] {strides = array<i32>} : memref<64x128xf32, #tpu.memory_space<vmem>>, vector<1x16xf32>,
        %swap3A_665 = vector.shape_cast %swap3A_664 : vector<1x16xf32> to vector<16xf32>
        %swap3A_666 = vector.shape_cast %mul3A_661 : vector<16xf32> to vector<1x16xf32>
        tpu.vector_store %arg9[%swap3A_662, %swap3A_663], %swap3A_666 {strides = array<i32>} : memref<64x128xf32, #tpu.memory_space<vmem>>, vector<1x16xf32>,
        %get3A_667 = arith.index_cast %add3A_611 : i32 to index
        %get3A_668 = arith.constant 80 : index
        %get3A_669 = tpu.vector_load %arg9[%get3A_667, %get3A_668] {strides = array<i32>} : memref<64x128xf32, #tpu.memory_space<vmem>>, vector<1x16xf32>,
        %get3A_670 = vector.shape_cast %get3A_669 : vector<1x16xf32> to vector<16xf32>
        %mul3A_671 = vector.broadcast %squeeze3A_607 : f32 to vector<16xf32>
        %mul3A_672 = arith.mulf %get3A_670, %mul3A_671 : vector<16xf32>
        %swap3A_673 = arith.index_cast %add3A_611 : i32 to index
        %swap3A_674 = arith.constant 80 : index
        %swap3A_675 = tpu.vector_load %arg9[%swap3A_673, %swap3A_674] {strides = array<i32>} : memref<64x128xf32, #tpu.memory_space<vmem>>, vector<1x16xf32>,
        %swap3A_676 = vector.shape_cast %swap3A_675 : vector<1x16xf32> to vector<16xf32>
        %swap3A_677 = vector.shape_cast %mul3A_672 : vector<16xf32> to vector<1x16xf32>
        tpu.vector_store %arg9[%swap3A_673, %swap3A_674], %swap3A_677 {strides = array<i32>} : memref<64x128xf32, #tpu.memory_space<vmem>>, vector<1x16xf32>,
        %get3A_678 = arith.index_cast %add3A_611 : i32 to index
        %get3A_679 = arith.constant 96 : index
        %get3A_680 = tpu.vector_load %arg9[%get3A_678, %get3A_679] {strides = array<i32>} : memref<64x128xf32, #tpu.memory_space<vmem>>, vector<1x16xf32>,
        %get3A_681 = vector.shape_cast %get3A_680 : vector<1x16xf32> to vector<16xf32>
        %mul3A_682 = vector.broadcast %squeeze3A_607 : f32 to vector<16xf32>
        %mul3A_683 = arith.mulf %get3A_681, %mul3A_682 : vector<16xf32>
        %swap3A_684 = arith.index_cast %add3A_611 : i32 to index
        %swap3A_685 = arith.constant 96 : index
        %swap3A_686 = tpu.vector_load %arg9[%swap3A_684, %swap3A_685] {strides = array<i32>} : memref<64x128xf32, #tpu.memory_space<vmem>>, vector<1x16xf32>,
        %swap3A_687 = vector.shape_cast %swap3A_686 : vector<1x16xf32> to vector<16xf32>
        %swap3A_688 = vector.shape_cast %mul3A_683 : vector<16xf32> to vector<1x16xf32>
        tpu.vector_store %arg9[%swap3A_684, %swap3A_685], %swap3A_688 {strides = array<i32>} : memref<64x128xf32, #tpu.memory_space<vmem>>, vector<1x16xf32>,
        %get3A_689 = arith.index_cast %add3A_611 : i32 to index
        %get3A_690 = arith.constant 112 : index
        %get3A_691 = tpu.vector_load %arg9[%get3A_689, %get3A_690] {strides = array<i32>} : memref<64x128xf32, #tpu.memory_space<vmem>>, vector<1x16xf32>,
        %get3A_692 = vector.shape_cast %get3A_691 : vector<1x16xf32> to vector<16xf32>
        %mul3A_693 = vector.broadcast %squeeze3A_607 : f32 to vector<16xf32>
        %mul3A_694 = arith.mulf %get3A_692, %mul3A_693 : vector<16xf32>
        %swap3A_695 = arith.index_cast %add3A_611 : i32 to index
        %swap3A_696 = arith.constant 112 : index
        %swap3A_697 = tpu.vector_load %arg9[%swap3A_695, %swap3A_696] {strides = array<i32>} : memref<64x128xf32, #tpu.memory_space<vmem>>, vector<1x16xf32>,
        %swap3A_698 = vector.shape_cast %swap3A_697 : vector<1x16xf32> to vector<16xf32>
        %swap3A_699 = vector.shape_cast %mul3A_694 : vector<16xf32> to vector<1x16xf32>
        tpu.vector_store %arg9[%swap3A_695, %swap3A_696], %swap3A_699 {strides = array<i32>} : memref<64x128xf32, #tpu.memory_space<vmem>>, vector<1x16xf32>,
        %slice3A_700 = vector.extract_strided_slice %get3A_138 {offsets = [6], sizes = [1], strides = [1]} : vector<16xf32> to vector<1xf32>
        %squeeze3A_701 = vector.extract %slice3A_700[0] : f32 from vector<1xf32>
        %mul3A_702 = arith.constant 16 : i32
        %mul3A_703 = arith.muli %add3A_134, %mul3A_702 : i32
        %add3A_704 = arith.constant 6 : i32
        %add3A_705 = arith.addi %mul3A_703, %add3A_704 : i32
        %get3A_706 = arith.index_cast %add3A_705 : i32 to index
        %get3A_707 = arith.constant 0 : index
        %get3A_708 = tpu.vector_load %arg9[%get3A_706, %get3A_707] {strides = array<i32>} : memref<64x128xf32, #tpu.memory_space<vmem>>, vector<1x16xf32>,
        %get3A_709 = vector.shape_cast %get3A_708 : vector<1x16xf32> to vector<16xf32>
        %mul3A_710 = vector.broadcast %squeeze3A_701 : f32 to vector<16xf32>
        %mul3A_711 = arith.mulf %get3A_709, %mul3A_710 : vector<16xf32>
        %swap3A_712 = arith.index_cast %add3A_705 : i32 to index
        %swap3A_713 = arith.constant 0 : index
        %swap3A_714 = tpu.vector_load %arg9[%swap3A_712, %swap3A_713] {strides = array<i32>} : memref<64x128xf32, #tpu.memory_space<vmem>>, vector<1x16xf32>,
        %swap3A_715 = vector.shape_cast %swap3A_714 : vector<1x16xf32> to vector<16xf32>
        %swap3A_716 = vector.shape_cast %mul3A_711 : vector<16xf32> to vector<1x16xf32>
        tpu.vector_store %arg9[%swap3A_712, %swap3A_713], %swap3A_716 {strides = array<i32>} : memref<64x128xf32, #tpu.memory_space<vmem>>, vector<1x16xf32>,
        %get3A_717 = arith.index_cast %add3A_705 : i32 to index
        %get3A_718 = arith.constant 16 : index
        %get3A_719 = tpu.vector_load %arg9[%get3A_717, %get3A_718] {strides = array<i32>} : memref<64x128xf32, #tpu.memory_space<vmem>>, vector<1x16xf32>,
        %get3A_720 = vector.shape_cast %get3A_719 : vector<1x16xf32> to vector<16xf32>
        %mul3A_721 = vector.broadcast %squeeze3A_701 : f32 to vector<16xf32>
        %mul3A_722 = arith.mulf %get3A_720, %mul3A_721 : vector<16xf32>
        %swap3A_723 = arith.index_cast %add3A_705 : i32 to index
        %swap3A_724 = arith.constant 16 : index
        %swap3A_725 = tpu.vector_load %arg9[%swap3A_723, %swap3A_724] {strides = array<i32>} : memref<64x128xf32, #tpu.memory_space<vmem>>, vector<1x16xf32>,
        %swap3A_726 = vector.shape_cast %swap3A_725 : vector<1x16xf32> to vector<16xf32>
        %swap3A_727 = vector.shape_cast %mul3A_722 : vector<16xf32> to vector<1x16xf32>
        tpu.vector_store %arg9[%swap3A_723, %swap3A_724], %swap3A_727 {strides = array<i32>} : memref<64x128xf32, #tpu.memory_space<vmem>>, vector<1x16xf32>,
        %get3A_728 = arith.index_cast %add3A_705 : i32 to index
        %get3A_729 = arith.constant 32 : index
        %get3A_730 = tpu.vector_load %arg9[%get3A_728, %get3A_729] {strides = array<i32>} : memref<64x128xf32, #tpu.memory_space<vmem>>, vector<1x16xf32>,
        %get3A_731 = vector.shape_cast %get3A_730 : vector<1x16xf32> to vector<16xf32>
        %mul3A_732 = vector.broadcast %squeeze3A_701 : f32 to vector<16xf32>
        %mul3A_733 = arith.mulf %get3A_731, %mul3A_732 : vector<16xf32>
        %swap3A_734 = arith.index_cast %add3A_705 : i32 to index
        %swap3A_735 = arith.constant 32 : index
        %swap3A_736 = tpu.vector_load %arg9[%swap3A_734, %swap3A_735] {strides = array<i32>} : memref<64x128xf32, #tpu.memory_space<vmem>>, vector<1x16xf32>,
        %swap3A_737 = vector.shape_cast %swap3A_736 : vector<1x16xf32> to vector<16xf32>
        %swap3A_738 = vector.shape_cast %mul3A_733 : vector<16xf32> to vector<1x16xf32>
        tpu.vector_store %arg9[%swap3A_734, %swap3A_735], %swap3A_738 {strides = array<i32>} : memref<64x128xf32, #tpu.memory_space<vmem>>, vector<1x16xf32>,
        %get3A_739 = arith.index_cast %add3A_705 : i32 to index
        %get3A_740 = arith.constant 48 : index
        %get3A_741 = tpu.vector_load %arg9[%get3A_739, %get3A_740] {strides = array<i32>} : memref<64x128xf32, #tpu.memory_space<vmem>>, vector<1x16xf32>,
        %get3A_742 = vector.shape_cast %get3A_741 : vector<1x16xf32> to vector<16xf32>
        %mul3A_743 = vector.broadcast %squeeze3A_701 : f32 to vector<16xf32>
        %mul3A_744 = arith.mulf %get3A_742, %mul3A_743 : vector<16xf32>
        %swap3A_745 = arith.index_cast %add3A_705 : i32 to index
        %swap3A_746 = arith.constant 48 : index
        %swap3A_747 = tpu.vector_load %arg9[%swap3A_745, %swap3A_746] {strides = array<i32>} : memref<64x128xf32, #tpu.memory_space<vmem>>, vector<1x16xf32>,
        %swap3A_748 = vector.shape_cast %swap3A_747 : vector<1x16xf32> to vector<16xf32>
        %swap3A_749 = vector.shape_cast %mul3A_744 : vector<16xf32> to vector<1x16xf32>
        tpu.vector_store %arg9[%swap3A_745, %swap3A_746], %swap3A_749 {strides = array<i32>} : memref<64x128xf32, #tpu.memory_space<vmem>>, vector<1x16xf32>,
        %get3A_750 = arith.index_cast %add3A_705 : i32 to index
        %get3A_751 = arith.constant 64 : index
        %get3A_752 = tpu.vector_load %arg9[%get3A_750, %get3A_751] {strides = array<i32>} : memref<64x128xf32, #tpu.memory_space<vmem>>, vector<1x16xf32>,
        %get3A_753 = vector.shape_cast %get3A_752 : vector<1x16xf32> to vector<16xf32>
        %mul3A_754 = vector.broadcast %squeeze3A_701 : f32 to vector<16xf32>
        %mul3A_755 = arith.mulf %get3A_753, %mul3A_754 : vector<16xf32>
        %swap3A_756 = arith.index_cast %add3A_705 : i32 to index
        %swap3A_757 = arith.constant 64 : index
        %swap3A_758 = tpu.vector_load %arg9[%swap3A_756, %swap3A_757] {strides = array<i32>} : memref<64x128xf32, #tpu.memory_space<vmem>>, vector<1x16xf32>,
        %swap3A_759 = vector.shape_cast %swap3A_758 : vector<1x16xf32> to vector<16xf32>
        %swap3A_760 = vector.shape_cast %mul3A_755 : vector<16xf32> to vector<1x16xf32>
        tpu.vector_store %arg9[%swap3A_756, %swap3A_757], %swap3A_760 {strides = array<i32>} : memref<64x128xf32, #tpu.memory_space<vmem>>, vector<1x16xf32>,
        %get3A_761 = arith.index_cast %add3A_705 : i32 to index
        %get3A_762 = arith.constant 80 : index
        %get3A_763 = tpu.vector_load %arg9[%get3A_761, %get3A_762] {strides = array<i32>} : memref<64x128xf32, #tpu.memory_space<vmem>>, vector<1x16xf32>,
        %get3A_764 = vector.shape_cast %get3A_763 : vector<1x16xf32> to vector<16xf32>
        %mul3A_765 = vector.broadcast %squeeze3A_701 : f32 to vector<16xf32>
        %mul3A_766 = arith.mulf %get3A_764, %mul3A_765 : vector<16xf32>
        %swap3A_767 = arith.index_cast %add3A_705 : i32 to index
        %swap3A_768 = arith.constant 80 : index
        %swap3A_769 = tpu.vector_load %arg9[%swap3A_767, %swap3A_768] {strides = array<i32>} : memref<64x128xf32, #tpu.memory_space<vmem>>, vector<1x16xf32>,
        %swap3A_770 = vector.shape_cast %swap3A_769 : vector<1x16xf32> to vector<16xf32>
        %swap3A_771 = vector.shape_cast %mul3A_766 : vector<16xf32> to vector<1x16xf32>
        tpu.vector_store %arg9[%swap3A_767, %swap3A_768], %swap3A_771 {strides = array<i32>} : memref<64x128xf32, #tpu.memory_space<vmem>>, vector<1x16xf32>,
        %get3A_772 = arith.index_cast %add3A_705 : i32 to index
        %get3A_773 = arith.constant 96 : index
        %get3A_774 = tpu.vector_load %arg9[%get3A_772, %get3A_773] {strides = array<i32>} : memref<64x128xf32, #tpu.memory_space<vmem>>, vector<1x16xf32>,
        %get3A_775 = vector.shape_cast %get3A_774 : vector<1x16xf32> to vector<16xf32>
        %mul3A_776 = vector.broadcast %squeeze3A_701 : f32 to vector<16xf32>
        %mul3A_777 = arith.mulf %get3A_775, %mul3A_776 : vector<16xf32>
        %swap3A_778 = arith.index_cast %add3A_705 : i32 to index
        %swap3A_779 = arith.constant 96 : index
        %swap3A_780 = tpu.vector_load %arg9[%swap3A_778, %swap3A_779] {strides = array<i32>} : memref<64x128xf32, #tpu.memory_space<vmem>>, vector<1x16xf32>,
        %swap3A_781 = vector.shape_cast %swap3A_780 : vector<1x16xf32> to vector<16xf32>
        %swap3A_782 = vector.shape_cast %mul3A_777 : vector<16xf32> to vector<1x16xf32>
        tpu.vector_store %arg9[%swap3A_778, %swap3A_779], %swap3A_782 {strides = array<i32>} : memref<64x128xf32, #tpu.memory_space<vmem>>, vector<1x16xf32>,
        %get3A_783 = arith.index_cast %add3A_705 : i32 to index
        %get3A_784 = arith.constant 112 : index
        %get3A_785 = tpu.vector_load %arg9[%get3A_783, %get3A_784] {strides = array<i32>} : memref<64x128xf32, #tpu.memory_space<vmem>>, vector<1x16xf32>,
        %get3A_786 = vector.shape_cast %get3A_785 : vector<1x16xf32> to vector<16xf32>
        %mul3A_787 = vector.broadcast %squeeze3A_701 : f32 to vector<16xf32>
        %mul3A_788 = arith.mulf %get3A_786, %mul3A_787 : vector<16xf32>
        %swap3A_789 = arith.index_cast %add3A_705 : i32 to index
        %swap3A_790 = arith.constant 112 : index
        %swap3A_791 = tpu.vector_load %arg9[%swap3A_789, %swap3A_790] {strides = array<i32>} : memref<64x128xf32, #tpu.memory_space<vmem>>, vector<1x16xf32>,
        %swap3A_792 = vector.shape_cast %swap3A_791 : vector<1x16xf32> to vector<16xf32>
        %swap3A_793 = vector.shape_cast %mul3A_788 : vector<16xf32> to vector<1x16xf32>
        tpu.vector_store %arg9[%swap3A_789, %swap3A_790], %swap3A_793 {strides = array<i32>} : memref<64x128xf32, #tpu.memory_space<vmem>>, vector<1x16xf32>,
        %slice3A_794 = vector.extract_strided_slice %get3A_138 {offsets = [7], sizes = [1], strides = [1]} : vector<16xf32> to vector<1xf32>
        %squeeze3A_795 = vector.extract %slice3A_794[0] : f32 from vector<1xf32>
        %mul3A_796 = arith.constant 16 : i32
        %mul3A_797 = arith.muli %add3A_134, %mul3A_796 : i32
        %add3A_798 = arith.constant 7 : i32
        %add3A_799 = arith.addi %mul3A_797, %add3A_798 : i32
        %get3A_800 = arith.index_cast %add3A_799 : i32 to index
        %get3A_801 = arith.constant 0 : index
        %get3A_802 = tpu.vector_load %arg9[%get3A_800, %get3A_801] {strides = array<i32>} : memref<64x128xf32, #tpu.memory_space<vmem>>, vector<1x16xf32>,
        %get3A_803 = vector.shape_cast %get3A_802 : vector<1x16xf32> to vector<16xf32>
        %mul3A_804 = vector.broadcast %squeeze3A_795 : f32 to vector<16xf32>
        %mul3A_805 = arith.mulf %get3A_803, %mul3A_804 : vector<16xf32>
        %swap3A_806 = arith.index_cast %add3A_799 : i32 to index
        %swap3A_807 = arith.constant 0 : index
        %swap3A_808 = tpu.vector_load %arg9[%swap3A_806, %swap3A_807] {strides = array<i32>} : memref<64x128xf32, #tpu.memory_space<vmem>>, vector<1x16xf32>,
        %swap3A_809 = vector.shape_cast %swap3A_808 : vector<1x16xf32> to vector<16xf32>
        %swap3A_810 = vector.shape_cast %mul3A_805 : vector<16xf32> to vector<1x16xf32>
        tpu.vector_store %arg9[%swap3A_806, %swap3A_807], %swap3A_810 {strides = array<i32>} : memref<64x128xf32, #tpu.memory_space<vmem>>, vector<1x16xf32>,
        %get3A_811 = arith.index_cast %add3A_799 : i32 to index
        %get3A_812 = arith.constant 16 : index
        %get3A_813 = tpu.vector_load %arg9[%get3A_811, %get3A_812] {strides = array<i32>} : memref<64x128xf32, #tpu.memory_space<vmem>>, vector<1x16xf32>,
        %get3A_814 = vector.shape_cast %get3A_813 : vector<1x16xf32> to vector<16xf32>
        %mul3A_815 = vector.broadcast %squeeze3A_795 : f32 to vector<16xf32>
        %mul3A_816 = arith.mulf %get3A_814, %mul3A_815 : vector<16xf32>
        %swap3A_817 = arith.index_cast %add3A_799 : i32 to index
        %swap3A_818 = arith.constant 16 : index
        %swap3A_819 = tpu.vector_load %arg9[%swap3A_817, %swap3A_818] {strides = array<i32>} : memref<64x128xf32, #tpu.memory_space<vmem>>, vector<1x16xf32>,
        %swap3A_820 = vector.shape_cast %swap3A_819 : vector<1x16xf32> to vector<16xf32>
        %swap3A_821 = vector.shape_cast %mul3A_816 : vector<16xf32> to vector<1x16xf32>
        tpu.vector_store %arg9[%swap3A_817, %swap3A_818], %swap3A_821 {strides = array<i32>} : memref<64x128xf32, #tpu.memory_space<vmem>>, vector<1x16xf32>,
        %get3A_822 = arith.index_cast %add3A_799 : i32 to index
        %get3A_823 = arith.constant 32 : index
        %get3A_824 = tpu.vector_load %arg9[%get3A_822, %get3A_823] {strides = array<i32>} : memref<64x128xf32, #tpu.memory_space<vmem>>, vector<1x16xf32>,
        %get3A_825 = vector.shape_cast %get3A_824 : vector<1x16xf32> to vector<16xf32>
        %mul3A_826 = vector.broadcast %squeeze3A_795 : f32 to vector<16xf32>
        %mul3A_827 = arith.mulf %get3A_825, %mul3A_826 : vector<16xf32>
        %swap3A_828 = arith.index_cast %add3A_799 : i32 to index
        %swap3A_829 = arith.constant 32 : index
        %swap3A_830 = tpu.vector_load %arg9[%swap3A_828, %swap3A_829] {strides = array<i32>} : memref<64x128xf32, #tpu.memory_space<vmem>>, vector<1x16xf32>,
        %swap3A_831 = vector.shape_cast %swap3A_830 : vector<1x16xf32> to vector<16xf32>
        %swap3A_832 = vector.shape_cast %mul3A_827 : vector<16xf32> to vector<1x16xf32>
        tpu.vector_store %arg9[%swap3A_828, %swap3A_829], %swap3A_832 {strides = array<i32>} : memref<64x128xf32, #tpu.memory_space<vmem>>, vector<1x16xf32>,
        %get3A_833 = arith.index_cast %add3A_799 : i32 to index
        %get3A_834 = arith.constant 48 : index
        %get3A_835 = tpu.vector_load %arg9[%get3A_833, %get3A_834] {strides = array<i32>} : memref<64x128xf32, #tpu.memory_space<vmem>>, vector<1x16xf32>,
        %get3A_836 = vector.shape_cast %get3A_835 : vector<1x16xf32> to vector<16xf32>
        %mul3A_837 = vector.broadcast %squeeze3A_795 : f32 to vector<16xf32>
        %mul3A_838 = arith.mulf %get3A_836, %mul3A_837 : vector<16xf32>
        %swap3A_839 = arith.index_cast %add3A_799 : i32 to index
        %swap3A_840 = arith.constant 48 : index
        %swap3A_841 = tpu.vector_load %arg9[%swap3A_839, %swap3A_840] {strides = array<i32>} : memref<64x128xf32, #tpu.memory_space<vmem>>, vector<1x16xf32>,
        %swap3A_842 = vector.shape_cast %swap3A_841 : vector<1x16xf32> to vector<16xf32>
        %swap3A_843 = vector.shape_cast %mul3A_838 : vector<16xf32> to vector<1x16xf32>
        tpu.vector_store %arg9[%swap3A_839, %swap3A_840], %swap3A_843 {strides = array<i32>} : memref<64x128xf32, #tpu.memory_space<vmem>>, vector<1x16xf32>,
        %get3A_844 = arith.index_cast %add3A_799 : i32 to index
        %get3A_845 = arith.constant 64 : index
        %get3A_846 = tpu.vector_load %arg9[%get3A_844, %get3A_845] {strides = array<i32>} : memref<64x128xf32, #tpu.memory_space<vmem>>, vector<1x16xf32>,
        %get3A_847 = vector.shape_cast %get3A_846 : vector<1x16xf32> to vector<16xf32>
        %mul3A_848 = vector.broadcast %squeeze3A_795 : f32 to vector<16xf32>
        %mul3A_849 = arith.mulf %get3A_847, %mul3A_848 : vector<16xf32>
        %swap3A_850 = arith.index_cast %add3A_799 : i32 to index
        %swap3A_851 = arith.constant 64 : index
        %swap3A_852 = tpu.vector_load %arg9[%swap3A_850, %swap3A_851] {strides = array<i32>} : memref<64x128xf32, #tpu.memory_space<vmem>>, vector<1x16xf32>,
        %swap3A_853 = vector.shape_cast %swap3A_852 : vector<1x16xf32> to vector<16xf32>
        %swap3A_854 = vector.shape_cast %mul3A_849 : vector<16xf32> to vector<1x16xf32>
        tpu.vector_store %arg9[%swap3A_850, %swap3A_851], %swap3A_854 {strides = array<i32>} : memref<64x128xf32, #tpu.memory_space<vmem>>, vector<1x16xf32>,
        %get3A_855 = arith.index_cast %add3A_799 : i32 to index
        %get3A_856 = arith.constant 80 : index
        %get3A_857 = tpu.vector_load %arg9[%get3A_855, %get3A_856] {strides = array<i32>} : memref<64x128xf32, #tpu.memory_space<vmem>>, vector<1x16xf32>,
        %get3A_858 = vector.shape_cast %get3A_857 : vector<1x16xf32> to vector<16xf32>
        %mul3A_859 = vector.broadcast %squeeze3A_795 : f32 to vector<16xf32>
        %mul3A_860 = arith.mulf %get3A_858, %mul3A_859 : vector<16xf32>
        %swap3A_861 = arith.index_cast %add3A_799 : i32 to index
        %swap3A_862 = arith.constant 80 : index
        %swap3A_863 = tpu.vector_load %arg9[%swap3A_861, %swap3A_862] {strides = array<i32>} : memref<64x128xf32, #tpu.memory_space<vmem>>, vector<1x16xf32>,
        %swap3A_864 = vector.shape_cast %swap3A_863 : vector<1x16xf32> to vector<16xf32>
        %swap3A_865 = vector.shape_cast %mul3A_860 : vector<16xf32> to vector<1x16xf32>
        tpu.vector_store %arg9[%swap3A_861, %swap3A_862], %swap3A_865 {strides = array<i32>} : memref<64x128xf32, #tpu.memory_space<vmem>>, vector<1x16xf32>,
        %get3A_866 = arith.index_cast %add3A_799 : i32 to index
        %get3A_867 = arith.constant 96 : index
        %get3A_868 = tpu.vector_load %arg9[%get3A_866, %get3A_867] {strides = array<i32>} : memref<64x128xf32, #tpu.memory_space<vmem>>, vector<1x16xf32>,
        %get3A_869 = vector.shape_cast %get3A_868 : vector<1x16xf32> to vector<16xf32>
        %mul3A_870 = vector.broadcast %squeeze3A_795 : f32 to vector<16xf32>
        %mul3A_871 = arith.mulf %get3A_869, %mul3A_870 : vector<16xf32>
        %swap3A_872 = arith.index_cast %add3A_799 : i32 to index
        %swap3A_873 = arith.constant 96 : index
        %swap3A_874 = tpu.vector_load %arg9[%swap3A_872, %swap3A_873] {strides = array<i32>} : memref<64x128xf32, #tpu.memory_space<vmem>>, vector<1x16xf32>,
        %swap3A_875 = vector.shape_cast %swap3A_874 : vector<1x16xf32> to vector<16xf32>
        %swap3A_876 = vector.shape_cast %mul3A_871 : vector<16xf32> to vector<1x16xf32>
        tpu.vector_store %arg9[%swap3A_872, %swap3A_873], %swap3A_876 {strides = array<i32>} : memref<64x128xf32, #tpu.memory_space<vmem>>, vector<1x16xf32>,
        %get3A_877 = arith.index_cast %add3A_799 : i32 to index
        %get3A_878 = arith.constant 112 : index
        %get3A_879 = tpu.vector_load %arg9[%get3A_877, %get3A_878] {strides = array<i32>} : memref<64x128xf32, #tpu.memory_space<vmem>>, vector<1x16xf32>,
        %get3A_880 = vector.shape_cast %get3A_879 : vector<1x16xf32> to vector<16xf32>
        %mul3A_881 = vector.broadcast %squeeze3A_795 : f32 to vector<16xf32>
        %mul3A_882 = arith.mulf %get3A_880, %mul3A_881 : vector<16xf32>
        %swap3A_883 = arith.index_cast %add3A_799 : i32 to index
        %swap3A_884 = arith.constant 112 : index
        %swap3A_885 = tpu.vector_load %arg9[%swap3A_883, %swap3A_884] {strides = array<i32>} : memref<64x128xf32, #tpu.memory_space<vmem>>, vector<1x16xf32>,
        %swap3A_886 = vector.shape_cast %swap3A_885 : vector<1x16xf32> to vector<16xf32>
        %swap3A_887 = vector.shape_cast %mul3A_882 : vector<16xf32> to vector<1x16xf32>
        tpu.vector_store %arg9[%swap3A_883, %swap3A_884], %swap3A_887 {strides = array<i32>} : memref<64x128xf32, #tpu.memory_space<vmem>>, vector<1x16xf32>,
        %slice3A_888 = vector.extract_strided_slice %get3A_138 {offsets = [8], sizes = [1], strides = [1]} : vector<16xf32> to vector<1xf32>
        %squeeze3A_889 = vector.extract %slice3A_888[0] : f32 from vector<1xf32>
        %mul3A_890 = arith.constant 16 : i32
        %mul3A_891 = arith.muli %add3A_134, %mul3A_890 : i32
        %add3A_892 = arith.constant 8 : i32
        %add3A_893 = arith.addi %mul3A_891, %add3A_892 : i32
        %get3A_894 = arith.index_cast %add3A_893 : i32 to index
        %get3A_895 = arith.constant 0 : index
        %get3A_896 = tpu.vector_load %arg9[%get3A_894, %get3A_895] {strides = array<i32>} : memref<64x128xf32, #tpu.memory_space<vmem>>, vector<1x16xf32>,
        %get3A_897 = vector.shape_cast %get3A_896 : vector<1x16xf32> to vector<16xf32>
        %mul3A_898 = vector.broadcast %squeeze3A_889 : f32 to vector<16xf32>
        %mul3A_899 = arith.mulf %get3A_897, %mul3A_898 : vector<16xf32>
        %swap3A_900 = arith.index_cast %add3A_893 : i32 to index
        %swap3A_901 = arith.constant 0 : index
        %swap3A_902 = tpu.vector_load %arg9[%swap3A_900, %swap3A_901] {strides = array<i32>} : memref<64x128xf32, #tpu.memory_space<vmem>>, vector<1x16xf32>,
        %swap3A_903 = vector.shape_cast %swap3A_902 : vector<1x16xf32> to vector<16xf32>
        %swap3A_904 = vector.shape_cast %mul3A_899 : vector<16xf32> to vector<1x16xf32>
        tpu.vector_store %arg9[%swap3A_900, %swap3A_901], %swap3A_904 {strides = array<i32>} : memref<64x128xf32, #tpu.memory_space<vmem>>, vector<1x16xf32>,
        %get3A_905 = arith.index_cast %add3A_893 : i32 to index
        %get3A_906 = arith.constant 16 : index
        %get3A_907 = tpu.vector_load %arg9[%get3A_905, %get3A_906] {strides = array<i32>} : memref<64x128xf32, #tpu.memory_space<vmem>>, vector<1x16xf32>,
        %get3A_908 = vector.shape_cast %get3A_907 : vector<1x16xf32> to vector<16xf32>
        %mul3A_909 = vector.broadcast %squeeze3A_889 : f32 to vector<16xf32>
        %mul3A_910 = arith.mulf %get3A_908, %mul3A_909 : vector<16xf32>
        %swap3A_911 = arith.index_cast %add3A_893 : i32 to index
        %swap3A_912 = arith.constant 16 : index
        %swap3A_913 = tpu.vector_load %arg9[%swap3A_911, %swap3A_912] {strides = array<i32>} : memref<64x128xf32, #tpu.memory_space<vmem>>, vector<1x16xf32>,
        %swap3A_914 = vector.shape_cast %swap3A_913 : vector<1x16xf32> to vector<16xf32>
        %swap3A_915 = vector.shape_cast %mul3A_910 : vector<16xf32> to vector<1x16xf32>
        tpu.vector_store %arg9[%swap3A_911, %swap3A_912], %swap3A_915 {strides = array<i32>} : memref<64x128xf32, #tpu.memory_space<vmem>>, vector<1x16xf32>,
        %get3A_916 = arith.index_cast %add3A_893 : i32 to index
        %get3A_917 = arith.constant 32 : index
        %get3A_918 = tpu.vector_load %arg9[%get3A_916, %get3A_917] {strides = array<i32>} : memref<64x128xf32, #tpu.memory_space<vmem>>, vector<1x16xf32>,
        %get3A_919 = vector.shape_cast %get3A_918 : vector<1x16xf32> to vector<16xf32>
        %mul3A_920 = vector.broadcast %squeeze3A_889 : f32 to vector<16xf32>
        %mul3A_921 = arith.mulf %get3A_919, %mul3A_920 : vector<16xf32>
        %swap3A_922 = arith.index_cast %add3A_893 : i32 to index
        %swap3A_923 = arith.constant 32 : index
        %swap3A_924 = tpu.vector_load %arg9[%swap3A_922, %swap3A_923] {strides = array<i32>} : memref<64x128xf32, #tpu.memory_space<vmem>>, vector<1x16xf32>,
        %swap3A_925 = vector.shape_cast %swap3A_924 : vector<1x16xf32> to vector<16xf32>
        %swap3A_926 = vector.shape_cast %mul3A_921 : vector<16xf32> to vector<1x16xf32>
        tpu.vector_store %arg9[%swap3A_922, %swap3A_923], %swap3A_926 {strides = array<i32>} : memref<64x128xf32, #tpu.memory_space<vmem>>, vector<1x16xf32>,
        %get3A_927 = arith.index_cast %add3A_893 : i32 to index
        %get3A_928 = arith.constant 48 : index
        %get3A_929 = tpu.vector_load %arg9[%get3A_927, %get3A_928] {strides = array<i32>} : memref<64x128xf32, #tpu.memory_space<vmem>>, vector<1x16xf32>,
        %get3A_930 = vector.shape_cast %get3A_929 : vector<1x16xf32> to vector<16xf32>
        %mul3A_931 = vector.broadcast %squeeze3A_889 : f32 to vector<16xf32>
        %mul3A_932 = arith.mulf %get3A_930, %mul3A_931 : vector<16xf32>
        %swap3A_933 = arith.index_cast %add3A_893 : i32 to index
        %swap3A_934 = arith.constant 48 : index
        %swap3A_935 = tpu.vector_load %arg9[%swap3A_933, %swap3A_934] {strides = array<i32>} : memref<64x128xf32, #tpu.memory_space<vmem>>, vector<1x16xf32>,
        %swap3A_936 = vector.shape_cast %swap3A_935 : vector<1x16xf32> to vector<16xf32>
        %swap3A_937 = vector.shape_cast %mul3A_932 : vector<16xf32> to vector<1x16xf32>
        tpu.vector_store %arg9[%swap3A_933, %swap3A_934], %swap3A_937 {strides = array<i32>} : memref<64x128xf32, #tpu.memory_space<vmem>>, vector<1x16xf32>,
        %get3A_938 = arith.index_cast %add3A_893 : i32 to index
        %get3A_939 = arith.constant 64 : index
        %get3A_940 = tpu.vector_load %arg9[%get3A_938, %get3A_939] {strides = array<i32>} : memref<64x128xf32, #tpu.memory_space<vmem>>, vector<1x16xf32>,
        %get3A_941 = vector.shape_cast %get3A_940 : vector<1x16xf32> to vector<16xf32>
        %mul3A_942 = vector.broadcast %squeeze3A_889 : f32 to vector<16xf32>
        %mul3A_943 = arith.mulf %get3A_941, %mul3A_942 : vector<16xf32>
        %swap3A_944 = arith.index_cast %add3A_893 : i32 to index
        %swap3A_945 = arith.constant 64 : index
        %swap3A_946 = tpu.vector_load %arg9[%swap3A_944, %swap3A_945] {strides = array<i32>} : memref<64x128xf32, #tpu.memory_space<vmem>>, vector<1x16xf32>,
        %swap3A_947 = vector.shape_cast %swap3A_946 : vector<1x16xf32> to vector<16xf32>
        %swap3A_948 = vector.shape_cast %mul3A_943 : vector<16xf32> to vector<1x16xf32>
        tpu.vector_store %arg9[%swap3A_944, %swap3A_945], %swap3A_948 {strides = array<i32>} : memref<64x128xf32, #tpu.memory_space<vmem>>, vector<1x16xf32>,
        %get3A_949 = arith.index_cast %add3A_893 : i32 to index
        %get3A_950 = arith.constant 80 : index
        %get3A_951 = tpu.vector_load %arg9[%get3A_949, %get3A_950] {strides = array<i32>} : memref<64x128xf32, #tpu.memory_space<vmem>>, vector<1x16xf32>,
        %get3A_952 = vector.shape_cast %get3A_951 : vector<1x16xf32> to vector<16xf32>
        %mul3A_953 = vector.broadcast %squeeze3A_889 : f32 to vector<16xf32>
        %mul3A_954 = arith.mulf %get3A_952, %mul3A_953 : vector<16xf32>
        %swap3A_955 = arith.index_cast %add3A_893 : i32 to index
        %swap3A_956 = arith.constant 80 : index
        %swap3A_957 = tpu.vector_load %arg9[%swap3A_955, %swap3A_956] {strides = array<i32>} : memref<64x128xf32, #tpu.memory_space<vmem>>, vector<1x16xf32>,
        %swap3A_958 = vector.shape_cast %swap3A_957 : vector<1x16xf32> to vector<16xf32>
        %swap3A_959 = vector.shape_cast %mul3A_954 : vector<16xf32> to vector<1x16xf32>
        tpu.vector_store %arg9[%swap3A_955, %swap3A_956], %swap3A_959 {strides = array<i32>} : memref<64x128xf32, #tpu.memory_space<vmem>>, vector<1x16xf32>,
        %get3A_960 = arith.index_cast %add3A_893 : i32 to index
        %get3A_961 = arith.constant 96 : index
        %get3A_962 = tpu.vector_load %arg9[%get3A_960, %get3A_961] {strides = array<i32>} : memref<64x128xf32, #tpu.memory_space<vmem>>, vector<1x16xf32>,
        %get3A_963 = vector.shape_cast %get3A_962 : vector<1x16xf32> to vector<16xf32>
        %mul3A_964 = vector.broadcast %squeeze3A_889 : f32 to vector<16xf32>
        %mul3A_965 = arith.mulf %get3A_963, %mul3A_964 : vector<16xf32>
        %swap3A_966 = arith.index_cast %add3A_893 : i32 to index
        %swap3A_967 = arith.constant 96 : index
        %swap3A_968 = tpu.vector_load %arg9[%swap3A_966, %swap3A_967] {strides = array<i32>} : memref<64x128xf32, #tpu.memory_space<vmem>>, vector<1x16xf32>,
        %swap3A_969 = vector.shape_cast %swap3A_968 : vector<1x16xf32> to vector<16xf32>
        %swap3A_970 = vector.shape_cast %mul3A_965 : vector<16xf32> to vector<1x16xf32>
        tpu.vector_store %arg9[%swap3A_966, %swap3A_967], %swap3A_970 {strides = array<i32>} : memref<64x128xf32, #tpu.memory_space<vmem>>, vector<1x16xf32>,
        %get3A_971 = arith.index_cast %add3A_893 : i32 to index
        %get3A_972 = arith.constant 112 : index
        %get3A_973 = tpu.vector_load %arg9[%get3A_971, %get3A_972] {strides = array<i32>} : memref<64x128xf32, #tpu.memory_space<vmem>>, vector<1x16xf32>,
        %get3A_974 = vector.shape_cast %get3A_973 : vector<1x16xf32> to vector<16xf32>
        %mul3A_975 = vector.broadcast %squeeze3A_889 : f32 to vector<16xf32>
        %mul3A_976 = arith.mulf %get3A_974, %mul3A_975 : vector<16xf32>
        %swap3A_977 = arith.index_cast %add3A_893 : i32 to index
        %swap3A_978 = arith.constant 112 : index
        %swap3A_979 = tpu.vector_load %arg9[%swap3A_977, %swap3A_978] {strides = array<i32>} : memref<64x128xf32, #tpu.memory_space<vmem>>, vector<1x16xf32>,
        %swap3A_980 = vector.shape_cast %swap3A_979 : vector<1x16xf32> to vector<16xf32>
        %swap3A_981 = vector.shape_cast %mul3A_976 : vector<16xf32> to vector<1x16xf32>
        tpu.vector_store %arg9[%swap3A_977, %swap3A_978], %swap3A_981 {strides = array<i32>} : memref<64x128xf32, #tpu.memory_space<vmem>>, vector<1x16xf32>,
        %slice3A_982 = vector.extract_strided_slice %get3A_138 {offsets = [9], sizes = [1], strides = [1]} : vector<16xf32> to vector<1xf32>
        %squeeze3A_983 = vector.extract %slice3A_982[0] : f32 from vector<1xf32>
        %mul3A_984 = arith.constant 16 : i32
        %mul3A_985 = arith.muli %add3A_134, %mul3A_984 : i32
        %add3A_986 = arith.constant 9 : i32
        %add3A_987 = arith.addi %mul3A_985, %add3A_986 : i32
        %get3A_988 = arith.index_cast %add3A_987 : i32 to index
        %get3A_989 = arith.constant 0 : index
        %get3A_990 = tpu.vector_load %arg9[%get3A_988, %get3A_989] {strides = array<i32>} : memref<64x128xf32, #tpu.memory_space<vmem>>, vector<1x16xf32>,
        %get3A_991 = vector.shape_cast %get3A_990 : vector<1x16xf32> to vector<16xf32>
        %mul3A_992 = vector.broadcast %squeeze3A_983 : f32 to vector<16xf32>
        %mul3A_993 = arith.mulf %get3A_991, %mul3A_992 : vector<16xf32>
        %swap3A_994 = arith.index_cast %add3A_987 : i32 to index
        %swap3A_995 = arith.constant 0 : index
        %swap3A_996 = tpu.vector_load %arg9[%swap3A_994, %swap3A_995] {strides = array<i32>} : memref<64x128xf32, #tpu.memory_space<vmem>>, vector<1x16xf32>,
        %swap3A_997 = vector.shape_cast %swap3A_996 : vector<1x16xf32> to vector<16xf32>
        %swap3A_998 = vector.shape_cast %mul3A_993 : vector<16xf32> to vector<1x16xf32>
        tpu.vector_store %arg9[%swap3A_994, %swap3A_995], %swap3A_998 {strides = array<i32>} : memref<64x128xf32, #tpu.memory_space<vmem>>, vector<1x16xf32>,
        %get3A_999 = arith.index_cast %add3A_987 : i32 to index
        %get3A_1000 = arith.constant 16 : index
        %get3A_1001 = tpu.vector_load %arg9[%get3A_999, %get3A_1000] {strides = array<i32>} : memref<64x128xf32, #tpu.memory_space<vmem>>, vector<1x16xf32>,
        %get3A_1002 = vector.shape_cast %get3A_1001 : vector<1x16xf32> to vector<16xf32>
        %mul3A_1003 = vector.broadcast %squeeze3A_983 : f32 to vector<16xf32>
        %mul3A_1004 = arith.mulf %get3A_1002, %mul3A_1003 : vector<16xf32>
        %swap3A_1005 = arith.index_cast %add3A_987 : i32 to index
        %swap3A_1006 = arith.constant 16 : index
        %swap3A_1007 = tpu.vector_load %arg9[%swap3A_1005, %swap3A_1006] {strides = array<i32>} : memref<64x128xf32, #tpu.memory_space<vmem>>, vector<1x16xf32>,
        %swap3A_1008 = vector.shape_cast %swap3A_1007 : vector<1x16xf32> to vector<16xf32>
        %swap3A_1009 = vector.shape_cast %mul3A_1004 : vector<16xf32> to vector<1x16xf32>
        tpu.vector_store %arg9[%swap3A_1005, %swap3A_1006], %swap3A_1009 {strides = array<i32>} : memref<64x128xf32, #tpu.memory_space<vmem>>, vector<1x16xf32>,
        %get3A_1010 = arith.index_cast %add3A_987 : i32 to index
        %get3A_1011 = arith.constant 32 : index
        %get3A_1012 = tpu.vector_load %arg9[%get3A_1010, %get3A_1011] {strides = array<i32>} : memref<64x128xf32, #tpu.memory_space<vmem>>, vector<1x16xf32>,
        %get3A_1013 = vector.shape_cast %get3A_1012 : vector<1x16xf32> to vector<16xf32>
        %mul3A_1014 = vector.broadcast %squeeze3A_983 : f32 to vector<16xf32>
        %mul3A_1015 = arith.mulf %get3A_1013, %mul3A_1014 : vector<16xf32>
        %swap3A_1016 = arith.index_cast %add3A_987 : i32 to index
        %swap3A_1017 = arith.constant 32 : index
        %swap3A_1018 = tpu.vector_load %arg9[%swap3A_1016, %swap3A_1017] {strides = array<i32>} : memref<64x128xf32, #tpu.memory_space<vmem>>, vector<1x16xf32>,
        %swap3A_1019 = vector.shape_cast %swap3A_1018 : vector<1x16xf32> to vector<16xf32>
        %swap3A_1020 = vector.shape_cast %mul3A_1015 : vector<16xf32> to vector<1x16xf32>
        tpu.vector_store %arg9[%swap3A_1016, %swap3A_1017], %swap3A_1020 {strides = array<i32>} : memref<64x128xf32, #tpu.memory_space<vmem>>, vector<1x16xf32>,
        %get3A_1021 = arith.index_cast %add3A_987 : i32 to index
        %get3A_1022 = arith.constant 48 : index
        %get3A_1023 = tpu.vector_load %arg9[%get3A_1021, %get3A_1022] {strides = array<i32>} : memref<64x128xf32, #tpu.memory_space<vmem>>, vector<1x16xf32>,
        %get3A_1024 = vector.shape_cast %get3A_1023 : vector<1x16xf32> to vector<16xf32>
        %mul3A_1025 = vector.broadcast %squeeze3A_983 : f32 to vector<16xf32>
        %mul3A_1026 = arith.mulf %get3A_1024, %mul3A_1025 : vector<16xf32>
        %swap3A_1027 = arith.index_cast %add3A_987 : i32 to index
        %swap3A_1028 = arith.constant 48 : index
        %swap3A_1029 = tpu.vector_load %arg9[%swap3A_1027, %swap3A_1028] {strides = array<i32>} : memref<64x128xf32, #tpu.memory_space<vmem>>, vector<1x16xf32>,
        %swap3A_1030 = vector.shape_cast %swap3A_1029 : vector<1x16xf32> to vector<16xf32>
        %swap3A_1031 = vector.shape_cast %mul3A_1026 : vector<16xf32> to vector<1x16xf32>
        tpu.vector_store %arg9[%swap3A_1027, %swap3A_1028], %swap3A_1031 {strides = array<i32>} : memref<64x128xf32, #tpu.memory_space<vmem>>, vector<1x16xf32>,
        %get3A_1032 = arith.index_cast %add3A_987 : i32 to index
        %get3A_1033 = arith.constant 64 : index
        %get3A_1034 = tpu.vector_load %arg9[%get3A_1032, %get3A_1033] {strides = array<i32>} : memref<64x128xf32, #tpu.memory_space<vmem>>, vector<1x16xf32>,
        %get3A_1035 = vector.shape_cast %get3A_1034 : vector<1x16xf32> to vector<16xf32>
        %mul3A_1036 = vector.broadcast %squeeze3A_983 : f32 to vector<16xf32>
        %mul3A_1037 = arith.mulf %get3A_1035, %mul3A_1036 : vector<16xf32>
        %swap3A_1038 = arith.index_cast %add3A_987 : i32 to index
        %swap3A_1039 = arith.constant 64 : index
        %swap3A_1040 = tpu.vector_load %arg9[%swap3A_1038, %swap3A_1039] {strides = array<i32>} : memref<64x128xf32, #tpu.memory_space<vmem>>, vector<1x16xf32>,
        %swap3A_1041 = vector.shape_cast %swap3A_1040 : vector<1x16xf32> to vector<16xf32>
        %swap3A_1042 = vector.shape_cast %mul3A_1037 : vector<16xf32> to vector<1x16xf32>
        tpu.vector_store %arg9[%swap3A_1038, %swap3A_1039], %swap3A_1042 {strides = array<i32>} : memref<64x128xf32, #tpu.memory_space<vmem>>, vector<1x16xf32>,
        %get3A_1043 = arith.index_cast %add3A_987 : i32 to index
        %get3A_1044 = arith.constant 80 : index
        %get3A_1045 = tpu.vector_load %arg9[%get3A_1043, %get3A_1044] {strides = array<i32>} : memref<64x128xf32, #tpu.memory_space<vmem>>, vector<1x16xf32>,
        %get3A_1046 = vector.shape_cast %get3A_1045 : vector<1x16xf32> to vector<16xf32>
        %mul3A_1047 = vector.broadcast %squeeze3A_983 : f32 to vector<16xf32>
        %mul3A_1048 = arith.mulf %get3A_1046, %mul3A_1047 : vector<16xf32>
        %swap3A_1049 = arith.index_cast %add3A_987 : i32 to index
        %swap3A_1050 = arith.constant 80 : index
        %swap3A_1051 = tpu.vector_load %arg9[%swap3A_1049, %swap3A_1050] {strides = array<i32>} : memref<64x128xf32, #tpu.memory_space<vmem>>, vector<1x16xf32>,
        %swap3A_1052 = vector.shape_cast %swap3A_1051 : vector<1x16xf32> to vector<16xf32>
        %swap3A_1053 = vector.shape_cast %mul3A_1048 : vector<16xf32> to vector<1x16xf32>
        tpu.vector_store %arg9[%swap3A_1049, %swap3A_1050], %swap3A_1053 {strides = array<i32>} : memref<64x128xf32, #tpu.memory_space<vmem>>, vector<1x16xf32>,
        %get3A_1054 = arith.index_cast %add3A_987 : i32 to index
        %get3A_1055 = arith.constant 96 : index
        %get3A_1056 = tpu.vector_load %arg9[%get3A_1054, %get3A_1055] {strides = array<i32>} : memref<64x128xf32, #tpu.memory_space<vmem>>, vector<1x16xf32>,
        %get3A_1057 = vector.shape_cast %get3A_1056 : vector<1x16xf32> to vector<16xf32>
        %mul3A_1058 = vector.broadcast %squeeze3A_983 : f32 to vector<16xf32>
        %mul3A_1059 = arith.mulf %get3A_1057, %mul3A_1058 : vector<16xf32>
        %swap3A_1060 = arith.index_cast %add3A_987 : i32 to index
        %swap3A_1061 = arith.constant 96 : index
        %swap3A_1062 = tpu.vector_load %arg9[%swap3A_1060, %swap3A_1061] {strides = array<i32>} : memref<64x128xf32, #tpu.memory_space<vmem>>, vector<1x16xf32>,
        %swap3A_1063 = vector.shape_cast %swap3A_1062 : vector<1x16xf32> to vector<16xf32>
        %swap3A_1064 = vector.shape_cast %mul3A_1059 : vector<16xf32> to vector<1x16xf32>
        tpu.vector_store %arg9[%swap3A_1060, %swap3A_1061], %swap3A_1064 {strides = array<i32>} : memref<64x128xf32, #tpu.memory_space<vmem>>, vector<1x16xf32>,
        %get3A_1065 = arith.index_cast %add3A_987 : i32 to index
        %get3A_1066 = arith.constant 112 : index
        %get3A_1067 = tpu.vector_load %arg9[%get3A_1065, %get3A_1066] {strides = array<i32>} : memref<64x128xf32, #tpu.memory_space<vmem>>, vector<1x16xf32>,
        %get3A_1068 = vector.shape_cast %get3A_1067 : vector<1x16xf32> to vector<16xf32>
        %mul3A_1069 = vector.broadcast %squeeze3A_983 : f32 to vector<16xf32>
        %mul3A_1070 = arith.mulf %get3A_1068, %mul3A_1069 : vector<16xf32>
        %swap3A_1071 = arith.index_cast %add3A_987 : i32 to index
        %swap3A_1072 = arith.constant 112 : index
        %swap3A_1073 = tpu.vector_load %arg9[%swap3A_1071, %swap3A_1072] {strides = array<i32>} : memref<64x128xf32, #tpu.memory_space<vmem>>, vector<1x16xf32>,
        %swap3A_1074 = vector.shape_cast %swap3A_1073 : vector<1x16xf32> to vector<16xf32>
        %swap3A_1075 = vector.shape_cast %mul3A_1070 : vector<16xf32> to vector<1x16xf32>
        tpu.vector_store %arg9[%swap3A_1071, %swap3A_1072], %swap3A_1075 {strides = array<i32>} : memref<64x128xf32, #tpu.memory_space<vmem>>, vector<1x16xf32>,
        %slice3A_1076 = vector.extract_strided_slice %get3A_138 {offsets = [10], sizes = [1], strides = [1]} : vector<16xf32> to vector<1xf32>
        %squeeze3A_1077 = vector.extract %slice3A_1076[0] : f32 from vector<1xf32>
        %mul3A_1078 = arith.constant 16 : i32
        %mul3A_1079 = arith.muli %add3A_134, %mul3A_1078 : i32
        %add3A_1080 = arith.constant 10 : i32
        %add3A_1081 = arith.addi %mul3A_1079, %add3A_1080 : i32
        %get3A_1082 = arith.index_cast %add3A_1081 : i32 to index
        %get3A_1083 = arith.constant 0 : index
        %get3A_1084 = tpu.vector_load %arg9[%get3A_1082, %get3A_1083] {strides = array<i32>} : memref<64x128xf32, #tpu.memory_space<vmem>>, vector<1x16xf32>,
        %get3A_1085 = vector.shape_cast %get3A_1084 : vector<1x16xf32> to vector<16xf32>
        %mul3A_1086 = vector.broadcast %squeeze3A_1077 : f32 to vector<16xf32>
        %mul3A_1087 = arith.mulf %get3A_1085, %mul3A_1086 : vector<16xf32>
        %swap3A_1088 = arith.index_cast %add3A_1081 : i32 to index
        %swap3A_1089 = arith.constant 0 : index
        %swap3A_1090 = tpu.vector_load %arg9[%swap3A_1088, %swap3A_1089] {strides = array<i32>} : memref<64x128xf32, #tpu.memory_space<vmem>>, vector<1x16xf32>,
        %swap3A_1091 = vector.shape_cast %swap3A_1090 : vector<1x16xf32> to vector<16xf32>
        %swap3A_1092 = vector.shape_cast %mul3A_1087 : vector<16xf32> to vector<1x16xf32>
        tpu.vector_store %arg9[%swap3A_1088, %swap3A_1089], %swap3A_1092 {strides = array<i32>} : memref<64x128xf32, #tpu.memory_space<vmem>>, vector<1x16xf32>,
        %get3A_1093 = arith.index_cast %add3A_1081 : i32 to index
        %get3A_1094 = arith.constant 16 : index
        %get3A_1095 = tpu.vector_load %arg9[%get3A_1093, %get3A_1094] {strides = array<i32>} : memref<64x128xf32, #tpu.memory_space<vmem>>, vector<1x16xf32>,
        %get3A_1096 = vector.shape_cast %get3A_1095 : vector<1x16xf32> to vector<16xf32>
        %mul3A_1097 = vector.broadcast %squeeze3A_1077 : f32 to vector<16xf32>
        %mul3A_1098 = arith.mulf %get3A_1096, %mul3A_1097 : vector<16xf32>
        %swap3A_1099 = arith.index_cast %add3A_1081 : i32 to index
        %swap3A_1100 = arith.constant 16 : index
        %swap3A_1101 = tpu.vector_load %arg9[%swap3A_1099, %swap3A_1100] {strides = array<i32>} : memref<64x128xf32, #tpu.memory_space<vmem>>, vector<1x16xf32>,
        %swap3A_1102 = vector.shape_cast %swap3A_1101 : vector<1x16xf32> to vector<16xf32>
        %swap3A_1103 = vector.shape_cast %mul3A_1098 : vector<16xf32> to vector<1x16xf32>
        tpu.vector_store %arg9[%swap3A_1099, %swap3A_1100], %swap3A_1103 {strides = array<i32>} : memref<64x128xf32, #tpu.memory_space<vmem>>, vector<1x16xf32>,
        %get3A_1104 = arith.index_cast %add3A_1081 : i32 to index
        %get3A_1105 = arith.constant 32 : index
        %get3A_1106 = tpu.vector_load %arg9[%get3A_1104, %get3A_1105] {strides = array<i32>} : memref<64x128xf32, #tpu.memory_space<vmem>>, vector<1x16xf32>,
        %get3A_1107 = vector.shape_cast %get3A_1106 : vector<1x16xf32> to vector<16xf32>
        %mul3A_1108 = vector.broadcast %squeeze3A_1077 : f32 to vector<16xf32>
        %mul3A_1109 = arith.mulf %get3A_1107, %mul3A_1108 : vector<16xf32>
        %swap3A_1110 = arith.index_cast %add3A_1081 : i32 to index
        %swap3A_1111 = arith.constant 32 : index
        %swap3A_1112 = tpu.vector_load %arg9[%swap3A_1110, %swap3A_1111] {strides = array<i32>} : memref<64x128xf32, #tpu.memory_space<vmem>>, vector<1x16xf32>,
        %swap3A_1113 = vector.shape_cast %swap3A_1112 : vector<1x16xf32> to vector<16xf32>
        %swap3A_1114 = vector.shape_cast %mul3A_1109 : vector<16xf32> to vector<1x16xf32>
        tpu.vector_store %arg9[%swap3A_1110, %swap3A_1111], %swap3A_1114 {strides = array<i32>} : memref<64x128xf32, #tpu.memory_space<vmem>>, vector<1x16xf32>,
        %get3A_1115 = arith.index_cast %add3A_1081 : i32 to index
        %get3A_1116 = arith.constant 48 : index
        %get3A_1117 = tpu.vector_load %arg9[%get3A_1115, %get3A_1116] {strides = array<i32>} : memref<64x128xf32, #tpu.memory_space<vmem>>, vector<1x16xf32>,
        %get3A_1118 = vector.shape_cast %get3A_1117 : vector<1x16xf32> to vector<16xf32>
        %mul3A_1119 = vector.broadcast %squeeze3A_1077 : f32 to vector<16xf32>
        %mul3A_1120 = arith.mulf %get3A_1118, %mul3A_1119 : vector<16xf32>
        %swap3A_1121 = arith.index_cast %add3A_1081 : i32 to index
        %swap3A_1122 = arith.constant 48 : index
        %swap3A_1123 = tpu.vector_load %arg9[%swap3A_1121, %swap3A_1122] {strides = array<i32>} : memref<64x128xf32, #tpu.memory_space<vmem>>, vector<1x16xf32>,
        %swap3A_1124 = vector.shape_cast %swap3A_1123 : vector<1x16xf32> to vector<16xf32>
        %swap3A_1125 = vector.shape_cast %mul3A_1120 : vector<16xf32> to vector<1x16xf32>
        tpu.vector_store %arg9[%swap3A_1121, %swap3A_1122], %swap3A_1125 {strides = array<i32>} : memref<64x128xf32, #tpu.memory_space<vmem>>, vector<1x16xf32>,
        %get3A_1126 = arith.index_cast %add3A_1081 : i32 to index
        %get3A_1127 = arith.constant 64 : index
        %get3A_1128 = tpu.vector_load %arg9[%get3A_1126, %get3A_1127] {strides = array<i32>} : memref<64x128xf32, #tpu.memory_space<vmem>>, vector<1x16xf32>,
        %get3A_1129 = vector.shape_cast %get3A_1128 : vector<1x16xf32> to vector<16xf32>
        %mul3A_1130 = vector.broadcast %squeeze3A_1077 : f32 to vector<16xf32>
        %mul3A_1131 = arith.mulf %get3A_1129, %mul3A_1130 : vector<16xf32>
        %swap3A_1132 = arith.index_cast %add3A_1081 : i32 to index
        %swap3A_1133 = arith.constant 64 : index
        %swap3A_1134 = tpu.vector_load %arg9[%swap3A_1132, %swap3A_1133] {strides = array<i32>} : memref<64x128xf32, #tpu.memory_space<vmem>>, vector<1x16xf32>,
        %swap3A_1135 = vector.shape_cast %swap3A_1134 : vector<1x16xf32> to vector<16xf32>
        %swap3A_1136 = vector.shape_cast %mul3A_1131 : vector<16xf32> to vector<1x16xf32>
        tpu.vector_store %arg9[%swap3A_1132, %swap3A_1133], %swap3A_1136 {strides = array<i32>} : memref<64x128xf32, #tpu.memory_space<vmem>>, vector<1x16xf32>,
        %get3A_1137 = arith.index_cast %add3A_1081 : i32 to index
        %get3A_1138 = arith.constant 80 : index
        %get3A_1139 = tpu.vector_load %arg9[%get3A_1137, %get3A_1138] {strides = array<i32>} : memref<64x128xf32, #tpu.memory_space<vmem>>, vector<1x16xf32>,
        %get3A_1140 = vector.shape_cast %get3A_1139 : vector<1x16xf32> to vector<16xf32>
        %mul3A_1141 = vector.broadcast %squeeze3A_1077 : f32 to vector<16xf32>
        %mul3A_1142 = arith.mulf %get3A_1140, %mul3A_1141 : vector<16xf32>
        %swap3A_1143 = arith.index_cast %add3A_1081 : i32 to index
        %swap3A_1144 = arith.constant 80 : index
        %swap3A_1145 = tpu.vector_load %arg9[%swap3A_1143, %swap3A_1144] {strides = array<i32>} : memref<64x128xf32, #tpu.memory_space<vmem>>, vector<1x16xf32>,
        %swap3A_1146 = vector.shape_cast %swap3A_1145 : vector<1x16xf32> to vector<16xf32>
        %swap3A_1147 = vector.shape_cast %mul3A_1142 : vector<16xf32> to vector<1x16xf32>
        tpu.vector_store %arg9[%swap3A_1143, %swap3A_1144], %swap3A_1147 {strides = array<i32>} : memref<64x128xf32, #tpu.memory_space<vmem>>, vector<1x16xf32>,
        %get3A_1148 = arith.index_cast %add3A_1081 : i32 to index
        %get3A_1149 = arith.constant 96 : index
        %get3A_1150 = tpu.vector_load %arg9[%get3A_1148, %get3A_1149] {strides = array<i32>} : memref<64x128xf32, #tpu.memory_space<vmem>>, vector<1x16xf32>,
        %get3A_1151 = vector.shape_cast %get3A_1150 : vector<1x16xf32> to vector<16xf32>
        %mul3A_1152 = vector.broadcast %squeeze3A_1077 : f32 to vector<16xf32>
        %mul3A_1153 = arith.mulf %get3A_1151, %mul3A_1152 : vector<16xf32>
        %swap3A_1154 = arith.index_cast %add3A_1081 : i32 to index
        %swap3A_1155 = arith.constant 96 : index
        %swap3A_1156 = tpu.vector_load %arg9[%swap3A_1154, %swap3A_1155] {strides = array<i32>} : memref<64x128xf32, #tpu.memory_space<vmem>>, vector<1x16xf32>,
        %swap3A_1157 = vector.shape_cast %swap3A_1156 : vector<1x16xf32> to vector<16xf32>
        %swap3A_1158 = vector.shape_cast %mul3A_1153 : vector<16xf32> to vector<1x16xf32>
        tpu.vector_store %arg9[%swap3A_1154, %swap3A_1155], %swap3A_1158 {strides = array<i32>} : memref<64x128xf32, #tpu.memory_space<vmem>>, vector<1x16xf32>,
        %get3A_1159 = arith.index_cast %add3A_1081 : i32 to index
        %get3A_1160 = arith.constant 112 : index
        %get3A_1161 = tpu.vector_load %arg9[%get3A_1159, %get3A_1160] {strides = array<i32>} : memref<64x128xf32, #tpu.memory_space<vmem>>, vector<1x16xf32>,
        %get3A_1162 = vector.shape_cast %get3A_1161 : vector<1x16xf32> to vector<16xf32>
        %mul3A_1163 = vector.broadcast %squeeze3A_1077 : f32 to vector<16xf32>
        %mul3A_1164 = arith.mulf %get3A_1162, %mul3A_1163 : vector<16xf32>
        %swap3A_1165 = arith.index_cast %add3A_1081 : i32 to index
        %swap3A_1166 = arith.constant 112 : index
        %swap3A_1167 = tpu.vector_load %arg9[%swap3A_1165, %swap3A_1166] {strides = array<i32>} : memref<64x128xf32, #tpu.memory_space<vmem>>, vector<1x16xf32>,
        %swap3A_1168 = vector.shape_cast %swap3A_1167 : vector<1x16xf32> to vector<16xf32>
        %swap3A_1169 = vector.shape_cast %mul3A_1164 : vector<16xf32> to vector<1x16xf32>
        tpu.vector_store %arg9[%swap3A_1165, %swap3A_1166], %swap3A_1169 {strides = array<i32>} : memref<64x128xf32, #tpu.memory_space<vmem>>, vector<1x16xf32>,
        %slice3A_1170 = vector.extract_strided_slice %get3A_138 {offsets = [11], sizes = [1], strides = [1]} : vector<16xf32> to vector<1xf32>
        %squeeze3A_1171 = vector.extract %slice3A_1170[0] : f32 from vector<1xf32>
        %mul3A_1172 = arith.constant 16 : i32
        %mul3A_1173 = arith.muli %add3A_134, %mul3A_1172 : i32
        %add3A_1174 = arith.constant 11 : i32
        %add3A_1175 = arith.addi %mul3A_1173, %add3A_1174 : i32
        %get3A_1176 = arith.index_cast %add3A_1175 : i32 to index
        %get3A_1177 = arith.constant 0 : index
        %get3A_1178 = tpu.vector_load %arg9[%get3A_1176, %get3A_1177] {strides = array<i32>} : memref<64x128xf32, #tpu.memory_space<vmem>>, vector<1x16xf32>,
        %get3A_1179 = vector.shape_cast %get3A_1178 : vector<1x16xf32> to vector<16xf32>
        %mul3A_1180 = vector.broadcast %squeeze3A_1171 : f32 to vector<16xf32>
        %mul3A_1181 = arith.mulf %get3A_1179, %mul3A_1180 : vector<16xf32>
        %swap3A_1182 = arith.index_cast %add3A_1175 : i32 to index
        %swap3A_1183 = arith.constant 0 : index
        %swap3A_1184 = tpu.vector_load %arg9[%swap3A_1182, %swap3A_1183] {strides = array<i32>} : memref<64x128xf32, #tpu.memory_space<vmem>>, vector<1x16xf32>,
        %swap3A_1185 = vector.shape_cast %swap3A_1184 : vector<1x16xf32> to vector<16xf32>
        %swap3A_1186 = vector.shape_cast %mul3A_1181 : vector<16xf32> to vector<1x16xf32>
        tpu.vector_store %arg9[%swap3A_1182, %swap3A_1183], %swap3A_1186 {strides = array<i32>} : memref<64x128xf32, #tpu.memory_space<vmem>>, vector<1x16xf32>,
        %get3A_1187 = arith.index_cast %add3A_1175 : i32 to index
        %get3A_1188 = arith.constant 16 : index
        %get3A_1189 = tpu.vector_load %arg9[%get3A_1187, %get3A_1188] {strides = array<i32>} : memref<64x128xf32, #tpu.memory_space<vmem>>, vector<1x16xf32>,
        %get3A_1190 = vector.shape_cast %get3A_1189 : vector<1x16xf32> to vector<16xf32>
        %mul3A_1191 = vector.broadcast %squeeze3A_1171 : f32 to vector<16xf32>
        %mul3A_1192 = arith.mulf %get3A_1190, %mul3A_1191 : vector<16xf32>
        %swap3A_1193 = arith.index_cast %add3A_1175 : i32 to index
        %swap3A_1194 = arith.constant 16 : index
        %swap3A_1195 = tpu.vector_load %arg9[%swap3A_1193, %swap3A_1194] {strides = array<i32>} : memref<64x128xf32, #tpu.memory_space<vmem>>, vector<1x16xf32>,
        %swap3A_1196 = vector.shape_cast %swap3A_1195 : vector<1x16xf32> to vector<16xf32>
        %swap3A_1197 = vector.shape_cast %mul3A_1192 : vector<16xf32> to vector<1x16xf32>
        tpu.vector_store %arg9[%swap3A_1193, %swap3A_1194], %swap3A_1197 {strides = array<i32>} : memref<64x128xf32, #tpu.memory_space<vmem>>, vector<1x16xf32>,
        %get3A_1198 = arith.index_cast %add3A_1175 : i32 to index
        %get3A_1199 = arith.constant 32 : index
        %get3A_1200 = tpu.vector_load %arg9[%get3A_1198, %get3A_1199] {strides = array<i32>} : memref<64x128xf32, #tpu.memory_space<vmem>>, vector<1x16xf32>,
        %get3A_1201 = vector.shape_cast %get3A_1200 : vector<1x16xf32> to vector<16xf32>
        %mul3A_1202 = vector.broadcast %squeeze3A_1171 : f32 to vector<16xf32>
        %mul3A_1203 = arith.mulf %get3A_1201, %mul3A_1202 : vector<16xf32>
        %swap3A_1204 = arith.index_cast %add3A_1175 : i32 to index
        %swap3A_1205 = arith.constant 32 : index
        %swap3A_1206 = tpu.vector_load %arg9[%swap3A_1204, %swap3A_1205] {strides = array<i32>} : memref<64x128xf32, #tpu.memory_space<vmem>>, vector<1x16xf32>,
        %swap3A_1207 = vector.shape_cast %swap3A_1206 : vector<1x16xf32> to vector<16xf32>
        %swap3A_1208 = vector.shape_cast %mul3A_1203 : vector<16xf32> to vector<1x16xf32>
        tpu.vector_store %arg9[%swap3A_1204, %swap3A_1205], %swap3A_1208 {strides = array<i32>} : memref<64x128xf32, #tpu.memory_space<vmem>>, vector<1x16xf32>,
        %get3A_1209 = arith.index_cast %add3A_1175 : i32 to index
        %get3A_1210 = arith.constant 48 : index
        %get3A_1211 = tpu.vector_load %arg9[%get3A_1209, %get3A_1210] {strides = array<i32>} : memref<64x128xf32, #tpu.memory_space<vmem>>, vector<1x16xf32>,
        %get3A_1212 = vector.shape_cast %get3A_1211 : vector<1x16xf32> to vector<16xf32>
        %mul3A_1213 = vector.broadcast %squeeze3A_1171 : f32 to vector<16xf32>
        %mul3A_1214 = arith.mulf %get3A_1212, %mul3A_1213 : vector<16xf32>
        %swap3A_1215 = arith.index_cast %add3A_1175 : i32 to index
        %swap3A_1216 = arith.constant 48 : index
        %swap3A_1217 = tpu.vector_load %arg9[%swap3A_1215, %swap3A_1216] {strides = array<i32>} : memref<64x128xf32, #tpu.memory_space<vmem>>, vector<1x16xf32>,
        %swap3A_1218 = vector.shape_cast %swap3A_1217 : vector<1x16xf32> to vector<16xf32>
        %swap3A_1219 = vector.shape_cast %mul3A_1214 : vector<16xf32> to vector<1x16xf32>
        tpu.vector_store %arg9[%swap3A_1215, %swap3A_1216], %swap3A_1219 {strides = array<i32>} : memref<64x128xf32, #tpu.memory_space<vmem>>, vector<1x16xf32>,
        %get3A_1220 = arith.index_cast %add3A_1175 : i32 to index
        %get3A_1221 = arith.constant 64 : index
        %get3A_1222 = tpu.vector_load %arg9[%get3A_1220, %get3A_1221] {strides = array<i32>} : memref<64x128xf32, #tpu.memory_space<vmem>>, vector<1x16xf32>,
        %get3A_1223 = vector.shape_cast %get3A_1222 : vector<1x16xf32> to vector<16xf32>
        %mul3A_1224 = vector.broadcast %squeeze3A_1171 : f32 to vector<16xf32>
        %mul3A_1225 = arith.mulf %get3A_1223, %mul3A_1224 : vector<16xf32>
        %swap3A_1226 = arith.index_cast %add3A_1175 : i32 to index
        %swap3A_1227 = arith.constant 64 : index
        %swap3A_1228 = tpu.vector_load %arg9[%swap3A_1226, %swap3A_1227] {strides = array<i32>} : memref<64x128xf32, #tpu.memory_space<vmem>>, vector<1x16xf32>,
        %swap3A_1229 = vector.shape_cast %swap3A_1228 : vector<1x16xf32> to vector<16xf32>
        %swap3A_1230 = vector.shape_cast %mul3A_1225 : vector<16xf32> to vector<1x16xf32>
        tpu.vector_store %arg9[%swap3A_1226, %swap3A_1227], %swap3A_1230 {strides = array<i32>} : memref<64x128xf32, #tpu.memory_space<vmem>>, vector<1x16xf32>,
        %get3A_1231 = arith.index_cast %add3A_1175 : i32 to index
        %get3A_1232 = arith.constant 80 : index
        %get3A_1233 = tpu.vector_load %arg9[%get3A_1231, %get3A_1232] {strides = array<i32>} : memref<64x128xf32, #tpu.memory_space<vmem>>, vector<1x16xf32>,
        %get3A_1234 = vector.shape_cast %get3A_1233 : vector<1x16xf32> to vector<16xf32>
        %mul3A_1235 = vector.broadcast %squeeze3A_1171 : f32 to vector<16xf32>
        %mul3A_1236 = arith.mulf %get3A_1234, %mul3A_1235 : vector<16xf32>
        %swap3A_1237 = arith.index_cast %add3A_1175 : i32 to index
        %swap3A_1238 = arith.constant 80 : index
        %swap3A_1239 = tpu.vector_load %arg9[%swap3A_1237, %swap3A_1238] {strides = array<i32>} : memref<64x128xf32, #tpu.memory_space<vmem>>, vector<1x16xf32>,
        %swap3A_1240 = vector.shape_cast %swap3A_1239 : vector<1x16xf32> to vector<16xf32>
        %swap3A_1241 = vector.shape_cast %mul3A_1236 : vector<16xf32> to vector<1x16xf32>
        tpu.vector_store %arg9[%swap3A_1237, %swap3A_1238], %swap3A_1241 {strides = array<i32>} : memref<64x128xf32, #tpu.memory_space<vmem>>, vector<1x16xf32>,
        %get3A_1242 = arith.index_cast %add3A_1175 : i32 to index
        %get3A_1243 = arith.constant 96 : index
        %get3A_1244 = tpu.vector_load %arg9[%get3A_1242, %get3A_1243] {strides = array<i32>} : memref<64x128xf32, #tpu.memory_space<vmem>>, vector<1x16xf32>,
        %get3A_1245 = vector.shape_cast %get3A_1244 : vector<1x16xf32> to vector<16xf32>
        %mul3A_1246 = vector.broadcast %squeeze3A_1171 : f32 to vector<16xf32>
        %mul3A_1247 = arith.mulf %get3A_1245, %mul3A_1246 : vector<16xf32>
        %swap3A_1248 = arith.index_cast %add3A_1175 : i32 to index
        %swap3A_1249 = arith.constant 96 : index
        %swap3A_1250 = tpu.vector_load %arg9[%swap3A_1248, %swap3A_1249] {strides = array<i32>} : memref<64x128xf32, #tpu.memory_space<vmem>>, vector<1x16xf32>,
        %swap3A_1251 = vector.shape_cast %swap3A_1250 : vector<1x16xf32> to vector<16xf32>
        %swap3A_1252 = vector.shape_cast %mul3A_1247 : vector<16xf32> to vector<1x16xf32>
        tpu.vector_store %arg9[%swap3A_1248, %swap3A_1249], %swap3A_1252 {strides = array<i32>} : memref<64x128xf32, #tpu.memory_space<vmem>>, vector<1x16xf32>,
        %get3A_1253 = arith.index_cast %add3A_1175 : i32 to index
        %get3A_1254 = arith.constant 112 : index
        %get3A_1255 = tpu.vector_load %arg9[%get3A_1253, %get3A_1254] {strides = array<i32>} : memref<64x128xf32, #tpu.memory_space<vmem>>, vector<1x16xf32>,
        %get3A_1256 = vector.shape_cast %get3A_1255 : vector<1x16xf32> to vector<16xf32>
        %mul3A_1257 = vector.broadcast %squeeze3A_1171 : f32 to vector<16xf32>
        %mul3A_1258 = arith.mulf %get3A_1256, %mul3A_1257 : vector<16xf32>
        %swap3A_1259 = arith.index_cast %add3A_1175 : i32 to index
        %swap3A_1260 = arith.constant 112 : index
        %swap3A_1261 = tpu.vector_load %arg9[%swap3A_1259, %swap3A_1260] {strides = array<i32>} : memref<64x128xf32, #tpu.memory_space<vmem>>, vector<1x16xf32>,
        %swap3A_1262 = vector.shape_cast %swap3A_1261 : vector<1x16xf32> to vector<16xf32>
        %swap3A_1263 = vector.shape_cast %mul3A_1258 : vector<16xf32> to vector<1x16xf32>
        tpu.vector_store %arg9[%swap3A_1259, %swap3A_1260], %swap3A_1263 {strides = array<i32>} : memref<64x128xf32, #tpu.memory_space<vmem>>, vector<1x16xf32>,
        %slice3A_1264 = vector.extract_strided_slice %get3A_138 {offsets = [12], sizes = [1], strides = [1]} : vector<16xf32> to vector<1xf32>
        %squeeze3A_1265 = vector.extract %slice3A_1264[0] : f32 from vector<1xf32>
        %mul3A_1266 = arith.constant 16 : i32
        %mul3A_1267 = arith.muli %add3A_134, %mul3A_1266 : i32
        %add3A_1268 = arith.constant 12 : i32
        %add3A_1269 = arith.addi %mul3A_1267, %add3A_1268 : i32
        %get3A_1270 = arith.index_cast %add3A_1269 : i32 to index
        %get3A_1271 = arith.constant 0 : index
        %get3A_1272 = tpu.vector_load %arg9[%get3A_1270, %get3A_1271] {strides = array<i32>} : memref<64x128xf32, #tpu.memory_space<vmem>>, vector<1x16xf32>,
        %get3A_1273 = vector.shape_cast %get3A_1272 : vector<1x16xf32> to vector<16xf32>
        %mul3A_1274 = vector.broadcast %squeeze3A_1265 : f32 to vector<16xf32>
        %mul3A_1275 = arith.mulf %get3A_1273, %mul3A_1274 : vector<16xf32>
        %swap3A_1276 = arith.index_cast %add3A_1269 : i32 to index
        %swap3A_1277 = arith.constant 0 : index
        %swap3A_1278 = tpu.vector_load %arg9[%swap3A_1276, %swap3A_1277] {strides = array<i32>} : memref<64x128xf32, #tpu.memory_space<vmem>>, vector<1x16xf32>,
        %swap3A_1279 = vector.shape_cast %swap3A_1278 : vector<1x16xf32> to vector<16xf32>
        %swap3A_1280 = vector.shape_cast %mul3A_1275 : vector<16xf32> to vector<1x16xf32>
        tpu.vector_store %arg9[%swap3A_1276, %swap3A_1277], %swap3A_1280 {strides = array<i32>} : memref<64x128xf32, #tpu.memory_space<vmem>>, vector<1x16xf32>,
        %get3A_1281 = arith.index_cast %add3A_1269 : i32 to index
        %get3A_1282 = arith.constant 16 : index
        %get3A_1283 = tpu.vector_load %arg9[%get3A_1281, %get3A_1282] {strides = array<i32>} : memref<64x128xf32, #tpu.memory_space<vmem>>, vector<1x16xf32>,
        %get3A_1284 = vector.shape_cast %get3A_1283 : vector<1x16xf32> to vector<16xf32>
        %mul3A_1285 = vector.broadcast %squeeze3A_1265 : f32 to vector<16xf32>
        %mul3A_1286 = arith.mulf %get3A_1284, %mul3A_1285 : vector<16xf32>
        %swap3A_1287 = arith.index_cast %add3A_1269 : i32 to index
        %swap3A_1288 = arith.constant 16 : index
        %swap3A_1289 = tpu.vector_load %arg9[%swap3A_1287, %swap3A_1288] {strides = array<i32>} : memref<64x128xf32, #tpu.memory_space<vmem>>, vector<1x16xf32>,
        %swap3A_1290 = vector.shape_cast %swap3A_1289 : vector<1x16xf32> to vector<16xf32>
        %swap3A_1291 = vector.shape_cast %mul3A_1286 : vector<16xf32> to vector<1x16xf32>
        tpu.vector_store %arg9[%swap3A_1287, %swap3A_1288], %swap3A_1291 {strides = array<i32>} : memref<64x128xf32, #tpu.memory_space<vmem>>, vector<1x16xf32>,
        %get3A_1292 = arith.index_cast %add3A_1269 : i32 to index
        %get3A_1293 = arith.constant 32 : index
        %get3A_1294 = tpu.vector_load %arg9[%get3A_1292, %get3A_1293] {strides = array<i32>} : memref<64x128xf32, #tpu.memory_space<vmem>>, vector<1x16xf32>,
        %get3A_1295 = vector.shape_cast %get3A_1294 : vector<1x16xf32> to vector<16xf32>
        %mul3A_1296 = vector.broadcast %squeeze3A_1265 : f32 to vector<16xf32>
        %mul3A_1297 = arith.mulf %get3A_1295, %mul3A_1296 : vector<16xf32>
        %swap3A_1298 = arith.index_cast %add3A_1269 : i32 to index
        %swap3A_1299 = arith.constant 32 : index
        %swap3A_1300 = tpu.vector_load %arg9[%swap3A_1298, %swap3A_1299] {strides = array<i32>} : memref<64x128xf32, #tpu.memory_space<vmem>>, vector<1x16xf32>,
        %swap3A_1301 = vector.shape_cast %swap3A_1300 : vector<1x16xf32> to vector<16xf32>
        %swap3A_1302 = vector.shape_cast %mul3A_1297 : vector<16xf32> to vector<1x16xf32>
        tpu.vector_store %arg9[%swap3A_1298, %swap3A_1299], %swap3A_1302 {strides = array<i32>} : memref<64x128xf32, #tpu.memory_space<vmem>>, vector<1x16xf32>,
        %get3A_1303 = arith.index_cast %add3A_1269 : i32 to index
        %get3A_1304 = arith.constant 48 : index
        %get3A_1305 = tpu.vector_load %arg9[%get3A_1303, %get3A_1304] {strides = array<i32>} : memref<64x128xf32, #tpu.memory_space<vmem>>, vector<1x16xf32>,
        %get3A_1306 = vector.shape_cast %get3A_1305 : vector<1x16xf32> to vector<16xf32>
        %mul3A_1307 = vector.broadcast %squeeze3A_1265 : f32 to vector<16xf32>
        %mul3A_1308 = arith.mulf %get3A_1306, %mul3A_1307 : vector<16xf32>
        %swap3A_1309 = arith.index_cast %add3A_1269 : i32 to index
        %swap3A_1310 = arith.constant 48 : index
        %swap3A_1311 = tpu.vector_load %arg9[%swap3A_1309, %swap3A_1310] {strides = array<i32>} : memref<64x128xf32, #tpu.memory_space<vmem>>, vector<1x16xf32>,
        %swap3A_1312 = vector.shape_cast %swap3A_1311 : vector<1x16xf32> to vector<16xf32>
        %swap3A_1313 = vector.shape_cast %mul3A_1308 : vector<16xf32> to vector<1x16xf32>
        tpu.vector_store %arg9[%swap3A_1309, %swap3A_1310], %swap3A_1313 {strides = array<i32>} : memref<64x128xf32, #tpu.memory_space<vmem>>, vector<1x16xf32>,
        %get3A_1314 = arith.index_cast %add3A_1269 : i32 to index
        %get3A_1315 = arith.constant 64 : index
        %get3A_1316 = tpu.vector_load %arg9[%get3A_1314, %get3A_1315] {strides = array<i32>} : memref<64x128xf32, #tpu.memory_space<vmem>>, vector<1x16xf32>,
        %get3A_1317 = vector.shape_cast %get3A_1316 : vector<1x16xf32> to vector<16xf32>
        %mul3A_1318 = vector.broadcast %squeeze3A_1265 : f32 to vector<16xf32>
        %mul3A_1319 = arith.mulf %get3A_1317, %mul3A_1318 : vector<16xf32>
        %swap3A_1320 = arith.index_cast %add3A_1269 : i32 to index
        %swap3A_1321 = arith.constant 64 : index
        %swap3A_1322 = tpu.vector_load %arg9[%swap3A_1320, %swap3A_1321] {strides = array<i32>} : memref<64x128xf32, #tpu.memory_space<vmem>>, vector<1x16xf32>,
        %swap3A_1323 = vector.shape_cast %swap3A_1322 : vector<1x16xf32> to vector<16xf32>
        %swap3A_1324 = vector.shape_cast %mul3A_1319 : vector<16xf32> to vector<1x16xf32>
        tpu.vector_store %arg9[%swap3A_1320, %swap3A_1321], %swap3A_1324 {strides = array<i32>} : memref<64x128xf32, #tpu.memory_space<vmem>>, vector<1x16xf32>,
        %get3A_1325 = arith.index_cast %add3A_1269 : i32 to index
        %get3A_1326 = arith.constant 80 : index
        %get3A_1327 = tpu.vector_load %arg9[%get3A_1325, %get3A_1326] {strides = array<i32>} : memref<64x128xf32, #tpu.memory_space<vmem>>, vector<1x16xf32>,
        %get3A_1328 = vector.shape_cast %get3A_1327 : vector<1x16xf32> to vector<16xf32>
        %mul3A_1329 = vector.broadcast %squeeze3A_1265 : f32 to vector<16xf32>
        %mul3A_1330 = arith.mulf %get3A_1328, %mul3A_1329 : vector<16xf32>
        %swap3A_1331 = arith.index_cast %add3A_1269 : i32 to index
        %swap3A_1332 = arith.constant 80 : index
        %swap3A_1333 = tpu.vector_load %arg9[%swap3A_1331, %swap3A_1332] {strides = array<i32>} : memref<64x128xf32, #tpu.memory_space<vmem>>, vector<1x16xf32>,
        %swap3A_1334 = vector.shape_cast %swap3A_1333 : vector<1x16xf32> to vector<16xf32>
        %swap3A_1335 = vector.shape_cast %mul3A_1330 : vector<16xf32> to vector<1x16xf32>
        tpu.vector_store %arg9[%swap3A_1331, %swap3A_1332], %swap3A_1335 {strides = array<i32>} : memref<64x128xf32, #tpu.memory_space<vmem>>, vector<1x16xf32>,
        %get3A_1336 = arith.index_cast %add3A_1269 : i32 to index
        %get3A_1337 = arith.constant 96 : index
        %get3A_1338 = tpu.vector_load %arg9[%get3A_1336, %get3A_1337] {strides = array<i32>} : memref<64x128xf32, #tpu.memory_space<vmem>>, vector<1x16xf32>,
        %get3A_1339 = vector.shape_cast %get3A_1338 : vector<1x16xf32> to vector<16xf32>
        %mul3A_1340 = vector.broadcast %squeeze3A_1265 : f32 to vector<16xf32>
        %mul3A_1341 = arith.mulf %get3A_1339, %mul3A_1340 : vector<16xf32>
        %swap3A_1342 = arith.index_cast %add3A_1269 : i32 to index
        %swap3A_1343 = arith.constant 96 : index
        %swap3A_1344 = tpu.vector_load %arg9[%swap3A_1342, %swap3A_1343] {strides = array<i32>} : memref<64x128xf32, #tpu.memory_space<vmem>>, vector<1x16xf32>,
        %swap3A_1345 = vector.shape_cast %swap3A_1344 : vector<1x16xf32> to vector<16xf32>
        %swap3A_1346 = vector.shape_cast %mul3A_1341 : vector<16xf32> to vector<1x16xf32>
        tpu.vector_store %arg9[%swap3A_1342, %swap3A_1343], %swap3A_1346 {strides = array<i32>} : memref<64x128xf32, #tpu.memory_space<vmem>>, vector<1x16xf32>,
        %get3A_1347 = arith.index_cast %add3A_1269 : i32 to index
        %get3A_1348 = arith.constant 112 : index
        %get3A_1349 = tpu.vector_load %arg9[%get3A_1347, %get3A_1348] {strides = array<i32>} : memref<64x128xf32, #tpu.memory_space<vmem>>, vector<1x16xf32>,
        %get3A_1350 = vector.shape_cast %get3A_1349 : vector<1x16xf32> to vector<16xf32>
        %mul3A_1351 = vector.broadcast %squeeze3A_1265 : f32 to vector<16xf32>
        %mul3A_1352 = arith.mulf %get3A_1350, %mul3A_1351 : vector<16xf32>
        %swap3A_1353 = arith.index_cast %add3A_1269 : i32 to index
        %swap3A_1354 = arith.constant 112 : index
        %swap3A_1355 = tpu.vector_load %arg9[%swap3A_1353, %swap3A_1354] {strides = array<i32>} : memref<64x128xf32, #tpu.memory_space<vmem>>, vector<1x16xf32>,
        %swap3A_1356 = vector.shape_cast %swap3A_1355 : vector<1x16xf32> to vector<16xf32>
        %swap3A_1357 = vector.shape_cast %mul3A_1352 : vector<16xf32> to vector<1x16xf32>
        tpu.vector_store %arg9[%swap3A_1353, %swap3A_1354], %swap3A_1357 {strides = array<i32>} : memref<64x128xf32, #tpu.memory_space<vmem>>, vector<1x16xf32>,
        %slice3A_1358 = vector.extract_strided_slice %get3A_138 {offsets = [13], sizes = [1], strides = [1]} : vector<16xf32> to vector<1xf32>
        %squeeze3A_1359 = vector.extract %slice3A_1358[0] : f32 from vector<1xf32>
        %mul3A_1360 = arith.constant 16 : i32
        %mul3A_1361 = arith.muli %add3A_134, %mul3A_1360 : i32
        %add3A_1362 = arith.constant 13 : i32
        %add3A_1363 = arith.addi %mul3A_1361, %add3A_1362 : i32
        %get3A_1364 = arith.index_cast %add3A_1363 : i32 to index
        %get3A_1365 = arith.constant 0 : index
        %get3A_1366 = tpu.vector_load %arg9[%get3A_1364, %get3A_1365] {strides = array<i32>} : memref<64x128xf32, #tpu.memory_space<vmem>>, vector<1x16xf32>,
        %get3A_1367 = vector.shape_cast %get3A_1366 : vector<1x16xf32> to vector<16xf32>
        %mul3A_1368 = vector.broadcast %squeeze3A_1359 : f32 to vector<16xf32>
        %mul3A_1369 = arith.mulf %get3A_1367, %mul3A_1368 : vector<16xf32>
        %swap3A_1370 = arith.index_cast %add3A_1363 : i32 to index
        %swap3A_1371 = arith.constant 0 : index
        %swap3A_1372 = tpu.vector_load %arg9[%swap3A_1370, %swap3A_1371] {strides = array<i32>} : memref<64x128xf32, #tpu.memory_space<vmem>>, vector<1x16xf32>,
        %swap3A_1373 = vector.shape_cast %swap3A_1372 : vector<1x16xf32> to vector<16xf32>
        %swap3A_1374 = vector.shape_cast %mul3A_1369 : vector<16xf32> to vector<1x16xf32>
        tpu.vector_store %arg9[%swap3A_1370, %swap3A_1371], %swap3A_1374 {strides = array<i32>} : memref<64x128xf32, #tpu.memory_space<vmem>>, vector<1x16xf32>,
        %get3A_1375 = arith.index_cast %add3A_1363 : i32 to index
        %get3A_1376 = arith.constant 16 : index
        %get3A_1377 = tpu.vector_load %arg9[%get3A_1375, %get3A_1376] {strides = array<i32>} : memref<64x128xf32, #tpu.memory_space<vmem>>, vector<1x16xf32>,
        %get3A_1378 = vector.shape_cast %get3A_1377 : vector<1x16xf32> to vector<16xf32>
        %mul3A_1379 = vector.broadcast %squeeze3A_1359 : f32 to vector<16xf32>
        %mul3A_1380 = arith.mulf %get3A_1378, %mul3A_1379 : vector<16xf32>
        %swap3A_1381 = arith.index_cast %add3A_1363 : i32 to index
        %swap3A_1382 = arith.constant 16 : index
        %swap3A_1383 = tpu.vector_load %arg9[%swap3A_1381, %swap3A_1382] {strides = array<i32>} : memref<64x128xf32, #tpu.memory_space<vmem>>, vector<1x16xf32>,
        %swap3A_1384 = vector.shape_cast %swap3A_1383 : vector<1x16xf32> to vector<16xf32>
        %swap3A_1385 = vector.shape_cast %mul3A_1380 : vector<16xf32> to vector<1x16xf32>
        tpu.vector_store %arg9[%swap3A_1381, %swap3A_1382], %swap3A_1385 {strides = array<i32>} : memref<64x128xf32, #tpu.memory_space<vmem>>, vector<1x16xf32>,
        %get3A_1386 = arith.index_cast %add3A_1363 : i32 to index
        %get3A_1387 = arith.constant 32 : index
        %get3A_1388 = tpu.vector_load %arg9[%get3A_1386, %get3A_1387] {strides = array<i32>} : memref<64x128xf32, #tpu.memory_space<vmem>>, vector<1x16xf32>,
        %get3A_1389 = vector.shape_cast %get3A_1388 : vector<1x16xf32> to vector<16xf32>
        %mul3A_1390 = vector.broadcast %squeeze3A_1359 : f32 to vector<16xf32>
        %mul3A_1391 = arith.mulf %get3A_1389, %mul3A_1390 : vector<16xf32>
        %swap3A_1392 = arith.index_cast %add3A_1363 : i32 to index
        %swap3A_1393 = arith.constant 32 : index
        %swap3A_1394 = tpu.vector_load %arg9[%swap3A_1392, %swap3A_1393] {strides = array<i32>} : memref<64x128xf32, #tpu.memory_space<vmem>>, vector<1x16xf32>,
        %swap3A_1395 = vector.shape_cast %swap3A_1394 : vector<1x16xf32> to vector<16xf32>
        %swap3A_1396 = vector.shape_cast %mul3A_1391 : vector<16xf32> to vector<1x16xf32>
        tpu.vector_store %arg9[%swap3A_1392, %swap3A_1393], %swap3A_1396 {strides = array<i32>} : memref<64x128xf32, #tpu.memory_space<vmem>>, vector<1x16xf32>,
        %get3A_1397 = arith.index_cast %add3A_1363 : i32 to index
        %get3A_1398 = arith.constant 48 : index
        %get3A_1399 = tpu.vector_load %arg9[%get3A_1397, %get3A_1398] {strides = array<i32>} : memref<64x128xf32, #tpu.memory_space<vmem>>, vector<1x16xf32>,
        %get3A_1400 = vector.shape_cast %get3A_1399 : vector<1x16xf32> to vector<16xf32>
        %mul3A_1401 = vector.broadcast %squeeze3A_1359 : f32 to vector<16xf32>
        %mul3A_1402 = arith.mulf %get3A_1400, %mul3A_1401 : vector<16xf32>
        %swap3A_1403 = arith.index_cast %add3A_1363 : i32 to index
        %swap3A_1404 = arith.constant 48 : index
        %swap3A_1405 = tpu.vector_load %arg9[%swap3A_1403, %swap3A_1404] {strides = array<i32>} : memref<64x128xf32, #tpu.memory_space<vmem>>, vector<1x16xf32>,
        %swap3A_1406 = vector.shape_cast %swap3A_1405 : vector<1x16xf32> to vector<16xf32>
        %swap3A_1407 = vector.shape_cast %mul3A_1402 : vector<16xf32> to vector<1x16xf32>
        tpu.vector_store %arg9[%swap3A_1403, %swap3A_1404], %swap3A_1407 {strides = array<i32>} : memref<64x128xf32, #tpu.memory_space<vmem>>, vector<1x16xf32>,
        %get3A_1408 = arith.index_cast %add3A_1363 : i32 to index
        %get3A_1409 = arith.constant 64 : index
        %get3A_1410 = tpu.vector_load %arg9[%get3A_1408, %get3A_1409] {strides = array<i32>} : memref<64x128xf32, #tpu.memory_space<vmem>>, vector<1x16xf32>,
        %get3A_1411 = vector.shape_cast %get3A_1410 : vector<1x16xf32> to vector<16xf32>
        %mul3A_1412 = vector.broadcast %squeeze3A_1359 : f32 to vector<16xf32>
        %mul3A_1413 = arith.mulf %get3A_1411, %mul3A_1412 : vector<16xf32>
        %swap3A_1414 = arith.index_cast %add3A_1363 : i32 to index
        %swap3A_1415 = arith.constant 64 : index
        %swap3A_1416 = tpu.vector_load %arg9[%swap3A_1414, %swap3A_1415] {strides = array<i32>} : memref<64x128xf32, #tpu.memory_space<vmem>>, vector<1x16xf32>,
        %swap3A_1417 = vector.shape_cast %swap3A_1416 : vector<1x16xf32> to vector<16xf32>
        %swap3A_1418 = vector.shape_cast %mul3A_1413 : vector<16xf32> to vector<1x16xf32>
        tpu.vector_store %arg9[%swap3A_1414, %swap3A_1415], %swap3A_1418 {strides = array<i32>} : memref<64x128xf32, #tpu.memory_space<vmem>>, vector<1x16xf32>,
        %get3A_1419 = arith.index_cast %add3A_1363 : i32 to index
        %get3A_1420 = arith.constant 80 : index
        %get3A_1421 = tpu.vector_load %arg9[%get3A_1419, %get3A_1420] {strides = array<i32>} : memref<64x128xf32, #tpu.memory_space<vmem>>, vector<1x16xf32>,
        %get3A_1422 = vector.shape_cast %get3A_1421 : vector<1x16xf32> to vector<16xf32>
        %mul3A_1423 = vector.broadcast %squeeze3A_1359 : f32 to vector<16xf32>
        %mul3A_1424 = arith.mulf %get3A_1422, %mul3A_1423 : vector<16xf32>
        %swap3A_1425 = arith.index_cast %add3A_1363 : i32 to index
        %swap3A_1426 = arith.constant 80 : index
        %swap3A_1427 = tpu.vector_load %arg9[%swap3A_1425, %swap3A_1426] {strides = array<i32>} : memref<64x128xf32, #tpu.memory_space<vmem>>, vector<1x16xf32>,
        %swap3A_1428 = vector.shape_cast %swap3A_1427 : vector<1x16xf32> to vector<16xf32>
        %swap3A_1429 = vector.shape_cast %mul3A_1424 : vector<16xf32> to vector<1x16xf32>
        tpu.vector_store %arg9[%swap3A_1425, %swap3A_1426], %swap3A_1429 {strides = array<i32>} : memref<64x128xf32, #tpu.memory_space<vmem>>, vector<1x16xf32>,
        %get3A_1430 = arith.index_cast %add3A_1363 : i32 to index
        %get3A_1431 = arith.constant 96 : index
        %get3A_1432 = tpu.vector_load %arg9[%get3A_1430, %get3A_1431] {strides = array<i32>} : memref<64x128xf32, #tpu.memory_space<vmem>>, vector<1x16xf32>,
        %get3A_1433 = vector.shape_cast %get3A_1432 : vector<1x16xf32> to vector<16xf32>
        %mul3A_1434 = vector.broadcast %squeeze3A_1359 : f32 to vector<16xf32>
        %mul3A_1435 = arith.mulf %get3A_1433, %mul3A_1434 : vector<16xf32>
        %swap3A_1436 = arith.index_cast %add3A_1363 : i32 to index
        %swap3A_1437 = arith.constant 96 : index
        %swap3A_1438 = tpu.vector_load %arg9[%swap3A_1436, %swap3A_1437] {strides = array<i32>} : memref<64x128xf32, #tpu.memory_space<vmem>>, vector<1x16xf32>,
        %swap3A_1439 = vector.shape_cast %swap3A_1438 : vector<1x16xf32> to vector<16xf32>
        %swap3A_1440 = vector.shape_cast %mul3A_1435 : vector<16xf32> to vector<1x16xf32>
        tpu.vector_store %arg9[%swap3A_1436, %swap3A_1437], %swap3A_1440 {strides = array<i32>} : memref<64x128xf32, #tpu.memory_space<vmem>>, vector<1x16xf32>,
        %get3A_1441 = arith.index_cast %add3A_1363 : i32 to index
        %get3A_1442 = arith.constant 112 : index
        %get3A_1443 = tpu.vector_load %arg9[%get3A_1441, %get3A_1442] {strides = array<i32>} : memref<64x128xf32, #tpu.memory_space<vmem>>, vector<1x16xf32>,
        %get3A_1444 = vector.shape_cast %get3A_1443 : vector<1x16xf32> to vector<16xf32>
        %mul3A_1445 = vector.broadcast %squeeze3A_1359 : f32 to vector<16xf32>
        %mul3A_1446 = arith.mulf %get3A_1444, %mul3A_1445 : vector<16xf32>
        %swap3A_1447 = arith.index_cast %add3A_1363 : i32 to index
        %swap3A_1448 = arith.constant 112 : index
        %swap3A_1449 = tpu.vector_load %arg9[%swap3A_1447, %swap3A_1448] {strides = array<i32>} : memref<64x128xf32, #tpu.memory_space<vmem>>, vector<1x16xf32>,
        %swap3A_1450 = vector.shape_cast %swap3A_1449 : vector<1x16xf32> to vector<16xf32>
        %swap3A_1451 = vector.shape_cast %mul3A_1446 : vector<16xf32> to vector<1x16xf32>
        tpu.vector_store %arg9[%swap3A_1447, %swap3A_1448], %swap3A_1451 {strides = array<i32>} : memref<64x128xf32, #tpu.memory_space<vmem>>, vector<1x16xf32>,
        %slice3A_1452 = vector.extract_strided_slice %get3A_138 {offsets = [14], sizes = [1], strides = [1]} : vector<16xf32> to vector<1xf32>
        %squeeze3A_1453 = vector.extract %slice3A_1452[0] : f32 from vector<1xf32>
        %mul3A_1454 = arith.constant 16 : i32
        %mul3A_1455 = arith.muli %add3A_134, %mul3A_1454 : i32
        %add3A_1456 = arith.constant 14 : i32
        %add3A_1457 = arith.addi %mul3A_1455, %add3A_1456 : i32
        %get3A_1458 = arith.index_cast %add3A_1457 : i32 to index
        %get3A_1459 = arith.constant 0 : index
        %get3A_1460 = tpu.vector_load %arg9[%get3A_1458, %get3A_1459] {strides = array<i32>} : memref<64x128xf32, #tpu.memory_space<vmem>>, vector<1x16xf32>,
        %get3A_1461 = vector.shape_cast %get3A_1460 : vector<1x16xf32> to vector<16xf32>
        %mul3A_1462 = vector.broadcast %squeeze3A_1453 : f32 to vector<16xf32>
        %mul3A_1463 = arith.mulf %get3A_1461, %mul3A_1462 : vector<16xf32>
        %swap3A_1464 = arith.index_cast %add3A_1457 : i32 to index
        %swap3A_1465 = arith.constant 0 : index
        %swap3A_1466 = tpu.vector_load %arg9[%swap3A_1464, %swap3A_1465] {strides = array<i32>} : memref<64x128xf32, #tpu.memory_space<vmem>>, vector<1x16xf32>,
        %swap3A_1467 = vector.shape_cast %swap3A_1466 : vector<1x16xf32> to vector<16xf32>
        %swap3A_1468 = vector.shape_cast %mul3A_1463 : vector<16xf32> to vector<1x16xf32>
        tpu.vector_store %arg9[%swap3A_1464, %swap3A_1465], %swap3A_1468 {strides = array<i32>} : memref<64x128xf32, #tpu.memory_space<vmem>>, vector<1x16xf32>,
        %get3A_1469 = arith.index_cast %add3A_1457 : i32 to index
        %get3A_1470 = arith.constant 16 : index
        %get3A_1471 = tpu.vector_load %arg9[%get3A_1469, %get3A_1470] {strides = array<i32>} : memref<64x128xf32, #tpu.memory_space<vmem>>, vector<1x16xf32>,
        %get3A_1472 = vector.shape_cast %get3A_1471 : vector<1x16xf32> to vector<16xf32>
        %mul3A_1473 = vector.broadcast %squeeze3A_1453 : f32 to vector<16xf32>
        %mul3A_1474 = arith.mulf %get3A_1472, %mul3A_1473 : vector<16xf32>
        %swap3A_1475 = arith.index_cast %add3A_1457 : i32 to index
        %swap3A_1476 = arith.constant 16 : index
        %swap3A_1477 = tpu.vector_load %arg9[%swap3A_1475, %swap3A_1476] {strides = array<i32>} : memref<64x128xf32, #tpu.memory_space<vmem>>, vector<1x16xf32>,
        %swap3A_1478 = vector.shape_cast %swap3A_1477 : vector<1x16xf32> to vector<16xf32>
        %swap3A_1479 = vector.shape_cast %mul3A_1474 : vector<16xf32> to vector<1x16xf32>
        tpu.vector_store %arg9[%swap3A_1475, %swap3A_1476], %swap3A_1479 {strides = array<i32>} : memref<64x128xf32, #tpu.memory_space<vmem>>, vector<1x16xf32>,
        %get3A_1480 = arith.index_cast %add3A_1457 : i32 to index
        %get3A_1481 = arith.constant 32 : index
        %get3A_1482 = tpu.vector_load %arg9[%get3A_1480, %get3A_1481] {strides = array<i32>} : memref<64x128xf32, #tpu.memory_space<vmem>>, vector<1x16xf32>,
        %get3A_1483 = vector.shape_cast %get3A_1482 : vector<1x16xf32> to vector<16xf32>
        %mul3A_1484 = vector.broadcast %squeeze3A_1453 : f32 to vector<16xf32>
        %mul3A_1485 = arith.mulf %get3A_1483, %mul3A_1484 : vector<16xf32>
        %swap3A_1486 = arith.index_cast %add3A_1457 : i32 to index
        %swap3A_1487 = arith.constant 32 : index
        %swap3A_1488 = tpu.vector_load %arg9[%swap3A_1486, %swap3A_1487] {strides = array<i32>} : memref<64x128xf32, #tpu.memory_space<vmem>>, vector<1x16xf32>,
        %swap3A_1489 = vector.shape_cast %swap3A_1488 : vector<1x16xf32> to vector<16xf32>
        %swap3A_1490 = vector.shape_cast %mul3A_1485 : vector<16xf32> to vector<1x16xf32>
        tpu.vector_store %arg9[%swap3A_1486, %swap3A_1487], %swap3A_1490 {strides = array<i32>} : memref<64x128xf32, #tpu.memory_space<vmem>>, vector<1x16xf32>,
        %get3A_1491 = arith.index_cast %add3A_1457 : i32 to index
        %get3A_1492 = arith.constant 48 : index
        %get3A_1493 = tpu.vector_load %arg9[%get3A_1491, %get3A_1492] {strides = array<i32>} : memref<64x128xf32, #tpu.memory_space<vmem>>, vector<1x16xf32>,
        %get3A_1494 = vector.shape_cast %get3A_1493 : vector<1x16xf32> to vector<16xf32>
        %mul3A_1495 = vector.broadcast %squeeze3A_1453 : f32 to vector<16xf32>
        %mul3A_1496 = arith.mulf %get3A_1494, %mul3A_1495 : vector<16xf32>
        %swap3A_1497 = arith.index_cast %add3A_1457 : i32 to index
        %swap3A_1498 = arith.constant 48 : index
        %swap3A_1499 = tpu.vector_load %arg9[%swap3A_1497, %swap3A_1498] {strides = array<i32>} : memref<64x128xf32, #tpu.memory_space<vmem>>, vector<1x16xf32>,
        %swap3A_1500 = vector.shape_cast %swap3A_1499 : vector<1x16xf32> to vector<16xf32>
        %swap3A_1501 = vector.shape_cast %mul3A_1496 : vector<16xf32> to vector<1x16xf32>
        tpu.vector_store %arg9[%swap3A_1497, %swap3A_1498], %swap3A_1501 {strides = array<i32>} : memref<64x128xf32, #tpu.memory_space<vmem>>, vector<1x16xf32>,
        %get3A_1502 = arith.index_cast %add3A_1457 : i32 to index
        %get3A_1503 = arith.constant 64 : index
        %get3A_1504 = tpu.vector_load %arg9[%get3A_1502, %get3A_1503] {strides = array<i32>} : memref<64x128xf32, #tpu.memory_space<vmem>>, vector<1x16xf32>,
        %get3A_1505 = vector.shape_cast %get3A_1504 : vector<1x16xf32> to vector<16xf32>
        %mul3A_1506 = vector.broadcast %squeeze3A_1453 : f32 to vector<16xf32>
        %mul3A_1507 = arith.mulf %get3A_1505, %mul3A_1506 : vector<16xf32>
        %swap3A_1508 = arith.index_cast %add3A_1457 : i32 to index
        %swap3A_1509 = arith.constant 64 : index
        %swap3A_1510 = tpu.vector_load %arg9[%swap3A_1508, %swap3A_1509] {strides = array<i32>} : memref<64x128xf32, #tpu.memory_space<vmem>>, vector<1x16xf32>,
        %swap3A_1511 = vector.shape_cast %swap3A_1510 : vector<1x16xf32> to vector<16xf32>
        %swap3A_1512 = vector.shape_cast %mul3A_1507 : vector<16xf32> to vector<1x16xf32>
        tpu.vector_store %arg9[%swap3A_1508, %swap3A_1509], %swap3A_1512 {strides = array<i32>} : memref<64x128xf32, #tpu.memory_space<vmem>>, vector<1x16xf32>,
        %get3A_1513 = arith.index_cast %add3A_1457 : i32 to index
        %get3A_1514 = arith.constant 80 : index
        %get3A_1515 = tpu.vector_load %arg9[%get3A_1513, %get3A_1514] {strides = array<i32>} : memref<64x128xf32, #tpu.memory_space<vmem>>, vector<1x16xf32>,
        %get3A_1516 = vector.shape_cast %get3A_1515 : vector<1x16xf32> to vector<16xf32>
        %mul3A_1517 = vector.broadcast %squeeze3A_1453 : f32 to vector<16xf32>
        %mul3A_1518 = arith.mulf %get3A_1516, %mul3A_1517 : vector<16xf32>
        %swap3A_1519 = arith.index_cast %add3A_1457 : i32 to index
        %swap3A_1520 = arith.constant 80 : index
        %swap3A_1521 = tpu.vector_load %arg9[%swap3A_1519, %swap3A_1520] {strides = array<i32>} : memref<64x128xf32, #tpu.memory_space<vmem>>, vector<1x16xf32>,
        %swap3A_1522 = vector.shape_cast %swap3A_1521 : vector<1x16xf32> to vector<16xf32>
        %swap3A_1523 = vector.shape_cast %mul3A_1518 : vector<16xf32> to vector<1x16xf32>
        tpu.vector_store %arg9[%swap3A_1519, %swap3A_1520], %swap3A_1523 {strides = array<i32>} : memref<64x128xf32, #tpu.memory_space<vmem>>, vector<1x16xf32>,
        %get3A_1524 = arith.index_cast %add3A_1457 : i32 to index
        %get3A_1525 = arith.constant 96 : index
        %get3A_1526 = tpu.vector_load %arg9[%get3A_1524, %get3A_1525] {strides = array<i32>} : memref<64x128xf32, #tpu.memory_space<vmem>>, vector<1x16xf32>,
        %get3A_1527 = vector.shape_cast %get3A_1526 : vector<1x16xf32> to vector<16xf32>
        %mul3A_1528 = vector.broadcast %squeeze3A_1453 : f32 to vector<16xf32>
        %mul3A_1529 = arith.mulf %get3A_1527, %mul3A_1528 : vector<16xf32>
        %swap3A_1530 = arith.index_cast %add3A_1457 : i32 to index
        %swap3A_1531 = arith.constant 96 : index
        %swap3A_1532 = tpu.vector_load %arg9[%swap3A_1530, %swap3A_1531] {strides = array<i32>} : memref<64x128xf32, #tpu.memory_space<vmem>>, vector<1x16xf32>,
        %swap3A_1533 = vector.shape_cast %swap3A_1532 : vector<1x16xf32> to vector<16xf32>
        %swap3A_1534 = vector.shape_cast %mul3A_1529 : vector<16xf32> to vector<1x16xf32>
        tpu.vector_store %arg9[%swap3A_1530, %swap3A_1531], %swap3A_1534 {strides = array<i32>} : memref<64x128xf32, #tpu.memory_space<vmem>>, vector<1x16xf32>,
        %get3A_1535 = arith.index_cast %add3A_1457 : i32 to index
        %get3A_1536 = arith.constant 112 : index
        %get3A_1537 = tpu.vector_load %arg9[%get3A_1535, %get3A_1536] {strides = array<i32>} : memref<64x128xf32, #tpu.memory_space<vmem>>, vector<1x16xf32>,
        %get3A_1538 = vector.shape_cast %get3A_1537 : vector<1x16xf32> to vector<16xf32>
        %mul3A_1539 = vector.broadcast %squeeze3A_1453 : f32 to vector<16xf32>
        %mul3A_1540 = arith.mulf %get3A_1538, %mul3A_1539 : vector<16xf32>
        %swap3A_1541 = arith.index_cast %add3A_1457 : i32 to index
        %swap3A_1542 = arith.constant 112 : index
        %swap3A_1543 = tpu.vector_load %arg9[%swap3A_1541, %swap3A_1542] {strides = array<i32>} : memref<64x128xf32, #tpu.memory_space<vmem>>, vector<1x16xf32>,
        %swap3A_1544 = vector.shape_cast %swap3A_1543 : vector<1x16xf32> to vector<16xf32>
        %swap3A_1545 = vector.shape_cast %mul3A_1540 : vector<16xf32> to vector<1x16xf32>
        tpu.vector_store %arg9[%swap3A_1541, %swap3A_1542], %swap3A_1545 {strides = array<i32>} : memref<64x128xf32, #tpu.memory_space<vmem>>, vector<1x16xf32>,
        %slice3A_1546 = vector.extract_strided_slice %get3A_138 {offsets = [15], sizes = [1], strides = [1]} : vector<16xf32> to vector<1xf32>
        %squeeze3A_1547 = vector.extract %slice3A_1546[0] : f32 from vector<1xf32>
        %mul3A_1548 = arith.constant 16 : i32
        %mul3A_1549 = arith.muli %add3A_134, %mul3A_1548 : i32
        %add3A_1550 = arith.constant 15 : i32
        %add3A_1551 = arith.addi %mul3A_1549, %add3A_1550 : i32
        %get3A_1552 = arith.index_cast %add3A_1551 : i32 to index
        %get3A_1553 = arith.constant 0 : index
        %get3A_1554 = tpu.vector_load %arg9[%get3A_1552, %get3A_1553] {strides = array<i32>} : memref<64x128xf32, #tpu.memory_space<vmem>>, vector<1x16xf32>,
        %get3A_1555 = vector.shape_cast %get3A_1554 : vector<1x16xf32> to vector<16xf32>
        %mul3A_1556 = vector.broadcast %squeeze3A_1547 : f32 to vector<16xf32>
        %mul3A_1557 = arith.mulf %get3A_1555, %mul3A_1556 : vector<16xf32>
        %swap3A_1558 = arith.index_cast %add3A_1551 : i32 to index
        %swap3A_1559 = arith.constant 0 : index
        %swap3A_1560 = tpu.vector_load %arg9[%swap3A_1558, %swap3A_1559] {strides = array<i32>} : memref<64x128xf32, #tpu.memory_space<vmem>>, vector<1x16xf32>,
        %swap3A_1561 = vector.shape_cast %swap3A_1560 : vector<1x16xf32> to vector<16xf32>
        %swap3A_1562 = vector.shape_cast %mul3A_1557 : vector<16xf32> to vector<1x16xf32>
        tpu.vector_store %arg9[%swap3A_1558, %swap3A_1559], %swap3A_1562 {strides = array<i32>} : memref<64x128xf32, #tpu.memory_space<vmem>>, vector<1x16xf32>,
        %get3A_1563 = arith.index_cast %add3A_1551 : i32 to index
        %get3A_1564 = arith.constant 16 : index
        %get3A_1565 = tpu.vector_load %arg9[%get3A_1563, %get3A_1564] {strides = array<i32>} : memref<64x128xf32, #tpu.memory_space<vmem>>, vector<1x16xf32>,
        %get3A_1566 = vector.shape_cast %get3A_1565 : vector<1x16xf32> to vector<16xf32>
        %mul3A_1567 = vector.broadcast %squeeze3A_1547 : f32 to vector<16xf32>
        %mul3A_1568 = arith.mulf %get3A_1566, %mul3A_1567 : vector<16xf32>
        %swap3A_1569 = arith.index_cast %add3A_1551 : i32 to index
        %swap3A_1570 = arith.constant 16 : index
        %swap3A_1571 = tpu.vector_load %arg9[%swap3A_1569, %swap3A_1570] {strides = array<i32>} : memref<64x128xf32, #tpu.memory_space<vmem>>, vector<1x16xf32>,
        %swap3A_1572 = vector.shape_cast %swap3A_1571 : vector<1x16xf32> to vector<16xf32>
        %swap3A_1573 = vector.shape_cast %mul3A_1568 : vector<16xf32> to vector<1x16xf32>
        tpu.vector_store %arg9[%swap3A_1569, %swap3A_1570], %swap3A_1573 {strides = array<i32>} : memref<64x128xf32, #tpu.memory_space<vmem>>, vector<1x16xf32>,
        %get3A_1574 = arith.index_cast %add3A_1551 : i32 to index
        %get3A_1575 = arith.constant 32 : index
        %get3A_1576 = tpu.vector_load %arg9[%get3A_1574, %get3A_1575] {strides = array<i32>} : memref<64x128xf32, #tpu.memory_space<vmem>>, vector<1x16xf32>,
        %get3A_1577 = vector.shape_cast %get3A_1576 : vector<1x16xf32> to vector<16xf32>
        %mul3A_1578 = vector.broadcast %squeeze3A_1547 : f32 to vector<16xf32>
        %mul3A_1579 = arith.mulf %get3A_1577, %mul3A_1578 : vector<16xf32>
        %swap3A_1580 = arith.index_cast %add3A_1551 : i32 to index
        %swap3A_1581 = arith.constant 32 : index
        %swap3A_1582 = tpu.vector_load %arg9[%swap3A_1580, %swap3A_1581] {strides = array<i32>} : memref<64x128xf32, #tpu.memory_space<vmem>>, vector<1x16xf32>,
        %swap3A_1583 = vector.shape_cast %swap3A_1582 : vector<1x16xf32> to vector<16xf32>
        %swap3A_1584 = vector.shape_cast %mul3A_1579 : vector<16xf32> to vector<1x16xf32>
        tpu.vector_store %arg9[%swap3A_1580, %swap3A_1581], %swap3A_1584 {strides = array<i32>} : memref<64x128xf32, #tpu.memory_space<vmem>>, vector<1x16xf32>,
        %get3A_1585 = arith.index_cast %add3A_1551 : i32 to index
        %get3A_1586 = arith.constant 48 : index
        %get3A_1587 = tpu.vector_load %arg9[%get3A_1585, %get3A_1586] {strides = array<i32>} : memref<64x128xf32, #tpu.memory_space<vmem>>, vector<1x16xf32>,
        %get3A_1588 = vector.shape_cast %get3A_1587 : vector<1x16xf32> to vector<16xf32>
        %mul3A_1589 = vector.broadcast %squeeze3A_1547 : f32 to vector<16xf32>
        %mul3A_1590 = arith.mulf %get3A_1588, %mul3A_1589 : vector<16xf32>
        %swap3A_1591 = arith.index_cast %add3A_1551 : i32 to index
        %swap3A_1592 = arith.constant 48 : index
        %swap3A_1593 = tpu.vector_load %arg9[%swap3A_1591, %swap3A_1592] {strides = array<i32>} : memref<64x128xf32, #tpu.memory_space<vmem>>, vector<1x16xf32>,
        %swap3A_1594 = vector.shape_cast %swap3A_1593 : vector<1x16xf32> to vector<16xf32>
        %swap3A_1595 = vector.shape_cast %mul3A_1590 : vector<16xf32> to vector<1x16xf32>
        tpu.vector_store %arg9[%swap3A_1591, %swap3A_1592], %swap3A_1595 {strides = array<i32>} : memref<64x128xf32, #tpu.memory_space<vmem>>, vector<1x16xf32>,
        %get3A_1596 = arith.index_cast %add3A_1551 : i32 to index
        %get3A_1597 = arith.constant 64 : index
        %get3A_1598 = tpu.vector_load %arg9[%get3A_1596, %get3A_1597] {strides = array<i32>} : memref<64x128xf32, #tpu.memory_space<vmem>>, vector<1x16xf32>,
        %get3A_1599 = vector.shape_cast %get3A_1598 : vector<1x16xf32> to vector<16xf32>
        %mul3A_1600 = vector.broadcast %squeeze3A_1547 : f32 to vector<16xf32>
        %mul3A_1601 = arith.mulf %get3A_1599, %mul3A_1600 : vector<16xf32>
        %swap3A_1602 = arith.index_cast %add3A_1551 : i32 to index
        %swap3A_1603 = arith.constant 64 : index
        %swap3A_1604 = tpu.vector_load %arg9[%swap3A_1602, %swap3A_1603] {strides = array<i32>} : memref<64x128xf32, #tpu.memory_space<vmem>>, vector<1x16xf32>,
        %swap3A_1605 = vector.shape_cast %swap3A_1604 : vector<1x16xf32> to vector<16xf32>
        %swap3A_1606 = vector.shape_cast %mul3A_1601 : vector<16xf32> to vector<1x16xf32>
        tpu.vector_store %arg9[%swap3A_1602, %swap3A_1603], %swap3A_1606 {strides = array<i32>} : memref<64x128xf32, #tpu.memory_space<vmem>>, vector<1x16xf32>,
        %get3A_1607 = arith.index_cast %add3A_1551 : i32 to index
        %get3A_1608 = arith.constant 80 : index
        %get3A_1609 = tpu.vector_load %arg9[%get3A_1607, %get3A_1608] {strides = array<i32>} : memref<64x128xf32, #tpu.memory_space<vmem>>, vector<1x16xf32>,
        %get3A_1610 = vector.shape_cast %get3A_1609 : vector<1x16xf32> to vector<16xf32>
        %mul3A_1611 = vector.broadcast %squeeze3A_1547 : f32 to vector<16xf32>
        %mul3A_1612 = arith.mulf %get3A_1610, %mul3A_1611 : vector<16xf32>
        %swap3A_1613 = arith.index_cast %add3A_1551 : i32 to index
        %swap3A_1614 = arith.constant 80 : index
        %swap3A_1615 = tpu.vector_load %arg9[%swap3A_1613, %swap3A_1614] {strides = array<i32>} : memref<64x128xf32, #tpu.memory_space<vmem>>, vector<1x16xf32>,
        %swap3A_1616 = vector.shape_cast %swap3A_1615 : vector<1x16xf32> to vector<16xf32>
        %swap3A_1617 = vector.shape_cast %mul3A_1612 : vector<16xf32> to vector<1x16xf32>
        tpu.vector_store %arg9[%swap3A_1613, %swap3A_1614], %swap3A_1617 {strides = array<i32>} : memref<64x128xf32, #tpu.memory_space<vmem>>, vector<1x16xf32>,
        %get3A_1618 = arith.index_cast %add3A_1551 : i32 to index
        %get3A_1619 = arith.constant 96 : index
        %get3A_1620 = tpu.vector_load %arg9[%get3A_1618, %get3A_1619] {strides = array<i32>} : memref<64x128xf32, #tpu.memory_space<vmem>>, vector<1x16xf32>,
        %get3A_1621 = vector.shape_cast %get3A_1620 : vector<1x16xf32> to vector<16xf32>
        %mul3A_1622 = vector.broadcast %squeeze3A_1547 : f32 to vector<16xf32>
        %mul3A_1623 = arith.mulf %get3A_1621, %mul3A_1622 : vector<16xf32>
        %swap3A_1624 = arith.index_cast %add3A_1551 : i32 to index
        %swap3A_1625 = arith.constant 96 : index
        %swap3A_1626 = tpu.vector_load %arg9[%swap3A_1624, %swap3A_1625] {strides = array<i32>} : memref<64x128xf32, #tpu.memory_space<vmem>>, vector<1x16xf32>,
        %swap3A_1627 = vector.shape_cast %swap3A_1626 : vector<1x16xf32> to vector<16xf32>
        %swap3A_1628 = vector.shape_cast %mul3A_1623 : vector<16xf32> to vector<1x16xf32>
        tpu.vector_store %arg9[%swap3A_1624, %swap3A_1625], %swap3A_1628 {strides = array<i32>} : memref<64x128xf32, #tpu.memory_space<vmem>>, vector<1x16xf32>,
        %get3A_1629 = arith.index_cast %add3A_1551 : i32 to index
        %get3A_1630 = arith.constant 112 : index
        %get3A_1631 = tpu.vector_load %arg9[%get3A_1629, %get3A_1630] {strides = array<i32>} : memref<64x128xf32, #tpu.memory_space<vmem>>, vector<1x16xf32>,
        %get3A_1632 = vector.shape_cast %get3A_1631 : vector<1x16xf32> to vector<16xf32>
        %mul3A_1633 = vector.broadcast %squeeze3A_1547 : f32 to vector<16xf32>
        %mul3A_1634 = arith.mulf %get3A_1632, %mul3A_1633 : vector<16xf32>
        %swap3A_1635 = arith.index_cast %add3A_1551 : i32 to index
        %swap3A_1636 = arith.constant 112 : index
        %swap3A_1637 = tpu.vector_load %arg9[%swap3A_1635, %swap3A_1636] {strides = array<i32>} : memref<64x128xf32, #tpu.memory_space<vmem>>, vector<1x16xf32>,
        %swap3A_1638 = vector.shape_cast %swap3A_1637 : vector<1x16xf32> to vector<16xf32>
        %swap3A_1639 = vector.shape_cast %mul3A_1634 : vector<16xf32> to vector<1x16xf32>
        tpu.vector_store %arg9[%swap3A_1635, %swap3A_1636], %swap3A_1639 {strides = array<i32>} : memref<64x128xf32, #tpu.memory_space<vmem>>, vector<1x16xf32>,
      }
      %scan3A_126 = arith.constant 4 : i32
      %dma_start3A_127 = arith.constant 0 : i32
      %dma_start3A_128 = arith.constant 0 : i32
      %dma_start3A_129 = tpu.memref_slice %arg10[%dma_start3A_127, %dma_start3A_128] : memref<10240x128xf32, #tpu.memory_space<vmem_shared>> -> memref<10240x128xf32, #tpu.memory_space<vmem_shared>>
      tpu.enqueue_indirect_dma source(%arg9 : memref<64x128xf32, #tpu.memory_space<vmem>>) target(%dma_start3A_129 : memref<10240x128xf32, #tpu.memory_space<vmem_shared>>) offsets(%arg16 : memref<64xi32, #tpu.memory_space<vmem>>) semaphore(%arg14 : memref<!tpu.dma_semaphore, #tpu.memory_space<semaphore_mem>>) {add = true}
    }
    %scan3A_34 = arith.constant 80 : i32
    %dma_wait3A = arith.constant 0 : i32
    %dma_wait3A_35 = arith.constant 0 : i32
    %dma_wait3A_36 = tpu.memref_slice %arg10[%dma_wait3A, %dma_wait3A_35] : memref<10240x128xf32, #tpu.memory_space<vmem_shared>> -> memref<10240x128xf32, #tpu.memory_space<vmem_shared>>
    tpu.wait_indirect_dma semaphore(%arg14 : memref<!tpu.dma_semaphore, #tpu.memory_space<semaphore_mem>>) src(%arg9 : memref<64x128xf32, #tpu.memory_space<vmem>>) dst(%dma_wait3A_36 : memref<10240x128xf32, #tpu.memory_space<vmem_shared>>)
    %barrier3A_37 = arith.constant 0 : index
    tpu.barrier barrier_id(%barrier3A_37)
    %mul3A_38 = arith.constant 640 : i32
    %mul3A_39 = arith.muli %arg1, %mul3A_38 : i32
    %mul3A_40 = arith.constant 640 : i32
    %mul3A_41 = arith.muli %arg1, %mul3A_40 : i32
    "tpu.region"() ({
      %run_scoped3A = tpu.sem_alloc : memref<!tpu.dma_semaphore, #tpu.memory_space<semaphore_mem>>
      %dma_start3A_42 = arith.constant 0 : i32
      %dma_start3A_43 = tpu.memref_slice %arg6[%arg0, %mul3A_41, %dma_start3A_42] : memref<2x10240x128xf32, #tpu.memory_space<hbm>> -> memref<1x640x128xf32, #tpu.memory_space<hbm>>
      %dma_start3A_44 = tpu.memref_squeeze %dma_start3A_43 : memref<1x640x128xf32, #tpu.memory_space<hbm>> -> memref<640x128xf32, #tpu.memory_space<hbm>>
      %dma_start3A_45 = arith.constant 0 : i32
      %dma_start3A_46 = tpu.memref_slice %arg10[%mul3A_39, %dma_start3A_45] : memref<10240x128xf32, #tpu.memory_space<vmem_shared>> -> memref<640x128xf32, #tpu.memory_space<vmem_shared>>
      tpu.enqueue_dma source(%dma_start3A_46 : memref<640x128xf32, #tpu.memory_space<vmem_shared>>) target(%dma_start3A_44 : memref<640x128xf32, #tpu.memory_space<hbm>>) target_semaphore(%run_scoped3A : memref<!tpu.dma_semaphore, #tpu.memory_space<semaphore_mem>>)
      %dma_wait3A_47 = arith.constant 0 : i32
      %dma_wait3A_48 = tpu.memref_slice %arg6[%arg0, %mul3A_41, %dma_wait3A_47] : memref<2x10240x128xf32, #tpu.memory_space<hbm>> -> memref<1x640x128xf32, #tpu.memory_space<hbm>>
      %dma_wait3A_49 = tpu.memref_squeeze %dma_wait3A_48 : memref<1x640x128xf32, #tpu.memory_space<hbm>> -> memref<640x128xf32, #tpu.memory_space<hbm>>
      %dma_wait3A_50 = arith.constant 0 : i32
      %dma_wait3A_51 = tpu.memref_slice %arg10[%mul3A_39, %dma_wait3A_50] : memref<10240x128xf32, #tpu.memory_space<vmem_shared>> -> memref<640x128xf32, #tpu.memory_space<vmem_shared>>
      tpu.wait_dma2 semaphore(%run_scoped3A : memref<!tpu.dma_semaphore, #tpu.memory_space<semaphore_mem>>) src(%dma_wait3A_51 : memref<640x128xf32, #tpu.memory_space<vmem_shared>>) dst(%dma_wait3A_49 : memref<640x128xf32, #tpu.memory_space<hbm>>)
      tpu.yield
    }) : () -> ()
    return
  }
}

#map = affine_map<(d0, d1) -> (0, 0)>
#map1 = affine_map<(d0, d1) -> (0, 0, 0)>
module attributes {stable_mosaic.version = 14 : i64} {
  func.func @k(%arg0: i32, %arg1: i32, %arg2: memref<10000x128xf32, #tpu.memory_space<hbm>>, %arg3: memref<5120x64xi32, #tpu.memory_space<hbm>>, %arg4: memref<5120x64xi32, #tpu.memory_space<hbm>>, %arg5: memref<2x10240x128xf32, #tpu.memory_space<hbm>>, %arg6: memref<160x64xi32, #tpu.memory_space<vmem>>, %arg7: memref<64x128xf32, #tpu.memory_space<vmem>>, %arg8: memref<64x128xf32, #tpu.memory_space<vmem>>, %arg9: memref<10240x128xf32, #tpu.memory_space<vmem_shared>>, %arg10: memref<!tpu.dma_semaphore, #tpu.memory_space<semaphore_mem>>, %arg11: memref<!tpu.dma_semaphore, #tpu.memory_space<semaphore_mem>>, %arg12: memref<!tpu.dma_semaphore, #tpu.memory_space<semaphore_mem>>, %arg13: memref<!tpu.dma_semaphore, #tpu.memory_space<semaphore_mem>>, %arg14: memref<64xi32, #tpu.memory_space<vmem>>, %arg15: memref<64xi32, #tpu.memory_space<vmem>>, %arg16: memref<!tpu.dma_semaphore, #tpu.memory_space<semaphore_mem>>, %arg17: memref<!tpu.dma_semaphore, #tpu.memory_space<semaphore_mem>>) attributes {dimension_semantics = [#tpu.dimension_semantics<core_parallel>, #tpu.dimension_semantics<subcore_parallel>], iteration_bounds = array<i64: 2, 16>, scalar_prefetch = 0 : i64, scratch_operands = 12 : i64, tpu.core_type = #tpu.core_type<sc_vector_subcore>, window_params = [{transform_indices = #map}, {transform_indices = #map}, {transform_indices = #map}, {transform_indices = #map1}]} {
    %mul3A = arith.constant 16 : i32
    %mul3A_0 = arith.muli %arg0, %mul3A : i32
    %add3A = arith.addi %mul3A_0, %arg1 : i32
    %mul3A_1 = arith.constant 160 : i32
    %mul3A_2 = arith.muli %add3A, %mul3A_1 : i32
    "tpu.region"() ({
      %run_scoped3A = tpu.sem_alloc : memref<!tpu.dma_semaphore, #tpu.memory_space<semaphore_mem>>
      %dma_start3A_34 = arith.constant 0 : i32
      %dma_start3A_35 = tpu.memref_slice %arg3[%mul3A_2, %dma_start3A_34] : memref<5120x64xi32, #tpu.memory_space<hbm>> -> memref<160x64xi32, #tpu.memory_space<hbm>>
      %dma_start3A_36 = arith.constant 0 : i32
      %dma_start3A_37 = tpu.memref_slice %arg3[%mul3A_2, %dma_start3A_36] : memref<5120x64xi32, #tpu.memory_space<hbm>> -> memref<160x64xi32, #tpu.memory_space<hbm>>
      tpu.enqueue_dma source(%dma_start3A_37 : memref<160x64xi32, #tpu.memory_space<hbm>>) target(%arg6 : memref<160x64xi32, #tpu.memory_space<vmem>>) target_semaphore(%run_scoped3A : memref<!tpu.dma_semaphore, #tpu.memory_space<semaphore_mem>>)
      %dma_wait3A_38 = arith.constant 0 : i32
      %dma_wait3A_39 = tpu.memref_slice %arg3[%mul3A_2, %dma_wait3A_38] : memref<5120x64xi32, #tpu.memory_space<hbm>> -> memref<160x64xi32, #tpu.memory_space<hbm>>
      %dma_wait3A_40 = arith.constant 0 : i32
      %dma_wait3A_41 = tpu.memref_slice %arg3[%mul3A_2, %dma_wait3A_40] : memref<5120x64xi32, #tpu.memory_space<hbm>> -> memref<160x64xi32, #tpu.memory_space<hbm>>
      tpu.wait_dma2 semaphore(%run_scoped3A : memref<!tpu.dma_semaphore, #tpu.memory_space<semaphore_mem>>) src(%dma_wait3A_41 : memref<160x64xi32, #tpu.memory_space<hbm>>) dst(%arg6 : memref<160x64xi32, #tpu.memory_space<vmem>>)
      tpu.yield
    }) : () -> ()
    %lt3A = arith.constant 15 : i32
    %lt3A_3 = arith.cmpi slt, %arg1, %lt3A : i32
    %convert_element_type3A = arith.extui %lt3A_3 : i1 to i32
    %cond3A = arith.constant 0 : i32
    %cond3A_4 = arith.cmpi ne, %convert_element_type3A, %cond3A : i32
    scf.if %cond3A_4 {
      %mul3A_34 = arith.constant 640 : i32
      %mul3A_35 = arith.muli %arg1, %mul3A_34 : i32
      %mul3A_36 = arith.constant 640 : i32
      %mul3A_37 = arith.muli %arg1, %mul3A_36 : i32
      "tpu.region"() ({
        %run_scoped3A = tpu.sem_alloc : memref<!tpu.dma_semaphore, #tpu.memory_space<semaphore_mem>>
        %dma_start3A_38 = arith.constant 0 : i32
        %dma_start3A_39 = tpu.memref_slice %arg9[%mul3A_37, %dma_start3A_38] : memref<10240x128xf32, #tpu.memory_space<vmem_shared>> -> memref<640x128xf32, #tpu.memory_space<vmem_shared>>
        %dma_start3A_40 = arith.constant 0 : i32
        %dma_start3A_41 = tpu.memref_slice %arg2[%mul3A_35, %dma_start3A_40] : memref<10000x128xf32, #tpu.memory_space<hbm>> -> memref<640x128xf32, #tpu.memory_space<hbm>>
        tpu.enqueue_dma source(%dma_start3A_41 : memref<640x128xf32, #tpu.memory_space<hbm>>) target(%dma_start3A_39 : memref<640x128xf32, #tpu.memory_space<vmem_shared>>) target_semaphore(%run_scoped3A : memref<!tpu.dma_semaphore, #tpu.memory_space<semaphore_mem>>)
        %dma_wait3A_42 = arith.constant 0 : i32
        %dma_wait3A_43 = tpu.memref_slice %arg9[%mul3A_37, %dma_wait3A_42] : memref<10240x128xf32, #tpu.memory_space<vmem_shared>> -> memref<640x128xf32, #tpu.memory_space<vmem_shared>>
        %dma_wait3A_44 = arith.constant 0 : i32
        %dma_wait3A_45 = tpu.memref_slice %arg2[%mul3A_35, %dma_wait3A_44] : memref<10000x128xf32, #tpu.memory_space<hbm>> -> memref<640x128xf32, #tpu.memory_space<hbm>>
        tpu.wait_dma2 semaphore(%run_scoped3A : memref<!tpu.dma_semaphore, #tpu.memory_space<semaphore_mem>>) src(%dma_wait3A_45 : memref<640x128xf32, #tpu.memory_space<hbm>>) dst(%dma_wait3A_43 : memref<640x128xf32, #tpu.memory_space<vmem_shared>>)
        tpu.yield
      }) : () -> ()
    } else {
    }
    %eq3A = arith.constant 15 : i32
    %eq3A_5 = arith.cmpi eq, %arg1, %eq3A : i32
    %convert_element_type3A_6 = arith.extui %eq3A_5 : i1 to i32
    %cond3A_7 = arith.constant 0 : i32
    %cond3A_8 = arith.cmpi ne, %convert_element_type3A_6, %cond3A_7 : i32
    scf.if %cond3A_8 {
      "tpu.region"() ({
        %run_scoped3A = tpu.sem_alloc : memref<!tpu.dma_semaphore, #tpu.memory_space<semaphore_mem>>
        %dma_start3A_34 = arith.constant 9600 : i32
        %dma_start3A_35 = arith.constant 0 : i32
        %dma_start3A_36 = tpu.memref_slice %arg9[%dma_start3A_34, %dma_start3A_35] : memref<10240x128xf32, #tpu.memory_space<vmem_shared>> -> memref<400x128xf32, #tpu.memory_space<vmem_shared>>
        %dma_start3A_37 = arith.constant 9600 : i32
        %dma_start3A_38 = arith.constant 0 : i32
        %dma_start3A_39 = tpu.memref_slice %arg2[%dma_start3A_37, %dma_start3A_38] : memref<10000x128xf32, #tpu.memory_space<hbm>> -> memref<400x128xf32, #tpu.memory_space<hbm>>
        tpu.enqueue_dma source(%dma_start3A_39 : memref<400x128xf32, #tpu.memory_space<hbm>>) target(%dma_start3A_36 : memref<400x128xf32, #tpu.memory_space<vmem_shared>>) target_semaphore(%run_scoped3A : memref<!tpu.dma_semaphore, #tpu.memory_space<semaphore_mem>>)
        %dma_wait3A_40 = arith.constant 9600 : i32
        %dma_wait3A_41 = arith.constant 0 : i32
        %dma_wait3A_42 = tpu.memref_slice %arg9[%dma_wait3A_40, %dma_wait3A_41] : memref<10240x128xf32, #tpu.memory_space<vmem_shared>> -> memref<400x128xf32, #tpu.memory_space<vmem_shared>>
        %dma_wait3A_43 = arith.constant 9600 : i32
        %dma_wait3A_44 = arith.constant 0 : i32
        %dma_wait3A_45 = tpu.memref_slice %arg2[%dma_wait3A_43, %dma_wait3A_44] : memref<10000x128xf32, #tpu.memory_space<hbm>> -> memref<400x128xf32, #tpu.memory_space<hbm>>
        tpu.wait_dma2 semaphore(%run_scoped3A : memref<!tpu.dma_semaphore, #tpu.memory_space<semaphore_mem>>) src(%dma_wait3A_45 : memref<400x128xf32, #tpu.memory_space<hbm>>) dst(%dma_wait3A_42 : memref<400x128xf32, #tpu.memory_space<vmem_shared>>)
        tpu.yield
      }) : () -> ()
    } else {
    }
    %barrier3A = arith.constant 0 : index
    tpu.barrier barrier_id(%barrier3A)
    %dma_start3A = arith.constant 0 : i32
    %dma_start3A_9 = arith.constant 0 : i32
    %dma_start3A_10 = tpu.memref_slice %arg6[%dma_start3A, %dma_start3A_9] : memref<160x64xi32, #tpu.memory_space<vmem>> -> memref<1x64xi32, #tpu.memory_space<vmem>>
    %dma_start3A_11 = tpu.memref_squeeze %dma_start3A_10 : memref<1x64xi32, #tpu.memory_space<vmem>> -> memref<64xi32, #tpu.memory_space<vmem>>
    %dma_start3A_12 = arith.constant 0 : i32
    %dma_start3A_13 = arith.constant 0 : i32
    %dma_start3A_14 = tpu.memref_slice %arg2[%dma_start3A_12, %dma_start3A_13] : memref<10000x128xf32, #tpu.memory_space<hbm>> -> memref<10000x128xf32, #tpu.memory_space<hbm>>
    tpu.enqueue_indirect_dma source(%dma_start3A_14 : memref<10000x128xf32, #tpu.memory_space<hbm>>) target(%arg7 : memref<64x128xf32, #tpu.memory_space<vmem>>) offsets(%dma_start3A_11 : memref<64xi32, #tpu.memory_space<vmem>>) semaphore(%arg10 : memref<!tpu.dma_semaphore, #tpu.memory_space<semaphore_mem>>)
    %add3A_15 = arith.constant 0 : i32
    %add3A_16 = arith.addi %mul3A_2, %add3A_15 : i32
    %dma_start3A_17 = arith.constant 0 : i32
    %dma_start3A_18 = tpu.memref_slice %arg4[%add3A_16, %dma_start3A_17] : memref<5120x64xi32, #tpu.memory_space<hbm>> -> memref<1x64xi32, #tpu.memory_space<hbm>>
    %dma_start3A_19 = tpu.memref_squeeze %dma_start3A_18 : memref<1x64xi32, #tpu.memory_space<hbm>> -> memref<64xi32, #tpu.memory_space<hbm>>
    %dma_start3A_20 = arith.constant 0 : i32
    %dma_start3A_21 = tpu.memref_slice %arg4[%add3A_16, %dma_start3A_20] : memref<5120x64xi32, #tpu.memory_space<hbm>> -> memref<1x64xi32, #tpu.memory_space<hbm>>
    %dma_start3A_22 = tpu.memref_squeeze %dma_start3A_21 : memref<1x64xi32, #tpu.memory_space<hbm>> -> memref<64xi32, #tpu.memory_space<hbm>>
    tpu.enqueue_dma source(%dma_start3A_22 : memref<64xi32, #tpu.memory_space<hbm>>) target(%arg14 : memref<64xi32, #tpu.memory_space<vmem>>) target_semaphore(%arg16 : memref<!tpu.dma_semaphore, #tpu.memory_space<semaphore_mem>>)
    %scan3A = arith.constant 0 : i32
    %scan3A_23 = arith.constant 80 : i32
    %scan3A_24 = arith.addi %scan3A, %scan3A_23 : i32
    %scan3A_25 = arith.constant 1 : i32
    scf.for %scan3A_34 = %scan3A to %scan3A_24 step %scan3A_25  : i32 {
      %mul3A_35 = arith.constant 2 : i32
      %mul3A_36 = arith.muli %scan3A_34, %mul3A_35 : i32
      %add3A_37 = arith.constant 0 : i32
      %add3A_38 = arith.addi %add3A_37, %mul3A_36 : i32
      %add3A_39 = arith.constant 0 : i32
      %add3A_40 = arith.addi %add3A_38, %add3A_39 : i32
      %dma_wait3A_41 = arith.constant 0 : i32
      %dma_wait3A_42 = tpu.memref_slice %arg6[%add3A_40, %dma_wait3A_41] : memref<160x64xi32, #tpu.memory_space<vmem>> -> memref<1x64xi32, #tpu.memory_space<vmem>>
      %dma_wait3A_43 = tpu.memref_squeeze %dma_wait3A_42 : memref<1x64xi32, #tpu.memory_space<vmem>> -> memref<64xi32, #tpu.memory_space<vmem>>
      %dma_wait3A_44 = arith.constant 0 : i32
      %dma_wait3A_45 = arith.constant 0 : i32
      %dma_wait3A_46 = tpu.memref_slice %arg2[%dma_wait3A_44, %dma_wait3A_45] : memref<10000x128xf32, #tpu.memory_space<hbm>> -> memref<10000x128xf32, #tpu.memory_space<hbm>>
      tpu.wait_indirect_dma semaphore(%arg10 : memref<!tpu.dma_semaphore, #tpu.memory_space<semaphore_mem>>) src(%dma_wait3A_46 : memref<10000x128xf32, #tpu.memory_space<hbm>>) dst(%arg7 : memref<64x128xf32, #tpu.memory_space<vmem>>)
      %add3A_47 = arith.addi %mul3A_2, %add3A_40 : i32
      %dma_wait3A_48 = arith.constant 0 : i32
      %dma_wait3A_49 = tpu.memref_slice %arg4[%add3A_47, %dma_wait3A_48] : memref<5120x64xi32, #tpu.memory_space<hbm>> -> memref<1x64xi32, #tpu.memory_space<hbm>>
      %dma_wait3A_50 = tpu.memref_squeeze %dma_wait3A_49 : memref<1x64xi32, #tpu.memory_space<hbm>> -> memref<64xi32, #tpu.memory_space<hbm>>
      %dma_wait3A_51 = arith.constant 0 : i32
      %dma_wait3A_52 = tpu.memref_slice %arg4[%add3A_47, %dma_wait3A_51] : memref<5120x64xi32, #tpu.memory_space<hbm>> -> memref<1x64xi32, #tpu.memory_space<hbm>>
      %dma_wait3A_53 = tpu.memref_squeeze %dma_wait3A_52 : memref<1x64xi32, #tpu.memory_space<hbm>> -> memref<64xi32, #tpu.memory_space<hbm>>
      tpu.wait_dma2 semaphore(%arg16 : memref<!tpu.dma_semaphore, #tpu.memory_space<semaphore_mem>>) src(%dma_wait3A_53 : memref<64xi32, #tpu.memory_space<hbm>>) dst(%arg14 : memref<64xi32, #tpu.memory_space<vmem>>)
      %ge3A = arith.constant 1 : i32
      %ge3A_54 = arith.cmpi sge, %add3A_40, %ge3A : i32
      %convert_element_type3A_55 = arith.extui %ge3A_54 : i1 to i32
      %cond3A_56 = arith.constant 0 : i32
      %cond3A_57 = arith.cmpi ne, %convert_element_type3A_55, %cond3A_56 : i32
      scf.if %cond3A_57 {
        %dma_wait3A_98 = arith.constant 0 : i32
        %dma_wait3A_99 = arith.constant 0 : i32
        %dma_wait3A_100 = tpu.memref_slice %arg9[%dma_wait3A_98, %dma_wait3A_99] : memref<10240x128xf32, #tpu.memory_space<vmem_shared>> -> memref<10240x128xf32, #tpu.memory_space<vmem_shared>>
        tpu.wait_indirect_dma semaphore(%arg13 : memref<!tpu.dma_semaphore, #tpu.memory_space<semaphore_mem>>) src(%arg8 : memref<64x128xf32, #tpu.memory_space<vmem>>) dst(%dma_wait3A_100 : memref<10240x128xf32, #tpu.memory_space<vmem_shared>>)
      } else {
      }
      %add3A_58 = arith.constant 1 : i32
      %add3A_59 = arith.addi %add3A_40, %add3A_58 : i32
      %lt3A_60 = arith.constant 160 : i32
      %lt3A_61 = arith.cmpi slt, %add3A_59, %lt3A_60 : i32
      %convert_element_type3A_62 = arith.extui %lt3A_61 : i1 to i32
      %cond3A_63 = arith.constant 0 : i32
      %cond3A_64 = arith.cmpi ne, %convert_element_type3A_62, %cond3A_63 : i32
      scf.if %cond3A_64 {
        %add3A_98 = arith.constant 1 : i32
        %add3A_99 = arith.addi %add3A_40, %add3A_98 : i32
        %dma_start3A_100 = arith.constant 0 : i32
        %dma_start3A_101 = tpu.memref_slice %arg6[%add3A_99, %dma_start3A_100] : memref<160x64xi32, #tpu.memory_space<vmem>> -> memref<1x64xi32, #tpu.memory_space<vmem>>
        %dma_start3A_102 = tpu.memref_squeeze %dma_start3A_101 : memref<1x64xi32, #tpu.memory_space<vmem>> -> memref<64xi32, #tpu.memory_space<vmem>>
        %dma_start3A_103 = arith.constant 0 : i32
        %dma_start3A_104 = arith.constant 0 : i32
        %dma_start3A_105 = tpu.memref_slice %arg2[%dma_start3A_103, %dma_start3A_104] : memref<10000x128xf32, #tpu.memory_space<hbm>> -> memref<10000x128xf32, #tpu.memory_space<hbm>>
        tpu.enqueue_indirect_dma source(%dma_start3A_105 : memref<10000x128xf32, #tpu.memory_space<hbm>>) target(%arg8 : memref<64x128xf32, #tpu.memory_space<vmem>>) offsets(%dma_start3A_102 : memref<64xi32, #tpu.memory_space<vmem>>) semaphore(%arg11 : memref<!tpu.dma_semaphore, #tpu.memory_space<semaphore_mem>>)
        %add3A_106 = arith.addi %mul3A_2, %add3A_99 : i32
        %dma_start3A_107 = arith.constant 0 : i32
        %dma_start3A_108 = tpu.memref_slice %arg4[%add3A_106, %dma_start3A_107] : memref<5120x64xi32, #tpu.memory_space<hbm>> -> memref<1x64xi32, #tpu.memory_space<hbm>>
        %dma_start3A_109 = tpu.memref_squeeze %dma_start3A_108 : memref<1x64xi32, #tpu.memory_space<hbm>> -> memref<64xi32, #tpu.memory_space<hbm>>
        %dma_start3A_110 = arith.constant 0 : i32
        %dma_start3A_111 = tpu.memref_slice %arg4[%add3A_106, %dma_start3A_110] : memref<5120x64xi32, #tpu.memory_space<hbm>> -> memref<1x64xi32, #tpu.memory_space<hbm>>
        %dma_start3A_112 = tpu.memref_squeeze %dma_start3A_111 : memref<1x64xi32, #tpu.memory_space<hbm>> -> memref<64xi32, #tpu.memory_space<hbm>>
        tpu.enqueue_dma source(%dma_start3A_112 : memref<64xi32, #tpu.memory_space<hbm>>) target(%arg15 : memref<64xi32, #tpu.memory_space<vmem>>) target_semaphore(%arg17 : memref<!tpu.dma_semaphore, #tpu.memory_space<semaphore_mem>>)
      } else {
      }
      %dma_start3A_65 = arith.constant 0 : i32
      %dma_start3A_66 = arith.constant 0 : i32
      %dma_start3A_67 = tpu.memref_slice %arg9[%dma_start3A_65, %dma_start3A_66] : memref<10240x128xf32, #tpu.memory_space<vmem_shared>> -> memref<10240x128xf32, #tpu.memory_space<vmem_shared>>
      tpu.enqueue_indirect_dma source(%arg7 : memref<64x128xf32, #tpu.memory_space<vmem>>) target(%dma_start3A_67 : memref<10240x128xf32, #tpu.memory_space<vmem_shared>>) offsets(%arg14 : memref<64xi32, #tpu.memory_space<vmem>>) semaphore(%arg12 : memref<!tpu.dma_semaphore, #tpu.memory_space<semaphore_mem>>) {add = true}
      %add3A_68 = arith.constant 1 : i32
      %add3A_69 = arith.addi %add3A_38, %add3A_68 : i32
      %dma_wait3A_70 = arith.constant 0 : i32
      %dma_wait3A_71 = tpu.memref_slice %arg6[%add3A_69, %dma_wait3A_70] : memref<160x64xi32, #tpu.memory_space<vmem>> -> memref<1x64xi32, #tpu.memory_space<vmem>>
      %dma_wait3A_72 = tpu.memref_squeeze %dma_wait3A_71 : memref<1x64xi32, #tpu.memory_space<vmem>> -> memref<64xi32, #tpu.memory_space<vmem>>
      %dma_wait3A_73 = arith.constant 0 : i32
      %dma_wait3A_74 = arith.constant 0 : i32
      %dma_wait3A_75 = tpu.memref_slice %arg2[%dma_wait3A_73, %dma_wait3A_74] : memref<10000x128xf32, #tpu.memory_space<hbm>> -> memref<10000x128xf32, #tpu.memory_space<hbm>>
      tpu.wait_indirect_dma semaphore(%arg11 : memref<!tpu.dma_semaphore, #tpu.memory_space<semaphore_mem>>) src(%dma_wait3A_75 : memref<10000x128xf32, #tpu.memory_space<hbm>>) dst(%arg8 : memref<64x128xf32, #tpu.memory_space<vmem>>)
      %add3A_76 = arith.addi %mul3A_2, %add3A_69 : i32
      %dma_wait3A_77 = arith.constant 0 : i32
      %dma_wait3A_78 = tpu.memref_slice %arg4[%add3A_76, %dma_wait3A_77] : memref<5120x64xi32, #tpu.memory_space<hbm>> -> memref<1x64xi32, #tpu.memory_space<hbm>>
      %dma_wait3A_79 = tpu.memref_squeeze %dma_wait3A_78 : memref<1x64xi32, #tpu.memory_space<hbm>> -> memref<64xi32, #tpu.memory_space<hbm>>
      %dma_wait3A_80 = arith.constant 0 : i32
      %dma_wait3A_81 = tpu.memref_slice %arg4[%add3A_76, %dma_wait3A_80] : memref<5120x64xi32, #tpu.memory_space<hbm>> -> memref<1x64xi32, #tpu.memory_space<hbm>>
      %dma_wait3A_82 = tpu.memref_squeeze %dma_wait3A_81 : memref<1x64xi32, #tpu.memory_space<hbm>> -> memref<64xi32, #tpu.memory_space<hbm>>
      tpu.wait_dma2 semaphore(%arg17 : memref<!tpu.dma_semaphore, #tpu.memory_space<semaphore_mem>>) src(%dma_wait3A_82 : memref<64xi32, #tpu.memory_space<hbm>>) dst(%arg15 : memref<64xi32, #tpu.memory_space<vmem>>)
      %ge3A_83 = arith.constant 1 : i32
      %ge3A_84 = arith.cmpi sge, %add3A_69, %ge3A_83 : i32
      %convert_element_type3A_85 = arith.extui %ge3A_84 : i1 to i32
      %cond3A_86 = arith.constant 0 : i32
      %cond3A_87 = arith.cmpi ne, %convert_element_type3A_85, %cond3A_86 : i32
      scf.if %cond3A_87 {
        %dma_wait3A_98 = arith.constant 0 : i32
        %dma_wait3A_99 = arith.constant 0 : i32
        %dma_wait3A_100 = tpu.memref_slice %arg9[%dma_wait3A_98, %dma_wait3A_99] : memref<10240x128xf32, #tpu.memory_space<vmem_shared>> -> memref<10240x128xf32, #tpu.memory_space<vmem_shared>>
        tpu.wait_indirect_dma semaphore(%arg12 : memref<!tpu.dma_semaphore, #tpu.memory_space<semaphore_mem>>) src(%arg7 : memref<64x128xf32, #tpu.memory_space<vmem>>) dst(%dma_wait3A_100 : memref<10240x128xf32, #tpu.memory_space<vmem_shared>>)
      } else {
      }
      %add3A_88 = arith.constant 1 : i32
      %add3A_89 = arith.addi %add3A_69, %add3A_88 : i32
      %lt3A_90 = arith.constant 160 : i32
      %lt3A_91 = arith.cmpi slt, %add3A_89, %lt3A_90 : i32
      %convert_element_type3A_92 = arith.extui %lt3A_91 : i1 to i32
      %cond3A_93 = arith.constant 0 : i32
      %cond3A_94 = arith.cmpi ne, %convert_element_type3A_92, %cond3A_93 : i32
      scf.if %cond3A_94 {
        %add3A_98 = arith.constant 1 : i32
        %add3A_99 = arith.addi %add3A_69, %add3A_98 : i32
        %dma_start3A_100 = arith.constant 0 : i32
        %dma_start3A_101 = tpu.memref_slice %arg6[%add3A_99, %dma_start3A_100] : memref<160x64xi32, #tpu.memory_space<vmem>> -> memref<1x64xi32, #tpu.memory_space<vmem>>
        %dma_start3A_102 = tpu.memref_squeeze %dma_start3A_101 : memref<1x64xi32, #tpu.memory_space<vmem>> -> memref<64xi32, #tpu.memory_space<vmem>>
        %dma_start3A_103 = arith.constant 0 : i32
        %dma_start3A_104 = arith.constant 0 : i32
        %dma_start3A_105 = tpu.memref_slice %arg2[%dma_start3A_103, %dma_start3A_104] : memref<10000x128xf32, #tpu.memory_space<hbm>> -> memref<10000x128xf32, #tpu.memory_space<hbm>>
        tpu.enqueue_indirect_dma source(%dma_start3A_105 : memref<10000x128xf32, #tpu.memory_space<hbm>>) target(%arg7 : memref<64x128xf32, #tpu.memory_space<vmem>>) offsets(%dma_start3A_102 : memref<64xi32, #tpu.memory_space<vmem>>) semaphore(%arg10 : memref<!tpu.dma_semaphore, #tpu.memory_space<semaphore_mem>>)
        %add3A_106 = arith.addi %mul3A_2, %add3A_99 : i32
        %dma_start3A_107 = arith.constant 0 : i32
        %dma_start3A_108 = tpu.memref_slice %arg4[%add3A_106, %dma_start3A_107] : memref<5120x64xi32, #tpu.memory_space<hbm>> -> memref<1x64xi32, #tpu.memory_space<hbm>>
        %dma_start3A_109 = tpu.memref_squeeze %dma_start3A_108 : memref<1x64xi32, #tpu.memory_space<hbm>> -> memref<64xi32, #tpu.memory_space<hbm>>
        %dma_start3A_110 = arith.constant 0 : i32
        %dma_start3A_111 = tpu.memref_slice %arg4[%add3A_106, %dma_start3A_110] : memref<5120x64xi32, #tpu.memory_space<hbm>> -> memref<1x64xi32, #tpu.memory_space<hbm>>
        %dma_start3A_112 = tpu.memref_squeeze %dma_start3A_111 : memref<1x64xi32, #tpu.memory_space<hbm>> -> memref<64xi32, #tpu.memory_space<hbm>>
        tpu.enqueue_dma source(%dma_start3A_112 : memref<64xi32, #tpu.memory_space<hbm>>) target(%arg14 : memref<64xi32, #tpu.memory_space<vmem>>) target_semaphore(%arg16 : memref<!tpu.dma_semaphore, #tpu.memory_space<semaphore_mem>>)
      } else {
      }
      %dma_start3A_95 = arith.constant 0 : i32
      %dma_start3A_96 = arith.constant 0 : i32
      %dma_start3A_97 = tpu.memref_slice %arg9[%dma_start3A_95, %dma_start3A_96] : memref<10240x128xf32, #tpu.memory_space<vmem_shared>> -> memref<10240x128xf32, #tpu.memory_space<vmem_shared>>
      tpu.enqueue_indirect_dma source(%arg8 : memref<64x128xf32, #tpu.memory_space<vmem>>) target(%dma_start3A_97 : memref<10240x128xf32, #tpu.memory_space<vmem_shared>>) offsets(%arg15 : memref<64xi32, #tpu.memory_space<vmem>>) semaphore(%arg13 : memref<!tpu.dma_semaphore, #tpu.memory_space<semaphore_mem>>) {add = true}
    }
    %scan3A_26 = arith.constant 80 : i32
    %dma_wait3A = arith.constant 0 : i32
    %dma_wait3A_27 = arith.constant 0 : i32
    %dma_wait3A_28 = tpu.memref_slice %arg9[%dma_wait3A, %dma_wait3A_27] : memref<10240x128xf32, #tpu.memory_space<vmem_shared>> -> memref<10240x128xf32, #tpu.memory_space<vmem_shared>>
    tpu.wait_indirect_dma semaphore(%arg13 : memref<!tpu.dma_semaphore, #tpu.memory_space<semaphore_mem>>) src(%arg8 : memref<64x128xf32, #tpu.memory_space<vmem>>) dst(%dma_wait3A_28 : memref<10240x128xf32, #tpu.memory_space<vmem_shared>>)
    %barrier3A_29 = arith.constant 0 : index
    tpu.barrier barrier_id(%barrier3A_29)
    %mul3A_30 = arith.constant 640 : i32
    %mul3A_31 = arith.muli %arg1, %mul3A_30 : i32
    %mul3A_32 = arith.constant 640 : i32
    %mul3A_33 = arith.muli %arg1, %mul3A_32 : i32
    "tpu.region"() ({
      %run_scoped3A = tpu.sem_alloc : memref<!tpu.dma_semaphore, #tpu.memory_space<semaphore_mem>>
      %dma_start3A_34 = arith.constant 0 : i32
      %dma_start3A_35 = tpu.memref_slice %arg5[%arg0, %mul3A_33, %dma_start3A_34] : memref<2x10240x128xf32, #tpu.memory_space<hbm>> -> memref<1x640x128xf32, #tpu.memory_space<hbm>>
      %dma_start3A_36 = tpu.memref_squeeze %dma_start3A_35 : memref<1x640x128xf32, #tpu.memory_space<hbm>> -> memref<640x128xf32, #tpu.memory_space<hbm>>
      %dma_start3A_37 = arith.constant 0 : i32
      %dma_start3A_38 = tpu.memref_slice %arg9[%mul3A_31, %dma_start3A_37] : memref<10240x128xf32, #tpu.memory_space<vmem_shared>> -> memref<640x128xf32, #tpu.memory_space<vmem_shared>>
      tpu.enqueue_dma source(%dma_start3A_38 : memref<640x128xf32, #tpu.memory_space<vmem_shared>>) target(%dma_start3A_36 : memref<640x128xf32, #tpu.memory_space<hbm>>) target_semaphore(%run_scoped3A : memref<!tpu.dma_semaphore, #tpu.memory_space<semaphore_mem>>)
      %dma_wait3A_39 = arith.constant 0 : i32
      %dma_wait3A_40 = tpu.memref_slice %arg5[%arg0, %mul3A_33, %dma_wait3A_39] : memref<2x10240x128xf32, #tpu.memory_space<hbm>> -> memref<1x640x128xf32, #tpu.memory_space<hbm>>
      %dma_wait3A_41 = tpu.memref_squeeze %dma_wait3A_40 : memref<1x640x128xf32, #tpu.memory_space<hbm>> -> memref<640x128xf32, #tpu.memory_space<hbm>>
      %dma_wait3A_42 = arith.constant 0 : i32
      %dma_wait3A_43 = tpu.memref_slice %arg9[%mul3A_31, %dma_wait3A_42] : memref<10240x128xf32, #tpu.memory_space<vmem_shared>> -> memref<640x128xf32, #tpu.memory_space<vmem_shared>>
      tpu.wait_dma2 semaphore(%run_scoped3A : memref<!tpu.dma_semaphore, #tpu.memory_space<semaphore_mem>>) src(%dma_wait3A_43 : memref<640x128xf32, #tpu.memory_space<vmem_shared>>) dst(%dma_wait3A_41 : memref<640x128xf32, #tpu.memory_space<hbm>>)
      tpu.yield
    }) : () -> ()
    return
  }
}

module attributes {stable_mosaic.version = 14 : i64} {
  func.func @body(%arg0: i32, %arg1: memref<1000x128xf32, #tpu.memory_space<vmem>>, %arg2: memref<128x128xf32, #tpu.memory_space<vmem>>, %arg3: memref<1000x2xf32, #tpu.memory_space<vmem>>, %arg4: memref<1000x128xf32, #tpu.memory_space<vmem>>) attributes {dimension_semantics = [#tpu.dimension_semantics<arbitrary>], iteration_bounds = array<i64: 10>, scalar_prefetch = 0 : i64, scratch_operands = 0 : i64, tpu.core_type = #tpu.core_type<tc>, window_params = [{transform_indices = @transform_0, window_bounds = array<i64: 1000, 128>}, {pipeline_mode = #tpu.pipeline_mode<synchronous>, transform_indices = @transform_1, window_bounds = array<i64: 128, 128>}, {transform_indices = @transform_2, window_bounds = array<i64: 1000, 2>}, {transform_indices = @transform_3, window_bounds = array<i64: 1000, 128>}]} {
    %get3A = arith.constant 0 : index
    %get3A_0 = arith.constant 0 : index
    %get3A_1 = vector.load %arg1[%get3A, %get3A_0] : memref<1000x128xf32, #tpu.memory_space<vmem>>, vector<1000x128xf32>
    %get3A_2 = arith.constant 0 : index
    %get3A_3 = arith.constant 0 : index
    %get3A_4 = vector.load %arg2[%get3A_2, %get3A_3] : memref<128x128xf32, #tpu.memory_space<vmem>>, vector<128x128xf32>
    %dot_general3A = arith.constant dense<0.000000e+00> : vector<1000x128xf32>
    %dot_general3A_5 = tpu.matmul %get3A_1, %get3A_4, %dot_general3A {dimension_numbers = #tpu.dot_dimension_numbers<[1], [0], [0], [1], [0, 0, 1, 1], [], []>, transpose_lhs_hint = false} : vector<1000x128xf32>, vector<128x128xf32>, vector<1000x128xf32> -> vector<1000x128xf32>
    %get3A_6 = arith.constant 0 : index
    %get3A_7 = arith.constant 0 : index
    %get3A_8 = vector.load %arg3[%get3A_6, %get3A_7] : memref<1000x2xf32, #tpu.memory_space<vmem>>, vector<1000x2xf32>
    %slice3A = vector.extract_strided_slice %get3A_8 {offsets = [0, 0], sizes = [1000, 1], strides = [1, 1]} : vector<1000x2xf32> to vector<1000x1xf32>
    %slice3A_9 = vector.extract_strided_slice %get3A_8 {offsets = [0, 1], sizes = [1000, 1], strides = [1, 1]} : vector<1000x2xf32> to vector<1000x1xf32>
    %add3A = arith.addf %slice3A, %slice3A_9 : vector<1000x1xf32>
    %add3A_10 = arith.constant 1.000000e+00 : f32
    %add3A_11 = vector.broadcast %add3A_10 : f32 to vector<1000x1xf32>
    %add3A_12 = arith.addf %add3A, %add3A_11 : vector<1000x1xf32>
    %gt3A = arith.constant 0.000000e+00 : f32
    %gt3A_13 = vector.broadcast %gt3A : f32 to vector<1000x1xf32>
    %gt3A_14 = arith.cmpf ogt, %add3A_12, %gt3A_13 : vector<1000x1xf32>
    %rsqrt3A = math.rsqrt %add3A_12 : vector<1000x1xf32>
    %jit3A = arith.constant 0.000000e+00 : f32
    %broadcast_in_dim3A = vector.broadcast %jit3A : f32 to vector<1000x1xf32>
    %select_n3A = arith.select %gt3A_14, %rsqrt3A, %broadcast_in_dim3A : vector<1000x1xi1>, vector<1000x1xf32>
    %mul3A = vector.broadcast %select_n3A : vector<1000x1xf32> to vector<1000x128xf32>
    %mul3A_15 = arith.mulf %dot_general3A_5, %mul3A : vector<1000x128xf32>
    %swap3A = arith.constant 0 : index
    %swap3A_16 = arith.constant 0 : index
    %swap3A_17 = vector.load %arg4[%swap3A, %swap3A_16] : memref<1000x128xf32, #tpu.memory_space<vmem>>, vector<1000x128xf32>
    tpu.vector_store %arg4[%swap3A, %swap3A_16], %mul3A_15 {strides = array<i32>} : memref<1000x128xf32, #tpu.memory_space<vmem>>, vector<1000x128xf32>,
    return
  }
  func.func @transform_0(%arg0: i32) -> (i32, i32) {
    %c0_i32 = arith.constant 0 : i32
    %c0_i32_0 = arith.constant 0 : i32
    return %arg0, %c0_i32 : i32, i32
  }
  func.func @transform_1(%arg0: i32) -> (i32, i32) {
    %c0_i32 = arith.constant 0 : i32
    %c0_i32_0 = arith.constant 0 : i32
    %c0_i32_1 = arith.constant 0 : i32
    return %c0_i32, %c0_i32_0 : i32, i32
  }
  func.func @transform_2(%arg0: i32) -> (i32, i32) {
    %c0_i32 = arith.constant 0 : i32
    %c0_i32_0 = arith.constant 0 : i32
    return %arg0, %c0_i32 : i32, i32
  }
  func.func @transform_3(%arg0: i32) -> (i32, i32) {
    %c0_i32 = arith.constant 0 : i32
    %c0_i32_0 = arith.constant 0 : i32
    return %arg0, %c0_i32 : i32, i32
  }
}

module attributes {stable_mosaic.version = 14 : i64} {
  func.func @body(%arg0: i32, %arg1: memref<2x1000x128xf32, #tpu.memory_space<vmem>>, %arg2: memref<1000x128xf32, #tpu.memory_space<vmem>>, %arg3: memref<1000x2xf32, #tpu.memory_space<vmem>>, %arg4: memref<1x128xf32, #tpu.memory_space<vmem>>, %arg5: memref<1000x128xf32, #tpu.memory_space<vmem>>) attributes {dimension_semantics = [#tpu.dimension_semantics<arbitrary>], iteration_bounds = array<i64: 10>, scalar_prefetch = 0 : i64, scratch_operands = 0 : i64, tpu.core_type = #tpu.core_type<tc>, window_params = [{transform_indices = @transform_0, window_bounds = array<i64: 2, 1000, 128>}, {transform_indices = @transform_1, window_bounds = array<i64: 1000, 128>}, {transform_indices = @transform_2, window_bounds = array<i64: 1000, 2>}, {pipeline_mode = #tpu.pipeline_mode<synchronous>, transform_indices = @transform_3, window_bounds = array<i64: 1, 128>}, {transform_indices = @transform_4, window_bounds = array<i64: 1000, 128>}]} {
    %get3A = arith.constant 0 : index
    %get3A_0 = arith.constant 0 : index
    %get3A_1 = vector.load %arg3[%get3A, %get3A_0] : memref<1000x2xf32, #tpu.memory_space<vmem>>, vector<1000x2xf32>
    %slice3A = vector.extract_strided_slice %get3A_1 {offsets = [0, 0], sizes = [1000, 1], strides = [1, 1]} : vector<1000x2xf32> to vector<1000x1xf32>
    %slice3A_2 = vector.extract_strided_slice %get3A_1 {offsets = [0, 1], sizes = [1000, 1], strides = [1, 1]} : vector<1000x2xf32> to vector<1000x1xf32>
    %add3A = arith.addf %slice3A, %slice3A_2 : vector<1000x1xf32>
    %add3A_3 = arith.constant 1.000000e+00 : f32
    %add3A_4 = vector.broadcast %add3A_3 : f32 to vector<1000x1xf32>
    %add3A_5 = arith.addf %add3A, %add3A_4 : vector<1000x1xf32>
    %gt3A = arith.constant 0.000000e+00 : f32
    %gt3A_6 = vector.broadcast %gt3A : f32 to vector<1000x1xf32>
    %gt3A_7 = arith.cmpf ogt, %add3A_5, %gt3A_6 : vector<1000x1xf32>
    %rsqrt3A = math.rsqrt %add3A_5 : vector<1000x1xf32>
    %jit3A = arith.constant 0.000000e+00 : f32
    %broadcast_in_dim3A = vector.broadcast %jit3A : f32 to vector<1000x1xf32>
    %select_n3A = arith.select %gt3A_7, %rsqrt3A, %broadcast_in_dim3A : vector<1000x1xi1>, vector<1000x1xf32>
    %get3A_8 = arith.constant 0 : index
    %get3A_9 = arith.constant 0 : index
    %get3A_10 = arith.constant 0 : index
    %get3A_11 = vector.load %arg1[%get3A_8, %get3A_9, %get3A_10] : memref<2x1000x128xf32, #tpu.memory_space<vmem>>, vector<2x1000x128xf32>
    %slice3A_12 = vector.extract_strided_slice %get3A_11 {offsets = [0, 0, 0], sizes = [1, 1000, 128], strides = [1, 1, 1]} : vector<2x1000x128xf32> to vector<1x1000x128xf32>
    %squeeze3A = vector.shape_cast %slice3A_12 : vector<1x1000x128xf32> to vector<1000x128xf32>
    %slice3A_13 = vector.extract_strided_slice %get3A_11 {offsets = [1, 0, 0], sizes = [1, 1000, 128], strides = [1, 1, 1]} : vector<2x1000x128xf32> to vector<1x1000x128xf32>
    %squeeze3A_14 = vector.shape_cast %slice3A_13 : vector<1x1000x128xf32> to vector<1000x128xf32>
    %add3A_15 = arith.addf %squeeze3A, %squeeze3A_14 : vector<1000x128xf32>
    %get3A_16 = arith.constant 0 : index
    %get3A_17 = arith.constant 0 : index
    %get3A_18 = vector.load %arg2[%get3A_16, %get3A_17] : memref<1000x128xf32, #tpu.memory_space<vmem>>, vector<1000x128xf32>
    %sub3A = arith.subf %add3A_15, %get3A_18 : vector<1000x128xf32>
    %mul3A = vector.broadcast %select_n3A : vector<1000x1xf32> to vector<1000x128xf32>
    %mul3A_19 = arith.mulf %mul3A, %sub3A : vector<1000x128xf32>
    %get3A_20 = arith.constant 0 : index
    %get3A_21 = arith.constant 0 : index
    %get3A_22 = vector.load %arg4[%get3A_20, %get3A_21] : memref<1x128xf32, #tpu.memory_space<vmem>>, vector<1x128xf32>
    %add3A_23 = vector.broadcast %get3A_22 : vector<1x128xf32> to vector<1000x128xf32>
    %add3A_24 = arith.addf %mul3A_19, %add3A_23 : vector<1000x128xf32>
    %swap3A = arith.constant 0 : index
    %swap3A_25 = arith.constant 0 : index
    %swap3A_26 = vector.load %arg5[%swap3A, %swap3A_25] : memref<1000x128xf32, #tpu.memory_space<vmem>>, vector<1000x128xf32>
    tpu.vector_store %arg5[%swap3A, %swap3A_25], %add3A_24 {strides = array<i32>} : memref<1000x128xf32, #tpu.memory_space<vmem>>, vector<1000x128xf32>,
    return
  }
  func.func @transform_0(%arg0: i32) -> (i32, i32, i32) {
    %c0_i32 = arith.constant 0 : i32
    %c0_i32_0 = arith.constant 0 : i32
    %c0_i32_1 = arith.constant 0 : i32
    return %c0_i32, %arg0, %c0_i32_0 : i32, i32, i32
  }
  func.func @transform_1(%arg0: i32) -> (i32, i32) {
    %c0_i32 = arith.constant 0 : i32
    %c0_i32_0 = arith.constant 0 : i32
    return %arg0, %c0_i32 : i32, i32
  }
  func.func @transform_2(%arg0: i32) -> (i32, i32) {
    %c0_i32 = arith.constant 0 : i32
    %c0_i32_0 = arith.constant 0 : i32
    return %arg0, %c0_i32 : i32, i32
  }
  func.func @transform_3(%arg0: i32) -> (i32, i32) {
    %c0_i32 = arith.constant 0 : i32
    %c0_i32_0 = arith.constant 0 : i32
    %c0_i32_1 = arith.constant 0 : i32
    return %c0_i32, %c0_i32_0 : i32, i32
  }
  func.func @transform_4(%arg0: i32) -> (i32, i32) {
    %c0_i32 = arith.constant 0 : i32
    %c0_i32_0 = arith.constant 0 : i32
    return %arg0, %c0_i32 : i32, i32
  }
}

module attributes {stable_mosaic.version = 14 : i64} {
  func.func @body(%arg0: i32, %arg1: memref<2x1000x128xf32, #tpu.memory_space<vmem>>, %arg2: memref<1000x128xf32, #tpu.memory_space<vmem>>, %arg3: memref<1000x2xf32, #tpu.memory_space<vmem>>, %arg4: memref<128x128xf32, #tpu.memory_space<vmem>>, %arg5: memref<1x128xf32, #tpu.memory_space<vmem>>, %arg6: memref<128x128xf32, #tpu.memory_space<vmem>>, %arg7: memref<1000x128xf32, #tpu.memory_space<vmem>>) attributes {dimension_semantics = [#tpu.dimension_semantics<arbitrary>], iteration_bounds = array<i64: 10>, scalar_prefetch = 0 : i64, scratch_operands = 0 : i64, tpu.core_type = #tpu.core_type<tc>, window_params = [{transform_indices = @transform_0, window_bounds = array<i64: 2, 1000, 128>}, {transform_indices = @transform_1, window_bounds = array<i64: 1000, 128>}, {transform_indices = @transform_2, window_bounds = array<i64: 1000, 2>}, {pipeline_mode = #tpu.pipeline_mode<synchronous>, transform_indices = @transform_3, window_bounds = array<i64: 128, 128>}, {pipeline_mode = #tpu.pipeline_mode<synchronous>, transform_indices = @transform_4, window_bounds = array<i64: 1, 128>}, {pipeline_mode = #tpu.pipeline_mode<synchronous>, transform_indices = @transform_5, window_bounds = array<i64: 128, 128>}, {transform_indices = @transform_6, window_bounds = array<i64: 1000, 128>}]} {
    %get3A = arith.constant 0 : index
    %get3A_0 = arith.constant 0 : index
    %get3A_1 = vector.load %arg3[%get3A, %get3A_0] : memref<1000x2xf32, #tpu.memory_space<vmem>>, vector<1000x2xf32>
    %slice3A = vector.extract_strided_slice %get3A_1 {offsets = [0, 0], sizes = [1000, 1], strides = [1, 1]} : vector<1000x2xf32> to vector<1000x1xf32>
    %slice3A_2 = vector.extract_strided_slice %get3A_1 {offsets = [0, 1], sizes = [1000, 1], strides = [1, 1]} : vector<1000x2xf32> to vector<1000x1xf32>
    %add3A = arith.addf %slice3A, %slice3A_2 : vector<1000x1xf32>
    %get3A_3 = arith.constant 0 : index
    %get3A_4 = arith.constant 0 : index
    %get3A_5 = arith.constant 0 : index
    %get3A_6 = vector.load %arg1[%get3A_3, %get3A_4, %get3A_5] : memref<2x1000x128xf32, #tpu.memory_space<vmem>>, vector<2x1000x128xf32>
    %get3A_7 = arith.constant 0 : index
    %get3A_8 = arith.constant 0 : index
    %get3A_9 = vector.load %arg2[%get3A_7, %get3A_8] : memref<1000x128xf32, #tpu.memory_space<vmem>>, vector<1000x128xf32>
    %slice3A_10 = vector.extract_strided_slice %get3A_6 {offsets = [0, 0, 0], sizes = [1, 1000, 128], strides = [1, 1, 1]} : vector<2x1000x128xf32> to vector<1x1000x128xf32>
    %squeeze3A = vector.shape_cast %slice3A_10 : vector<1x1000x128xf32> to vector<1000x128xf32>
    %slice3A_11 = vector.extract_strided_slice %get3A_6 {offsets = [1, 0, 0], sizes = [1, 1000, 128], strides = [1, 1, 1]} : vector<2x1000x128xf32> to vector<1x1000x128xf32>
    %squeeze3A_12 = vector.shape_cast %slice3A_11 : vector<1x1000x128xf32> to vector<1000x128xf32>
    %add3A_13 = arith.addf %squeeze3A, %squeeze3A_12 : vector<1000x128xf32>
    %mul3A = arith.constant 2.000000e+00 : f32
    %mul3A_14 = vector.broadcast %mul3A : f32 to vector<1000x128xf32>
    %mul3A_15 = arith.mulf %mul3A_14, %get3A_9 : vector<1000x128xf32>
    %sub3A = arith.subf %add3A_13, %mul3A_15 : vector<1000x128xf32>
    %max3A = arith.constant 1.000000e+00 : f32
    %max3A_16 = vector.broadcast %max3A : f32 to vector<1000x1xf32>
    %max3A_17 = arith.maximumf %add3A, %max3A_16 : vector<1000x1xf32>
    %div3A = vector.broadcast %max3A_17 : vector<1000x1xf32> to vector<1000x128xf32>
    %div3A_18 = arith.divf %sub3A, %div3A : vector<1000x128xf32>
    %get3A_19 = arith.constant 0 : index
    %get3A_20 = arith.constant 0 : index
    %get3A_21 = vector.load %arg4[%get3A_19, %get3A_20] : memref<128x128xf32, #tpu.memory_space<vmem>>, vector<128x128xf32>
    %dot_general3A = arith.constant dense<0.000000e+00> : vector<1000x128xf32>
    %dot_general3A_22 = tpu.matmul %div3A_18, %get3A_21, %dot_general3A {dimension_numbers = #tpu.dot_dimension_numbers<[1], [0], [0], [1], [0, 0, 1, 1], [], []>, transpose_lhs_hint = false} : vector<1000x128xf32>, vector<128x128xf32>, vector<1000x128xf32> -> vector<1000x128xf32>
    %get3A_23 = arith.constant 0 : index
    %get3A_24 = arith.constant 0 : index
    %get3A_25 = vector.load %arg5[%get3A_23, %get3A_24] : memref<1x128xf32, #tpu.memory_space<vmem>>, vector<1x128xf32>
    %add3A_26 = vector.broadcast %get3A_25 : vector<1x128xf32> to vector<1000x128xf32>
    %add3A_27 = arith.addf %dot_general3A_22, %add3A_26 : vector<1000x128xf32>
    %get3A_28 = arith.constant 0 : index
    %get3A_29 = arith.constant 0 : index
    %get3A_30 = vector.load %arg6[%get3A_28, %get3A_29] : memref<128x128xf32, #tpu.memory_space<vmem>>, vector<128x128xf32>
    %dot_general3A_31 = arith.constant dense<0.000000e+00> : vector<1000x128xf32>
    %dot_general3A_32 = tpu.matmul %get3A_9, %get3A_30, %dot_general3A_31 {dimension_numbers = #tpu.dot_dimension_numbers<[1], [0], [0], [1], [0, 0, 1, 1], [], []>, transpose_lhs_hint = false} : vector<1000x128xf32>, vector<128x128xf32>, vector<1000x128xf32> -> vector<1000x128xf32>
    %add3A_33 = arith.addf %add3A_27, %dot_general3A_32 : vector<1000x128xf32>
    %mul3A_34 = arith.mulf %add3A_33, %add3A_33 : vector<1000x128xf32>
    %reduce_sum3A = arith.constant dense<0.000000e+00> : vector<1000xf32>
    %reduce_sum3A_35 = vector.multi_reduction <add>, %mul3A_34, %reduce_sum3A [1] : vector<1000x128xf32> to vector<1000xf32>
    %broadcast_in_dim3A = vector.shape_cast %reduce_sum3A_35 : vector<1000xf32> to vector<1000x1xf32>
    %sqrt3A = math.sqrt %broadcast_in_dim3A : vector<1000x1xf32>
    %max3A_36 = arith.constant 9.99999996E-13 : f32
    %max3A_37 = vector.broadcast %max3A_36 : f32 to vector<1000x1xf32>
    %max3A_38 = arith.maximumf %sqrt3A, %max3A_37 : vector<1000x1xf32>
    %div3A_39 = vector.broadcast %max3A_38 : vector<1000x1xf32> to vector<1000x128xf32>
    %div3A_40 = arith.divf %add3A_33, %div3A_39 : vector<1000x128xf32>
    %swap3A = arith.constant 0 : index
    %swap3A_41 = arith.constant 0 : index
    %swap3A_42 = vector.load %arg7[%swap3A, %swap3A_41] : memref<1000x128xf32, #tpu.memory_space<vmem>>, vector<1000x128xf32>
    tpu.vector_store %arg7[%swap3A, %swap3A_41], %div3A_40 {strides = array<i32>} : memref<1000x128xf32, #tpu.memory_space<vmem>>, vector<1000x128xf32>,
    return
  }
  func.func @transform_0(%arg0: i32) -> (i32, i32, i32) {
    %c0_i32 = arith.constant 0 : i32
    %c0_i32_0 = arith.constant 0 : i32
    %c0_i32_1 = arith.constant 0 : i32
    return %c0_i32, %arg0, %c0_i32_0 : i32, i32, i32
  }
  func.func @transform_1(%arg0: i32) -> (i32, i32) {
    %c0_i32 = arith.constant 0 : i32
    %c0_i32_0 = arith.constant 0 : i32
    return %arg0, %c0_i32 : i32, i32
  }
  func.func @transform_2(%arg0: i32) -> (i32, i32) {
    %c0_i32 = arith.constant 0 : i32
    %c0_i32_0 = arith.constant 0 : i32
    return %arg0, %c0_i32 : i32, i32
  }
  func.func @transform_3(%arg0: i32) -> (i32, i32) {
    %c0_i32 = arith.constant 0 : i32
    %c0_i32_0 = arith.constant 0 : i32
    %c0_i32_1 = arith.constant 0 : i32
    return %c0_i32, %c0_i32_0 : i32, i32
  }
  func.func @transform_4(%arg0: i32) -> (i32, i32) {
    %c0_i32 = arith.constant 0 : i32
    %c0_i32_0 = arith.constant 0 : i32
    %c0_i32_1 = arith.constant 0 : i32
    return %c0_i32, %c0_i32_0 : i32, i32
  }
  func.func @transform_5(%arg0: i32) -> (i32, i32) {
    %c0_i32 = arith.constant 0 : i32
    %c0_i32_0 = arith.constant 0 : i32
    %c0_i32_1 = arith.constant 0 : i32
    return %c0_i32, %c0_i32_0 : i32, i32
  }
  func.func @transform_6(%arg0: i32) -> (i32, i32) {
    %c0_i32 = arith.constant 0 : i32
    %c0_i32_0 = arith.constant 0 : i32
    return %arg0, %c0_i32 : i32, i32
  }
}

</mosaic_0001>

<sc_bundles>
// kernel: kernel.11.cloned.1.call-start
scs
__scs_entry_jumppad:
0x0: {  	(pc) =	sbr.rel $0x88, $3  }
0x1: {  	(tag) =	ssettag $0x0;
	lr =	simm.s32 $0x1  }
0x2: {  	[smem:$0x3F98] =	sst lr;
	_ =	strace $0xD0000000  }
0x3: {  	_ = 	snop  }
0x4: {  	_ = 	snop  }
0x5: {  	_ = 	snop  }
0x6: {  	_ = 	snop  }
0x7: {  	_ = 	snop  }
__scs_overlays_trampoline_lowered:
0x8: {  	[smem:$0x3FA7] =	sst s0  }
0x9: {  	[smem:$0x3FA8] =	sst s1  }
0xa: {  	[smem:$0x3FA9] =	sst s2  }
0xb: {  	[smem:$0x3FAA] =	sst s3  }
0xc: {  	[smem:$0x3FAB] =	sst s4  }
0xd: {  	[smem:$0x3FAC] =	sst s5  }
0xe: {  	[smem:$0x3FAD] =	sst s6  }
0xf: {  	[smem:$0x3FAE] =	sst s7  }
0x10: {  	[smem:$0x3FAF] =	sst s8  }
0x11: {  	[smem:$0x3FB0] =	sst s9;
	s0 =	simm.s32 @!p0 $0x0  }
0x12: {  	s1 =	sld [smem:$0x3F96];
	s0 =	simm.s32 @p0 $0x1  }
0x13: {  	[smem:$0x3FB1] =	sst s0;
	s0 =	simm.s32 @!p1 $0x0  }
0x14: {  	s2 =	sld [smem:$0x3F95];
	s0 =	simm.s32 @p1 $0x1  }
0x15: {  	[smem:$0x3FB2] =	sst s0;
	s0 =	simm.s32 @!p2 $0x0  }
0x16: {  	s3 =	sld [smem:$0x3FDB];
	s0 =	simm.s32 @p2 $0x1  }
0x17: {  	s4 =	simm.s32 $0x1BF5;
	[smem:$0x3FB4] =	sst s0  }
0x18: {  	s0 =	sld [smem:$0x3F97];
	_ =	swait.ge [sflag:s4], $0x0  }
0x19: {  	s7 =	sld [smem:$0x3F98]  }
0x1a: {  	s8 =	sadd.s32 $0xFFFFE003, lr  }
0x1b: {  	s9 =	sadd.s32 $0xFFFFFEF7, lr;
	s5 =	simm.s32 $0xFFFFFFFF;
	p2 =	slt.u32 s8, $0xFFFFF086  }
0x1c: {  	p1 =	slt.u32 s9, $0xF7A;
	s5 =	simm.s32 @!p2 $0x0  }
0x1d: {  	s5 =	simm.s32 @p1 $0x1;
	p0 =	seq.s32 s7, s2  }
0x1e: {  	s7 =	smul.u32 @!p0 $0xF7A, s2;
	p2 =	seq.s32 @!p0 s5, $0x0  }
0x1f: {  	s9 =	smul.u32 $0xF7A, s1;
	s8 =	simm.s32 @!p0 $0x1BF5;
	p2 =	por !p2, p0  }
0x20: {  	[sflag:s8] =	ssyncset.s32 @!p0 $0xFFFFF086;
	s6 =	sadd.s32 @!p0 s3, s7;
	s7 =	simm.s32 @!p0 $0x108  }
0x21: {  	s3 =	sadd.s32 s3, s9;
	s6 =	sadd.s32 @!p0 $0x88, s6;
	s7 =	simm.s32 @p2 $0x1082  }
0x22: {  	[simem:s7], [sflag:s8] =	dma.local @!p0 [hbm:s6], $0xF7A  }
0x23: {  	s9 =	sor.u32 $0xD0000000, s2;
	s6 =	simm.s32 $0x108;
	_ =	swait.ge @!p0 [sflag:s8], $0x0  }
0x24: {  	s3 =	sadd.s32 $0x88, s3;
	s6 =	simm.s32 @!p1 $0x1082;
	[sflag:s4] =	ssyncset.s32 $0xFFFFF086  }
0x25: {  	[simem:s6], [sflag:s4] =	dma.local [hbm:s3], $0xF7A  }
0x26: {  	[smem:$0x3F98] =	sst s1;
	(tag) =	ssettag s2;
	_ =	strace s9  }
0x27: {  	s1 =	sld [smem:$0x3FA8]  }
0x28: {  	s2 =	sld [smem:$0x3FA9]  }
0x29: {  	s4 =	sld [smem:$0x3FAB]  }
0x2a: {  	p0 =	seq.s32 s5, $0x0;
	s5 =	sld [smem:$0x3FAC]  }
0x2b: {  	s6 =	sld [smem:$0x3FAD]  }
0x2c: {  	s7 =	sld [smem:$0x3FAE]  }
0x2d: {  	s3 =	simm.s32 $0x108;
	s8 =	sld [smem:$0x3FAF]  }
0x2e: {  	s3 =	simm.s32 @!p0 $0x1082;
	s9 =	sld [smem:$0x3FB0]  }
0x2f: {  	lr =	sadd.s32 s0, s3;
	s0 =	sld [smem:$0x3FA7]  }
0x30: {  	s3 =	sld [smem:$0x3FAA]  }
0x31: {  	[smem:$0x3FB3] =	sst s10  }
0x32: {  	s10 =	sld [smem:$0x3FB1];
	_ =	sdelay $0x3  }
0x33: {  	p0 =	seq.s32 s10, $0x1;
	s10 =	sld [smem:$0x3FB3];
	_ =	sdelay $0x3  }
0x34: {  	[smem:$0x3FB3] =	sst s10  }
0x35: {  	s10 =	sld [smem:$0x3FB2];
	_ =	sdelay $0x3  }
0x36: {  	p1 =	seq.s32 s10, $0x1;
	s10 =	sld [smem:$0x3FB3];
	_ =	sdelay $0x3  }
0x37: {  	[smem:$0x3FB3] =	sst s10  }
0x38: {  	s10 =	sld [smem:$0x3FB4]  }
0x39: {  	_ = 	snop;
	(pc) =	sbr.ind lr, $3  }
0x3a: {  	_ = 	snop  }
0x3b: {  	_ = 	snop  }
0x3c: {  	p2 =	seq.s32 s10, $0x1;
	s10 =	sld [smem:$0x3FB3]  }
0x3d: {  	_ =	shalt  }
0x3e: {  	_ =	shalt  }
0x3f: {  	_ =	shalt  }
0x40: {  	_ =	shalt  }
0x41: {  	_ =	shalt  }
0x42: {  	_ =	shalt  }
0x43: {  	_ =	shalt  }
0x44: {  	_ =	shalt  }
0x45: {  	_ =	shalt  }
0x46: {  	_ =	shalt  }
0x47: {  	_ =	shalt  }
0x48: {  	_ =	shalt  }
0x49: {  	_ =	shalt  }
0x4a: {  	_ =	shalt  }
0x4b: {  	_ =	shalt  }
0x4c: {  	_ =	shalt  }
0x4d: {  	_ =	shalt  }
0x4e: {  	_ =	shalt  }
0x4f: {  	_ =	shalt  }
0x50: {  	_ =	shalt  }
0x51: {  	_ =	shalt  }
0x52: {  	_ =	shalt  }
0x53: {  	_ =	shalt  }
0x54: {  	_ =	shalt  }
0x55: {  	_ =	shalt  }
0x56: {  	_ =	shalt  }
0x57: {  	_ =	shalt  }
0x58: {  	_ =	shalt  }
0x59: {  	_ =	shalt  }
0x5a: {  	_ =	shalt  }
0x5b: {  	_ =	shalt  }
0x5c: {  	_ =	shalt  }
0x5d: {  	_ =	shalt  }
0x5e: {  	_ =	shalt  }
0x5f: {  	_ =	shalt  }
0x60: {  	_ =	shalt  }
0x61: {  	_ =	shalt  }
0x62: {  	_ =	shalt  }
0x63: {  	_ =	shalt  }
0x64: {  	_ =	shalt  }
0x65: {  	_ =	shalt  }
0x66: {  	_ =	shalt  }
0x67: {  	_ =	shalt  }
0x68: {  	_ =	shalt  }
0x69: {  	_ =	shalt  }
0x6a: {  	_ =	shalt  }
0x6b: {  	_ =	shalt  }
0x6c: {  	_ =	shalt  }
0x6d: {  	_ =	shalt  }
0x6e: {  	_ =	shalt  }
0x6f: {  	_ =	shalt  }
0x70: {  	_ =	shalt  }
0x71: {  	_ =	shalt  }
0x72: {  	_ =	shalt  }
0x73: {  	_ =	shalt  }
0x74: {  	_ =	shalt  }
0x75: {  	_ =	shalt  }
0x76: {  	_ =	shalt  }
0x77: {  	_ =	shalt  }
0x78: {  	_ =	shalt  }
0x79: {  	_ =	shalt  }
0x7a: {  	_ =	shalt  }
0x7b: {  	_ =	shalt  }
0x7c: {  	_ =	shalt  }
0x7d: {  	_ =	shalt  }
0x7e: {  	_ =	shalt  }
0x7f: {  	_ =	shalt  }
0x80: {  	_ =	shalt  }
0x81: {  	_ =	shalt  }
0x82: {  	_ =	shalt  }
0x83: {  	_ =	shalt  }
0x84: {  	_ =	shalt  }
0x85: {  	_ =	shalt  }
0x86: {  	_ =	shalt  }
0x87: {  	_ =	shalt  }
.Lfunc_end0:
.L_simem_size_0:
called_computation.1_lowered:
.L_overlay_start_0:
0x88: {  	s2 =	sld [smem:$0x3FD9]  }
0x89: {  	s3 =	sld [smem:$0x3FFE];
	_ =	sdelay $0x1  }
0x8a: {  	s1 =	srdreg.scid  }
0x8b: {  	s0 =	sand.u32 $0x1, s1  }
0x8c: {  	s17 =	sshll.u32 s0, $0xA;
	s2 =	sadd.s32 s3, s2  }
0x8d: {  	s2 =	sadd.s32 s2, s17  }
0x8e: {  	[smem:$0x3FBF] =	sst s2  }
0x8f: {  	_ = 	snop  }
0x90: {  	s2 =	sld [smem:$0x3FD0];
	(tm) =	ssettm $0x1  }
0x91: {  	s18 =	sld [smem:$0x3FFB];
	_ =	sdelay $0x3  }
0x92: {  	_ =	strace s18  }
0x93: {  	s3 =	sld [smem:$0x3FFC];
	_ =	sdelay $0x3  }
0x94: {  	_ =	strace s3  }
0x95: {  	s3 =	sld [smem:$0x3FFD];
	_ =	sdelay $0x3  }
0x96: {  	_ =	strace s3  }
0x97: {  	_ =	strace $0x8FFFFFFF  }
0x98: {  	s19 =	sld [smem:$0x3FDB];
	_ =	sdelay $0x1  }
0x99: {  	s4 =	simm.s32 $_scs_section_size  }
0x9a: {  	s5 =	simm.s32 $_size__tile_overlayer_lowered;
	s6 =	simm.s32 $_tile_overlayer_lowered  }
0x9b: {  	s22 =	simm.s32 $0x1BFF;
	s21 =	sshll.u32 s6, $0x1;
	s3 =	sadd.s32 s4, s19  }
0x9c: {  	s7 =	simm.s32 $0x0;
	s20 =	sshll.u32 s5, $0x1;
	s5 =	sadd.s32 s21, s3  }
0x9d: {  	[timem:s7], [sflag:s22] =	dma.local [hbm:s5], s20  }
0x9e: {  	_ =	swait.ge [sflag:s22], s20  }
0x9f: {  	s4 =	ssub.s32 $0x0, s20;
	[sflag:s22] =	ssyncset.done $0x0  }
0xa0: {  	[sflag:s22] =	ssyncadd.s32 s4;
	_ =	sdelay $0x1  }
0xa1: {  	s23 =	simm.s32 $0x1B8B  }
0xa2: {  	_ =	swait.ge [sflag:s23], $0x1  }
0xa3: {  	[sflag:s23] =	ssyncset.done $0x0  }
0xa4: {  	s25 =	simm.s32 $0x1B8E;
	s24 =	sld [smem:$0x3FFE];
	[sflag:s23] =	ssyncadd.s32 $0xFFFFFFFF  }
0xa5: {  	s26 =	simm.s32 $execute0_lowered;
	[smem:$0x3FD2] =	sst s25  }
0xa6: {  	s5 =	sshll.u32 s26, $0x1;
	_ =	strace $0x80000049;
	[dreg:$0x1] =	wrdreg $0xFFFFFFFF  }
0xa7: {  	s28 =	simm.s32 $_size_execute0_lowered;
	s3 =	sadd.s32 s3, s5;
	[dreg:$0x0] =	wrdreg $0x0  }
0xa8: {  	s5 =	sshll.u32 s28, $0x1;
	[dreg:$0x2] =	wrdreg s3  }
0xa9: {  	[dreg:$0x3] =	wrdreg s5  }
0xaa: {  	[dreg:$0x4] =	wrdreg $0xC0  }
0xab: {  	_ =	task [dreg:s7], $0x5FFFF  }
0xac: {  	[dreg:$0x1] =	wrdreg $0xFFFFFFFF  }
0xad: {  	[dreg:$0x0] =	wrdreg $0x60  }
0xae: {  	[dreg:$0x2] =	wrdreg s2  }
0xaf: {  	[dreg:$0x3] =	wrdreg s24  }
0xb0: {  	[dreg:$0x4] =	wrdreg $0x90000  }
0xb1: {  	[dreg:$0x5] =	wrdreg $0x9  }
0xb2: {  	_ =	task.clear_ibuf [dreg:s7], $0x6FFFF;
	_ =	strace $0x90000049  }
0xb3: {  	s29 =	simm.s32 $0x9;
	_ =	strace $0x8000004B  }
0xb4: {  	_ =	swait.ge [sflag:s29], $0x1  }
0xb5: {  	[sflag:s29] =	ssyncadd.s32 $0xFFFFFFFF  }
0xb6: {  	_ =	strace $0x9000004B  }
0xb7: {  	_ =	sfence  }
0xb8: {  	s30 =	sld [smem:$0x0];
	_ =	sdelay $0x2  }
0xb9: {  	s31 =	sshll.u32 s1, $0xD;
	s1 =	sshrl.u32 s1, $0x2  }
0xba: {  	s3 =	sand.u32 $0x4000, s31;
	s1 =	sadd.s32 s1, s30  }
0xbb: {  	s0 =	sor.u32 s3, s0;
	s1 =	sshll.u32 s1, $0x11  }
0xbc: {  	s0 =	sor.u32 s1, s0  }
0xbd: {  	s0 =	sadd.s32 $0x8F2B, s0  }
0xbe: {  	[sflag:s0] =	ssyncadd.remote.s32 $0x1  }
0xbf: {  	_ =	sfence.sel $0xFFFF  }
0xc0: {  	[dreg:$0x0] =	wrdreg $0xFFFFFFFF;
	(pc) =	sbr.abs _section_cstart, $3  }
0xc1: {  	[dreg:$0x1] =	wrdreg $0xFFFFFFFF  }
0xc2: {  	_ =	task.clear_ibuf [dreg:s7], $0x2FFFF;
	_ =	strace $0x9FFFFFFF  }
0xc3: {  	(tm) =	ssettm $0x7FFFFFFF  }
tec
execute0_lowered:
.L_overlay_start_1:
0x0: {  	(tag) =	ssettag $0x1  }
0x1: {  	s0 =	srdreg.scid;
	s1 =	rddreg [dreg:$0x0]  }
0x2: {  	s14 =	stileid.u32;
	s7 =	rddreg [dreg:$0x1]  }
0x3: {  	s3 =	rddreg [dreg:$0x2];
	s4 =	simm.s32 $0x0;
	s16 =	simm.s32 $0x9  }
0x4: {  	s28 =	simm.s32 $0x7000;
	s29 =	simm.s32 $0x1D080;
	s30 =	simm.s32 $0x1D180  }
0x5: {  	s31 =	simm.s32 $0x2;
	s0 =	sand.u32 $0x1, s0;
	s10 =	smul.u32 $0x14000, s14  }
0x6: {  	[smem:$0x7FF] =	sst s4;
	s5 =	sadd.s32 $0x21800, s7;
	s12 =	smul.u32 $0x50000, s14  }
0x7: {  	s6 =	sadd.s32 $0x2600, s7;
	s20 =	smul.u32 $0x2800, s14;
	s24 =	sadd.s32 $0x25800, s1  }
0x8: {  	p0 =	seq.s32 s14, $0xF;
	s2 =	sshll.u32 s0, $0x4;
	s9 =	smul.u32 $0x140000, s0  }
0x9: {  	_ =	strace $0x8000004A;
	s0 =	ssub.s32 $0x2, s0;
	[dreg:$0x6] =	wrdreg s24  }
0xa: {  	s24 =	simm.s32 $0x1;
	s2 =	sor.u32 s14, s2;
	s19 =	sshrl.u32 s0, $0x1  }
0xb: {  	s22 =	sshrl.u32 s12, $0x2;
	s23 =	sadd.s32 s1, s20;
	s20 =	simm.s32 $0x40  }
0xc: {  	s8 =	smul.u32 $0xA00, s2;
	s9 =	sadd.s32 s10, s9;
	s0 =	ssub.s32 s0, s19  }
0xd: {  	[dreg:$0x5] =	wrdreg s23;
	s23 =	simm.s32 $0x8;
	s10 =	simm.s32 $0x0  }
0xe: {  	s9 =	sshrl.u32 s9, $0x3;
	s0 =	smax.u32 s0, $0x1;
	s11 =	sadd.s32 s8, s7  }
0xf: {  	s13 =	sadd.s32 s9, s7;
	s7 =	smul.u32 $0xA0, s2;
	s9 =	sadd.s32 s22, s3  }
0x10: {  	s2 =	sadd.s32 $0x12C000, s3;
	s25 =	sadd.s32 s5, s8;
	[dreg:$0xa] =	wrdreg s0  }
0x11: {  	s8 =	sadd.s32 s6, s8;
	s0 =	sshll.u32 @!p0 s14, $0x6;
	[dreg:$0x7] =	wrdreg s25  }
0x12: {  	s22 =	simm.s32 $0x1D000;
	s21 =	sadd.s32 $0x35800, s11;
	[dreg:$0x8] =	wrdreg s8  }
0x13: {  	s26 =	sadd.s32 $0x49800, s13;
	s17 =	sshrl.u32 @p0 s2, $0x3;
	s18 =	sor.u32 @!p0 $0x1C09, s0  }
0x14: {  	s19 =	sshrl.u32 @!p0 s9, $0x3;
	s25 =	simm.s32 $0x5;
	s2 =	simm.s32 $0x6  }
0x15: {  	s0 =	simm.s32 $0x3;
	s8 =	simm.s32 $0x4;
	[dreg:$0x4] =	wrdreg s21  }
0x16: {  	[dreg:$0x9] =	wrdreg s26;
	s21 =	simm.s32 $0x5000;
	s26 =	simm.s32 $0x7  }
.LBB2_1:
0x17: {  	s11 =	rddreg [dreg:$0x4]  }
0x18: {  	[tilespmem:s4], [sflag:$0x9] =	stream.linear.gather [hbm4b:s11+s4], $0x5000, $0x38;
	[tilespmem:$0x1D200] =	vst v63  }
0x19: {  	_ =	swait.ge [sflag:s16], $0x5000  }
0x1a: {  	[sflag:s16] =	ssyncset.done $0x0  }
0x1b: {  	s11 =	simm.s32 @p0 $0x1FC9;
	s12 =	rddreg [dreg:$0x6];
	[sflag:s16] =	ssyncadd.s32 $0xFFFFB000  }
0x1c: {  	[spmem:s17], [sflag:s11] =	dma.local @p0 [hbm:s12], $0x1900  }
0x1d: {  	s11 =	simm.s32 @p0 $0x9  }
0x1e: {  	_ =	swait.ge @p0 [sflag:s11], $0x1900  }
0x1f: {  	[sflag:s11] =	ssyncset.done @p0 $0x0  }
0x20: {  	[sflag:s11] =	ssyncadd.s32 @p0 $0xFFFFE700;
	s11 =	rddreg [dreg:$0x5]  }
0x21: {  	[spmem:s19], [sflag:s18] =	dma.local @!p0 [hbm:s11], $0x2800  }
0x22: {  	s11 =	simm.s32 @!p0 $0x9  }
0x23: {  	_ =	swait.ge @!p0 [sflag:s11], $0x2800  }
0x24: {  	[sflag:s11] =	ssyncset.done @!p0 $0x0  }
0x25: {  	[sflag:s11] =	ssyncadd.s32 @!p0 $0xFFFFD800  }
0x26: {  	[bflag:$0x0] =	sbarrier.arrive $0xFFFF  }
0x27: {  	[tilespmem:s21], [sflag:$0x1] =	stream.indirect.gather [hbm4b:s1+s20], $0x80, s4, s20, $0xb8;
	[tilespmem:$0x1D200] =	vst v63  }
0x28: {  	s13 =	rddreg [dreg:$0x7]  }
0x29: {  	[tilespmem:s22], [sflag:$0x5] =	stream.linear.gather [hbm4b:s13+s4], $0x80, $0x38;
	[tilespmem:$0x1D200] =	vst v63  }
0x2a: {  	s15 =	simm.s32 $0x1D100;
	s11 =	simm.s32 $0x0;
	s14 =	rddreg [dreg:$0x8]  }
0x2b: {  	[tilespmem:s15], [sflag:$0x7] =	stream.linear.gather [hbm4b:s14+s4], $0x80, $0x38;
	[tilespmem:$0x1D200] =	vst v63  }
.LBB2_2:
0x2c: {  	_ =	swait.ge [sflag:s24], $0x2000  }
0x2d: {  	[sflag:s24] =	ssyncset.done $0x0  }
0x2e: {  	[sflag:s24] =	ssyncadd.s32 $0xFFFFE000  }
0x2f: {  	_ =	swait.ge [sflag:s25], $0x80  }
0x30: {  	[sflag:s25] =	ssyncset.done $0x0  }
0x31: {  	[sflag:s25] =	ssyncadd.s32 $0xFFFFFF80  }
0x32: {  	_ =	swait.ge [sflag:s26], $0x80  }
0x33: {  	p1 =	seq.s32 s11, $0x0;
	[sflag:s26] =	ssyncset.done $0x0  }
0x34: {  	s12 =	sshll.u32 s11, $0x1;
	s13 =	simm.s32 @!p1 $0x4;
	[sflag:s26] =	ssyncadd.s32 $0xFFFFFF80  }
0x35: {  	s14 =	sor.u32 $0x1, s12;
	_ =	swait.ge @!p1 [sflag:s13], $0x2000  }
0x36: {  	s15 =	sshll.u32 s14, $0x7;
	[sflag:s13] =	ssyncset.done @!p1 $0x0  }
0x37: {  	s15 =	sand.u32 $0x3FFFFF80, s15;
	[sflag:s13] =	ssyncadd.s32 @!p1 $0xFFFFE000  }
0x38: {  	[tilespmem:s28], [sflag:$0x2] =	stream.indirect.gather [hbm4b:s1+s20], $0x80, s15, s20, $0xb8;
	[tilespmem:$0x1D200] =	vst v63  }
0x39: {  	s15 =	sadd.s32 s7, s12  }
0x3a: {  	s14 =	sshll.u32 s14, $0x4;
	s13 =	sshll.u32 s15, $0x4  }
0x3b: {  	s14 =	sand.u32 $0x70, s14;
	s13 =	sand.u32 $0xFFFFF80, s13  }
0x3c: {  	s13 =	sor.u32 s14, s13  }
0x3d: {  	s15 =	simm.s32 $0x0;
	s14 =	sadd.s32 s5, s13  }
0x3e: {  	[tilespmem:s29], [sflag:$0x6] =	stream.linear.gather [hbm4b:s14+s15], $0x80, $0x38;
	[tilespmem:$0x1D200] =	vst v63  }
0x3f: {  	s13 =	sadd.s32 s6, s13;
	s14 =	simm.s32 $0x0  }
0x40: {  	[tilespmem:s30], [sflag:$0x8] =	stream.linear.gather [hbm4b:s13+s15], $0x80, $0x38;
	[tilespmem:$0x1D200] =	vst v63  }
0x41: {  	s13 =	sand.u32 $0x3FFFFFF0, s14;
	s15 =	simm.s32 $0x0  }
0x42: {  	v0 =	vld [tilespmem:s13+$0x1D100];
	s13 =	sand.u32 $0x3FFFF800, s15  }
0x43: {  	v6 =	vld [tilespmem:s13+$0x50C0]  }
0x44: {  	v2 =	vld [tilespmem:s13+$0x5020]  }
0x45: {  	v3 =	vld [tilespmem:s13+$0x5030]  }
0x46: {  	v9 =	vld [tilespmem:s13+$0x5060]  }
0x47: {  	v10 =	vld [tilespmem:s13+$0x5070];
	v1 =	vbroadcast v0, $0x0  }
0x48: {  	v11 =	vld [tilespmem:s13+$0x5080]  }
0x49: {  	v12 =	vld [tilespmem:s13+$0x5090];
	v2 =	vmul.f32 v2, v1  }
0x4a: {  	v13 =	vld [tilespmem:s13+$0x50A0];
	v3 =	vmul.f32 v3, v1  }
0x4b: {  	v8 =	vld [tilespmem:s13+$0x50B0];
	v28 =	vbroadcast v0, $0x1;
	v27 =	vmul.f32 v9, v1;
	[tilespmem:s13+$0x5020] =	vst v2  }
0x4c: {  	v7 =	vld [tilespmem:s13+$0x50D0];
	v10 =	vmul.f32 v10, v1;
	[tilespmem:s13+$0x5030] =	vst v3  }
0x4d: {  	v5 =	vld [tilespmem:s13+$0x5570];
	v11 =	vmul.f32 v11, v28;
	[tilespmem:s13+$0x5060] =	vst v27  }
0x4e: {  	v30 =	vld [tilespmem:s13+$0x50F0];
	v12 =	vmul.f32 v12, v28;
	[tilespmem:s13+$0x5070] =	vst v10  }
0x4f: {  	v31 =	vld [tilespmem:s13+$0x5100];
	v13 =	vmul.f32 v13, v28;
	[tilespmem:s13+$0x5080] =	vst v11  }
0x50: {  	v32 =	vld [tilespmem:s13+$0x5110];
	v8 =	vmul.f32 v8, v28;
	[tilespmem:s13+$0x5090] =	vst v12  }
0x51: {  	v29 =	vld [tilespmem:s13+$0x50E0];
	v6 =	vmul.f32 v6, v28;
	[tilespmem:s13+$0x50A0] =	vst v13  }
0x52: {  	v33 =	vld [tilespmem:s13+$0x5120];
	v14 =	vbroadcast v0, $0x2;
	v7 =	vmul.f32 v7, v28;
	[tilespmem:s13+$0x50B0] =	vst v8  }
0x53: {  	v34 =	vld [tilespmem:s13+$0x5130];
	v9 =	vmul.f32 v30, v28;
	[tilespmem:s13+$0x50C0] =	vst v6  }
0x54: {  	v35 =	vld [tilespmem:s13+$0x5140];
	v4 =	vbroadcast v0, $0xA;
	v37 =	vmul.f32 v31, v14;
	[tilespmem:s13+$0x50D0] =	vst v7  }
0x55: {  	v36 =	vld [tilespmem:s13+$0x5150];
	v39 =	vmul.f32 v32, v14;
	[tilespmem:s13+$0x50F0] =	vst v9  }
0x56: {  	v38 =	vld [tilespmem:s13+$0x5160];
	v2 =	vmul.f32 v5, v4;
	[tilespmem:s13+$0x5100] =	vst v37  }
0x57: {  	v40 =	vld [tilespmem:s13+$0x5170];
	v10 =	vmul.f32 v29, v28;
	[tilespmem:s13+$0x5110] =	vst v39  }
0x58: {  	v41 =	vld [tilespmem:s13+$0x5180];
	v8 =	vmul.f32 v33, v14;
	[tilespmem:s13+$0x5570] =	vst v2  }
0x59: {  	v42 =	vld [tilespmem:s13+$0x5190];
	v6 =	vmul.f32 v34, v14;
	[tilespmem:s13+$0x50E0] =	vst v10  }
0x5a: {  	v43 =	vld [tilespmem:s13+$0x51A0];
	v7 =	vmul.f32 v35, v14;
	[tilespmem:s13+$0x5120] =	vst v8  }
0x5b: {  	v44 =	vld [tilespmem:s13+$0x51B0];
	v46 =	vbroadcast v0, $0x3;
	v9 =	vmul.f32 v38, v14;
	[tilespmem:s13+$0x5130] =	vst v6  }
0x5c: {  	v45 =	vld [tilespmem:s13+$0x51C0];
	v11 =	vmul.f32 v40, v14;
	[tilespmem:s13+$0x5140] =	vst v7  }
0x5d: {  	v47 =	vld [tilespmem:s13+$0x51D0];
	v12 =	vmul.f32 v41, v46;
	[tilespmem:s13+$0x5160] =	vst v9  }
0x5e: {  	v48 =	vld [tilespmem:s13+$0x51E0];
	v10 =	vmul.f32 v36, v14;
	[tilespmem:s13+$0x5170] =	vst v11  }
0x5f: {  	v49 =	vld [tilespmem:s13+$0x51F0];
	v8 =	vmul.f32 v42, v46;
	[tilespmem:s13+$0x5180] =	vst v12  }
0x60: {  	v50 =	vld [tilespmem:s13+$0x5200];
	v6 =	vmul.f32 v43, v46;
	[tilespmem:s13+$0x5150] =	vst v10  }
0x61: {  	v51 =	vld [tilespmem:s13+$0x5210];
	v7 =	vmul.f32 v44, v46;
	[tilespmem:s13+$0x5190] =	vst v8  }
0x62: {  	v52 =	vld [tilespmem:s13+$0x5220];
	v9 =	vmul.f32 v47, v46;
	[tilespmem:s13+$0x51A0] =	vst v6  }
0x63: {  	v53 =	vld [tilespmem:s13+$0x5230];
	v11 =	vmul.f32 v48, v46;
	[tilespmem:s13+$0x51B0] =	vst v7  }
0x64: {  	v54 =	vld [tilespmem:s13+$0x5240];
	v55 =	vbroadcast v0, $0x4;
	v12 =	vmul.f32 v49, v46;
	[tilespmem:s13+$0x51D0] =	vst v9  }
0x65: {  	v56 =	vld [tilespmem:s13+$0x5250];
	v10 =	vmul.f32 v45, v46;
	[tilespmem:s13+$0x51E0] =	vst v11  }
0x66: {  	v57 =	vld [tilespmem:s13+$0x5260];
	v8 =	vmul.f32 v50, v55;
	[tilespmem:s13+$0x51F0] =	vst v12  }
0x67: {  	v58 =	vld [tilespmem:s13+$0x5270];
	v6 =	vmul.f32 v51, v55;
	[tilespmem:s13+$0x51C0] =	vst v10  }
0x68: {  	v59 =	vld [tilespmem:s13+$0x5280];
	v7 =	vmul.f32 v52, v55;
	[tilespmem:s13+$0x5200] =	vst v8  }
0x69: {  	v60 =	vld [tilespmem:s13+$0x5290];
	v9 =	vmul.f32 v54, v55;
	[tilespmem:s13+$0x5210] =	vst v6  }
0x6a: {  	v61 =	vld [tilespmem:s13+$0x52A0];
	v11 =	vmul.f32 v56, v55;
	[tilespmem:s13+$0x5220] =	vst v7  }
0x6b: {  	v62 =	vld [tilespmem:s13+$0x52B0];
	v12 =	vmul.f32 v57, v55;
	[tilespmem:s13+$0x5240] =	vst v9  }
0x6c: {  	v63 =	vld [tilespmem:s13+$0x52C0];
	v16 =	vbroadcast v0, $0x5;
	v10 =	vmul.f32 v53, v55;
	[tilespmem:s13+$0x5250] =	vst v11  }
0x6d: {  	v17 =	vld [tilespmem:s13+$0x52D0];
	v8 =	vmul.f32 v58, v55;
	[tilespmem:s13+$0x5260] =	vst v12  }
0x6e: {  	v18 =	vld [tilespmem:s13+$0x52E0];
	v6 =	vmul.f32 v59, v16;
	[tilespmem:s13+$0x5230] =	vst v10  }
0x6f: {  	v19 =	vld [tilespmem:s13+$0x52F0];
	v7 =	vmul.f32 v60, v16;
	[tilespmem:s13+$0x5270] =	vst v8  }
0x70: {  	v20 =	vld [tilespmem:s13+$0x5300];
	v9 =	vmul.f32 v62, v16;
	[tilespmem:s13+$0x5280] =	vst v6  }
0x71: {  	v21 =	vld [tilespmem:s13+$0x5310];
	v11 =	vmul.f32 v63, v16;
	[tilespmem:s13+$0x5290] =	vst v7  }
0x72: {  	v22 =	vld [tilespmem:s13+$0x5320];
	v12 =	vmul.f32 v17, v16;
	[tilespmem:s13+$0x52B0] =	vst v9  }
0x73: {  	v23 =	vld [tilespmem:s13+$0x5330];
	v10 =	vmul.f32 v61, v16;
	[tilespmem:s13+$0x52C0] =	vst v11  }
0x74: {  	v24 =	vld [tilespmem:s13+$0x5340];
	v25 =	vbroadcast v0, $0x6;
	v8 =	vmul.f32 v18, v16;
	[tilespmem:s13+$0x52D0] =	vst v12  }
0x75: {  	v56 =	vld [tilespmem:s13+$0x5500];
	v6 =	vmul.f32 v19, v16;
	[tilespmem:s13+$0x52A0] =	vst v10  }
0x76: {  	v26 =	vld [tilespmem:s13+$0x5350];
	v7 =	vmul.f32 v20, v25;
	[tilespmem:s13+$0x52E0] =	vst v8  }
0x77: {  	v30 =	vld [tilespmem:s13+$0x5390];
	v9 =	vmul.f32 v22, v25;
	[tilespmem:s13+$0x52F0] =	vst v6  }
0x78: {  	v27 =	vld [tilespmem:s13+$0x5360];
	v11 =	vmul.f32 v23, v25;
	[tilespmem:s13+$0x5300] =	vst v7  }
0x79: {  	v28 =	vld [tilespmem:s13+$0x5370];
	v12 =	vmul.f32 v24, v25;
	[tilespmem:s13+$0x5320] =	vst v9  }
0x7a: {  	v31 =	vld [tilespmem:s13+$0x53A0];
	v62 =	vmul.f32 v56, v4;
	[tilespmem:s13+$0x5330] =	vst v11  }
0x7b: {  	v32 =	vld [tilespmem:s13+$0x53B0];
	v10 =	vmul.f32 v21, v25;
	[tilespmem:s13+$0x5340] =	vst v12  }
0x7c: {  	v3 =	vld [tilespmem:s13+$0x5580];
	v8 =	vmul.f32 v26, v25;
	[tilespmem:s13+$0x5500] =	vst v62  }
0x7d: {  	v5 =	vld [tilespmem:s13+$0x5590];
	v34 =	vbroadcast v0, $0x7;
	v6 =	vmul.f32 v27, v25;
	[tilespmem:s13+$0x5310] =	vst v10  }
0x7e: {  	v29 =	vld [tilespmem:s13+$0x5380];
	v7 =	vmul.f32 v28, v25;
	[tilespmem:s13+$0x5350] =	vst v8  }
0x7f: {  	v60 =	vld [tilespmem:s13+$0x5540];
	v9 =	vmul.f32 v30, v34;
	[tilespmem:s13+$0x5360] =	vst v6  }
0x80: {  	v33 =	vld [tilespmem:s13+$0x53C0];
	v24 =	vbroadcast v0, $0xB;
	v11 =	vmul.f32 v31, v34;
	[tilespmem:s13+$0x5370] =	vst v7  }
0x81: {  	v35 =	vld [tilespmem:s13+$0x53D0];
	v12 =	vmul.f32 v32, v34;
	[tilespmem:s13+$0x5390] =	vst v9  }
0x82: {  	v38 =	vld [tilespmem:s13+$0x5400];
	v3 =	vmul.f32 v3, v24;
	[tilespmem:s13+$0x53A0] =	vst v11  }
0x83: {  	v36 =	vld [tilespmem:s13+$0x53E0];
	v5 =	vmul.f32 v5, v24;
	[tilespmem:s13+$0x53B0] =	vst v12  }
0x84: {  	v2 =	vld [tilespmem:s13+$0x57D0];
	v19 =	vmul.f32 v60, v4;
	[tilespmem:s13+$0x5580] =	vst v3  }
0x85: {  	v39 =	vld [tilespmem:s13+$0x5410];
	v10 =	vmul.f32 v29, v34;
	[tilespmem:s13+$0x5590] =	vst v5  }
0x86: {  	v40 =	vld [tilespmem:s13+$0x5420];
	v8 =	vmul.f32 v33, v34;
	[tilespmem:s13+$0x5540] =	vst v19  }
0x87: {  	v43 =	vbroadcast v0, $0x8;
	v61 =	vld [tilespmem:s13+$0x5550];
	v6 =	vmul.f32 v35, v34;
	[tilespmem:s13+$0x5380] =	vst v10  }
0x88: {  	v16 =	vld [tilespmem:s13+$0x5000];
	v7 =	vmul.f32 v36, v34;
	[tilespmem:s13+$0x53C0] =	vst v8  }
0x89: {  	v37 =	vld [tilespmem:s13+$0x53F0];
	v9 =	vmul.f32 v38, v43;
	[tilespmem:s13+$0x53D0] =	vst v6  }
0x8a: {  	v41 =	vld [tilespmem:s13+$0x5430];
	v11 =	vmul.f32 v39, v43;
	[tilespmem:s13+$0x53E0] =	vst v7  }
0x8b: {  	v42 =	vld [tilespmem:s13+$0x5440];
	v12 =	vmul.f32 v40, v43;
	[tilespmem:s13+$0x5400] =	vst v9  }
0x8c: {  	v44 =	vld [tilespmem:s13+$0x5450];
	v21 =	vmul.f32 v61, v4;
	[tilespmem:s13+$0x5410] =	vst v11  }
0x8d: {  	v46 =	vld [tilespmem:s13+$0x5470];
	v25 =	vmul.f32 v1, v16;
	[tilespmem:s13+$0x5420] =	vst v12  }
0x8e: {  	v47 =	vld [tilespmem:s13+$0x5480];
	v10 =	vmul.f32 v37, v34;
	[tilespmem:s13+$0x5550] =	vst v21  }
0x8f: {  	v48 =	vld [tilespmem:s13+$0x5490];
	v8 =	vmul.f32 v41, v43;
	[tilespmem:s13+$0x5000] =	vst v25  }
0x90: {  	v6 =	vmul.f32 v42, v43;
	[tilespmem:s13+$0x53F0] =	vst v10  }
0x91: {  	v52 =	vbroadcast v0, $0x9;
	v27 =	vld [tilespmem:s13+$0x55D0];
	v7 =	vmul.f32 v44, v43;
	[tilespmem:s13+$0x5430] =	vst v8  }
0x92: {  	v30 =	vld [tilespmem:s13+$0x5600];
	v9 =	vmul.f32 v46, v43;
	[tilespmem:s13+$0x5440] =	vst v6  }
0x93: {  	v28 =	vld [tilespmem:s13+$0x55E0];
	v3 =	vbroadcast v0, $0xF;
	v11 =	vmul.f32 v47, v52;
	[tilespmem:s13+$0x5450] =	vst v7  }
0x94: {  	v45 =	vld [tilespmem:s13+$0x5460];
	v12 =	vmul.f32 v48, v52;
	[tilespmem:s13+$0x5470] =	vst v9  }
0x95: {  	v49 =	vld [tilespmem:s13+$0x54A0];
	v35 =	vbroadcast v0, $0xC;
	v2 =	vmul.f32 v2, v3;
	[tilespmem:s13+$0x5480] =	vst v11  }
0x96: {  	v50 =	vld [tilespmem:s13+$0x54B0];
	v32 =	vmul.f32 v27, v24;
	[tilespmem:s13+$0x5490] =	vst v12  }
0x97: {  	v51 =	vld [tilespmem:s13+$0x54C0];
	v14 =	vmul.f32 v30, v35;
	[tilespmem:s13+$0x57D0] =	vst v2  }
0x98: {  	v54 =	vld [tilespmem:s13+$0x54E0];
	v40 =	vmul.f32 v28, v24;
	[tilespmem:s13+$0x55D0] =	vst v32  }
0x99: {  	v55 =	vld [tilespmem:s13+$0x54F0];
	v10 =	vmul.f32 v45, v43;
	[tilespmem:s13+$0x5600] =	vst v14  }
0x9a: {  	v18 =	vld [tilespmem:s13+$0x5040];
	v8 =	vmul.f32 v49, v52;
	[tilespmem:s13+$0x55E0] =	vst v40  }
0x9b: {  	v38 =	vld [tilespmem:s13+$0x5670];
	v6 =	vmul.f32 v50, v52;
	[tilespmem:s13+$0x5460] =	vst v10  }
0x9c: {  	v29 =	vld [tilespmem:s13+$0x55F0];
	v7 =	vmul.f32 v51, v52;
	[tilespmem:s13+$0x54A0] =	vst v8  }
0x9d: {  	v33 =	vld [tilespmem:s13+$0x5630];
	v9 =	vmul.f32 v54, v52;
	[tilespmem:s13+$0x54B0] =	vst v6  }
0x9e: {  	v53 =	vld [tilespmem:s13+$0x54D0];
	v11 =	vmul.f32 v55, v52;
	[tilespmem:s13+$0x54C0] =	vst v7  }
0x9f: {  	v57 =	vld [tilespmem:s13+$0x5510];
	v2 =	vmul.f32 v18, v1;
	[tilespmem:s13+$0x54E0] =	vst v9  }
0xa0: {  	v58 =	vld [tilespmem:s13+$0x5520];
	v14 =	vmul.f32 v38, v35;
	[tilespmem:s13+$0x54F0] =	vst v11  }
0xa1: {  	v59 =	vld [tilespmem:s13+$0x5530];
	v5 =	vmul.f32 v29, v24;
	[tilespmem:s13+$0x5040] =	vst v2  }
0xa2: {  	v63 =	vld [tilespmem:s13+$0x5560];
	v62 =	vmul.f32 v33, v35;
	[tilespmem:s13+$0x5670] =	vst v14  }
0xa3: {  	v17 =	vld [tilespmem:s13+$0x5010];
	v10 =	vmul.f32 v53, v52;
	[tilespmem:s13+$0x55F0] =	vst v5  }
0xa4: {  	v20 =	vld [tilespmem:s13+$0x5050];
	v8 =	vmul.f32 v57, v4;
	[tilespmem:s13+$0x5630] =	vst v62  }
0xa5: {  	v61 =	vld [tilespmem:s13+$0x57F0];
	v6 =	vmul.f32 v58, v4;
	[tilespmem:s13+$0x54D0] =	vst v10  }
0xa6: {  	v46 =	vld [tilespmem:s13+$0x56E0];
	v7 =	vmul.f32 v59, v4;
	[tilespmem:s13+$0x5510] =	vst v8  }
0xa7: {  	v22 =	vld [tilespmem:s13+$0x55A0];
	v4 =	vmul.f32 v63, v4;
	[tilespmem:s13+$0x5520] =	vst v6  }
0xa8: {  	v23 =	vld [tilespmem:s13+$0x55B0];
	v11 =	vmul.f32 v17, v1;
	[tilespmem:s13+$0x5530] =	vst v7  }
0xa9: {  	v26 =	vld [tilespmem:s13+$0x55C0];
	v44 =	vbroadcast v0, $0xD;
	v1 =	vmul.f32 v20, v1;
	[tilespmem:s13+$0x5560] =	vst v4  }
0xaa: {  	v31 =	vld [tilespmem:s13+$0x5610];
	v63 =	vmul.f32 v61, v3;
	[tilespmem:s13+$0x5010] =	vst v11  }
0xab: {  	v34 =	vld [tilespmem:s13+$0x5640];
	v51 =	vmul.f32 v46, v44;
	[tilespmem:s13+$0x5050] =	vst v1  }
0xac: {  	v41 =	vld [tilespmem:s13+$0x56A0];
	v6 =	vmul.f32 v22, v24;
	[tilespmem:s13+$0x57F0] =	vst v63  }
0xad: {  	v7 =	vmul.f32 v23, v24;
	v1 =	vld [tilespmem:s13+$0x5690];
	[tilespmem:s13+$0x56E0] =	vst v51  }
0xae: {  	v49 =	vld [tilespmem:s13+$0x5720];
	v4 =	vmul.f32 v26, v24;
	[tilespmem:s13+$0x55A0] =	vst v6  }
0xaf: {  	v50 =	vld [tilespmem:s13+$0x5730];
	v8 =	vmul.f32 v31, v35;
	[tilespmem:s13+$0x55B0] =	vst v7  }
0xb0: {  	v36 =	vld [tilespmem:s13+$0x5650];
	v11 =	vmul.f32 v34, v35;
	[tilespmem:s13+$0x55C0] =	vst v4  }
0xb1: {  	v37 =	vld [tilespmem:s13+$0x5660];
	v0 =	vbroadcast v0, $0xE;
	v10 =	vmul.f32 v41, v44;
	[tilespmem:s13+$0x5610] =	vst v8  }
0xb2: {  	v39 =	vld [tilespmem:s13+$0x5680];
	[tilespmem:s13+$0x5640] =	vst v11;
	v1 =	vmul.f32 v1, v44  }
0xb3: {  	v42 =	vld [tilespmem:s13+$0x56B0];
	v9 =	vmul.f32 v49, v0;
	[tilespmem:s13+$0x56A0] =	vst v10  }
0xb4: {  	v5 =	vmul.f32 v50, v0;
	[tilespmem:s13+$0x5690] =	vst v1;
	v1 =	vld [tilespmem:s13+$0x5700]  }
0xb5: {  	v48 =	vld [tilespmem:s13+$0x5710];
	v7 =	vmul.f32 v36, v35;
	[tilespmem:s13+$0x5720] =	vst v9  }
0xb6: {  	v57 =	vld [tilespmem:s13+$0x57A0];
	v4 =	vmul.f32 v37, v35;
	[tilespmem:s13+$0x5730] =	vst v5  }
0xb7: {  	v45 =	vld [tilespmem:s13+$0x56D0];
	v8 =	vmul.f32 v39, v44;
	[tilespmem:s13+$0x5650] =	vst v7  }
0xb8: {  	v47 =	vld [tilespmem:s13+$0x56F0];
	v11 =	vmul.f32 v42, v44;
	[tilespmem:s13+$0x5660] =	vst v4  }
0xb9: {  	v43 =	vld [tilespmem:s13+$0x56C0];
	[tilespmem:s13+$0x5680] =	vst v8;
	v1 =	vmul.f32 v1, v0  }
0xba: {  	v55 =	vld [tilespmem:s13+$0x5780];
	v10 =	vmul.f32 v48, v0;
	[tilespmem:s13+$0x56B0] =	vst v11  }
0xbb: {  	v5 =	vmul.f32 v57, v3;
	[tilespmem:s13+$0x5700] =	vst v1;
	v1 =	vld [tilespmem:s13+$0x5770]  }
0xbc: {  	v52 =	vld [tilespmem:s13+$0x5740];
	v4 =	vmul.f32 v45, v44;
	[tilespmem:s13+$0x5710] =	vst v10  }
0xbd: {  	v56 =	vld [tilespmem:s13+$0x5790];
	v8 =	vmul.f32 v47, v44;
	[tilespmem:s13+$0x57A0] =	vst v5  }
0xbe: {  	v54 =	vld [tilespmem:s13+$0x5760];
	v7 =	vmul.f32 v43, v44;
	[tilespmem:s13+$0x56D0] =	vst v4  }
0xbf: {  	v58 =	vld [tilespmem:s13+$0x57B0];
	v10 =	vmul.f32 v55, v3;
	[tilespmem:s13+$0x56F0] =	vst v8  }
0xc0: {  	v53 =	vld [tilespmem:s13+$0x5750];
	[tilespmem:s13+$0x56C0] =	vst v7;
	v1 =	vmul.f32 v1, v0  }
0xc1: {  	v59 =	vld [tilespmem:s13+$0x57C0];
	v4 =	vmul.f32 v52, v0;
	[tilespmem:s13+$0x5780] =	vst v10  }
0xc2: {  	v60 =	vld [tilespmem:s13+$0x57E0];
	[tilespmem:s13+$0x5770] =	vst v1;
	v1 =	vmul.f32 v56, v3  }
0xc3: {  	v8 =	vmul.f32 v54, v0;
	[tilespmem:s13+$0x5740] =	vst v4  }
0xc4: {  	v2 =	vld [tilespmem:s13+$0x5620];
	[tilespmem:s13+$0x5790] =	vst v1;
	v1 =	vmul.f32 v58, v3  }
0xc5: {  	[tilespmem:s13+$0x5760] =	vst v8;
	v0 =	vmul.f32 v53, v0  }
0xc6: {  	[tilespmem:s13+$0x57B0] =	vst v1;
	v1 =	vmul.f32 v59, v3  }
0xc7: {  	[tilespmem:s13+$0x5750] =	vst v0;
	v3 =	vmul.f32 v60, v3  }
0xc8: {  	[tilespmem:s13+$0x57C0] =	vst v1  }
0xc9: {  	s14 =	simm.s32 $0x1;
	v1 =	vmul.f32 v2, v35;
	[tilespmem:s13+$0x57E0] =	vst v3  }
.LBB2_3:
0xca: {  	s15 =	sshll.u32 s14, $0x4  }
0xcb: {  	p1 =	sne.s32 s14, $0x3;
	[tilespmem:s13+$0x5620] =	vst v1;
	s13 =	smov.u32 s14;
	s14 =	sadd.s32 $0x1, s14  }
0xcc: {  	s15 =	sand.u32 $0x3FFFFFF0, s15  }
0xcd: {  	s13 =	sshll.u32 s13, $0xB;
	v0 =	vld [tilespmem:s15+$0x1D100]  }
0xce: {  	s13 =	sand.u32 $0x3FFFF800, s13  }
0xcf: {  	v7 =	vld [tilespmem:s13+$0x50C0]  }
0xd0: {  	v8 =	vld [tilespmem:s13+$0x50D0]  }
0xd1: {  	v9 =	vld [tilespmem:s13+$0x50B0]  }
0xd2: {  	v1 =	vbroadcast v0, $0x0;
	v2 =	vld [tilespmem:s13+$0x5020];
	v6 =	vbroadcast v0, $0x4  }
0xd3: {  	v4 =	vld [tilespmem:s13+$0x5030]  }
0xd4: {  	v5 =	vld [tilespmem:s13+$0x5570]  }
0xd5: {  	v10 =	vld [tilespmem:s13+$0x5060]  }
0xd6: {  	v11 =	vld [tilespmem:s13+$0x5070]  }
0xd7: {  	v3 =	vbroadcast v0, $0xA;
	v2 =	vmul.f32 v2, v1;
	v12 =	vld [tilespmem:s13+$0x5080]  }
0xd8: {  	v4 =	vmul.f32 v4, v1;
	v13 =	vld [tilespmem:s13+$0x5090]  }
0xd9: {  	[tilespmem:s13+$0x5020] =	vst v2;
	v14 =	vld [tilespmem:s13+$0x50A0];
	v2 =	vmul.f32 v5, v3  }
0xda: {  	[tilespmem:s13+$0x5030] =	vst v4;
	v5 =	vmul.f32 v10, v1;
	v10 =	vbroadcast v0, $0x1;
	v4 =	vld [tilespmem:s13+$0x5580]  }
0xdb: {  	v11 =	vmul.f32 v11, v1;
	[tilespmem:s13+$0x5570] =	vst v2;
	v2 =	vld [tilespmem:s13+$0x57D0]  }
0xdc: {  	[tilespmem:s13+$0x5060] =	vst v5;
	v12 =	vmul.f32 v12, v10;
	v5 =	vld [tilespmem:s13+$0x5590]  }
0xdd: {  	[tilespmem:s13+$0x5070] =	vst v11;
	v11 =	vmul.f32 v13, v10;
	v13 =	vld [tilespmem:s13+$0x50E0]  }
0xde: {  	[tilespmem:s13+$0x5080] =	vst v12;
	v12 =	vmul.f32 v14, v10;
	v14 =	vld [tilespmem:s13+$0x50F0]  }
0xdf: {  	v9 =	vmul.f32 v9, v10;
	[tilespmem:s13+$0x5090] =	vst v11;
	v11 =	vld [tilespmem:s13+$0x5100]  }
0xe0: {  	v7 =	vmul.f32 v7, v10;
	[tilespmem:s13+$0x50A0] =	vst v12;
	v12 =	vld [tilespmem:s13+$0x5110]  }
0xe1: {  	v8 =	vmul.f32 v8, v10;
	[tilespmem:s13+$0x50B0] =	vst v9;
	v9 =	vld [tilespmem:s13+$0x5120]  }
0xe2: {  	[tilespmem:s13+$0x50C0] =	vst v7;
	v7 =	vmul.f32 v13, v10;
	v13 =	vbroadcast v0, $0x2;
	v15 =	vld [tilespmem:s13+$0x5130]  }
0xe3: {  	[tilespmem:s13+$0x50D0] =	vst v8;
	v8 =	vmul.f32 v14, v10;
	v10 =	vld [tilespmem:s13+$0x5140]  }
0xe4: {  	[tilespmem:s13+$0x50E0] =	vst v7;
	v7 =	vmul.f32 v11, v13;
	v11 =	vld [tilespmem:s13+$0x5150]  }
0xe5: {  	[tilespmem:s13+$0x50F0] =	vst v8;
	v8 =	vmul.f32 v12, v13;
	v12 =	vld [tilespmem:s13+$0x5160]  }
0xe6: {  	[tilespmem:s13+$0x5100] =	vst v7;
	v7 =	vmul.f32 v9, v13;
	v9 =	vld [tilespmem:s13+$0x5170]  }
0xe7: {  	[tilespmem:s13+$0x5110] =	vst v8;
	v8 =	vmul.f32 v15, v13;
	v14 =	vld [tilespmem:s13+$0x5180]  }
0xe8: {  	[tilespmem:s13+$0x5120] =	vst v7;
	v7 =	vmul.f32 v10, v13;
	v10 =	vld [tilespmem:s13+$0x5190]  }
0xe9: {  	[tilespmem:s13+$0x5130] =	vst v8;
	v8 =	vmul.f32 v11, v13;
	v11 =	vld [tilespmem:s13+$0x51A0]  }
0xea: {  	[tilespmem:s13+$0x5140] =	vst v7;
	v7 =	vmul.f32 v12, v13;
	v12 =	vbroadcast v0, $0x3;
	v15 =	vld [tilespmem:s13+$0x51B0]  }
0xeb: {  	[tilespmem:s13+$0x5150] =	vst v8;
	v8 =	vmul.f32 v9, v13;
	v9 =	vld [tilespmem:s13+$0x51C0]  }
0xec: {  	[tilespmem:s13+$0x5160] =	vst v7;
	v7 =	vmul.f32 v14, v12;
	v13 =	vld [tilespmem:s13+$0x51D0]  }
0xed: {  	[tilespmem:s13+$0x5170] =	vst v8;
	v8 =	vmul.f32 v10, v12;
	v10 =	vld [tilespmem:s13+$0x51E0]  }
0xee: {  	[tilespmem:s13+$0x5180] =	vst v7;
	v7 =	vmul.f32 v11, v12;
	v11 =	vld [tilespmem:s13+$0x51F0]  }
0xef: {  	[tilespmem:s13+$0x5190] =	vst v8;
	v8 =	vmul.f32 v15, v12;
	v14 =	vld [tilespmem:s13+$0x5200]  }
0xf0: {  	[tilespmem:s13+$0x51A0] =	vst v7;
	v7 =	vmul.f32 v9, v12;
	v9 =	vld [tilespmem:s13+$0x5210]  }
0xf1: {  	[tilespmem:s13+$0x51B0] =	vst v8;
	v8 =	vmul.f32 v13, v12;
	v13 =	vld [tilespmem:s13+$0x5220]  }
0xf2: {  	[tilespmem:s13+$0x51C0] =	vst v7;
	v7 =	vmul.f32 v10, v12;
	v10 =	vld [tilespmem:s13+$0x5230]  }
0xf3: {  	[tilespmem:s13+$0x51D0] =	vst v8;
	v8 =	vmul.f32 v11, v12;
	v11 =	vld [tilespmem:s13+$0x5240]  }
0xf4: {  	[tilespmem:s13+$0x51E0] =	vst v7;
	v7 =	vmul.f32 v14, v6;
	v12 =	vld [tilespmem:s13+$0x5250]  }
0xf5: {  	[tilespmem:s13+$0x51F0] =	vst v8;
	v8 =	vmul.f32 v9, v6;
	v9 =	vld [tilespmem:s13+$0x5260]  }
0xf6: {  	[tilespmem:s13+$0x5200] =	vst v7;
	v7 =	vmul.f32 v13, v6;
	v13 =	vld [tilespmem:s13+$0x5270]  }
0xf7: {  	[tilespmem:s13+$0x5210] =	vst v8;
	v8 =	vmul.f32 v10, v6;
	v10 =	vld [tilespmem:s13+$0x5280]  }
0xf8: {  	[tilespmem:s13+$0x5220] =	vst v7;
	v7 =	vmul.f32 v11, v6;
	v11 =	vld [tilespmem:s13+$0x5290]  }
0xf9: {  	[tilespmem:s13+$0x5230] =	vst v8;
	v8 =	vmul.f32 v12, v6;
	v12 =	vld [tilespmem:s13+$0x52A0]  }
0xfa: {  	[tilespmem:s13+$0x5240] =	vst v7;
	v7 =	vmul.f32 v9, v6;
	v9 =	vbroadcast v0, $0x5;
	v14 =	vld [tilespmem:s13+$0x52B0]  }
0xfb: {  	[tilespmem:s13+$0x5250] =	vst v8;
	v6 =	vmul.f32 v13, v6;
	v8 =	vld [tilespmem:s13+$0x52C0]  }
0xfc: {  	[tilespmem:s13+$0x5260] =	vst v7;
	v7 =	vmul.f32 v10, v9;
	v10 =	vld [tilespmem:s13+$0x52D0]  }
0xfd: {  	[tilespmem:s13+$0x5270] =	vst v6;
	v6 =	vmul.f32 v11, v9;
	v11 =	vld [tilespmem:s13+$0x52E0]  }
0xfe: {  	[tilespmem:s13+$0x5280] =	vst v7;
	v7 =	vmul.f32 v12, v9;
	v12 =	vld [tilespmem:s13+$0x52F0]  }
0xff: {  	[tilespmem:s13+$0x5290] =	vst v6;
	v6 =	vmul.f32 v14, v9;
	v13 =	vld [tilespmem:s13+$0x5300]  }
0x100: {  	[tilespmem:s13+$0x52A0] =	vst v7;
	v7 =	vmul.f32 v8, v9;
	v8 =	vld [tilespmem:s13+$0x5310]  }
0x101: {  	[tilespmem:s13+$0x52B0] =	vst v6;
	v6 =	vmul.f32 v10, v9;
	v10 =	vld [tilespmem:s13+$0x5320]  }
0x102: {  	[tilespmem:s13+$0x52C0] =	vst v7;
	v7 =	vmul.f32 v11, v9;
	v11 =	vbroadcast v0, $0x6;
	v14 =	vld [tilespmem:s13+$0x5330]  }
0x103: {  	[tilespmem:s13+$0x52D0] =	vst v6;
	v6 =	vmul.f32 v12, v9;
	v9 =	vld [tilespmem:s13+$0x5340]  }
0x104: {  	[tilespmem:s13+$0x52E0] =	vst v7;
	v7 =	vmul.f32 v13, v11;
	v12 =	vld [tilespmem:s13+$0x5350]  }
0x105: {  	[tilespmem:s13+$0x52F0] =	vst v6;
	v6 =	vmul.f32 v8, v11;
	v8 =	vld [tilespmem:s13+$0x5360]  }
0x106: {  	[tilespmem:s13+$0x5300] =	vst v7;
	v7 =	vmul.f32 v10, v11;
	v10 =	vld [tilespmem:s13+$0x5370]  }
0x107: {  	[tilespmem:s13+$0x5310] =	vst v6;
	v6 =	vmul.f32 v14, v11;
	v13 =	vld [tilespmem:s13+$0x5380]  }
0x108: {  	[tilespmem:s13+$0x5320] =	vst v7;
	v7 =	vmul.f32 v9, v11;
	v9 =	vld [tilespmem:s13+$0x5390]  }
0x109: {  	[tilespmem:s13+$0x5330] =	vst v6;
	v6 =	vmul.f32 v12, v11;
	v12 =	vld [tilespmem:s13+$0x53A0]  }
0x10a: {  	[tilespmem:s13+$0x5340] =	vst v7;
	v7 =	vmul.f32 v8, v11;
	v8 =	vbroadcast v0, $0x7;
	v14 =	vld [tilespmem:s13+$0x53B0]  }
0x10b: {  	[tilespmem:s13+$0x5350] =	vst v6;
	v6 =	vmul.f32 v10, v11;
	v10 =	vld [tilespmem:s13+$0x53C0]  }
0x10c: {  	[tilespmem:s13+$0x5360] =	vst v7;
	v7 =	vmul.f32 v13, v8;
	v11 =	vld [tilespmem:s13+$0x53D0]  }
0x10d: {  	[tilespmem:s13+$0x5370] =	vst v6;
	v6 =	vmul.f32 v9, v8;
	v9 =	vld [tilespmem:s13+$0x53E0]  }
0x10e: {  	[tilespmem:s13+$0x5380] =	vst v7;
	v7 =	vmul.f32 v12, v8;
	v12 =	vld [tilespmem:s13+$0x53F0]  }
0x10f: {  	[tilespmem:s13+$0x5390] =	vst v6;
	v6 =	vmul.f32 v14, v8;
	v13 =	vld [tilespmem:s13+$0x5400]  }
0x110: {  	[tilespmem:s13+$0x53A0] =	vst v7;
	v7 =	vmul.f32 v10, v8;
	v10 =	vld [tilespmem:s13+$0x5410]  }
0x111: {  	[tilespmem:s13+$0x53B0] =	vst v6;
	v6 =	vmul.f32 v11, v8;
	v11 =	vld [tilespmem:s13+$0x5420]  }
0x112: {  	[tilespmem:s13+$0x53C0] =	vst v7;
	v7 =	vmul.f32 v9, v8;
	v9 =	vbroadcast v0, $0x8;
	v14 =	vld [tilespmem:s13+$0x5430]  }
0x113: {  	[tilespmem:s13+$0x53D0] =	vst v6;
	v6 =	vmul.f32 v12, v8;
	v8 =	vld [tilespmem:s13+$0x5440]  }
0x114: {  	[tilespmem:s13+$0x53E0] =	vst v7;
	v7 =	vmul.f32 v13, v9;
	v12 =	vld [tilespmem:s13+$0x5450]  }
0x115: {  	[tilespmem:s13+$0x53F0] =	vst v6;
	v6 =	vmul.f32 v10, v9;
	v10 =	vld [tilespmem:s13+$0x5460]  }
0x116: {  	[tilespmem:s13+$0x5400] =	vst v7;
	v7 =	vmul.f32 v11, v9;
	v11 =	vld [tilespmem:s13+$0x5470]  }
0x117: {  	[tilespmem:s13+$0x5410] =	vst v6;
	v6 =	vmul.f32 v14, v9;
	v13 =	vld [tilespmem:s13+$0x5480]  }
0x118: {  	[tilespmem:s13+$0x5420] =	vst v7;
	v7 =	vmul.f32 v8, v9;
	v8 =	vld [tilespmem:s13+$0x5490]  }
0x119: {  	[tilespmem:s13+$0x5430] =	vst v6;
	v6 =	vmul.f32 v12, v9;
	v12 =	vld [tilespmem:s13+$0x54A0]  }
0x11a: {  	[tilespmem:s13+$0x5440] =	vst v7;
	v7 =	vmul.f32 v10, v9;
	v10 =	vbroadcast v0, $0x9;
	v14 =	vld [tilespmem:s13+$0x54B0]  }
0x11b: {  	[tilespmem:s13+$0x5450] =	vst v6;
	v6 =	vmul.f32 v11, v9;
	v9 =	vld [tilespmem:s13+$0x54C0]  }
0x11c: {  	[tilespmem:s13+$0x5460] =	vst v7;
	v7 =	vmul.f32 v13, v10;
	v11 =	vld [tilespmem:s13+$0x54D0]  }
0x11d: {  	[tilespmem:s13+$0x5470] =	vst v6;
	v6 =	vmul.f32 v8, v10;
	v8 =	vld [tilespmem:s13+$0x54E0]  }
0x11e: {  	[tilespmem:s13+$0x5480] =	vst v7;
	v7 =	vmul.f32 v12, v10;
	v12 =	vld [tilespmem:s13+$0x54F0]  }
0x11f: {  	[tilespmem:s13+$0x5490] =	vst v6;
	v6 =	vmul.f32 v14, v10;
	v13 =	vld [tilespmem:s13+$0x5500]  }
0x120: {  	[tilespmem:s13+$0x54A0] =	vst v7;
	v7 =	vmul.f32 v9, v10;
	v9 =	vld [tilespmem:s13+$0x5510]  }
0x121: {  	[tilespmem:s13+$0x54B0] =	vst v6;
	v6 =	vmul.f32 v11, v10;
	v11 =	vld [tilespmem:s13+$0x5520]  }
0x122: {  	[tilespmem:s13+$0x54C0] =	vst v7;
	v7 =	vmul.f32 v8, v10;
	v8 =	vld [tilespmem:s13+$0x5530]  }
0x123: {  	[tilespmem:s13+$0x54D0] =	vst v6;
	v6 =	vmul.f32 v12, v10;
	v10 =	vld [tilespmem:s13+$0x5540]  }
0x124: {  	[tilespmem:s13+$0x54E0] =	vst v7;
	v7 =	vmul.f32 v13, v3;
	v12 =	vld [tilespmem:s13+$0x5550]  }
0x125: {  	[tilespmem:s13+$0x54F0] =	vst v6;
	v6 =	vmul.f32 v9, v3;
	v9 =	vld [tilespmem:s13+$0x5560]  }
0x126: {  	v13 =	vld [tilespmem:s13+$0x5000];
	[tilespmem:s13+$0x5500] =	vst v7;
	v7 =	vmul.f32 v11, v3  }
0x127: {  	v11 =	vld [tilespmem:s13+$0x5010];
	[tilespmem:s13+$0x5510] =	vst v6;
	v6 =	vmul.f32 v8, v3  }
0x128: {  	v8 =	vld [tilespmem:s13+$0x5040];
	[tilespmem:s13+$0x5520] =	vst v7;
	v7 =	vmul.f32 v10, v3  }
0x129: {  	v10 =	vld [tilespmem:s13+$0x5050];
	[tilespmem:s13+$0x5530] =	vst v6;
	v6 =	vmul.f32 v12, v3  }
0x12a: {  	[tilespmem:s13+$0x5540] =	vst v7;
	v7 =	vmul.f32 v9, v3;
	v9 =	vbroadcast v0, $0xB;
	v12 =	vld [tilespmem:s13+$0x55A0]  }
0x12b: {  	v3 =	vbroadcast v0, $0xF;
	v13 =	vmul.f32 v1, v13;
	[tilespmem:s13+$0x5550] =	vst v6;
	v6 =	vld [tilespmem:s13+$0x55B0]  }
0x12c: {  	v11 =	vmul.f32 v11, v1;
	[tilespmem:s13+$0x5560] =	vst v7;
	v4 =	vmul.f32 v4, v9;
	v7 =	vld [tilespmem:s13+$0x55C0]  }
0x12d: {  	v5 =	vmul.f32 v5, v9;
	[tilespmem:s13+$0x5000] =	vst v13;
	v8 =	vmul.f32 v8, v1;
	v13 =	vld [tilespmem:s13+$0x55D0]  }
0x12e: {  	v2 =	vmul.f32 v2, v3;
	v10 =	vmul.f32 v10, v1;
	[tilespmem:s13+$0x5580] =	vst v4;
	v1 =	vld [tilespmem:s13+$0x55E0]  }
0x12f: {  	[tilespmem:s13+$0x5590] =	vst v5;
	v4 =	vmul.f32 v12, v9;
	v5 =	vld [tilespmem:s13+$0x55F0]  }
0x130: {  	v6 =	vmul.f32 v6, v9;
	v12 =	vld [tilespmem:s13+$0x5600];
	[tilespmem:s13+$0x57D0] =	vst v2  }
0x131: {  	[tilespmem:s13+$0x5010] =	vst v11;
	v2 =	vmul.f32 v7, v9;
	v7 =	vld [tilespmem:s13+$0x5610]  }
0x132: {  	[tilespmem:s13+$0x5040] =	vst v8;
	v8 =	vmul.f32 v13, v9;
	v11 =	vld [tilespmem:s13+$0x5620]  }
0x133: {  	v13 =	vbroadcast v0, $0xC;
	[tilespmem:s13+$0x55A0] =	vst v4;
	v4 =	vmul.f32 v1, v9;
	v14 =	vld [tilespmem:s13+$0x5630]  }
0x134: {  	[tilespmem:s13+$0x55D0] =	vst v8;
	v5 =	vmul.f32 v5, v9;
	v8 =	vld [tilespmem:s13+$0x5640]  }
0x135: {  	[tilespmem:s13+$0x55B0] =	vst v6;
	v1 =	vmul.f32 v12, v13;
	v6 =	vld [tilespmem:s13+$0x5650]  }
0x136: {  	[tilespmem:s13+$0x55C0] =	vst v2;
	v2 =	vmul.f32 v7, v13;
	v7 =	vld [tilespmem:s13+$0x5660]  }
0x137: {  	[tilespmem:s13+$0x5600] =	vst v1;
	v1 =	vmul.f32 v11, v13;
	v9 =	vld [tilespmem:s13+$0x5670]  }
0x138: {  	[tilespmem:s13+$0x5610] =	vst v2;
	v2 =	vld [tilespmem:s13+$0x5680]  }
0x139: {  	[tilespmem:s13+$0x5050] =	vst v10;
	v8 =	vmul.f32 v8, v13;
	v10 =	vld [tilespmem:s13+$0x5690]  }
0x13a: {  	[tilespmem:s13+$0x55E0] =	vst v4;
	v4 =	vmul.f32 v6, v13;
	v6 =	vld [tilespmem:s13+$0x56A0]  }
0x13b: {  	[tilespmem:s13+$0x5640] =	vst v8;
	v7 =	vmul.f32 v7, v13;
	v8 =	vbroadcast v0, $0xD;
	v11 =	vld [tilespmem:s13+$0x56B0]  }
0x13c: {  	[tilespmem:s13+$0x5650] =	vst v4;
	v4 =	vmul.f32 v9, v13;
	v9 =	vld [tilespmem:s13+$0x56C0]  }
0x13d: {  	[tilespmem:s13+$0x5660] =	vst v7;
	v2 =	vmul.f32 v2, v8;
	v7 =	vld [tilespmem:s13+$0x56D0]  }
0x13e: {  	[tilespmem:s13+$0x5670] =	vst v4;
	v4 =	vmul.f32 v10, v8;
	v10 =	vld [tilespmem:s13+$0x56E0]  }
0x13f: {  	[tilespmem:s13+$0x5680] =	vst v2;
	v2 =	vmul.f32 v6, v8;
	v6 =	vld [tilespmem:s13+$0x56F0]  }
0x140: {  	[tilespmem:s13+$0x5690] =	vst v4;
	v4 =	vmul.f32 v11, v8;
	v11 =	vld [tilespmem:s13+$0x5700]  }
0x141: {  	[tilespmem:s13+$0x56A0] =	vst v2;
	v2 =	vmul.f32 v9, v8;
	v9 =	vld [tilespmem:s13+$0x5710]  }
0x142: {  	[tilespmem:s13+$0x56B0] =	vst v4;
	v4 =	vmul.f32 v7, v8;
	v7 =	vld [tilespmem:s13+$0x5720]  }
0x143: {  	v0 =	vbroadcast v0, $0xE;
	[tilespmem:s13+$0x55F0] =	vst v5;
	v5 =	vmul.f32 v10, v8;
	v10 =	vld [tilespmem:s13+$0x5730]  }
0x144: {  	[tilespmem:s13+$0x56D0] =	vst v4;
	v4 =	vmul.f32 v6, v8;
	v6 =	vld [tilespmem:s13+$0x5740]  }
0x145: {  	[tilespmem:s13+$0x56E0] =	vst v5;
	v5 =	vmul.f32 v11, v0;
	v8 =	vld [tilespmem:s13+$0x5750]  }
0x146: {  	[tilespmem:s13+$0x56F0] =	vst v4;
	v4 =	vmul.f32 v9, v0;
	v9 =	vld [tilespmem:s13+$0x5760]  }
0x147: {  	[tilespmem:s13+$0x5700] =	vst v5;
	v5 =	vmul.f32 v7, v0;
	v7 =	vld [tilespmem:s13+$0x5770]  }
0x148: {  	[tilespmem:s13+$0x5710] =	vst v4;
	v4 =	vmul.f32 v10, v0;
	v10 =	vld [tilespmem:s13+$0x5780]  }
0x149: {  	[tilespmem:s13+$0x5720] =	vst v5;
	v5 =	vmul.f32 v6, v0;
	v6 =	vld [tilespmem:s13+$0x5790]  }
0x14a: {  	[tilespmem:s13+$0x5730] =	vst v4;
	v4 =	vmul.f32 v8, v0;
	v8 =	vld [tilespmem:s13+$0x57A0]  }
0x14b: {  	[tilespmem:s13+$0x5740] =	vst v5;
	v5 =	vmul.f32 v9, v0;
	v9 =	vld [tilespmem:s13+$0x57B0]  }
0x14c: {  	[tilespmem:s13+$0x56C0] =	vst v2;
	v0 =	vmul.f32 v7, v0;
	v2 =	vld [tilespmem:s13+$0x57C0]  }
0x14d: {  	[tilespmem:s13+$0x5760] =	vst v5;
	v5 =	vmul.f32 v10, v3;
	v7 =	vld [tilespmem:s13+$0x57E0]  }
0x14e: {  	[tilespmem:s13+$0x5770] =	vst v0;
	v0 =	vmul.f32 v6, v3;
	v6 =	vld [tilespmem:s13+$0x57F0]  }
0x14f: {  	[tilespmem:s13+$0x5780] =	vst v5;
	v5 =	vmul.f32 v8, v3  }
0x150: {  	[tilespmem:s13+$0x5790] =	vst v0;
	v0 =	vmul.f32 v9, v3  }
0x151: {  	v8 =	vmul.f32 v14, v13;
	[tilespmem:s13+$0x57A0] =	vst v5  }
0x152: {  	[tilespmem:s13+$0x57B0] =	vst v0;
	v0 =	vmul.f32 v2, v3  }
.Ltmp0:
0x153: {  	[tilespmem:s13+$0x5630] =	vst v8;
	v2 =	vmul.f32 v6, v3;
	(pc) =	sbr.rel @p1 .LBB2_3-.Ltmp0, $4  }
0x154: {  	[tilespmem:s13+$0x57C0] =	vst v0  }
0x155: {  	v0 =	vmul.f32 v7, v3;
	[tilespmem:s13+$0x57F0] =	vst v2  }
0x156: {  	[tilespmem:s13+$0x5750] =	vst v4  }
0x157: {  	[tilespmem:s13+$0x57E0] =	vst v0  }
0x158: {  	[tilespmem:s13+$0x5620] =	vst v1  }
0x159: {  	[spmem:s3] =	stream.indirect.scatter.add.f32 [tilespmem:s21], [sflag:$0x3], $0x80, s22, s20, $0xb8;
	[tilespmem:$0x1D200] =	vst v63  }
0x15a: {  	_ =	swait.ge [sflag:s31], $0x2000  }
0x15b: {  	[sflag:s31] =	ssyncset.done $0x0  }
0x15c: {  	[sflag:s31] =	ssyncadd.s32 $0xFFFFE000  }
0x15d: {  	_ =	swait.ge [sflag:s2], $0x80  }
0x15e: {  	[sflag:s2] =	ssyncset.done $0x0  }
0x15f: {  	[sflag:s2] =	ssyncadd.s32 $0xFFFFFF80  }
0x160: {  	_ =	swait.ge [sflag:s23], $0x80  }
0x161: {  	[sflag:s23] =	ssyncset.done $0x0  }
0x162: {  	p1 =	seq.s32 s11, $0x4F;
	[sflag:s23] =	ssyncadd.s32 $0xFFFFFF80  }
0x163: {  	s12 =	sadd.s32 @!p1 $0x2, s12;
	_ =	swait.ge [sflag:s0], $0x2000  }
0x164: {  	s14 =	simm.s32 @!p1 $0x40;
	s13 =	sshll.u32 @!p1 s12, $0x7;
	[sflag:s0] =	ssyncset.done $0x0  }
0x165: {  	s15 =	simm.s32 @!p1 $0x5000;
	s13 =	sand.u32 @!p1 $0x3FFFFF80, s13;
	[sflag:s0] =	ssyncadd.s32 $0xFFFFE000  }
0x166: {  	[tilespmem:s15], [sflag:$0x1] =	stream.indirect.gather @!p1 [hbm4b:s1+s14], $0x80, s13, s14, $0xb8;
	[tilespmem:$0x1D200] =	vst v63  }
0x167: {  	s13 =	sadd.s32 @!p1 s7, s12  }
0x168: {  	s12 =	sshll.u32 @!p1 s12, $0x4;
	s13 =	sshll.u32 @!p1 s13, $0x4  }
0x169: {  	s12 =	sand.u32 @!p1 $0x60, s12;
	s13 =	sand.u32 @!p1 $0xFFFFF80, s13  }
0x16a: {  	s12 =	sor.u32 @!p1 s12, s13  }
0x16b: {  	s14 =	simm.s32 @!p1 $0x0;
	s15 =	simm.s32 @!p1 $0x1D000;
	s13 =	sadd.s32 @!p1 s5, s12  }
0x16c: {  	[tilespmem:s15], [sflag:$0x5] =	stream.linear.gather @!p1 [hbm4b:s13+s14], $0x80, $0x38;
	[tilespmem:$0x1D200] =	vst v63  }
0x16d: {  	s12 =	sadd.s32 @!p1 s6, s12;
	s13 =	simm.s32 @!p1 $0x1D100  }
0x16e: {  	[tilespmem:s13], [sflag:$0x7] =	stream.linear.gather @!p1 [hbm4b:s12+s14], $0x80, $0x38;
	[tilespmem:$0x1D200] =	vst v63  }
0x16f: {  	s14 =	simm.s32 $0x0  }
0x170: {  	s15 =	simm.s32 $0x0;
	s12 =	sand.u32 $0x3FFFFFF0, s14  }
0x171: {  	v0 =	vld [tilespmem:s12+$0x1D180];
	s12 =	sand.u32 $0x3FFFF800, s15  }
0x172: {  	v6 =	vld [tilespmem:s12+$0x70C0]  }
0x173: {  	v2 =	vld [tilespmem:s12+$0x7020]  }
0x174: {  	v3 =	vld [tilespmem:s12+$0x7030]  }
0x175: {  	v9 =	vld [tilespmem:s12+$0x7060]  }
0x176: {  	v10 =	vld [tilespmem:s12+$0x7070];
	v1 =	vbroadcast v0, $0x0  }
0x177: {  	v11 =	vld [tilespmem:s12+$0x7080]  }
0x178: {  	v12 =	vld [tilespmem:s12+$0x7090];
	v2 =	vmul.f32 v2, v1  }
0x179: {  	v13 =	vld [tilespmem:s12+$0x70A0];
	v3 =	vmul.f32 v3, v1  }
0x17a: {  	v8 =	vld [tilespmem:s12+$0x70B0];
	v28 =	vbroadcast v0, $0x1;
	v27 =	vmul.f32 v9, v1;
	[tilespmem:s12+$0x7020] =	vst v2  }
0x17b: {  	v7 =	vld [tilespmem:s12+$0x70D0];
	v10 =	vmul.f32 v10, v1;
	[tilespmem:s12+$0x7030] =	vst v3  }
0x17c: {  	v5 =	vld [tilespmem:s12+$0x7570];
	v11 =	vmul.f32 v11, v28;
	[tilespmem:s12+$0x7060] =	vst v27  }
0x17d: {  	v30 =	vld [tilespmem:s12+$0x70F0];
	v12 =	vmul.f32 v12, v28;
	[tilespmem:s12+$0x7070] =	vst v10  }
0x17e: {  	v31 =	vld [tilespmem:s12+$0x7100];
	v13 =	vmul.f32 v13, v28;
	[tilespmem:s12+$0x7080] =	vst v11  }
0x17f: {  	v32 =	vld [tilespmem:s12+$0x7110];
	v8 =	vmul.f32 v8, v28;
	[tilespmem:s12+$0x7090] =	vst v12  }
0x180: {  	v29 =	vld [tilespmem:s12+$0x70E0];
	v6 =	vmul.f32 v6, v28;
	[tilespmem:s12+$0x70A0] =	vst v13  }
0x181: {  	v33 =	vld [tilespmem:s12+$0x7120];
	v14 =	vbroadcast v0, $0x2;
	v7 =	vmul.f32 v7, v28;
	[tilespmem:s12+$0x70B0] =	vst v8  }
0x182: {  	v34 =	vld [tilespmem:s12+$0x7130];
	v9 =	vmul.f32 v30, v28;
	[tilespmem:s12+$0x70C0] =	vst v6  }
0x183: {  	v35 =	vld [tilespmem:s12+$0x7140];
	v4 =	vbroadcast v0, $0xA;
	v37 =	vmul.f32 v31, v14;
	[tilespmem:s12+$0x70D0] =	vst v7  }
0x184: {  	v36 =	vld [tilespmem:s12+$0x7150];
	v39 =	vmul.f32 v32, v14;
	[tilespmem:s12+$0x70F0] =	vst v9  }
0x185: {  	v38 =	vld [tilespmem:s12+$0x7160];
	v2 =	vmul.f32 v5, v4;
	[tilespmem:s12+$0x7100] =	vst v37  }
0x186: {  	v40 =	vld [tilespmem:s12+$0x7170];
	v10 =	vmul.f32 v29, v28;
	[tilespmem:s12+$0x7110] =	vst v39  }
0x187: {  	v41 =	vld [tilespmem:s12+$0x7180];
	v8 =	vmul.f32 v33, v14;
	[tilespmem:s12+$0x7570] =	vst v2  }
0x188: {  	v42 =	vld [tilespmem:s12+$0x7190];
	v6 =	vmul.f32 v34, v14;
	[tilespmem:s12+$0x70E0] =	vst v10  }
0x189: {  	v43 =	vld [tilespmem:s12+$0x71A0];
	v7 =	vmul.f32 v35, v14;
	[tilespmem:s12+$0x7120] =	vst v8  }
0x18a: {  	v44 =	vld [tilespmem:s12+$0x71B0];
	v46 =	vbroadcast v0, $0x3;
	v9 =	vmul.f32 v38, v14;
	[tilespmem:s12+$0x7130] =	vst v6  }
0x18b: {  	v45 =	vld [tilespmem:s12+$0x71C0];
	v11 =	vmul.f32 v40, v14;
	[tilespmem:s12+$0x7140] =	vst v7  }
0x18c: {  	v47 =	vld [tilespmem:s12+$0x71D0];
	v12 =	vmul.f32 v41, v46;
	[tilespmem:s12+$0x7160] =	vst v9  }
0x18d: {  	v48 =	vld [tilespmem:s12+$0x71E0];
	v10 =	vmul.f32 v36, v14;
	[tilespmem:s12+$0x7170] =	vst v11  }
0x18e: {  	v49 =	vld [tilespmem:s12+$0x71F0];
	v8 =	vmul.f32 v42, v46;
	[tilespmem:s12+$0x7180] =	vst v12  }
0x18f: {  	v50 =	vld [tilespmem:s12+$0x7200];
	v6 =	vmul.f32 v43, v46;
	[tilespmem:s12+$0x7150] =	vst v10  }
0x190: {  	v51 =	vld [tilespmem:s12+$0x7210];
	v7 =	vmul.f32 v44, v46;
	[tilespmem:s12+$0x7190] =	vst v8  }
0x191: {  	v52 =	vld [tilespmem:s12+$0x7220];
	v9 =	vmul.f32 v47, v46;
	[tilespmem:s12+$0x71A0] =	vst v6  }
0x192: {  	v53 =	vld [tilespmem:s12+$0x7230];
	v11 =	vmul.f32 v48, v46;
	[tilespmem:s12+$0x71B0] =	vst v7  }
0x193: {  	v54 =	vld [tilespmem:s12+$0x7240];
	v55 =	vbroadcast v0, $0x4;
	v12 =	vmul.f32 v49, v46;
	[tilespmem:s12+$0x71D0] =	vst v9  }
0x194: {  	v56 =	vld [tilespmem:s12+$0x7250];
	v10 =	vmul.f32 v45, v46;
	[tilespmem:s12+$0x71E0] =	vst v11  }
0x195: {  	v57 =	vld [tilespmem:s12+$0x7260];
	v8 =	vmul.f32 v50, v55;
	[tilespmem:s12+$0x71F0] =	vst v12  }
0x196: {  	v58 =	vld [tilespmem:s12+$0x7270];
	v6 =	vmul.f32 v51, v55;
	[tilespmem:s12+$0x71C0] =	vst v10  }
0x197: {  	v59 =	vld [tilespmem:s12+$0x7280];
	v7 =	vmul.f32 v52, v55;
	[tilespmem:s12+$0x7200] =	vst v8  }
0x198: {  	v60 =	vld [tilespmem:s12+$0x7290];
	v9 =	vmul.f32 v54, v55;
	[tilespmem:s12+$0x7210] =	vst v6  }
0x199: {  	v61 =	vld [tilespmem:s12+$0x72A0];
	v11 =	vmul.f32 v56, v55;
	[tilespmem:s12+$0x7220] =	vst v7  }
0x19a: {  	v62 =	vld [tilespmem:s12+$0x72B0];
	v12 =	vmul.f32 v57, v55;
	[tilespmem:s12+$0x7240] =	vst v9  }
0x19b: {  	v63 =	vld [tilespmem:s12+$0x72C0];
	v16 =	vbroadcast v0, $0x5;
	v10 =	vmul.f32 v53, v55;
	[tilespmem:s12+$0x7250] =	vst v11  }
0x19c: {  	v17 =	vld [tilespmem:s12+$0x72D0];
	v8 =	vmul.f32 v58, v55;
	[tilespmem:s12+$0x7260] =	vst v12  }
0x19d: {  	v18 =	vld [tilespmem:s12+$0x72E0];
	v6 =	vmul.f32 v59, v16;
	[tilespmem:s12+$0x7230] =	vst v10  }
0x19e: {  	v19 =	vld [tilespmem:s12+$0x72F0];
	v7 =	vmul.f32 v60, v16;
	[tilespmem:s12+$0x7270] =	vst v8  }
0x19f: {  	v20 =	vld [tilespmem:s12+$0x7300];
	v9 =	vmul.f32 v62, v16;
	[tilespmem:s12+$0x7280] =	vst v6  }
0x1a0: {  	v21 =	vld [tilespmem:s12+$0x7310];
	v11 =	vmul.f32 v63, v16;
	[tilespmem:s12+$0x7290] =	vst v7  }
0x1a1: {  	v22 =	vld [tilespmem:s12+$0x7320];
	v12 =	vmul.f32 v17, v16;
	[tilespmem:s12+$0x72B0] =	vst v9  }
0x1a2: {  	v23 =	vld [tilespmem:s12+$0x7330];
	v10 =	vmul.f32 v61, v16;
	[tilespmem:s12+$0x72C0] =	vst v11  }
0x1a3: {  	v24 =	vld [tilespmem:s12+$0x7340];
	v25 =	vbroadcast v0, $0x6;
	v8 =	vmul.f32 v18, v16;
	[tilespmem:s12+$0x72D0] =	vst v12  }
0x1a4: {  	v56 =	vld [tilespmem:s12+$0x7500];
	v6 =	vmul.f32 v19, v16;
	[tilespmem:s12+$0x72A0] =	vst v10  }
0x1a5: {  	v26 =	vld [tilespmem:s12+$0x7350];
	v7 =	vmul.f32 v20, v25;
	[tilespmem:s12+$0x72E0] =	vst v8  }
0x1a6: {  	v30 =	vld [tilespmem:s12+$0x7390];
	v9 =	vmul.f32 v22, v25;
	[tilespmem:s12+$0x72F0] =	vst v6  }
0x1a7: {  	v27 =	vld [tilespmem:s12+$0x7360];
	v11 =	vmul.f32 v23, v25;
	[tilespmem:s12+$0x7300] =	vst v7  }
0x1a8: {  	v28 =	vld [tilespmem:s12+$0x7370];
	v12 =	vmul.f32 v24, v25;
	[tilespmem:s12+$0x7320] =	vst v9  }
0x1a9: {  	v31 =	vld [tilespmem:s12+$0x73A0];
	v62 =	vmul.f32 v56, v4;
	[tilespmem:s12+$0x7330] =	vst v11  }
0x1aa: {  	v32 =	vld [tilespmem:s12+$0x73B0];
	v10 =	vmul.f32 v21, v25;
	[tilespmem:s12+$0x7340] =	vst v12  }
0x1ab: {  	v3 =	vld [tilespmem:s12+$0x7580];
	v8 =	vmul.f32 v26, v25;
	[tilespmem:s12+$0x7500] =	vst v62  }
0x1ac: {  	v5 =	vld [tilespmem:s12+$0x7590];
	v34 =	vbroadcast v0, $0x7;
	v6 =	vmul.f32 v27, v25;
	[tilespmem:s12+$0x7310] =	vst v10  }
0x1ad: {  	v29 =	vld [tilespmem:s12+$0x7380];
	v7 =	vmul.f32 v28, v25;
	[tilespmem:s12+$0x7350] =	vst v8  }
0x1ae: {  	v60 =	vld [tilespmem:s12+$0x7540];
	v9 =	vmul.f32 v30, v34;
	[tilespmem:s12+$0x7360] =	vst v6  }
0x1af: {  	v33 =	vld [tilespmem:s12+$0x73C0];
	v24 =	vbroadcast v0, $0xB;
	v11 =	vmul.f32 v31, v34;
	[tilespmem:s12+$0x7370] =	vst v7  }
0x1b0: {  	v35 =	vld [tilespmem:s12+$0x73D0];
	v12 =	vmul.f32 v32, v34;
	[tilespmem:s12+$0x7390] =	vst v9  }
0x1b1: {  	v38 =	vld [tilespmem:s12+$0x7400];
	v3 =	vmul.f32 v3, v24;
	[tilespmem:s12+$0x73A0] =	vst v11  }
0x1b2: {  	v36 =	vld [tilespmem:s12+$0x73E0];
	v5 =	vmul.f32 v5, v24;
	[tilespmem:s12+$0x73B0] =	vst v12  }
0x1b3: {  	v2 =	vld [tilespmem:s12+$0x77D0];
	v19 =	vmul.f32 v60, v4;
	[tilespmem:s12+$0x7580] =	vst v3  }
0x1b4: {  	v39 =	vld [tilespmem:s12+$0x7410];
	v10 =	vmul.f32 v29, v34;
	[tilespmem:s12+$0x7590] =	vst v5  }
0x1b5: {  	v40 =	vld [tilespmem:s12+$0x7420];
	v8 =	vmul.f32 v33, v34;
	[tilespmem:s12+$0x7540] =	vst v19  }
0x1b6: {  	v43 =	vbroadcast v0, $0x8;
	v61 =	vld [tilespmem:s12+$0x7550];
	v6 =	vmul.f32 v35, v34;
	[tilespmem:s12+$0x7380] =	vst v10  }
0x1b7: {  	v16 =	vld [tilespmem:s12+$0x7000];
	v7 =	vmul.f32 v36, v34;
	[tilespmem:s12+$0x73C0] =	vst v8  }
0x1b8: {  	v37 =	vld [tilespmem:s12+$0x73F0];
	v9 =	vmul.f32 v38, v43;
	[tilespmem:s12+$0x73D0] =	vst v6  }
0x1b9: {  	v41 =	vld [tilespmem:s12+$0x7430];
	v11 =	vmul.f32 v39, v43;
	[tilespmem:s12+$0x73E0] =	vst v7  }
0x1ba: {  	v42 =	vld [tilespmem:s12+$0x7440];
	v12 =	vmul.f32 v40, v43;
	[tilespmem:s12+$0x7400] =	vst v9  }
0x1bb: {  	v44 =	vld [tilespmem:s12+$0x7450];
	v21 =	vmul.f32 v61, v4;
	[tilespmem:s12+$0x7410] =	vst v11  }
0x1bc: {  	v46 =	vld [tilespmem:s12+$0x7470];
	v25 =	vmul.f32 v1, v16;
	[tilespmem:s12+$0x7420] =	vst v12  }
0x1bd: {  	v47 =	vld [tilespmem:s12+$0x7480];
	v10 =	vmul.f32 v37, v34;
	[tilespmem:s12+$0x7550] =	vst v21  }
0x1be: {  	v48 =	vld [tilespmem:s12+$0x7490];
	v8 =	vmul.f32 v41, v43;
	[tilespmem:s12+$0x7000] =	vst v25  }
0x1bf: {  	v6 =	vmul.f32 v42, v43;
	[tilespmem:s12+$0x73F0] =	vst v10  }
0x1c0: {  	v52 =	vbroadcast v0, $0x9;
	v27 =	vld [tilespmem:s12+$0x75D0];
	v7 =	vmul.f32 v44, v43;
	[tilespmem:s12+$0x7430] =	vst v8  }
0x1c1: {  	v30 =	vld [tilespmem:s12+$0x7600];
	v9 =	vmul.f32 v46, v43;
	[tilespmem:s12+$0x7440] =	vst v6  }
0x1c2: {  	v28 =	vld [tilespmem:s12+$0x75E0];
	v3 =	vbroadcast v0, $0xF;
	v11 =	vmul.f32 v47, v52;
	[tilespmem:s12+$0x7450] =	vst v7  }
0x1c3: {  	v45 =	vld [tilespmem:s12+$0x7460];
	v12 =	vmul.f32 v48, v52;
	[tilespmem:s12+$0x7470] =	vst v9  }
0x1c4: {  	v49 =	vld [tilespmem:s12+$0x74A0];
	v35 =	vbroadcast v0, $0xC;
	v2 =	vmul.f32 v2, v3;
	[tilespmem:s12+$0x7480] =	vst v11  }
0x1c5: {  	v50 =	vld [tilespmem:s12+$0x74B0];
	v32 =	vmul.f32 v27, v24;
	[tilespmem:s12+$0x7490] =	vst v12  }
0x1c6: {  	v51 =	vld [tilespmem:s12+$0x74C0];
	v14 =	vmul.f32 v30, v35;
	[tilespmem:s12+$0x77D0] =	vst v2  }
0x1c7: {  	v54 =	vld [tilespmem:s12+$0x74E0];
	v40 =	vmul.f32 v28, v24;
	[tilespmem:s12+$0x75D0] =	vst v32  }
0x1c8: {  	v55 =	vld [tilespmem:s12+$0x74F0];
	v10 =	vmul.f32 v45, v43;
	[tilespmem:s12+$0x7600] =	vst v14  }
0x1c9: {  	v18 =	vld [tilespmem:s12+$0x7040];
	v8 =	vmul.f32 v49, v52;
	[tilespmem:s12+$0x75E0] =	vst v40  }
0x1ca: {  	v38 =	vld [tilespmem:s12+$0x7670];
	v6 =	vmul.f32 v50, v52;
	[tilespmem:s12+$0x7460] =	vst v10  }
0x1cb: {  	v29 =	vld [tilespmem:s12+$0x75F0];
	v7 =	vmul.f32 v51, v52;
	[tilespmem:s12+$0x74A0] =	vst v8  }
0x1cc: {  	v33 =	vld [tilespmem:s12+$0x7630];
	v9 =	vmul.f32 v54, v52;
	[tilespmem:s12+$0x74B0] =	vst v6  }
0x1cd: {  	v53 =	vld [tilespmem:s12+$0x74D0];
	v11 =	vmul.f32 v55, v52;
	[tilespmem:s12+$0x74C0] =	vst v7  }
0x1ce: {  	v57 =	vld [tilespmem:s12+$0x7510];
	v2 =	vmul.f32 v18, v1;
	[tilespmem:s12+$0x74E0] =	vst v9  }
0x1cf: {  	v58 =	vld [tilespmem:s12+$0x7520];
	v14 =	vmul.f32 v38, v35;
	[tilespmem:s12+$0x74F0] =	vst v11  }
0x1d0: {  	v59 =	vld [tilespmem:s12+$0x7530];
	v5 =	vmul.f32 v29, v24;
	[tilespmem:s12+$0x7040] =	vst v2  }
0x1d1: {  	v63 =	vld [tilespmem:s12+$0x7560];
	v62 =	vmul.f32 v33, v35;
	[tilespmem:s12+$0x7670] =	vst v14  }
0x1d2: {  	v17 =	vld [tilespmem:s12+$0x7010];
	v10 =	vmul.f32 v53, v52;
	[tilespmem:s12+$0x75F0] =	vst v5  }
0x1d3: {  	v20 =	vld [tilespmem:s12+$0x7050];
	v8 =	vmul.f32 v57, v4;
	[tilespmem:s12+$0x7630] =	vst v62  }
0x1d4: {  	v61 =	vld [tilespmem:s12+$0x77F0];
	v6 =	vmul.f32 v58, v4;
	[tilespmem:s12+$0x74D0] =	vst v10  }
0x1d5: {  	v46 =	vld [tilespmem:s12+$0x76E0];
	v7 =	vmul.f32 v59, v4;
	[tilespmem:s12+$0x7510] =	vst v8  }
0x1d6: {  	v22 =	vld [tilespmem:s12+$0x75A0];
	v4 =	vmul.f32 v63, v4;
	[tilespmem:s12+$0x7520] =	vst v6  }
0x1d7: {  	v23 =	vld [tilespmem:s12+$0x75B0];
	v11 =	vmul.f32 v17, v1;
	[tilespmem:s12+$0x7530] =	vst v7  }
0x1d8: {  	v26 =	vld [tilespmem:s12+$0x75C0];
	v44 =	vbroadcast v0, $0xD;
	v1 =	vmul.f32 v20, v1;
	[tilespmem:s12+$0x7560] =	vst v4  }
0x1d9: {  	v31 =	vld [tilespmem:s12+$0x7610];
	v63 =	vmul.f32 v61, v3;
	[tilespmem:s12+$0x7010] =	vst v11  }
0x1da: {  	v34 =	vld [tilespmem:s12+$0x7640];
	v51 =	vmul.f32 v46, v44;
	[tilespmem:s12+$0x7050] =	vst v1  }
0x1db: {  	v41 =	vld [tilespmem:s12+$0x76A0];
	v6 =	vmul.f32 v22, v24;
	[tilespmem:s12+$0x77F0] =	vst v63  }
0x1dc: {  	v7 =	vmul.f32 v23, v24;
	v1 =	vld [tilespmem:s12+$0x7690];
	[tilespmem:s12+$0x76E0] =	vst v51  }
0x1dd: {  	v49 =	vld [tilespmem:s12+$0x7720];
	v4 =	vmul.f32 v26, v24;
	[tilespmem:s12+$0x75A0] =	vst v6  }
0x1de: {  	v50 =	vld [tilespmem:s12+$0x7730];
	v8 =	vmul.f32 v31, v35;
	[tilespmem:s12+$0x75B0] =	vst v7  }
0x1df: {  	v36 =	vld [tilespmem:s12+$0x7650];
	v11 =	vmul.f32 v34, v35;
	[tilespmem:s12+$0x75C0] =	vst v4  }
0x1e0: {  	v37 =	vld [tilespmem:s12+$0x7660];
	v0 =	vbroadcast v0, $0xE;
	v10 =	vmul.f32 v41, v44;
	[tilespmem:s12+$0x7610] =	vst v8  }
0x1e1: {  	v39 =	vld [tilespmem:s12+$0x7680];
	[tilespmem:s12+$0x7640] =	vst v11;
	v1 =	vmul.f32 v1, v44  }
0x1e2: {  	v42 =	vld [tilespmem:s12+$0x76B0];
	v9 =	vmul.f32 v49, v0;
	[tilespmem:s12+$0x76A0] =	vst v10  }
0x1e3: {  	v5 =	vmul.f32 v50, v0;
	[tilespmem:s12+$0x7690] =	vst v1;
	v1 =	vld [tilespmem:s12+$0x7700]  }
0x1e4: {  	v48 =	vld [tilespmem:s12+$0x7710];
	v7 =	vmul.f32 v36, v35;
	[tilespmem:s12+$0x7720] =	vst v9  }
0x1e5: {  	v57 =	vld [tilespmem:s12+$0x77A0];
	v4 =	vmul.f32 v37, v35;
	[tilespmem:s12+$0x7730] =	vst v5  }
0x1e6: {  	v45 =	vld [tilespmem:s12+$0x76D0];
	v8 =	vmul.f32 v39, v44;
	[tilespmem:s12+$0x7650] =	vst v7  }
0x1e7: {  	v47 =	vld [tilespmem:s12+$0x76F0];
	v11 =	vmul.f32 v42, v44;
	[tilespmem:s12+$0x7660] =	vst v4  }
0x1e8: {  	v43 =	vld [tilespmem:s12+$0x76C0];
	[tilespmem:s12+$0x7680] =	vst v8;
	v1 =	vmul.f32 v1, v0  }
0x1e9: {  	v55 =	vld [tilespmem:s12+$0x7780];
	v10 =	vmul.f32 v48, v0;
	[tilespmem:s12+$0x76B0] =	vst v11  }
0x1ea: {  	v5 =	vmul.f32 v57, v3;
	[tilespmem:s12+$0x7700] =	vst v1;
	v1 =	vld [tilespmem:s12+$0x7770]  }
0x1eb: {  	v52 =	vld [tilespmem:s12+$0x7740];
	v4 =	vmul.f32 v45, v44;
	[tilespmem:s12+$0x7710] =	vst v10  }
0x1ec: {  	v56 =	vld [tilespmem:s12+$0x7790];
	v8 =	vmul.f32 v47, v44;
	[tilespmem:s12+$0x77A0] =	vst v5  }
0x1ed: {  	v54 =	vld [tilespmem:s12+$0x7760];
	v7 =	vmul.f32 v43, v44;
	[tilespmem:s12+$0x76D0] =	vst v4  }
0x1ee: {  	v58 =	vld [tilespmem:s12+$0x77B0];
	v10 =	vmul.f32 v55, v3;
	[tilespmem:s12+$0x76F0] =	vst v8  }
0x1ef: {  	v53 =	vld [tilespmem:s12+$0x7750];
	[tilespmem:s12+$0x76C0] =	vst v7;
	v1 =	vmul.f32 v1, v0  }
0x1f0: {  	v59 =	vld [tilespmem:s12+$0x77C0];
	v4 =	vmul.f32 v52, v0;
	[tilespmem:s12+$0x7780] =	vst v10  }
0x1f1: {  	v60 =	vld [tilespmem:s12+$0x77E0];
	[tilespmem:s12+$0x7770] =	vst v1;
	v1 =	vmul.f32 v56, v3  }
0x1f2: {  	v8 =	vmul.f32 v54, v0;
	[tilespmem:s12+$0x7740] =	vst v4  }
0x1f3: {  	v2 =	vld [tilespmem:s12+$0x7620];
	[tilespmem:s12+$0x7790] =	vst v1;
	v1 =	vmul.f32 v58, v3  }
0x1f4: {  	[tilespmem:s12+$0x7760] =	vst v8;
	v0 =	vmul.f32 v53, v0  }
0x1f5: {  	[tilespmem:s12+$0x77B0] =	vst v1;
	v1 =	vmul.f32 v59, v3  }
0x1f6: {  	[tilespmem:s12+$0x7750] =	vst v0;
	v3 =	vmul.f32 v60, v3  }
0x1f7: {  	[tilespmem:s12+$0x77C0] =	vst v1  }
0x1f8: {  	s13 =	simm.s32 $0x1;
	v1 =	vmul.f32 v2, v35;
	[tilespmem:s12+$0x77E0] =	vst v3  }
.LBB2_5:
0x1f9: {  	s14 =	sshll.u32 s13, $0x4  }
0x1fa: {  	p1 =	sne.s32 s13, $0x3;
	[tilespmem:s12+$0x7620] =	vst v1;
	s12 =	smov.u32 s13;
	s13 =	sadd.s32 $0x1, s13  }
0x1fb: {  	s14 =	sand.u32 $0x3FFFFFF0, s14  }
0x1fc: {  	s12 =	sshll.u32 s12, $0xB;
	v0 =	vld [tilespmem:s14+$0x1D180]  }
0x1fd: {  	s12 =	sand.u32 $0x3FFFF800, s12  }
0x1fe: {  	v7 =	vld [tilespmem:s12+$0x70C0]  }
0x1ff: {  	v8 =	vld [tilespmem:s12+$0x70D0]  }
0x200: {  	v9 =	vld [tilespmem:s12+$0x70B0]  }
0x201: {  	v1 =	vbroadcast v0, $0x0;
	v2 =	vld [tilespmem:s12+$0x7020];
	v6 =	vbroadcast v0, $0x4  }
0x202: {  	v4 =	vld [tilespmem:s12+$0x7030]  }
0x203: {  	v5 =	vld [tilespmem:s12+$0x7570]  }
0x204: {  	v10 =	vld [tilespmem:s12+$0x7060]  }
0x205: {  	v11 =	vld [tilespmem:s12+$0x7070]  }
0x206: {  	v3 =	vbroadcast v0, $0xA;
	v2 =	vmul.f32 v2, v1;
	v12 =	vld [tilespmem:s12+$0x7080]  }
0x207: {  	v4 =	vmul.f32 v4, v1;
	v13 =	vld [tilespmem:s12+$0x7090]  }
0x208: {  	[tilespmem:s12+$0x7020] =	vst v2;
	v14 =	vld [tilespmem:s12+$0x70A0];
	v2 =	vmul.f32 v5, v3  }
0x209: {  	[tilespmem:s12+$0x7030] =	vst v4;
	v5 =	vmul.f32 v10, v1;
	v10 =	vbroadcast v0, $0x1;
	v4 =	vld [tilespmem:s12+$0x7580]  }
0x20a: {  	v11 =	vmul.f32 v11, v1;
	[tilespmem:s12+$0x7570] =	vst v2;
	v2 =	vld [tilespmem:s12+$0x77D0]  }
0x20b: {  	[tilespmem:s12+$0x7060] =	vst v5;
	v12 =	vmul.f32 v12, v10;
	v5 =	vld [tilespmem:s12+$0x7590]  }
0x20c: {  	[tilespmem:s12+$0x7070] =	vst v11;
	v11 =	vmul.f32 v13, v10;
	v13 =	vld [tilespmem:s12+$0x70E0]  }
0x20d: {  	[tilespmem:s12+$0x7080] =	vst v12;
	v12 =	vmul.f32 v14, v10;
	v14 =	vld [tilespmem:s12+$0x70F0]  }
0x20e: {  	v9 =	vmul.f32 v9, v10;
	[tilespmem:s12+$0x7090] =	vst v11;
	v11 =	vld [tilespmem:s12+$0x7100]  }
0x20f: {  	v7 =	vmul.f32 v7, v10;
	[tilespmem:s12+$0x70A0] =	vst v12;
	v12 =	vld [tilespmem:s12+$0x7110]  }
0x210: {  	v8 =	vmul.f32 v8, v10;
	[tilespmem:s12+$0x70B0] =	vst v9;
	v9 =	vld [tilespmem:s12+$0x7120]  }
0x211: {  	[tilespmem:s12+$0x70C0] =	vst v7;
	v7 =	vmul.f32 v13, v10;
	v13 =	vbroadcast v0, $0x2;
	v15 =	vld [tilespmem:s12+$0x7130]  }
0x212: {  	[tilespmem:s12+$0x70D0] =	vst v8;
	v8 =	vmul.f32 v14, v10;
	v10 =	vld [tilespmem:s12+$0x7140]  }
0x213: {  	[tilespmem:s12+$0x70E0] =	vst v7;
	v7 =	vmul.f32 v11, v13;
	v11 =	vld [tilespmem:s12+$0x7150]  }
0x214: {  	[tilespmem:s12+$0x70F0] =	vst v8;
	v8 =	vmul.f32 v12, v13;
	v12 =	vld [tilespmem:s12+$0x7160]  }
0x215: {  	[tilespmem:s12+$0x7100] =	vst v7;
	v7 =	vmul.f32 v9, v13;
	v9 =	vld [tilespmem:s12+$0x7170]  }
0x216: {  	[tilespmem:s12+$0x7110] =	vst v8;
	v8 =	vmul.f32 v15, v13;
	v14 =	vld [tilespmem:s12+$0x7180]  }
0x217: {  	[tilespmem:s12+$0x7120] =	vst v7;
	v7 =	vmul.f32 v10, v13;
	v10 =	vld [tilespmem:s12+$0x7190]  }
0x218: {  	[tilespmem:s12+$0x7130] =	vst v8;
	v8 =	vmul.f32 v11, v13;
	v11 =	vld [tilespmem:s12+$0x71A0]  }
0x219: {  	[tilespmem:s12+$0x7140] =	vst v7;
	v7 =	vmul.f32 v12, v13;
	v12 =	vbroadcast v0, $0x3;
	v15 =	vld [tilespmem:s12+$0x71B0]  }
0x21a: {  	[tilespmem:s12+$0x7150] =	vst v8;
	v8 =	vmul.f32 v9, v13;
	v9 =	vld [tilespmem:s12+$0x71C0]  }
0x21b: {  	[tilespmem:s12+$0x7160] =	vst v7;
	v7 =	vmul.f32 v14, v12;
	v13 =	vld [tilespmem:s12+$0x71D0]  }
0x21c: {  	[tilespmem:s12+$0x7170] =	vst v8;
	v8 =	vmul.f32 v10, v12;
	v10 =	vld [tilespmem:s12+$0x71E0]  }
0x21d: {  	[tilespmem:s12+$0x7180] =	vst v7;
	v7 =	vmul.f32 v11, v12;
	v11 =	vld [tilespmem:s12+$0x71F0]  }
0x21e: {  	[tilespmem:s12+$0x7190] =	vst v8;
	v8 =	vmul.f32 v15, v12;
	v14 =	vld [tilespmem:s12+$0x7200]  }
0x21f: {  	[tilespmem:s12+$0x71A0] =	vst v7;
	v7 =	vmul.f32 v9, v12;
	v9 =	vld [tilespmem:s12+$0x7210]  }
0x220: {  	[tilespmem:s12+$0x71B0] =	vst v8;
	v8 =	vmul.f32 v13, v12;
	v13 =	vld [tilespmem:s12+$0x7220]  }
0x221: {  	[tilespmem:s12+$0x71C0] =	vst v7;
	v7 =	vmul.f32 v10, v12;
	v10 =	vld [tilespmem:s12+$0x7230]  }
0x222: {  	[tilespmem:s12+$0x71D0] =	vst v8;
	v8 =	vmul.f32 v11, v12;
	v11 =	vld [tilespmem:s12+$0x7240]  }
0x223: {  	[tilespmem:s12+$0x71E0] =	vst v7;
	v7 =	vmul.f32 v14, v6;
	v12 =	vld [tilespmem:s12+$0x7250]  }
0x224: {  	[tilespmem:s12+$0x71F0] =	vst v8;
	v8 =	vmul.f32 v9, v6;
	v9 =	vld [tilespmem:s12+$0x7260]  }
0x225: {  	[tilespmem:s12+$0x7200] =	vst v7;
	v7 =	vmul.f32 v13, v6;
	v13 =	vld [tilespmem:s12+$0x7270]  }
0x226: {  	[tilespmem:s12+$0x7210] =	vst v8;
	v8 =	vmul.f32 v10, v6;
	v10 =	vld [tilespmem:s12+$0x7280]  }
0x227: {  	[tilespmem:s12+$0x7220] =	vst v7;
	v7 =	vmul.f32 v11, v6;
	v11 =	vld [tilespmem:s12+$0x7290]  }
0x228: {  	[tilespmem:s12+$0x7230] =	vst v8;
	v8 =	vmul.f32 v12, v6;
	v12 =	vld [tilespmem:s12+$0x72A0]  }
0x229: {  	[tilespmem:s12+$0x7240] =	vst v7;
	v7 =	vmul.f32 v9, v6;
	v9 =	vbroadcast v0, $0x5;
	v14 =	vld [tilespmem:s12+$0x72B0]  }
0x22a: {  	[tilespmem:s12+$0x7250] =	vst v8;
	v6 =	vmul.f32 v13, v6;
	v8 =	vld [tilespmem:s12+$0x72C0]  }
0x22b: {  	[tilespmem:s12+$0x7260] =	vst v7;
	v7 =	vmul.f32 v10, v9;
	v10 =	vld [tilespmem:s12+$0x72D0]  }
0x22c: {  	[tilespmem:s12+$0x7270] =	vst v6;
	v6 =	vmul.f32 v11, v9;
	v11 =	vld [tilespmem:s12+$0x72E0]  }
0x22d: {  	[tilespmem:s12+$0x7280] =	vst v7;
	v7 =	vmul.f32 v12, v9;
	v12 =	vld [tilespmem:s12+$0x72F0]  }
0x22e: {  	[tilespmem:s12+$0x7290] =	vst v6;
	v6 =	vmul.f32 v14, v9;
	v13 =	vld [tilespmem:s12+$0x7300]  }
0x22f: {  	[tilespmem:s12+$0x72A0] =	vst v7;
	v7 =	vmul.f32 v8, v9;
	v8 =	vld [tilespmem:s12+$0x7310]  }
0x230: {  	[tilespmem:s12+$0x72B0] =	vst v6;
	v6 =	vmul.f32 v10, v9;
	v10 =	vld [tilespmem:s12+$0x7320]  }
0x231: {  	[tilespmem:s12+$0x72C0] =	vst v7;
	v7 =	vmul.f32 v11, v9;
	v11 =	vbroadcast v0, $0x6;
	v14 =	vld [tilespmem:s12+$0x7330]  }
0x232: {  	[tilespmem:s12+$0x72D0] =	vst v6;
	v6 =	vmul.f32 v12, v9;
	v9 =	vld [tilespmem:s12+$0x7340]  }
0x233: {  	[tilespmem:s12+$0x72E0] =	vst v7;
	v7 =	vmul.f32 v13, v11;
	v12 =	vld [tilespmem:s12+$0x7350]  }
0x234: {  	[tilespmem:s12+$0x72F0] =	vst v6;
	v6 =	vmul.f32 v8, v11;
	v8 =	vld [tilespmem:s12+$0x7360]  }
0x235: {  	[tilespmem:s12+$0x7300] =	vst v7;
	v7 =	vmul.f32 v10, v11;
	v10 =	vld [tilespmem:s12+$0x7370]  }
0x236: {  	[tilespmem:s12+$0x7310] =	vst v6;
	v6 =	vmul.f32 v14, v11;
	v13 =	vld [tilespmem:s12+$0x7380]  }
0x237: {  	[tilespmem:s12+$0x7320] =	vst v7;
	v7 =	vmul.f32 v9, v11;
	v9 =	vld [tilespmem:s12+$0x7390]  }
0x238: {  	[tilespmem:s12+$0x7330] =	vst v6;
	v6 =	vmul.f32 v12, v11;
	v12 =	vld [tilespmem:s12+$0x73A0]  }
0x239: {  	[tilespmem:s12+$0x7340] =	vst v7;
	v7 =	vmul.f32 v8, v11;
	v8 =	vbroadcast v0, $0x7;
	v14 =	vld [tilespmem:s12+$0x73B0]  }
0x23a: {  	[tilespmem:s12+$0x7350] =	vst v6;
	v6 =	vmul.f32 v10, v11;
	v10 =	vld [tilespmem:s12+$0x73C0]  }
0x23b: {  	[tilespmem:s12+$0x7360] =	vst v7;
	v7 =	vmul.f32 v13, v8;
	v11 =	vld [tilespmem:s12+$0x73D0]  }
0x23c: {  	[tilespmem:s12+$0x7370] =	vst v6;
	v6 =	vmul.f32 v9, v8;
	v9 =	vld [tilespmem:s12+$0x73E0]  }
0x23d: {  	[tilespmem:s12+$0x7380] =	vst v7;
	v7 =	vmul.f32 v12, v8;
	v12 =	vld [tilespmem:s12+$0x73F0]  }
0x23e: {  	[tilespmem:s12+$0x7390] =	vst v6;
	v6 =	vmul.f32 v14, v8;
	v13 =	vld [tilespmem:s12+$0x7400]  }
0x23f: {  	[tilespmem:s12+$0x73A0] =	vst v7;
	v7 =	vmul.f32 v10, v8;
	v10 =	vld [tilespmem:s12+$0x7410]  }
0x240: {  	[tilespmem:s12+$0x73B0] =	vst v6;
	v6 =	vmul.f32 v11, v8;
	v11 =	vld [tilespmem:s12+$0x7420]  }
0x241: {  	[tilespmem:s12+$0x73C0] =	vst v7;
	v7 =	vmul.f32 v9, v8;
	v9 =	vbroadcast v0, $0x8;
	v14 =	vld [tilespmem:s12+$0x7430]  }
0x242: {  	[tilespmem:s12+$0x73D0] =	vst v6;
	v6 =	vmul.f32 v12, v8;
	v8 =	vld [tilespmem:s12+$0x7440]  }
0x243: {  	[tilespmem:s12+$0x73E0] =	vst v7;
	v7 =	vmul.f32 v13, v9;
	v12 =	vld [tilespmem:s12+$0x7450]  }
0x244: {  	[tilespmem:s12+$0x73F0] =	vst v6;
	v6 =	vmul.f32 v10, v9;
	v10 =	vld [tilespmem:s12+$0x7460]  }
0x245: {  	[tilespmem:s12+$0x7400] =	vst v7;
	v7 =	vmul.f32 v11, v9;
	v11 =	vld [tilespmem:s12+$0x7470]  }
0x246: {  	[tilespmem:s12+$0x7410] =	vst v6;
	v6 =	vmul.f32 v14, v9;
	v13 =	vld [tilespmem:s12+$0x7480]  }
0x247: {  	[tilespmem:s12+$0x7420] =	vst v7;
	v7 =	vmul.f32 v8, v9;
	v8 =	vld [tilespmem:s12+$0x7490]  }
0x248: {  	[tilespmem:s12+$0x7430] =	vst v6;
	v6 =	vmul.f32 v12, v9;
	v12 =	vld [tilespmem:s12+$0x74A0]  }
0x249: {  	[tilespmem:s12+$0x7440] =	vst v7;
	v7 =	vmul.f32 v10, v9;
	v10 =	vbroadcast v0, $0x9;
	v14 =	vld [tilespmem:s12+$0x74B0]  }
0x24a: {  	[tilespmem:s12+$0x7450] =	vst v6;
	v6 =	vmul.f32 v11, v9;
	v9 =	vld [tilespmem:s12+$0x74C0]  }
0x24b: {  	[tilespmem:s12+$0x7460] =	vst v7;
	v7 =	vmul.f32 v13, v10;
	v11 =	vld [tilespmem:s12+$0x74D0]  }
0x24c: {  	[tilespmem:s12+$0x7470] =	vst v6;
	v6 =	vmul.f32 v8, v10;
	v8 =	vld [tilespmem:s12+$0x74E0]  }
0x24d: {  	[tilespmem:s12+$0x7480] =	vst v7;
	v7 =	vmul.f32 v12, v10;
	v12 =	vld [tilespmem:s12+$0x74F0]  }
0x24e: {  	[tilespmem:s12+$0x7490] =	vst v6;
	v6 =	vmul.f32 v14, v10;
	v13 =	vld [tilespmem:s12+$0x7500]  }
0x24f: {  	[tilespmem:s12+$0x74A0] =	vst v7;
	v7 =	vmul.f32 v9, v10;
	v9 =	vld [tilespmem:s12+$0x7510]  }
0x250: {  	[tilespmem:s12+$0x74B0] =	vst v6;
	v6 =	vmul.f32 v11, v10;
	v11 =	vld [tilespmem:s12+$0x7520]  }
0x251: {  	[tilespmem:s12+$0x74C0] =	vst v7;
	v7 =	vmul.f32 v8, v10;
	v8 =	vld [tilespmem:s12+$0x7530]  }
0x252: {  	[tilespmem:s12+$0x74D0] =	vst v6;
	v6 =	vmul.f32 v12, v10;
	v10 =	vld [tilespmem:s12+$0x7540]  }
0x253: {  	[tilespmem:s12+$0x74E0] =	vst v7;
	v7 =	vmul.f32 v13, v3;
	v12 =	vld [tilespmem:s12+$0x7550]  }
0x254: {  	[tilespmem:s12+$0x74F0] =	vst v6;
	v6 =	vmul.f32 v9, v3;
	v9 =	vld [tilespmem:s12+$0x7560]  }
0x255: {  	v13 =	vld [tilespmem:s12+$0x7000];
	[tilespmem:s12+$0x7500] =	vst v7;
	v7 =	vmul.f32 v11, v3  }
0x256: {  	v11 =	vld [tilespmem:s12+$0x7010];
	[tilespmem:s12+$0x7510] =	vst v6;
	v6 =	vmul.f32 v8, v3  }
0x257: {  	v8 =	vld [tilespmem:s12+$0x7040];
	[tilespmem:s12+$0x7520] =	vst v7;
	v7 =	vmul.f32 v10, v3  }
0x258: {  	v10 =	vld [tilespmem:s12+$0x7050];
	[tilespmem:s12+$0x7530] =	vst v6;
	v6 =	vmul.f32 v12, v3  }
0x259: {  	[tilespmem:s12+$0x7540] =	vst v7;
	v7 =	vmul.f32 v9, v3;
	v9 =	vbroadcast v0, $0xB;
	v12 =	vld [tilespmem:s12+$0x75A0]  }
0x25a: {  	v3 =	vbroadcast v0, $0xF;
	v13 =	vmul.f32 v1, v13;
	[tilespmem:s12+$0x7550] =	vst v6;
	v6 =	vld [tilespmem:s12+$0x75B0]  }
0x25b: {  	v11 =	vmul.f32 v11, v1;
	[tilespmem:s12+$0x7560] =	vst v7;
	v4 =	vmul.f32 v4, v9;
	v7 =	vld [tilespmem:s12+$0x75C0]  }
0x25c: {  	v5 =	vmul.f32 v5, v9;
	[tilespmem:s12+$0x7000] =	vst v13;
	v8 =	vmul.f32 v8, v1;
	v13 =	vld [tilespmem:s12+$0x75D0]  }
0x25d: {  	v2 =	vmul.f32 v2, v3;
	v10 =	vmul.f32 v10, v1;
	[tilespmem:s12+$0x7580] =	vst v4;
	v1 =	vld [tilespmem:s12+$0x75E0]  }
0x25e: {  	[tilespmem:s12+$0x7590] =	vst v5;
	v4 =	vmul.f32 v12, v9;
	v5 =	vld [tilespmem:s12+$0x75F0]  }
0x25f: {  	v6 =	vmul.f32 v6, v9;
	v12 =	vld [tilespmem:s12+$0x7600];
	[tilespmem:s12+$0x77D0] =	vst v2  }
0x260: {  	[tilespmem:s12+$0x7010] =	vst v11;
	v2 =	vmul.f32 v7, v9;
	v7 =	vld [tilespmem:s12+$0x7610]  }
0x261: {  	[tilespmem:s12+$0x7040] =	vst v8;
	v8 =	vmul.f32 v13, v9;
	v11 =	vld [tilespmem:s12+$0x7620]  }
0x262: {  	v13 =	vbroadcast v0, $0xC;
	[tilespmem:s12+$0x75A0] =	vst v4;
	v4 =	vmul.f32 v1, v9;
	v14 =	vld [tilespmem:s12+$0x7630]  }
0x263: {  	[tilespmem:s12+$0x75D0] =	vst v8;
	v5 =	vmul.f32 v5, v9;
	v8 =	vld [tilespmem:s12+$0x7640]  }
0x264: {  	[tilespmem:s12+$0x75B0] =	vst v6;
	v1 =	vmul.f32 v12, v13;
	v6 =	vld [tilespmem:s12+$0x7650]  }
0x265: {  	[tilespmem:s12+$0x75C0] =	vst v2;
	v2 =	vmul.f32 v7, v13;
	v7 =	vld [tilespmem:s12+$0x7660]  }
0x266: {  	[tilespmem:s12+$0x7600] =	vst v1;
	v1 =	vmul.f32 v11, v13;
	v9 =	vld [tilespmem:s12+$0x7670]  }
0x267: {  	[tilespmem:s12+$0x7610] =	vst v2;
	v2 =	vld [tilespmem:s12+$0x7680]  }
0x268: {  	[tilespmem:s12+$0x7050] =	vst v10;
	v8 =	vmul.f32 v8, v13;
	v10 =	vld [tilespmem:s12+$0x7690]  }
0x269: {  	[tilespmem:s12+$0x75E0] =	vst v4;
	v4 =	vmul.f32 v6, v13;
	v6 =	vld [tilespmem:s12+$0x76A0]  }
0x26a: {  	[tilespmem:s12+$0x7640] =	vst v8;
	v7 =	vmul.f32 v7, v13;
	v8 =	vbroadcast v0, $0xD;
	v11 =	vld [tilespmem:s12+$0x76B0]  }
0x26b: {  	[tilespmem:s12+$0x7650] =	vst v4;
	v4 =	vmul.f32 v9, v13;
	v9 =	vld [tilespmem:s12+$0x76C0]  }
0x26c: {  	[tilespmem:s12+$0x7660] =	vst v7;
	v2 =	vmul.f32 v2, v8;
	v7 =	vld [tilespmem:s12+$0x76D0]  }
0x26d: {  	[tilespmem:s12+$0x7670] =	vst v4;
	v4 =	vmul.f32 v10, v8;
	v10 =	vld [tilespmem:s12+$0x76E0]  }
0x26e: {  	[tilespmem:s12+$0x7680] =	vst v2;
	v2 =	vmul.f32 v6, v8;
	v6 =	vld [tilespmem:s12+$0x76F0]  }
0x26f: {  	[tilespmem:s12+$0x7690] =	vst v4;
	v4 =	vmul.f32 v11, v8;
	v11 =	vld [tilespmem:s12+$0x7700]  }
0x270: {  	[tilespmem:s12+$0x76A0] =	vst v2;
	v2 =	vmul.f32 v9, v8;
	v9 =	vld [tilespmem:s12+$0x7710]  }
0x271: {  	[tilespmem:s12+$0x76B0] =	vst v4;
	v4 =	vmul.f32 v7, v8;
	v7 =	vld [tilespmem:s12+$0x7720]  }
0x272: {  	v0 =	vbroadcast v0, $0xE;
	[tilespmem:s12+$0x75F0] =	vst v5;
	v5 =	vmul.f32 v10, v8;
	v10 =	vld [tilespmem:s12+$0x7730]  }
0x273: {  	[tilespmem:s12+$0x76D0] =	vst v4;
	v4 =	vmul.f32 v6, v8;
	v6 =	vld [tilespmem:s12+$0x7740]  }
0x274: {  	[tilespmem:s12+$0x76E0] =	vst v5;
	v5 =	vmul.f32 v11, v0;
	v8 =	vld [tilespmem:s12+$0x7750]  }
0x275: {  	[tilespmem:s12+$0x76F0] =	vst v4;
	v4 =	vmul.f32 v9, v0;
	v9 =	vld [tilespmem:s12+$0x7760]  }
0x276: {  	[tilespmem:s12+$0x7700] =	vst v5;
	v5 =	vmul.f32 v7, v0;
	v7 =	vld [tilespmem:s12+$0x7770]  }
0x277: {  	[tilespmem:s12+$0x7710] =	vst v4;
	v4 =	vmul.f32 v10, v0;
	v10 =	vld [tilespmem:s12+$0x7780]  }
0x278: {  	[tilespmem:s12+$0x7720] =	vst v5;
	v5 =	vmul.f32 v6, v0;
	v6 =	vld [tilespmem:s12+$0x7790]  }
0x279: {  	[tilespmem:s12+$0x7730] =	vst v4;
	v4 =	vmul.f32 v8, v0;
	v8 =	vld [tilespmem:s12+$0x77A0]  }
0x27a: {  	[tilespmem:s12+$0x7740] =	vst v5;
	v5 =	vmul.f32 v9, v0;
	v9 =	vld [tilespmem:s12+$0x77B0]  }
0x27b: {  	[tilespmem:s12+$0x76C0] =	vst v2;
	v0 =	vmul.f32 v7, v0;
	v2 =	vld [tilespmem:s12+$0x77C0]  }
0x27c: {  	[tilespmem:s12+$0x7760] =	vst v5;
	v5 =	vmul.f32 v10, v3;
	v7 =	vld [tilespmem:s12+$0x77E0]  }
0x27d: {  	[tilespmem:s12+$0x7770] =	vst v0;
	v0 =	vmul.f32 v6, v3;
	v6 =	vld [tilespmem:s12+$0x77F0]  }
0x27e: {  	[tilespmem:s12+$0x7780] =	vst v5;
	v5 =	vmul.f32 v8, v3  }
0x27f: {  	[tilespmem:s12+$0x7790] =	vst v0;
	v0 =	vmul.f32 v9, v3  }
0x280: {  	v8 =	vmul.f32 v14, v13;
	[tilespmem:s12+$0x77A0] =	vst v5  }
0x281: {  	[tilespmem:s12+$0x77B0] =	vst v0;
	v0 =	vmul.f32 v2, v3  }
.Ltmp1:
0x282: {  	[tilespmem:s12+$0x7630] =	vst v8;
	v2 =	vmul.f32 v6, v3;
	(pc) =	sbr.rel @p1 .LBB2_5-.Ltmp1, $4  }
0x283: {  	[tilespmem:s12+$0x77C0] =	vst v0  }
0x284: {  	v0 =	vmul.f32 v7, v3;
	[tilespmem:s12+$0x77F0] =	vst v2  }
0x285: {  	[tilespmem:s12+$0x7750] =	vst v4  }
0x286: {  	[tilespmem:s12+$0x77E0] =	vst v0  }
0x287: {  	s11 =	sadd.s32 $0x1, s11  }
0x288: {  	p1 =	sne.s32 s11, $0x50  }
.Ltmp2:
0x289: {  	_ = 	snop;
	(pc) =	sbr.rel @p1 .LBB2_2-.Ltmp2, $3  }
0x28a: {  	_ =	sdelay $0x1  }
0x28b: {  	[tilespmem:s12+$0x7620] =	vst v1  }
0x28c: {  	[spmem:s3] =	stream.indirect.scatter.add.f32 [tilespmem:s28], [sflag:$0x4], $0x80, s29, s20, $0xb8;
	[tilespmem:$0x1D200] =	vst v63  }
0x28d: {  	_ =	swait.ge [sflag:s8], $0x2000  }
0x28e: {  	[sflag:s8] =	ssyncset.done $0x0  }
0x28f: {  	s11 =	stileid.u32;
	[sflag:s8] =	ssyncadd.s32 $0xFFFFE000  }
0x290: {  	s11 =	sshll.u32 s11, $0x6;
	[bflag:$0x0] =	sbarrier.arrive $0xFFFF  }
0x291: {  	s12 =	sshrl.u32 s9, $0x3;
	s11 =	sor.u32 $0x1C09, s11;
	s13 =	rddreg [dreg:$0x9]  }
0x292: {  	[hbm:s13], [sflag:s11] =	dma.local [spmem:s12], $0x2800  }
0x293: {  	_ =	swait.ge [sflag:s16], $0x2800  }
0x294: {  	s10 =	sadd.s32 $0x1, s10;
	s15 =	rddreg [dreg:$0xa]  }
0x295: {  	p1 =	sne.s32 s10, s15  }
.Ltmp3:
0x296: {  	_ = 	snop;
	(pc) =	sbr.rel @p1 .LBB2_1-.Ltmp3, $3  }
0x297: {  	_ =	sdelay $0x1  }
0x298: {  	[sflag:s16] =	ssyncset.done $0x0  }
0x299: {  	[sflag:s16] =	ssyncadd.s32 $0xFFFFD800  }
0x29a: {  	_ =	sfence.sel $0x180000  }
0x29b: {  	[bflag:$0x0] =	sbarrier.arrive $0xFFFF  }
0x29c: {  	_ =	strace $0x9000004A  }
0x29d: {  	s0 =	stileid.u32;
	[bflag:$0x2] =	sbarrier.arrive $0xFFFF  }
0x29e: {  	p0 =	sne.s32 s0, $0x0;
	s0 =	rddreg [dreg:$0x3]  }
0x29f: {  	s0 =	sadd.s32 @!p0 $0x100000, s0  }
0x2a0: {  	[sflag:s0] =	ssyncadd.tile.s32 @!p0 $0x1;
	_ =	shalt  }
.Lfunc_end2:
_tile_overlayer_lowered:
.L_overlay_start_2:
0x2a1: {  	(tag) =	ssettag $0x2  }
0x2a2: {  	s0 =	rddreg [dreg:$0x0];
	s2 =	stileid.u32  }
0x2a3: {  	s1 =	rddreg [dreg:$0x1];
	p0 =	sne.s32 s2, $0x0  }
0x2a4: {  	s3 =	rddreg [dreg:$0x2];
	[bflag:$0x3] =	sbarrier.arrive $0xFFFF;
	s2 =	simm.s32 @!p0 $0x1C09  }
0x2a5: {  	[timem:s3], [sflag:s2] =	dma.local @!p0 [hbm:s0], s1  }
0x2a6: {  	s0 =	simm.s32 @!p0 $0x9  }
0x2a7: {  	_ =	swait.ge @!p0 [sflag:s0], s1  }
0x2a8: {  	s1 =	ssub.s32 @!p0 $0x0, s1;
	[sflag:s0] =	ssyncset.done @!p0 $0x0  }
0x2a9: {  	[sflag:s0] =	ssyncadd.s32 @!p0 s1  }
0x2aa: {  	[bflag:$0x3] =	sbarrier.arrive $0xFFFF  }
0x2ab: {  	_ =	shalt  }

// kernel: kernel.14.cloned.1.call-start
scs
__scs_entry_jumppad:
0x0: {  	(pc) =	sbr.rel $0x88, $3  }
0x1: {  	(tag) =	ssettag $0x0;
	lr =	simm.s32 $0x1  }
0x2: {  	[smem:$0x3F98] =	sst lr;
	_ =	strace $0xD0000000  }
0x3: {  	_ = 	snop  }
0x4: {  	_ = 	snop  }
0x5: {  	_ = 	snop  }
0x6: {  	_ = 	snop  }
0x7: {  	_ = 	snop  }
__scs_overlays_trampoline_lowered:
0x8: {  	[smem:$0x3FA7] =	sst s0  }
0x9: {  	[smem:$0x3FA8] =	sst s1  }
0xa: {  	[smem:$0x3FA9] =	sst s2  }
0xb: {  	[smem:$0x3FAA] =	sst s3  }
0xc: {  	[smem:$0x3FAB] =	sst s4  }
0xd: {  	[smem:$0x3FAC] =	sst s5  }
0xe: {  	[smem:$0x3FAD] =	sst s6  }
0xf: {  	[smem:$0x3FAE] =	sst s7  }
0x10: {  	[smem:$0x3FAF] =	sst s8  }
0x11: {  	[smem:$0x3FB0] =	sst s9;
	s0 =	simm.s32 @!p0 $0x0  }
0x12: {  	s1 =	sld [smem:$0x3F96];
	s0 =	simm.s32 @p0 $0x1  }
0x13: {  	[smem:$0x3FB1] =	sst s0;
	s0 =	simm.s32 @!p1 $0x0  }
0x14: {  	s2 =	sld [smem:$0x3F95];
	s0 =	simm.s32 @p1 $0x1  }
0x15: {  	[smem:$0x3FB2] =	sst s0;
	s0 =	simm.s32 @!p2 $0x0  }
0x16: {  	s3 =	sld [smem:$0x3FDB];
	s0 =	simm.s32 @p2 $0x1  }
0x17: {  	s4 =	simm.s32 $0x1BF5;
	[smem:$0x3FB4] =	sst s0  }
0x18: {  	s0 =	sld [smem:$0x3F97];
	_ =	swait.ge [sflag:s4], $0x0  }
0x19: {  	s7 =	sld [smem:$0x3F98]  }
0x1a: {  	s8 =	sadd.s32 $0xFFFFE003, lr  }
0x1b: {  	s9 =	sadd.s32 $0xFFFFFEF7, lr;
	s5 =	simm.s32 $0xFFFFFFFF;
	p2 =	slt.u32 s8, $0xFFFFF086  }
0x1c: {  	p1 =	slt.u32 s9, $0xF7A;
	s5 =	simm.s32 @!p2 $0x0  }
0x1d: {  	s5 =	simm.s32 @p1 $0x1;
	p0 =	seq.s32 s7, s2  }
0x1e: {  	s7 =	smul.u32 @!p0 $0xF7A, s2;
	p2 =	seq.s32 @!p0 s5, $0x0  }
0x1f: {  	s9 =	smul.u32 $0xF7A, s1;
	s8 =	simm.s32 @!p0 $0x1BF5;
	p2 =	por !p2, p0  }
0x20: {  	[sflag:s8] =	ssyncset.s32 @!p0 $0xFFFFF086;
	s6 =	sadd.s32 @!p0 s3, s7;
	s7 =	simm.s32 @!p0 $0x108  }
0x21: {  	s3 =	sadd.s32 s3, s9;
	s6 =	sadd.s32 @!p0 $0x88, s6;
	s7 =	simm.s32 @p2 $0x1082  }
0x22: {  	[simem:s7], [sflag:s8] =	dma.local @!p0 [hbm:s6], $0xF7A  }
0x23: {  	s9 =	sor.u32 $0xD0000000, s2;
	s6 =	simm.s32 $0x108;
	_ =	swait.ge @!p0 [sflag:s8], $0x0  }
0x24: {  	s3 =	sadd.s32 $0x88, s3;
	s6 =	simm.s32 @!p1 $0x1082;
	[sflag:s4] =	ssyncset.s32 $0xFFFFF086  }
0x25: {  	[simem:s6], [sflag:s4] =	dma.local [hbm:s3], $0xF7A  }
0x26: {  	[smem:$0x3F98] =	sst s1;
	(tag) =	ssettag s2;
	_ =	strace s9  }
0x27: {  	s1 =	sld [smem:$0x3FA8]  }
0x28: {  	s2 =	sld [smem:$0x3FA9]  }
0x29: {  	s4 =	sld [smem:$0x3FAB]  }
0x2a: {  	p0 =	seq.s32 s5, $0x0;
	s5 =	sld [smem:$0x3FAC]  }
0x2b: {  	s6 =	sld [smem:$0x3FAD]  }
0x2c: {  	s7 =	sld [smem:$0x3FAE]  }
0x2d: {  	s3 =	simm.s32 $0x108;
	s8 =	sld [smem:$0x3FAF]  }
0x2e: {  	s3 =	simm.s32 @!p0 $0x1082;
	s9 =	sld [smem:$0x3FB0]  }
0x2f: {  	lr =	sadd.s32 s0, s3;
	s0 =	sld [smem:$0x3FA7]  }
0x30: {  	s3 =	sld [smem:$0x3FAA]  }
0x31: {  	[smem:$0x3FB3] =	sst s10  }
0x32: {  	s10 =	sld [smem:$0x3FB1];
	_ =	sdelay $0x3  }
0x33: {  	p0 =	seq.s32 s10, $0x1;
	s10 =	sld [smem:$0x3FB3];
	_ =	sdelay $0x3  }
0x34: {  	[smem:$0x3FB3] =	sst s10  }
0x35: {  	s10 =	sld [smem:$0x3FB2];
	_ =	sdelay $0x3  }
0x36: {  	p1 =	seq.s32 s10, $0x1;
	s10 =	sld [smem:$0x3FB3];
	_ =	sdelay $0x3  }
0x37: {  	[smem:$0x3FB3] =	sst s10  }
0x38: {  	s10 =	sld [smem:$0x3FB4]  }
0x39: {  	_ = 	snop;
	(pc) =	sbr.ind lr, $3  }
0x3a: {  	_ = 	snop  }
0x3b: {  	_ = 	snop  }
0x3c: {  	p2 =	seq.s32 s10, $0x1;
	s10 =	sld [smem:$0x3FB3]  }
0x3d: {  	_ =	shalt  }
0x3e: {  	_ =	shalt  }
0x3f: {  	_ =	shalt  }
0x40: {  	_ =	shalt  }
0x41: {  	_ =	shalt  }
0x42: {  	_ =	shalt  }
0x43: {  	_ =	shalt  }
0x44: {  	_ =	shalt  }
0x45: {  	_ =	shalt  }
0x46: {  	_ =	shalt  }
0x47: {  	_ =	shalt  }
0x48: {  	_ =	shalt  }
0x49: {  	_ =	shalt  }
0x4a: {  	_ =	shalt  }
0x4b: {  	_ =	shalt  }
0x4c: {  	_ =	shalt  }
0x4d: {  	_ =	shalt  }
0x4e: {  	_ =	shalt  }
0x4f: {  	_ =	shalt  }
0x50: {  	_ =	shalt  }
0x51: {  	_ =	shalt  }
0x52: {  	_ =	shalt  }
0x53: {  	_ =	shalt  }
0x54: {  	_ =	shalt  }
0x55: {  	_ =	shalt  }
0x56: {  	_ =	shalt  }
0x57: {  	_ =	shalt  }
0x58: {  	_ =	shalt  }
0x59: {  	_ =	shalt  }
0x5a: {  	_ =	shalt  }
0x5b: {  	_ =	shalt  }
0x5c: {  	_ =	shalt  }
0x5d: {  	_ =	shalt  }
0x5e: {  	_ =	shalt  }
0x5f: {  	_ =	shalt  }
0x60: {  	_ =	shalt  }
0x61: {  	_ =	shalt  }
0x62: {  	_ =	shalt  }
0x63: {  	_ =	shalt  }
0x64: {  	_ =	shalt  }
0x65: {  	_ =	shalt  }
0x66: {  	_ =	shalt  }
0x67: {  	_ =	shalt  }
0x68: {  	_ =	shalt  }
0x69: {  	_ =	shalt  }
0x6a: {  	_ =	shalt  }
0x6b: {  	_ =	shalt  }
0x6c: {  	_ =	shalt  }
0x6d: {  	_ =	shalt  }
0x6e: {  	_ =	shalt  }
0x6f: {  	_ =	shalt  }
0x70: {  	_ =	shalt  }
0x71: {  	_ =	shalt  }
0x72: {  	_ =	shalt  }
0x73: {  	_ =	shalt  }
0x74: {  	_ =	shalt  }
0x75: {  	_ =	shalt  }
0x76: {  	_ =	shalt  }
0x77: {  	_ =	shalt  }
0x78: {  	_ =	shalt  }
0x79: {  	_ =	shalt  }
0x7a: {  	_ =	shalt  }
0x7b: {  	_ =	shalt  }
0x7c: {  	_ =	shalt  }
0x7d: {  	_ =	shalt  }
0x7e: {  	_ =	shalt  }
0x7f: {  	_ =	shalt  }
0x80: {  	_ =	shalt  }
0x81: {  	_ =	shalt  }
0x82: {  	_ =	shalt  }
0x83: {  	_ =	shalt  }
0x84: {  	_ =	shalt  }
0x85: {  	_ =	shalt  }
0x86: {  	_ =	shalt  }
0x87: {  	_ =	shalt  }
.Lfunc_end0:
.L_simem_size_0:
called_computation.2_lowered:
.L_overlay_start_0:
0x88: {  	s2 =	sld [smem:$0x3FD9]  }
0x89: {  	s3 =	sld [smem:$0x3FFE];
	_ =	sdelay $0x1  }
0x8a: {  	s1 =	srdreg.scid  }
0x8b: {  	s0 =	sand.u32 $0x1, s1  }
0x8c: {  	s17 =	sshll.u32 s0, $0xA;
	s2 =	sadd.s32 s3, s2  }
0x8d: {  	s2 =	sadd.s32 s2, s17  }
0x8e: {  	[smem:$0x3FBF] =	sst s2  }
0x8f: {  	_ = 	snop  }
0x90: {  	s2 =	sld [smem:$0x3FD0];
	(tm) =	ssettm $0x1  }
0x91: {  	s18 =	sld [smem:$0x3FFB];
	_ =	sdelay $0x3  }
0x92: {  	_ =	strace s18  }
0x93: {  	s3 =	sld [smem:$0x3FFC];
	_ =	sdelay $0x3  }
0x94: {  	_ =	strace s3  }
0x95: {  	s3 =	sld [smem:$0x3FFD];
	_ =	sdelay $0x3  }
0x96: {  	_ =	strace s3  }
0x97: {  	_ =	strace $0x8FFFFFFF  }
0x98: {  	s19 =	sld [smem:$0x3FDB];
	_ =	sdelay $0x1  }
0x99: {  	s4 =	simm.s32 $_scs_section_size  }
0x9a: {  	s5 =	simm.s32 $_size__tile_overlayer_lowered;
	s6 =	simm.s32 $_tile_overlayer_lowered  }
0x9b: {  	s22 =	simm.s32 $0x1BFF;
	s21 =	sshll.u32 s6, $0x1;
	s3 =	sadd.s32 s4, s19  }
0x9c: {  	s7 =	simm.s32 $0x0;
	s20 =	sshll.u32 s5, $0x1;
	s5 =	sadd.s32 s21, s3  }
0x9d: {  	[timem:s7], [sflag:s22] =	dma.local [hbm:s5], s20  }
0x9e: {  	_ =	swait.ge [sflag:s22], s20  }
0x9f: {  	s4 =	ssub.s32 $0x0, s20;
	[sflag:s22] =	ssyncset.done $0x0  }
0xa0: {  	[sflag:s22] =	ssyncadd.s32 s4;
	_ =	sdelay $0x1  }
0xa1: {  	s23 =	simm.s32 $0x1B8B  }
0xa2: {  	_ =	swait.ge [sflag:s23], $0x1  }
0xa3: {  	[sflag:s23] =	ssyncset.done $0x0  }
0xa4: {  	s25 =	simm.s32 $0x1B8E;
	s24 =	sld [smem:$0x3FFE];
	[sflag:s23] =	ssyncadd.s32 $0xFFFFFFFF  }
0xa5: {  	s26 =	simm.s32 $execute0_lowered;
	[smem:$0x3FD2] =	sst s25  }
0xa6: {  	s5 =	sshll.u32 s26, $0x1;
	_ =	strace $0x8000004C;
	[dreg:$0x1] =	wrdreg $0xFFFFFFFF  }
0xa7: {  	s28 =	simm.s32 $_size_execute0_lowered;
	s3 =	sadd.s32 s3, s5;
	[dreg:$0x0] =	wrdreg $0x0  }
0xa8: {  	s5 =	sshll.u32 s28, $0x1;
	[dreg:$0x2] =	wrdreg s3  }
0xa9: {  	[dreg:$0x3] =	wrdreg s5  }
0xaa: {  	[dreg:$0x4] =	wrdreg $0xC0  }
0xab: {  	_ =	task [dreg:s7], $0x5FFFF  }
0xac: {  	[dreg:$0x1] =	wrdreg $0xFFFFFFFF  }
0xad: {  	[dreg:$0x0] =	wrdreg $0x60  }
0xae: {  	[dreg:$0x2] =	wrdreg s2  }
0xaf: {  	[dreg:$0x3] =	wrdreg s24  }
0xb0: {  	[dreg:$0x4] =	wrdreg $0x90000  }
0xb1: {  	[dreg:$0x5] =	wrdreg $0x9  }
0xb2: {  	_ =	task.clear_ibuf [dreg:s7], $0x6FFFF;
	_ =	strace $0x9000004C  }
0xb3: {  	s29 =	simm.s32 $0x9;
	_ =	strace $0x8000004E  }
0xb4: {  	_ =	swait.ge [sflag:s29], $0x1  }
0xb5: {  	[sflag:s29] =	ssyncadd.s32 $0xFFFFFFFF  }
0xb6: {  	_ =	strace $0x9000004E  }
0xb7: {  	_ =	sfence  }
0xb8: {  	s30 =	sld [smem:$0x0];
	_ =	sdelay $0x2  }
0xb9: {  	s31 =	sshll.u32 s1, $0xD;
	s1 =	sshrl.u32 s1, $0x2  }
0xba: {  	s3 =	sand.u32 $0x4000, s31;
	s1 =	sadd.s32 s1, s30  }
0xbb: {  	s0 =	sor.u32 s3, s0;
	s1 =	sshll.u32 s1, $0x11  }
0xbc: {  	s0 =	sor.u32 s1, s0  }
0xbd: {  	s0 =	sadd.s32 $0x8F2B, s0  }
0xbe: {  	[sflag:s0] =	ssyncadd.remote.s32 $0x1  }
0xbf: {  	_ =	sfence.sel $0xFFFF  }
0xc0: {  	[dreg:$0x0] =	wrdreg $0xFFFFFFFF;
	(pc) =	sbr.abs _section_cstart, $3  }
0xc1: {  	[dreg:$0x1] =	wrdreg $0xFFFFFFFF  }
0xc2: {  	_ =	task.clear_ibuf [dreg:s7], $0x2FFFF;
	_ =	strace $0x9FFFFFFF  }
0xc3: {  	(tm) =	ssettm $0x7FFFFFFF  }
tec
execute0_lowered:
.L_overlay_start_1:
0x0: {  	(tag) =	ssettag $0x1  }
0x1: {  	s1 =	rddreg [dreg:$0x0]  }
0x2: {  	s0 =	srdreg.scid;
	s6 =	rddreg [dreg:$0x1]  }
0x3: {  	s16 =	stileid.u32;
	s3 =	rddreg [dreg:$0x2]  }
0x4: {  	s4 =	simm.s32 $0x0;
	s20 =	simm.s32 $0x5000;
	s21 =	simm.s32 $0x1D000  }
0x5: {  	s28 =	simm.s32 $0x2;
	s29 =	simm.s32 $0x6;
	s8 =	smul.u32 $0x14000, s16  }
0x6: {  	s30 =	simm.s32 $0x3;
	s0 =	sand.u32 $0x1, s0;
	s10 =	smul.u32 $0x50000, s16  }
0x7: {  	[smem:$0x7FF] =	sst s4;
	s5 =	sadd.s32 $0x21800, s6;
	s12 =	smul.u32 $0x2800, s16  }
0x8: {  	s17 =	sadd.s32 $0x12C000, s3;
	s25 =	sadd.s32 $0x25800, s1;
	s31 =	smul.u32 $0xA00, s16  }
0x9: {  	p0 =	seq.s32 s16, $0xF;
	s2 =	sshll.u32 s0, $0x4;
	s7 =	smul.u32 $0x140000, s0  }
0xa: {  	_ =	strace $0x8000004D;
	s22 =	ssub.s32 $0x2, s0;
	[dreg:$0x6] =	wrdreg s25  }
0xb: {  	s0 =	smul.u32 $0xA000, s0;
	s17 =	sshrl.u32 @p0 s17, $0x3;
	s25 =	simm.s32 $0x7000  }
0xc: {  	s2 =	sor.u32 s16, s2;
	s11 =	sshrl.u32 s22, $0x1;
	s23 =	sshrl.u32 s10, $0x2  }
0xd: {  	s24 =	sadd.s32 s1, s12;
	s2 =	smul.u32 $0xA00, s2;
	s7 =	sadd.s32 s8, s7  }
0xe: {  	s8 =	ssub.s32 s22, s11;
	[dreg:$0x5] =	wrdreg s24;
	s15 =	sadd.s32 s31, s0  }
0xf: {  	s0 =	sshll.u32 @!p0 s16, $0x6;
	s16 =	simm.s32 $0x7;
	s22 =	simm.s32 $0x1  }
0x10: {  	s24 =	simm.s32 $0x0;
	s7 =	sshrl.u32 s7, $0x3;
	s12 =	smax.u32 s8, $0x1  }
0x11: {  	s18 =	sor.u32 @!p0 $0x1C07, s0;
	s0 =	simm.s32 $0x40;
	s9 =	sadd.s32 s2, s6  }
.Ltmp0:
0x12: {  	s6 =	sadd.s32 s7, s6;
	s7 =	sadd.s32 s23, s3;
	(pc) =	sbr.rel .LBB2_1-.Ltmp0, $4  }
0x13: {  	s10 =	sadd.s32 s5, s2;
	s23 =	simm.s32 $0x5;
	s2 =	simm.s32 $0x4  }
0x14: {  	s9 =	sadd.s32 $0x35800, s9;
	s26 =	sadd.s32 $0x49800, s6;
	s13 =	sadd.s32 $0x10, s10  }
0x15: {  	s14 =	sadd.s32 $0x20, s10;
	s11 =	smov.u32 s7;
	[dreg:$0x4] =	wrdreg s9  }
0x16: {  	s19 =	sshrl.u32 @!p0 s7, $0x3;
	[dreg:$0x7] =	wrdreg s26;
	s26 =	simm.s32 $0x1D080  }
.LBB2_4:
0x17: {  	[spmem:s3] =	stream.indirect.scatter.add.f32 [tilespmem:s25], [sflag:$0x4], $0x80, s26, s0, $0xb8;
	[tilespmem:$0x1D100] =	vst v63  }
0x18: {  	_ =	swait.ge [sflag:s2], $0x2000  }
0x19: {  	s6 =	stileid.u32;
	[sflag:s2] =	ssyncset.done $0x0  }
0x1a: {  	s7 =	sshrl.u32 s11, $0x3;
	s24 =	sadd.s32 $0x1, s24;
	[sflag:s2] =	ssyncadd.s32 $0xFFFFE000  }
0x1b: {  	s6 =	sshll.u32 s6, $0x6;
	p1 =	sne.s32 s24, s12;
	[bflag:$0x0] =	sbarrier.arrive $0xFFFF  }
.Ltmp1:
0x1c: {  	s6 =	sor.u32 $0x1C07, s6;
	s8 =	rddreg [dreg:$0x7];
	(pc) =	sbr.rel @!p1 .LBB2_5-.Ltmp1, $4  }
0x1d: {  	[hbm:s8], [sflag:s6] =	dma.local [spmem:s7], $0x2800  }
0x1e: {  	_ =	swait.ge [sflag:s16], $0x2800  }
0x1f: {  	[sflag:s16] =	ssyncset.done $0x0  }
0x20: {  	[sflag:s16] =	ssyncadd.s32 $0xFFFFD800  }
.LBB2_1:
0x21: {  	s6 =	rddreg [dreg:$0x4]  }
0x22: {  	[tilespmem:s4], [sflag:$0x7] =	stream.linear.gather [hbm4b:s6+s4], $0x5000, $0x38;
	[tilespmem:$0x1D100] =	vst v63  }
0x23: {  	_ =	swait.ge [sflag:s16], $0x5000  }
0x24: {  	[sflag:s16] =	ssyncset.done $0x0  }
0x25: {  	s6 =	simm.s32 @p0 $0x1FC7;
	s7 =	rddreg [dreg:$0x6];
	[sflag:s16] =	ssyncadd.s32 $0xFFFFB000  }
0x26: {  	[spmem:s17], [sflag:s6] =	dma.local @p0 [hbm:s7], $0x1900  }
0x27: {  	s6 =	simm.s32 @p0 $0x7  }
0x28: {  	_ =	swait.ge @p0 [sflag:s6], $0x1900  }
0x29: {  	[sflag:s6] =	ssyncset.done @p0 $0x0  }
0x2a: {  	[sflag:s6] =	ssyncadd.s32 @p0 $0xFFFFE700;
	s6 =	rddreg [dreg:$0x5]  }
0x2b: {  	[spmem:s19], [sflag:s18] =	dma.local @!p0 [hbm:s6], $0x2800  }
0x2c: {  	s6 =	simm.s32 @!p0 $0x7  }
0x2d: {  	_ =	swait.ge @!p0 [sflag:s6], $0x2800  }
0x2e: {  	[sflag:s6] =	ssyncset.done @!p0 $0x0  }
0x2f: {  	[sflag:s6] =	ssyncadd.s32 @!p0 $0xFFFFD800  }
0x30: {  	[bflag:$0x0] =	sbarrier.arrive $0xFFFF  }
0x31: {  	[tilespmem:s20], [sflag:$0x1] =	stream.indirect.gather [hbm4b:s1+s0], $0x80, s4, s0, $0xb8;
	[tilespmem:$0x1D100] =	vst v63  }
0x32: {  	_ = 	snop  }
0x33: {  	[tilespmem:s21], [sflag:$0x5] =	stream.linear.gather [hbm4b:s10+s4], $0x80, $0x38;
	[tilespmem:$0x1D100] =	vst v63  }
0x34: {  	_ =	swait.ge [sflag:s22], $0x2000  }
0x35: {  	[sflag:s22] =	ssyncset.done $0x0  }
0x36: {  	[sflag:s22] =	ssyncadd.s32 $0xFFFFE000  }
0x37: {  	_ =	swait.ge [sflag:s23], $0x80  }
0x38: {  	[sflag:s23] =	ssyncset.done $0x0  }
0x39: {  	s8 =	simm.s32 $0x80;
	[sflag:s23] =	ssyncadd.s32 $0xFFFFFF80  }
0x3a: {  	[tilespmem:s25], [sflag:$0x2] =	stream.indirect.gather [hbm4b:s1+s0], $0x80, s8, s0, $0xb8;
	[tilespmem:$0x1D100] =	vst v63  }
0x3b: {  	_ = 	snop  }
0x3c: {  	[tilespmem:s26], [sflag:$0x6] =	stream.linear.gather [hbm4b:s13+s4], $0x80, $0x38;
	[tilespmem:$0x1D100] =	vst v63  }
0x3d: {  	_ = 	snop  }
0x3e: {  	[spmem:s3] =	stream.indirect.scatter.add.f32 [tilespmem:s20], [sflag:$0x3], $0x80, s21, s0, $0xb8;
	[tilespmem:$0x1D100] =	vst v63  }
0x3f: {  	_ =	swait.ge [sflag:s28], $0x2000  }
0x40: {  	[sflag:s28] =	ssyncset.done $0x0  }
0x41: {  	[sflag:s28] =	ssyncadd.s32 $0xFFFFE000  }
0x42: {  	_ =	swait.ge [sflag:s29], $0x80  }
0x43: {  	[sflag:s29] =	ssyncset.done $0x0  }
0x44: {  	[sflag:s29] =	ssyncadd.s32 $0xFFFFFF80  }
0x45: {  	_ =	swait.ge [sflag:s30], $0x2000  }
0x46: {  	[sflag:s30] =	ssyncset.done $0x0  }
0x47: {  	s9 =	simm.s32 $0x100;
	[sflag:s30] =	ssyncadd.s32 $0xFFFFE000  }
0x48: {  	[tilespmem:s20], [sflag:$0x1] =	stream.indirect.gather [hbm4b:s1+s0], $0x80, s9, s0, $0xb8;
	[tilespmem:$0x1D100] =	vst v63  }
0x49: {  	_ = 	snop  }
0x4a: {  	[tilespmem:s21], [sflag:$0x5] =	stream.linear.gather [hbm4b:s14+s4], $0x80, $0x38;
	[tilespmem:$0x1D100] =	vst v63  }
0x4b: {  	s31 =	simm.s32 $0x180;
	s6 =	simm.s32 $0x40  }
0x4c: {  	[spmem:s3] =	stream.indirect.scatter.add.f32 [tilespmem:s25], [sflag:$0x4], $0x80, s26, s0, $0xb8;
	[tilespmem:$0x1D100] =	vst v63  }
.LBB2_2:
0x4d: {  	_ =	swait.ge [sflag:s22], $0x2000  }
0x4e: {  	[sflag:s22] =	ssyncset.done $0x0  }
0x4f: {  	[sflag:s22] =	ssyncadd.s32 $0xFFFFE000  }
0x50: {  	_ =	swait.ge [sflag:s23], $0x80  }
0x51: {  	[sflag:s23] =	ssyncset.done $0x0  }
0x52: {  	[sflag:s23] =	ssyncadd.s32 $0xFFFFFF80  }
0x53: {  	s8 =	sadd.s32 s6, s15;
	s9 =	sadd.s32 $0xFFFFFFF0, s6;
	_ =	swait.ge [sflag:s2], $0x2000  }
0x54: {  	s7 =	sadd.s32 $0xFFFFFFE0, s8;
	s9 =	sand.u32 $0x70, s9;
	[sflag:s2] =	ssyncset.done $0x0  }
0x55: {  	s7 =	sand.u32 $0xFFFFF80, s7;
	s9 =	sadd.s32 s5, s9;
	[sflag:s2] =	ssyncadd.s32 $0xFFFFE000  }
0x56: {  	[tilespmem:s25], [sflag:$0x2] =	stream.indirect.gather [hbm4b:s1+s0], $0x80, s31, s0, $0xb8;
	[tilespmem:$0x1D100] =	vst v63  }
0x57: {  	s7 =	sadd.s32 s7, s9  }
0x58: {  	[tilespmem:s26], [sflag:$0x6] =	stream.linear.gather [hbm4b:s7+s4], $0x80, $0x38;
	[tilespmem:$0x1D100] =	vst v63  }
0x59: {  	_ = 	snop  }
0x5a: {  	[spmem:s3] =	stream.indirect.scatter.add.f32 [tilespmem:s20], [sflag:$0x3], $0x80, s21, s0, $0xb8;
	[tilespmem:$0x1D100] =	vst v63  }
0x5b: {  	_ =	swait.ge [sflag:s28], $0x2000  }
0x5c: {  	[sflag:s28] =	ssyncset.done $0x0  }
0x5d: {  	[sflag:s28] =	ssyncadd.s32 $0xFFFFE000  }
0x5e: {  	p1 =	seq.s32 s6, $0xA00;
	_ =	swait.ge [sflag:s29], $0x80  }
.Ltmp2:
0x5f: {  	[sflag:s29] =	ssyncset.done $0x0;
	(pc) =	sbr.rel @p1 .LBB2_4-.Ltmp2, $4  }
0x60: {  	[sflag:s29] =	ssyncadd.s32 $0xFFFFFF80  }
0x61: {  	_ =	swait.ge [sflag:s30], $0x2000  }
0x62: {  	[sflag:s30] =	ssyncset.done $0x0  }
0x63: {  	[sflag:s30] =	ssyncadd.s32 $0xFFFFE000  }
0x64: {  	s7 =	sadd.s32 $0x80, s31;
	s9 =	sand.u32 $0x60, s6  }
0x65: {  	[tilespmem:s20], [sflag:$0x1] =	stream.indirect.gather [hbm4b:s1+s0], $0x80, s7, s0, $0xb8;
	[tilespmem:$0x1D100] =	vst v63  }
.Ltmp3:
0x66: {  	s8 =	sand.u32 $0xFFFFF80, s8;
	s7 =	sadd.s32 s5, s9;
	(pc) =	sbr.rel .LBB2_2-.Ltmp3, $4  }
0x67: {  	s7 =	sadd.s32 s8, s7  }
0x68: {  	[tilespmem:s21], [sflag:$0x5] =	stream.linear.gather [hbm4b:s7+s4], $0x80, $0x38;
	[tilespmem:$0x1D100] =	vst v63  }
0x69: {  	s6 =	sadd.s32 $0x20, s6;
	s31 =	sadd.s32 $0x100, s31  }
0x6a: {  	[spmem:s3] =	stream.indirect.scatter.add.f32 [tilespmem:s25], [sflag:$0x4], $0x80, s26, s0, $0xb8;
	[tilespmem:$0x1D100] =	vst v63  }
.LBB2_5:
0x6b: {  	_ =	sfence.sel $0x180000  }
0x6c: {  	[bflag:$0x0] =	sbarrier.arrive $0xFFFF  }
0x6d: {  	_ =	strace $0x9000004D  }
0x6e: {  	s0 =	stileid.u32;
	[bflag:$0x2] =	sbarrier.arrive $0xFFFF  }
0x6f: {  	p0 =	sne.s32 s0, $0x0;
	s0 =	rddreg [dreg:$0x3]  }
0x70: {  	s0 =	sadd.s32 @!p0 $0x100000, s0  }
0x71: {  	[sflag:s0] =	ssyncadd.tile.s32 @!p0 $0x1;
	_ =	shalt  }
.Lfunc_end2:
_tile_overlayer_lowered:
.L_overlay_start_2:
0x72: {  	(tag) =	ssettag $0x2  }
0x73: {  	s0 =	rddreg [dreg:$0x0];
	s2 =	stileid.u32  }
0x74: {  	s1 =	rddreg [dreg:$0x1];
	p0 =	sne.s32 s2, $0x0  }
0x75: {  	s3 =	rddreg [dreg:$0x2];
	[bflag:$0x3] =	sbarrier.arrive $0xFFFF;
	s2 =	simm.s32 @!p0 $0x1C07  }
0x76: {  	[timem:s3], [sflag:s2] =	dma.local @!p0 [hbm:s0], s1  }
0x77: {  	s0 =	simm.s32 @!p0 $0x7  }
0x78: {  	_ =	swait.ge @!p0 [sflag:s0], s1  }
0x79: {  	s1 =	ssub.s32 @!p0 $0x0, s1;
	[sflag:s0] =	ssyncset.done @!p0 $0x0  }
0x7a: {  	[sflag:s0] =	ssyncadd.s32 @!p0 s1  }
0x7b: {  	[bflag:$0x3] =	sbarrier.arrive $0xFFFF  }
0x7c: {  	_ =	shalt  }

// kernel: kernel.8.cloned.1.call-start
scs
__scs_entry_jumppad:
0x0: {  	(pc) =	sbr.rel $0x88, $3  }
0x1: {  	(tag) =	ssettag $0x0;
	lr =	simm.s32 $0x1  }
0x2: {  	[smem:$0x3F98] =	sst lr;
	_ =	strace $0xD0000000  }
0x3: {  	_ = 	snop  }
0x4: {  	_ = 	snop  }
0x5: {  	_ = 	snop  }
0x6: {  	_ = 	snop  }
0x7: {  	_ = 	snop  }
__scs_overlays_trampoline_lowered:
0x8: {  	[smem:$0x3FA7] =	sst s0  }
0x9: {  	[smem:$0x3FA8] =	sst s1  }
0xa: {  	[smem:$0x3FA9] =	sst s2  }
0xb: {  	[smem:$0x3FAA] =	sst s3  }
0xc: {  	[smem:$0x3FAB] =	sst s4  }
0xd: {  	[smem:$0x3FAC] =	sst s5  }
0xe: {  	[smem:$0x3FAD] =	sst s6  }
0xf: {  	[smem:$0x3FAE] =	sst s7  }
0x10: {  	[smem:$0x3FAF] =	sst s8  }
0x11: {  	[smem:$0x3FB0] =	sst s9;
	s0 =	simm.s32 @!p0 $0x0  }
0x12: {  	s1 =	sld [smem:$0x3F96];
	s0 =	simm.s32 @p0 $0x1  }
0x13: {  	[smem:$0x3FB1] =	sst s0;
	s0 =	simm.s32 @!p1 $0x0  }
0x14: {  	s2 =	sld [smem:$0x3F95];
	s0 =	simm.s32 @p1 $0x1  }
0x15: {  	[smem:$0x3FB2] =	sst s0;
	s0 =	simm.s32 @!p2 $0x0  }
0x16: {  	s3 =	sld [smem:$0x3FDB];
	s0 =	simm.s32 @p2 $0x1  }
0x17: {  	s4 =	simm.s32 $0x1BF5;
	[smem:$0x3FB4] =	sst s0  }
0x18: {  	s0 =	sld [smem:$0x3F97];
	_ =	swait.ge [sflag:s4], $0x0  }
0x19: {  	s7 =	sld [smem:$0x3F98]  }
0x1a: {  	s8 =	sadd.s32 $0xFFFFE003, lr  }
0x1b: {  	s9 =	sadd.s32 $0xFFFFFEF7, lr;
	s5 =	simm.s32 $0xFFFFFFFF;
	p2 =	slt.u32 s8, $0xFFFFF086  }
0x1c: {  	p1 =	slt.u32 s9, $0xF7A;
	s5 =	simm.s32 @!p2 $0x0  }
0x1d: {  	s5 =	simm.s32 @p1 $0x1;
	p0 =	seq.s32 s7, s2  }
0x1e: {  	s7 =	smul.u32 @!p0 $0xF7A, s2;
	p2 =	seq.s32 @!p0 s5, $0x0  }
0x1f: {  	s9 =	smul.u32 $0xF7A, s1;
	s8 =	simm.s32 @!p0 $0x1BF5;
	p2 =	por !p2, p0  }
0x20: {  	[sflag:s8] =	ssyncset.s32 @!p0 $0xFFFFF086;
	s6 =	sadd.s32 @!p0 s3, s7;
	s7 =	simm.s32 @!p0 $0x108  }
0x21: {  	s3 =	sadd.s32 s3, s9;
	s6 =	sadd.s32 @!p0 $0x88, s6;
	s7 =	simm.s32 @p2 $0x1082  }
0x22: {  	[simem:s7], [sflag:s8] =	dma.local @!p0 [hbm:s6], $0xF7A  }
0x23: {  	s9 =	sor.u32 $0xD0000000, s2;
	s6 =	simm.s32 $0x108;
	_ =	swait.ge @!p0 [sflag:s8], $0x0  }
0x24: {  	s3 =	sadd.s32 $0x88, s3;
	s6 =	simm.s32 @!p1 $0x1082;
	[sflag:s4] =	ssyncset.s32 $0xFFFFF086  }
0x25: {  	[simem:s6], [sflag:s4] =	dma.local [hbm:s3], $0xF7A  }
0x26: {  	[smem:$0x3F98] =	sst s1;
	(tag) =	ssettag s2;
	_ =	strace s9  }
0x27: {  	s1 =	sld [smem:$0x3FA8]  }
0x28: {  	s2 =	sld [smem:$0x3FA9]  }
0x29: {  	s4 =	sld [smem:$0x3FAB]  }
0x2a: {  	p0 =	seq.s32 s5, $0x0;
	s5 =	sld [smem:$0x3FAC]  }
0x2b: {  	s6 =	sld [smem:$0x3FAD]  }
0x2c: {  	s7 =	sld [smem:$0x3FAE]  }
0x2d: {  	s3 =	simm.s32 $0x108;
	s8 =	sld [smem:$0x3FAF]  }
0x2e: {  	s3 =	simm.s32 @!p0 $0x1082;
	s9 =	sld [smem:$0x3FB0]  }
0x2f: {  	lr =	sadd.s32 s0, s3;
	s0 =	sld [smem:$0x3FA7]  }
0x30: {  	s3 =	sld [smem:$0x3FAA]  }
0x31: {  	[smem:$0x3FB3] =	sst s10  }
0x32: {  	s10 =	sld [smem:$0x3FB1];
	_ =	sdelay $0x3  }
0x33: {  	p0 =	seq.s32 s10, $0x1;
	s10 =	sld [smem:$0x3FB3];
	_ =	sdelay $0x3  }
0x34: {  	[smem:$0x3FB3] =	sst s10  }
0x35: {  	s10 =	sld [smem:$0x3FB2];
	_ =	sdelay $0x3  }
0x36: {  	p1 =	seq.s32 s10, $0x1;
	s10 =	sld [smem:$0x3FB3];
	_ =	sdelay $0x3  }
0x37: {  	[smem:$0x3FB3] =	sst s10  }
0x38: {  	s10 =	sld [smem:$0x3FB4]  }
0x39: {  	_ = 	snop;
	(pc) =	sbr.ind lr, $3  }
0x3a: {  	_ = 	snop  }
0x3b: {  	_ = 	snop  }
0x3c: {  	p2 =	seq.s32 s10, $0x1;
	s10 =	sld [smem:$0x3FB3]  }
0x3d: {  	_ =	shalt  }
0x3e: {  	_ =	shalt  }
0x3f: {  	_ =	shalt  }
0x40: {  	_ =	shalt  }
0x41: {  	_ =	shalt  }
0x42: {  	_ =	shalt  }
0x43: {  	_ =	shalt  }
0x44: {  	_ =	shalt  }
0x45: {  	_ =	shalt  }
0x46: {  	_ =	shalt  }
0x47: {  	_ =	shalt  }
0x48: {  	_ =	shalt  }
0x49: {  	_ =	shalt  }
0x4a: {  	_ =	shalt  }
0x4b: {  	_ =	shalt  }
0x4c: {  	_ =	shalt  }
0x4d: {  	_ =	shalt  }
0x4e: {  	_ =	shalt  }
0x4f: {  	_ =	shalt  }
0x50: {  	_ =	shalt  }
0x51: {  	_ =	shalt  }
0x52: {  	_ =	shalt  }
0x53: {  	_ =	shalt  }
0x54: {  	_ =	shalt  }
0x55: {  	_ =	shalt  }
0x56: {  	_ =	shalt  }
0x57: {  	_ =	shalt  }
0x58: {  	_ =	shalt  }
0x59: {  	_ =	shalt  }
0x5a: {  	_ =	shalt  }
0x5b: {  	_ =	shalt  }
0x5c: {  	_ =	shalt  }
0x5d: {  	_ =	shalt  }
0x5e: {  	_ =	shalt  }
0x5f: {  	_ =	shalt  }
0x60: {  	_ =	shalt  }
0x61: {  	_ =	shalt  }
0x62: {  	_ =	shalt  }
0x63: {  	_ =	shalt  }
0x64: {  	_ =	shalt  }
0x65: {  	_ =	shalt  }
0x66: {  	_ =	shalt  }
0x67: {  	_ =	shalt  }
0x68: {  	_ =	shalt  }
0x69: {  	_ =	shalt  }
0x6a: {  	_ =	shalt  }
0x6b: {  	_ =	shalt  }
0x6c: {  	_ =	shalt  }
0x6d: {  	_ =	shalt  }
0x6e: {  	_ =	shalt  }
0x6f: {  	_ =	shalt  }
0x70: {  	_ =	shalt  }
0x71: {  	_ =	shalt  }
0x72: {  	_ =	shalt  }
0x73: {  	_ =	shalt  }
0x74: {  	_ =	shalt  }
0x75: {  	_ =	shalt  }
0x76: {  	_ =	shalt  }
0x77: {  	_ =	shalt  }
0x78: {  	_ =	shalt  }
0x79: {  	_ =	shalt  }
0x7a: {  	_ =	shalt  }
0x7b: {  	_ =	shalt  }
0x7c: {  	_ =	shalt  }
0x7d: {  	_ =	shalt  }
0x7e: {  	_ =	shalt  }
0x7f: {  	_ =	shalt  }
0x80: {  	_ =	shalt  }
0x81: {  	_ =	shalt  }
0x82: {  	_ =	shalt  }
0x83: {  	_ =	shalt  }
0x84: {  	_ =	shalt  }
0x85: {  	_ =	shalt  }
0x86: {  	_ =	shalt  }
0x87: {  	_ =	shalt  }
.Lfunc_end0:
.L_simem_size_0:
called_computation_lowered:
.L_overlay_start_0:
0x88: {  	s2 =	sld [smem:$0x3FD9]  }
0x89: {  	s3 =	sld [smem:$0x3FFE];
	_ =	sdelay $0x1  }
0x8a: {  	s1 =	srdreg.scid  }
0x8b: {  	s0 =	sand.u32 $0x1, s1  }
0x8c: {  	s17 =	sshll.u32 s0, $0xA;
	s2 =	sadd.s32 s3, s2  }
0x8d: {  	s2 =	sadd.s32 s2, s17  }
0x8e: {  	[smem:$0x3FBF] =	sst s2  }
0x8f: {  	_ = 	snop  }
0x90: {  	s2 =	sld [smem:$0x3FD0];
	(tm) =	ssettm $0x1  }
0x91: {  	s18 =	sld [smem:$0x3FFB];
	_ =	sdelay $0x3  }
0x92: {  	_ =	strace s18  }
0x93: {  	s3 =	sld [smem:$0x3FFC];
	_ =	sdelay $0x3  }
0x94: {  	_ =	strace s3  }
0x95: {  	s3 =	sld [smem:$0x3FFD];
	_ =	sdelay $0x3  }
0x96: {  	_ =	strace s3  }
0x97: {  	_ =	strace $0x8FFFFFFF  }
0x98: {  	s19 =	sld [smem:$0x3FDB];
	_ =	sdelay $0x1  }
0x99: {  	s4 =	simm.s32 $_scs_section_size  }
0x9a: {  	s5 =	simm.s32 $_size__tile_overlayer_lowered;
	s6 =	simm.s32 $_tile_overlayer_lowered  }
0x9b: {  	s22 =	simm.s32 $0x1BFF;
	s21 =	sshll.u32 s6, $0x1;
	s3 =	sadd.s32 s4, s19  }
0x9c: {  	s7 =	simm.s32 $0x0;
	s20 =	sshll.u32 s5, $0x1;
	s5 =	sadd.s32 s21, s3  }
0x9d: {  	[timem:s7], [sflag:s22] =	dma.local [hbm:s5], s20  }
0x9e: {  	_ =	swait.ge [sflag:s22], s20  }
0x9f: {  	s4 =	ssub.s32 $0x0, s20;
	[sflag:s22] =	ssyncset.done $0x0  }
0xa0: {  	[sflag:s22] =	ssyncadd.s32 s4;
	_ =	sdelay $0x1  }
0xa1: {  	s23 =	simm.s32 $0x1B8B  }
0xa2: {  	_ =	swait.ge [sflag:s23], $0x1  }
0xa3: {  	[sflag:s23] =	ssyncset.done $0x0  }
0xa4: {  	s25 =	simm.s32 $0x1B8E;
	s24 =	sld [smem:$0x3FFE];
	[sflag:s23] =	ssyncadd.s32 $0xFFFFFFFF  }
0xa5: {  	s26 =	simm.s32 $execute0_lowered;
	[smem:$0x3FD2] =	sst s25  }
0xa6: {  	s5 =	sshll.u32 s26, $0x1;
	_ =	strace $0x80000046;
	[dreg:$0x1] =	wrdreg $0xFFFFFFFF  }
0xa7: {  	s28 =	simm.s32 $_size_execute0_lowered;
	s3 =	sadd.s32 s3, s5;
	[dreg:$0x0] =	wrdreg $0x0  }
0xa8: {  	s5 =	sshll.u32 s28, $0x1;
	[dreg:$0x2] =	wrdreg s3  }
0xa9: {  	[dreg:$0x3] =	wrdreg s5  }
0xaa: {  	[dreg:$0x4] =	wrdreg $0xC0  }
0xab: {  	_ =	task [dreg:s7], $0x5FFFF  }
0xac: {  	[dreg:$0x1] =	wrdreg $0xFFFFFFFF  }
0xad: {  	[dreg:$0x0] =	wrdreg $0x60  }
0xae: {  	[dreg:$0x2] =	wrdreg s24  }
0xaf: {  	[dreg:$0x3] =	wrdreg s2  }
0xb0: {  	[dreg:$0x4] =	wrdreg $0x7B000  }
0xb1: {  	[dreg:$0x5] =	wrdreg $0x7D800  }
0xb2: {  	[dreg:$0x6] =	wrdreg $0x9  }
0xb3: {  	_ =	task.clear_ibuf [dreg:s7], $0x7FFFF;
	_ =	strace $0x90000046  }
0xb4: {  	s29 =	simm.s32 $0x9;
	_ =	strace $0x80000048  }
0xb5: {  	_ =	swait.ge [sflag:s29], $0x1  }
0xb6: {  	[sflag:s29] =	ssyncadd.s32 $0xFFFFFFFF  }
0xb7: {  	_ =	strace $0x90000048  }
0xb8: {  	_ =	sfence  }
0xb9: {  	s30 =	sld [smem:$0x0];
	_ =	sdelay $0x2  }
0xba: {  	s31 =	sshll.u32 s1, $0xD;
	s1 =	sshrl.u32 s1, $0x2  }
0xbb: {  	s3 =	sand.u32 $0x4000, s31;
	s1 =	sadd.s32 s1, s30  }
0xbc: {  	s0 =	sor.u32 s3, s0;
	s1 =	sshll.u32 s1, $0x11  }
0xbd: {  	s0 =	sor.u32 s1, s0  }
0xbe: {  	s0 =	sadd.s32 $0x8F2B, s0  }
0xbf: {  	[sflag:s0] =	ssyncadd.remote.s32 $0x1  }
0xc0: {  	_ =	sfence.sel $0xFFFF  }
0xc1: {  	[dreg:$0x0] =	wrdreg $0xFFFFFFFF;
	(pc) =	sbr.abs _section_cstart, $3  }
0xc2: {  	[dreg:$0x1] =	wrdreg $0xFFFFFFFF  }
0xc3: {  	_ =	task.clear_ibuf [dreg:s7], $0x2FFFF;
	_ =	strace $0x9FFFFFFF  }
0xc4: {  	(tm) =	ssettm $0x7FFFFFFF  }
0xc5: {  	_ =	shalt  }
tec
execute0_lowered:
.L_overlay_start_1:
0x0: {  	(tag) =	ssettag $0x1  }
0x1: {  	s6 =	rddreg [dreg:$0x0]  }
0x2: {  	s7 =	rddreg [dreg:$0x1]  }
0x3: {  	s2 =	rddreg [dreg:$0x2]  }
0x4: {  	s3 =	rddreg [dreg:$0x3];
	s4 =	srdreg.scid  }
0x5: {  	s0 =	rddreg [dreg:$0x4];
	s1 =	stileid.u32  }
0x6: {  	s15 =	simm.s32 $0x2800;
	s16 =	simm.s32 $0x7880;
	s17 =	simm.s32 $0x80  }
0x7: {  	s18 =	simm.s32 $0x1;
	s19 =	simm.s32 $0x7800;
	s20 =	simm.s32 $0x5000  }
0x8: {  	s21 =	simm.s32 $0x0;
	s8 =	sand.u32 $0x1, s4;
	s4 =	simm.s32 $0x0  }
0x9: {  	s9 =	smul.u32 $0x280, s1;
	s5 =	sshll.u32 s8, $0x4;
	[smem:$0x7FF] =	sst s4  }
0xa: {  	s10 =	smul.u32 $0x2800, s8;
	s8 =	ssub.s32 $0x2, s8;
	s5 =	sor.u32 s1, s5  }
0xb: {  	_ =	strace $0x80000047;
	s13 =	sshrl.u32 s8, $0x1;
	s11 =	smul.u32 $0x500, s5  }
0xc: {  	s5 =	sadd.s32 $0xC600, s6;
	s10 =	sadd.s32 s9, s10;
	s13 =	ssub.s32 s8, s13  }
0xd: {  	s8 =	sadd.s32 s9, s2;
	s9 =	sadd.s32 s9, s3;
	s10 =	sshrl.u32 s10, $0x3  }
0xe: {  	s13 =	smax.u32 s13, $0x1;
	s12 =	sadd.s32 s11, s6;
	s14 =	sadd.s32 s10, s6  }
0xf: {  	s6 =	sadd.s32 s7, s11;
	s7 =	sadd.s32 $0x2600, s12;
	s10 =	sadd.s32 $0x16E00, s12  }
0x10: {  	v0 =	vimm.f32 $0.0e+00;
	v1 =	vimm.f32 $1.000000000e+00;
	s11 =	sadd.s32 $0x16400, s14;
	s12 =	sadd.s32 $0x20E00, s14;
	s14 =	simm.s32 $0x2  }
.LBB2_1:
0x11: {  	[tilespmem:s4], [sflag:$0x2] =	stream.linear.gather [hbm4b:s6+s4], $0x2800, $0x38;
	[tilespmem:$0x8000] =	vst v63  }
0x12: {  	_ =	swait.ge [sflag:s14], $0x2800  }
0x13: {  	[sflag:s14] =	ssyncset.done $0x0  }
0x14: {  	[sflag:s14] =	ssyncadd.s32 $0xFFFFD800  }
0x15: {  	[tilespmem:s15], [sflag:$0x2] =	stream.linear.gather [hbm4b:s7+s4], $0x2800, $0x38;
	[tilespmem:$0x8000] =	vst v63  }
0x16: {  	_ =	swait.ge [sflag:s14], $0x2800  }
0x17: {  	[sflag:s14] =	ssyncset.done $0x0  }
0x18: {  	[sflag:s14] =	ssyncadd.s32 $0xFFFFD800  }
0x19: {  	[tilespmem:$0x7880] =	vst v0  }
0x1a: {  	[tilespmem:$0x7890] =	vst v0  }
0x1b: {  	[tilespmem:$0x78A0] =	vst v0  }
0x1c: {  	[tilespmem:$0x78B0] =	vst v0  }
0x1d: {  	[tilespmem:$0x78C0] =	vst v0  }
0x1e: {  	[tilespmem:$0x78D0] =	vst v0  }
0x1f: {  	[tilespmem:$0x78E0] =	vst v0  }
0x20: {  	[tilespmem:$0x78F0] =	vst v0  }
0x21: {  	[tilespmem:$0x7900] =	vst v0  }
0x22: {  	[tilespmem:$0x7910] =	vst v0  }
0x23: {  	[tilespmem:$0x7920] =	vst v0  }
0x24: {  	[tilespmem:$0x7930] =	vst v0  }
0x25: {  	[tilespmem:$0x7940] =	vst v0  }
0x26: {  	[tilespmem:$0x7950] =	vst v0  }
0x27: {  	[tilespmem:$0x7960] =	vst v0  }
0x28: {  	[tilespmem:$0x7970] =	vst v0  }
0x29: {  	[tilespmem:$0x7980] =	vst v0  }
0x2a: {  	[tilespmem:$0x7990] =	vst v0  }
0x2b: {  	[tilespmem:$0x79A0] =	vst v0  }
0x2c: {  	[tilespmem:$0x79B0] =	vst v0  }
0x2d: {  	[tilespmem:$0x79C0] =	vst v0  }
0x2e: {  	[tilespmem:$0x79D0] =	vst v0  }
0x2f: {  	[tilespmem:$0x79E0] =	vst v0  }
0x30: {  	[tilespmem:$0x79F0] =	vst v0  }
0x31: {  	[tilespmem:$0x7A00] =	vst v0  }
0x32: {  	[tilespmem:$0x7A10] =	vst v0  }
0x33: {  	[tilespmem:$0x7A20] =	vst v0  }
0x34: {  	[tilespmem:$0x7A30] =	vst v0  }
0x35: {  	[tilespmem:$0x7A40] =	vst v0  }
0x36: {  	[tilespmem:$0x7A50] =	vst v0  }
0x37: {  	[tilespmem:$0x7A60] =	vst v0  }
0x38: {  	[tilespmem:$0x7A70] =	vst v0  }
0x39: {  	[tilespmem:$0x7A80] =	vst v0  }
0x3a: {  	[tilespmem:$0x7A90] =	vst v0  }
0x3b: {  	[tilespmem:$0x7AA0] =	vst v0  }
0x3c: {  	[tilespmem:$0x7AB0] =	vst v0  }
0x3d: {  	[tilespmem:$0x7AC0] =	vst v0  }
0x3e: {  	[tilespmem:$0x7AD0] =	vst v0  }
0x3f: {  	[tilespmem:$0x7AE0] =	vst v0  }
0x40: {  	[tilespmem:$0x7AF0] =	vst v0  }
0x41: {  	[spmem:s8] =	stream.linear.scatter [tilespmem:s16], [sflag:$0x2], $0x280, $0x38;
	[tilespmem:$0x8000] =	vst v63  }
0x42: {  	_ =	swait.ge [sflag:s14], $0x280  }
0x43: {  	[sflag:s14] =	ssyncset.done $0x0  }
0x44: {  	[sflag:s14] =	ssyncadd.s32 $0xFFFFFD80  }
0x45: {  	[spmem:s9] =	stream.linear.scatter [tilespmem:s16], [sflag:$0x2], $0x280, $0x38;
	[tilespmem:$0x8000] =	vst v63  }
0x46: {  	_ =	swait.ge [sflag:s14], $0x280  }
0x47: {  	[sflag:s14] =	ssyncset.done $0x0  }
0x48: {  	[sflag:s14] =	ssyncadd.s32 $0xFFFFFD80  }
0x49: {  	[tilespmem:$0x7800] =	vst v1  }
0x4a: {  	[tilespmem:$0x7810] =	vst v1  }
0x4b: {  	[tilespmem:$0x7820] =	vst v1  }
0x4c: {  	[tilespmem:$0x7830] =	vst v1  }
0x4d: {  	[tilespmem:$0x7840] =	vst v1  }
0x4e: {  	[tilespmem:$0x7850] =	vst v1  }
0x4f: {  	[tilespmem:$0x7860] =	vst v1  }
0x50: {  	[tilespmem:$0x7870] =	vst v1  }
0x51: {  	s22 =	simm.s32 $0x0;
	s23 =	simm.s32 $0x5000;
	[bflag:$0x0] =	sbarrier.arrive $0xFFFF  }
0x52: {  	[tilespmem:s23], [sflag:$0x1] =	stream.indirect.gather [hbm4b:s5+s17], $0x1, s22, s17, $0xb8;
	[tilespmem:$0x8000] =	vst v63  }
0x53: {  	_ =	swait.ge [sflag:s18], $0x80  }
0x54: {  	[sflag:s18] =	ssyncset.done $0x0  }
0x55: {  	s31 =	simm.s32 $0x2800;
	[sflag:s18] =	ssyncadd.s32 $0xFFFFFF80  }
0x56: {  	[spmem:s2] =	stream.indirect.scatter.add.f32 [tilespmem:s23], [sflag:$0x2], $0x1, s31, s17, $0xb8;
	[tilespmem:$0x8000] =	vst v63  }
0x57: {  	_ =	swait.ge [sflag:s14], $0x80  }
0x58: {  	[sflag:s14] =	ssyncset.done $0x0  }
0x59: {  	[sflag:s14] =	ssyncadd.s32 $0xFFFFFF80  }
0x5a: {  	[spmem:s3] =	stream.indirect.scatter.add.f32 [tilespmem:s19], [sflag:$0x2], $0x1, s31, s17, $0xb8;
	[tilespmem:$0x8000] =	vst v63  }
0x5b: {  	_ =	swait.ge [sflag:s14], $0x80  }
0x5c: {  	s22 =	simm.s32 $0x80;
	s23 =	simm.s32 $0x400;
	[sflag:s14] =	ssyncset.done $0x0  }
.LBB2_2:
0x5d: {  	s24 =	sadd.s32 $0x5000, s22  }
0x5e: {  	[sflag:s14] =	ssyncadd.s32 $0xFFFFFF80;
	s25 =	smov.u32 s23;
	s26 =	sadd.s32 $0x200, s23  }
0x5f: {  	[tilespmem:s24], [sflag:$0x1] =	stream.indirect.gather [hbm4b:s5+s17], $0x1, s22, s17, $0xb8;
	[tilespmem:$0x8000] =	vst v63  }
0x60: {  	p0 =	sne.s32 s23, $0x9E00;
	_ =	swait.ge [sflag:s18], $0x80  }
0x61: {  	[sflag:s18] =	ssyncset.done $0x0  }
0x62: {  	s22 =	sadd.s32 $0x2800, s22;
	[sflag:s18] =	ssyncadd.s32 $0xFFFFFF80  }
0x63: {  	[spmem:s2] =	stream.indirect.scatter.add.f32 [tilespmem:s24], [sflag:$0x2], $0x1, s22, s17, $0xb8;
	[tilespmem:$0x8000] =	vst v63  }
0x64: {  	_ =	swait.ge [sflag:s14], $0x80  }
.Ltmp0:
0x65: {  	[sflag:s14] =	ssyncset.done $0x0;
	(pc) =	sbr.rel @p0 .LBB2_2-.Ltmp0, $4  }
0x66: {  	[sflag:s14] =	ssyncadd.s32 $0xFFFFFF80  }
0x67: {  	[spmem:s3] =	stream.indirect.scatter.add.f32 [tilespmem:s19], [sflag:$0x2], $0x1, s22, s17, $0xb8;
	[tilespmem:$0x8000] =	vst v63  }
0x68: {  	_ =	swait.ge [sflag:s14], $0x80  }
0x69: {  	s23 =	smov.u32 s26;
	s22 =	sshra.s32 s25, $0x2;
	[sflag:s14] =	ssyncset.done $0x0  }
0x6a: {  	s23 =	sadd.s32 $0x5000, s22;
	[sflag:s14] =	ssyncadd.s32 $0xFFFFFF80  }
0x6b: {  	[tilespmem:s23], [sflag:$0x1] =	stream.indirect.gather [hbm4b:s5+s17], $0x1, s22, s17, $0xb8;
	[tilespmem:$0x8000] =	vst v63  }
0x6c: {  	_ =	swait.ge [sflag:s18], $0x80  }
0x6d: {  	[sflag:s18] =	ssyncset.done $0x0  }
0x6e: {  	s31 =	sadd.s32 $0x2800, s22;
	[sflag:s18] =	ssyncadd.s32 $0xFFFFFF80  }
0x6f: {  	[spmem:s2] =	stream.indirect.scatter.add.f32 [tilespmem:s23], [sflag:$0x2], $0x1, s31, s17, $0xb8;
	[tilespmem:$0x8000] =	vst v63  }
0x70: {  	_ =	swait.ge [sflag:s14], $0x80  }
0x71: {  	[sflag:s14] =	ssyncset.done $0x0  }
0x72: {  	[sflag:s14] =	ssyncadd.s32 $0xFFFFFF80  }
0x73: {  	[spmem:s3] =	stream.indirect.scatter.add.f32 [tilespmem:s19], [sflag:$0x2], $0x1, s31, s17, $0xb8;
	[tilespmem:$0x8000] =	vst v63  }
0x74: {  	_ =	swait.ge [sflag:s14], $0x80  }
0x75: {  	[sflag:s14] =	ssyncset.done $0x0  }
0x76: {  	[sflag:s14] =	ssyncadd.s32 $0xFFFFFF80  }
0x77: {  	[hbm4b:s10+s4] =	stream.linear.scatter [tilespmem:s20], [sflag:$0x2], $0x2800, $0x38;
	[tilespmem:$0x8000] =	vst v63  }
0x78: {  	_ =	swait.ge [sflag:s14], $0x2800  }
0x79: {  	[sflag:s14] =	ssyncset.done $0x0  }
0x7a: {  	[sflag:s14] =	ssyncadd.s32 $0xFFFFD800  }
0x7b: {  	[bflag:$0x0] =	sbarrier.arrive $0xFFFF  }
0x7c: {  	[tilespmem:s16], [sflag:$0x2] =	stream.linear.gather [spmem:s8], $0x280, $0x38;
	[tilespmem:$0x8000] =	vst v63  }
0x7d: {  	_ =	swait.ge [sflag:s14], $0x280  }
0x7e: {  	[sflag:s14] =	ssyncset.done $0x0  }
0x7f: {  	[sflag:s14] =	ssyncadd.s32 $0xFFFFFD80  }
0x80: {  	[hbm4b:s11+s4] =	stream.linear.scatter [tilespmem:s16], [sflag:$0x2], $0x280, $0x38;
	[tilespmem:$0x8000] =	vst v63  }
0x81: {  	_ =	swait.ge [sflag:s14], $0x280  }
0x82: {  	[sflag:s14] =	ssyncset.done $0x0  }
0x83: {  	[sflag:s14] =	ssyncadd.s32 $0xFFFFFD80  }
0x84: {  	[tilespmem:s16], [sflag:$0x2] =	stream.linear.gather [spmem:s9], $0x280, $0x38;
	[tilespmem:$0x8000] =	vst v63  }
0x85: {  	s21 =	sadd.s32 $0x1, s21;
	_ =	swait.ge [sflag:s14], $0x280  }
0x86: {  	p0 =	sne.s32 s21, s13;
	[sflag:s14] =	ssyncset.done $0x0  }
.Ltmp1:
0x87: {  	[sflag:s14] =	ssyncadd.s32 $0xFFFFFD80;
	(pc) =	sbr.rel @p0 .LBB2_1-.Ltmp1, $4  }
0x88: {  	[hbm4b:s12+s4] =	stream.linear.scatter [tilespmem:s16], [sflag:$0x2], $0x280, $0x38;
	[tilespmem:$0x8000] =	vst v63  }
0x89: {  	_ =	swait.ge [sflag:s14], $0x280  }
0x8a: {  	[sflag:s14] =	ssyncset.done $0x0  }
0x8b: {  	[sflag:s14] =	ssyncadd.s32 $0xFFFFFD80  }
0x8c: {  	_ =	sfence.sel $0x180000  }
0x8d: {  	[bflag:$0x0] =	sbarrier.arrive $0xFFFF  }
0x8e: {  	p0 =	sne.s32 s1, $0x0;
	_ =	strace $0x90000047  }
0x8f: {  	s0 =	sadd.s32 @!p0 $0x100000, s0;
	[bflag:$0x2] =	sbarrier.arrive $0xFFFF  }
0x90: {  	[sflag:s0] =	ssyncadd.tile.s32 @!p0 $0x1;
	_ =	shalt  }
.Lfunc_end2:
_tile_overlayer_lowered:
.L_overlay_start_2:
0x91: {  	(tag) =	ssettag $0x2  }
0x92: {  	s0 =	rddreg [dreg:$0x0];
	s2 =	stileid.u32  }
0x93: {  	s1 =	rddreg [dreg:$0x1];
	p0 =	sne.s32 s2, $0x0  }
0x94: {  	s3 =	rddreg [dreg:$0x2];
	[bflag:$0x3] =	sbarrier.arrive $0xFFFF;
	s2 =	simm.s32 @!p0 $0x1C02  }
0x95: {  	[timem:s3], [sflag:s2] =	dma.local @!p0 [hbm:s0], s1  }
0x96: {  	s0 =	simm.s32 @!p0 $0x2  }
0x97: {  	_ =	swait.ge @!p0 [sflag:s0], s1  }
0x98: {  	s1 =	ssub.s32 @!p0 $0x0, s1;
	[sflag:s0] =	ssyncset.done @!p0 $0x0  }
0x99: {  	[sflag:s0] =	ssyncadd.s32 @!p0 s1  }
0x9a: {  	[bflag:$0x3] =	sbarrier.arrive $0xFFFF  }
0x9b: {  	_ =	shalt  }

</sc_bundles>
